<compile_context>
chip_gen: v7x
topology: tpu7x:2x2x1
jax: 0.10.2.dev20260603
libtpu: 0.0.44.dev20260713+nightly
codegen_flags: <defaults>
</compile_context>

<pallas_src>
import jax
import jax.numpy as jnp
from jax import lax
from jax.experimental import pallas as pl
from jax.experimental.pallas import tpu as pltpu
from jax.experimental.pallas import tpu_sc as plsc

N = 10000
E = 160000
D_IN = 256
HEADS = 4
C_OUT = 256
NEG_SLOPE = 0.2

NC, NS, LANES = 2, 16, 16
NPAD = 10240
SLT = NPAD // NS
EPAD = E + NPAD
ERT = E // NS
RCHUNK = 2000
FB = 8
BROWS = 80


def _iota16():
    return lax.iota(jnp.int32, LANES)


def _matmul_body(x_ref, w_ref, o_ref, a_ref):
    o_ref[0] = jnp.dot(x_ref[...], w_ref[...],
                       preferred_element_type=jnp.float32)
    @pl.when(pl.program_id(1) == FB)
    def _():
        a_ref[0] = jnp.dot(x_ref[...], w_ref[:, 0:4],
                           preferred_element_type=jnp.float32)
        a_ref[1] = jnp.dot(x_ref[...], w_ref[:, 4:8],
                           preferred_element_type=jnp.float32)


def _edge_alpha(a_v, sidx, didx, k):
    a_s = plsc.load_gather(a_v, [sidx * 4 + k])
    a_d = plsc.load_gather(a_v, [didx * 4 + (2 + k)])
    al = a_s + a_d
    al = jnp.maximum(al, NEG_SLOPE * al)
    return jnp.exp(al)


def _softmax_body(a_hbm, src_hbm, dst_hbm, w_hbm,
                  a_v, dn_v, src_v, dst_v, wbuf_v, tmp_v, red_v, ea_v,
                  den_sh):
    c = lax.axis_index("c")
    s = lax.axis_index("s")
    DN = NPAD * 2
    SLICE = DN // NS

    pltpu.sync_copy(a_hbm.at[pl.ds(c * (N * 4), N * 4)], a_v)

    def _zero_dn(i, _):
        dn_v[pl.ds(i * LANES, LANES)] = jnp.zeros((LANES,), jnp.float32)
        return 0
    lax.fori_loop(0, DN // LANES, _zero_dn, 0)

    def _chunk1(ci, _):
        e0 = s * ERT + ci * RCHUNK
        pltpu.sync_copy(src_hbm.at[pl.ds(e0, RCHUNK)], src_v)
        pltpu.sync_copy(dst_hbm.at[pl.ds(e0, RCHUNK)], dst_v)

        def _vec(vi, _):
            sidx = src_v[pl.ds(vi * LANES, LANES)]
            didx = dst_v[pl.ds(vi * LANES, LANES)]
            for k in range(2):
                ea = _edge_alpha(a_v, sidx, didx, k)
                ea_v[pl.ds(k * ERT + ci * RCHUNK + vi * LANES, LANES)] = ea
                plsc.addupdate_scatter(dn_v, [didx * 2 + k], ea)
            return 0
        lax.fori_loop(0, RCHUNK // LANES, _vec, 0)
        return 0
    lax.fori_loop(0, ERT // RCHUNK, _chunk1, 0)

    def _slvec(vi, _):
        q = s * SLT + vi * LANES + _iota16()
        valid = q < N
        qc = jnp.where(valid, q, N - 1)
        for k in range(2):
            ea = _edge_alpha(a_v, qc, qc, k)
            ea = jnp.where(valid, ea, 0.0)
            plsc.addupdate_scatter(dn_v, [qc * 2 + k], ea)
        return 0
    lax.fori_loop(0, SLT // LANES, _slvec, 0)

    pltpu.sync_copy(dn_v, den_sh.at[pl.ds(s * DN, DN)])
    plsc.subcore_barrier()
    off = s * SLICE
    pltpu.sync_copy(den_sh.at[pl.ds(off, SLICE)], red_v)

    def _racc(t, _):
        pltpu.sync_copy(den_sh.at[pl.ds(t * DN + off, SLICE)], tmp_v)
        def _vadd(v, _):
            sl = pl.ds(v * LANES, LANES)
            red_v[sl] = red_v[sl] + tmp_v[sl]
            return 0
        lax.fori_loop(0, SLICE // LANES, _vadd, 0)
        return 0
    lax.fori_loop(1, NS, _racc, 0)

    pltpu.sync_copy(red_v, den_sh.at[pl.ds(NS * DN + off, SLICE)])
    plsc.subcore_barrier()
    pltpu.sync_copy(den_sh.at[pl.ds(NS * DN, DN)], dn_v)

    def _chunk2(ci, _):
        e0 = s * ERT + ci * RCHUNK
        pltpu.sync_copy(dst_hbm.at[pl.ds(e0, RCHUNK)], dst_v)

        def _vec(vi, _):
            didx = dst_v[pl.ds(vi * LANES, LANES)]
            for k in range(2):
                ea = ea_v[pl.ds(k * ERT + ci * RCHUNK + vi * LANES, LANES)]
                den = plsc.load_gather(dn_v, [didx * 2 + k])
                wbuf_v[pl.ds(k * RCHUNK + vi * LANES, LANES)] = ea / den
            return 0
        lax.fori_loop(0, RCHUNK // LANES, _vec, 0)
        for k in range(2):
            pltpu.sync_copy(wbuf_v.at[pl.ds(k * RCHUNK, RCHUNK)],
                            w_hbm.at[pl.ds((2 * c + k) * EPAD + e0, RCHUNK)])
        return 0
    lax.fori_loop(0, ERT // RCHUNK, _chunk2, 0)

    def _slvec2(vi, _):
        q = s * SLT + vi * LANES + _iota16()
        valid = q < N
        qc = jnp.where(valid, q, N - 1)
        for k in range(2):
            ea = _edge_alpha(a_v, qc, qc, k)
            den = plsc.load_gather(dn_v, [qc * 2 + k])
            w = jnp.where(valid, ea / den, 0.0)
            wbuf_v[pl.ds(k * RCHUNK + vi * LANES, LANES)] = w
        return 0
    lax.fori_loop(0, SLT // LANES, _slvec2, 0)
    for k in range(2):
        pltpu.sync_copy(
            wbuf_v.at[pl.ds(k * RCHUNK, SLT)],
            w_hbm.at[pl.ds((2 * c + k) * EPAD + E + s * SLT, SLT)])


def _agg_body(xp_hbm, src_hbm, dst_hbm, w_hbm, bias_hbm, out_hbm,
              w_v, wsl_v, rows_a, rows_b,
              gq0a, gq0b, gq1a, gq1b, sq0a, sq0b, sq1a, sq1b,
              bias_v, sem_i0a, sem_i0b, sem_i1a, sem_i1b,
              sem_d0a, sem_d0b, sem_d1a, sem_d1b,
              sem_ga, sem_gb, sem_sa, sem_sb, acc_sh):
    c = lax.axis_index("c")
    s = lax.axis_index("s")
    r0 = s * SLT
    e_base = s * ERT
    NB = ERT // BROWS
    NGI = (NB - 1) // 4

    def _scale_rows(rows, wref, b0):
        def _scale(rh, _):
            r = rh * 2
            wv0 = plsc.load_gather(
                wref, [jnp.full((LANES,), b0, jnp.int32) + r])
            wv1 = plsc.load_gather(
                wref, [jnp.full((LANES,), b0 + 1, jnp.int32) + r])
            for k in range(8):
                sl = pl.ds(k * LANES, LANES)
                rows[r, sl] = rows[r, sl] * wv0
            for k in range(8):
                sl = pl.ds(k * LANES, LANES)
                rows[r + 1, sl] = rows[r + 1, sl] * wv1
            return 0
        lax.fori_loop(0, BROWS // 2, _scale, 0)

    def _add_fbn(gq, fb):
        def _add(v, _):
            sl = pl.ds(v * LANES, LANES)
            gq[sl] = gq[sl] + fb * N
            return 0
        lax.fori_loop(0, BROWS // LANES, _add, 0)

    def _pass(j, _):
        fb = 4 * c + j
        h = fb // 2

        pltpu.sync_copy(w_hbm.at[pl.ds(h * EPAD + e_base, ERT)], w_v)
        pltpu.sync_copy(w_hbm.at[pl.ds(h * EPAD + E + s * SLT, SLT)], wsl_v)
        pltpu.sync_copy(bias_hbm.at[pl.ds(fb * 128, 128)], bias_v)

        def _sl_init(wbase, count_half):
            def _one(rh, _):
                r = rh * 2
                wv0 = plsc.load_gather(
                    wsl_v, [jnp.full((LANES,), wbase, jnp.int32) + r])
                wv1 = plsc.load_gather(
                    wsl_v, [jnp.full((LANES,), wbase + 1, jnp.int32) + r])
                for k in range(8):
                    sl = pl.ds(k * LANES, LANES)
                    rows_a[r, sl] = rows_a[r, sl] * wv0 + bias_v[sl]
                for k in range(8):
                    sl = pl.ds(k * LANES, LANES)
                    rows_a[r + 1, sl] = rows_a[r + 1, sl] * wv1 + bias_v[sl]
                return 0
            lax.fori_loop(0, count_half, _one, 0)

        def _init(zi, _):
            rr = r0 + zi * 64
            @pl.when(rr + 64 <= N)
            def _():
                pltpu.sync_copy(xp_hbm.at[pl.ds(fb * N + rr, 64)],
                                rows_a.at[pl.ds(0, 64)])
                _sl_init(zi * 64, 32)
                pltpu.sync_copy(rows_a.at[pl.ds(0, 64)],
                                acc_sh.at[pl.ds(rr, 64)])
            @pl.when(rr == (N // 64) * 64)
            def _():
                nrem = N - (N // 64) * 64
                pltpu.sync_copy(xp_hbm.at[pl.ds(fb * N + rr, nrem)],
                                rows_a.at[pl.ds(0, nrem)])
                _sl_init(zi * 64, nrem // 2)
                pltpu.sync_copy(rows_a.at[pl.ds(0, nrem)],
                                acc_sh.at[pl.ds(rr, nrem)])
            return 0
        lax.fori_loop(0, SLT // 64, _init, 0)
        plsc.subcore_barrier()

        def _pre_g(b, gq, si):
            pltpu.async_copy(
                src_hbm.at[pl.ds(e_base + b * BROWS, BROWS)], gq, si)

        def _pre_s(b, sq, sd):
            pltpu.async_copy(
                dst_hbm.at[pl.ds(e_base + b * BROWS, BROWS)], sq, sd)

        _pre_g(0, gq0a, sem_i0a); _pre_s(0, sq0a, sem_d0a)
        _pre_g(1, gq0b, sem_i0b); _pre_s(1, sq0b, sem_d0b)
        _pre_g(2, gq1a, sem_i1a); _pre_s(2, sq1a, sem_d1a)
        _pre_g(3, gq1b, sem_i1b); _pre_s(3, sq1b, sem_d1b)

        def _group(g, _):
            b0 = 4 * g

            @pl.when(g > 0)
            def _():
                pltpu.make_async_copy(rows_a, acc_sh.at[sq1a], sem_sa).wait()
                _pre_s(b0 + 2, sq1a, sem_d1a)
                pltpu.make_async_copy(rows_b, acc_sh.at[sq1b], sem_sb).wait()
                _pre_s(b0 + 3, sq1b, sem_d1b)

            def _wait_g(gq, si, boff):
                e0 = e_base + (b0 + boff) * BROWS
                pltpu.make_async_copy(
                    src_hbm.at[pl.ds(e0, BROWS)], gq, si).wait()

            def _wait_s(sq, sd, boff):
                e0 = e_base + (b0 + boff) * BROWS
                pltpu.make_async_copy(
                    dst_hbm.at[pl.ds(e0, BROWS)], sq, sd).wait()

            more = g + 1 < NGI

            _wait_g(gq0a, sem_i0a, 0)
            _add_fbn(gq0a, fb)
            d_ga = pltpu.async_copy(xp_hbm.at[gq0a], rows_a, sem_ga)
            _wait_g(gq0b, sem_i0b, 1)
            _add_fbn(gq0b, fb)
            d_gb = pltpu.async_copy(xp_hbm.at[gq0b], rows_b, sem_gb)
            d_ga.wait()
            @pl.when(more)
            def _():
                _pre_g(b0 + 4, gq0a, sem_i0a)
            _scale_rows(rows_a, w_v, b0 * BROWS)
            _wait_s(sq0a, sem_d0a, 0)
            d_sa = pltpu.async_copy(rows_a, acc_sh.at[sq0a], sem_sa, add=True)
            d_gb.wait()
            @pl.when(more)
            def _():
                _pre_g(b0 + 5, gq0b, sem_i0b)
            _scale_rows(rows_b, w_v, (b0 + 1) * BROWS)
            _wait_s(sq0b, sem_d0b, 1)
            d_sb = pltpu.async_copy(rows_b, acc_sh.at[sq0b], sem_sb, add=True)

            _wait_g(gq1a, sem_i1a, 2)
            _add_fbn(gq1a, fb)
            d_sa.wait()
            @pl.when(more)
            def _():
                _pre_s(b0 + 4, sq0a, sem_d0a)
            d_gc = pltpu.async_copy(xp_hbm.at[gq1a], rows_a, sem_ga)
            _wait_g(gq1b, sem_i1b, 3)
            _add_fbn(gq1b, fb)
            d_sb.wait()
            @pl.when(more)
            def _():
                _pre_s(b0 + 5, sq0b, sem_d0b)
            d_gd = pltpu.async_copy(xp_hbm.at[gq1b], rows_b, sem_gb)
            d_gc.wait()
            @pl.when(more)
            def _():
                _pre_g(b0 + 6, gq1a, sem_i1a)
            _scale_rows(rows_a, w_v, (b0 + 2) * BROWS)
            _wait_s(sq1a, sem_d1a, 2)
            pltpu.async_copy(rows_a, acc_sh.at[sq1a], sem_sa, add=True)
            d_gd.wait()
            @pl.when(more)
            def _():
                _pre_g(b0 + 7, gq1b, sem_i1b)
            _scale_rows(rows_b, w_v, (b0 + 3) * BROWS)
            _wait_s(sq1b, sem_d1b, 3)
            pltpu.async_copy(rows_b, acc_sh.at[sq1b], sem_sb, add=True)
            return 0
        lax.fori_loop(0, NGI, _group, 0)

        pltpu.make_async_copy(rows_a, acc_sh.at[sq1a], sem_sa).wait()
        pltpu.make_async_copy(rows_b, acc_sh.at[sq1b], sem_sb).wait()

        bT = NB - 1
        eT = e_base + bT * BROWS
        pltpu.sync_copy(src_hbm.at[pl.ds(eT, BROWS)], gq0a)
        pltpu.sync_copy(dst_hbm.at[pl.ds(eT, BROWS)], sq0a)
        _add_fbn(gq0a, fb)
        pltpu.sync_copy(xp_hbm.at[gq0a], rows_a)
        _scale_rows(rows_a, w_v, bT * BROWS)
        pltpu.sync_copy(rows_a, acc_sh.at[sq0a], add=True)

        plsc.subcore_barrier()

        def _wchunk(zi, _):
            rr = r0 + zi * 64
            @pl.when(rr + 64 <= N)
            def _():
                pltpu.sync_copy(acc_sh.at[pl.ds(rr, 64)],
                                out_hbm.at[pl.ds(rr, 64),
                                           pl.ds(fb * 128, 128)])
            @pl.when(rr == (N // 64) * 64)
            def _():
                nrem = N - (N // 64) * 64
                pltpu.sync_copy(acc_sh.at[pl.ds(rr, nrem)],
                                out_hbm.at[pl.ds(rr, nrem),
                                           pl.ds(fb * 128, 128)])
            return 0
        lax.fori_loop(0, SLT // 64, _wchunk, 0)
        plsc.subcore_barrier()
        return 0
    lax.fori_loop(0, 4, _pass, 0)


@jax.jit
def kernel(x, edge_index, W, att_src, att_dst, bias):
    ei = edge_index.astype(jnp.int32)
    src = ei[0]
    dst = ei[1]

    w3 = W.reshape(D_IN, HEADS, C_OUT)
    weff_src = jnp.einsum('dhc,hc->dh', w3, att_src)
    weff_dst = jnp.einsum('dhc,hc->dh', w3, att_dst)
    wsel = jnp.concatenate(
        [weff_src[:, 0:2], weff_dst[:, 0:2],
         weff_src[:, 2:4], weff_dst[:, 2:4]], axis=1)
    wcat = jnp.concatenate(
        [W, wsel, jnp.zeros((D_IN, 120), jnp.float32)], axis=1)

    RT = 1000
    xp_all, a_sc = pl.pallas_call(
        _matmul_body,
        grid=(N // RT, FB + 1),
        in_specs=[
            pl.BlockSpec((RT, D_IN), lambda i, j: (i, 0)),
            pl.BlockSpec((D_IN, 128), lambda i, j: (0, j)),
        ],
        out_specs=[
            pl.BlockSpec((1, RT, 128), lambda i, j: (j, i, 0)),
            pl.BlockSpec((2, RT, 4), lambda i, j: (0, i, 0)),
        ],
        out_shape=[
            jax.ShapeDtypeStruct((FB + 1, N, 128), jnp.float32),
            jax.ShapeDtypeStruct((2, N, 4), jnp.float32),
        ],
    )(x, wcat)

    a_all = a_sc.reshape(2 * N * 4)
    xp_flat = xp_all.reshape((FB + 1) * N, 128)

    mesh = plsc.VectorSubcoreMesh(core_axis_name="c", subcore_axis_name="s",
                                  num_cores=NC, num_subcores=NS)

    w_all = pl.kernel(
        _softmax_body,
        out_type=jax.ShapeDtypeStruct((HEADS * EPAD,), jnp.float32),
        mesh=mesh,
        compiler_params=pltpu.CompilerParams(needs_layout_passes=False),
        scratch_types=[
            pltpu.VMEM((N * 4,), jnp.float32),
            pltpu.VMEM((NPAD * 2,), jnp.float32),
            pltpu.VMEM((RCHUNK,), jnp.int32),
            pltpu.VMEM((RCHUNK,), jnp.int32),
            pltpu.VMEM((2 * RCHUNK,), jnp.float32),
            pltpu.VMEM((NPAD * 2 // NS,), jnp.float32),
            pltpu.VMEM((NPAD * 2 // NS,), jnp.float32),
            pltpu.VMEM((2 * ERT,), jnp.float32),
            pltpu.VMEM_SHARED(((NS + 1) * NPAD * 2,), jnp.float32),
        ],
    )(a_all, src, dst)

    out = pl.kernel(
        _agg_body,
        out_type=jax.ShapeDtypeStruct((N, HEADS * C_OUT), jnp.float32),
        mesh=mesh,
        compiler_params=pltpu.CompilerParams(needs_layout_passes=False),
        scratch_types=[
            pltpu.VMEM((ERT,), jnp.float32),
            pltpu.VMEM((SLT,), jnp.float32),
            pltpu.VMEM((BROWS, 128), jnp.float32),
            pltpu.VMEM((BROWS, 128), jnp.float32),
            pltpu.VMEM((BROWS,), jnp.int32),
            pltpu.VMEM((BROWS,), jnp.int32),
            pltpu.VMEM((BROWS,), jnp.int32),
            pltpu.VMEM((BROWS,), jnp.int32),
            pltpu.VMEM((BROWS,), jnp.int32),
            pltpu.VMEM((BROWS,), jnp.int32),
            pltpu.VMEM((BROWS,), jnp.int32),
            pltpu.VMEM((BROWS,), jnp.int32),
            pltpu.VMEM((128,), jnp.float32),
            pltpu.SemaphoreType.DMA,
            pltpu.SemaphoreType.DMA,
            pltpu.SemaphoreType.DMA,
            pltpu.SemaphoreType.DMA,
            pltpu.SemaphoreType.DMA,
            pltpu.SemaphoreType.DMA,
            pltpu.SemaphoreType.DMA,
            pltpu.SemaphoreType.DMA,
            pltpu.SemaphoreType.DMA,
            pltpu.SemaphoreType.DMA,
            pltpu.SemaphoreType.DMA,
            pltpu.SemaphoreType.DMA,
            pltpu.VMEM_SHARED((NPAD, 128), jnp.float32),
        ],
    )(xp_flat, src, dst, w_all, bias)

    return out

# --- scband reference (transcript-rebuilt; emitter-appended) ---
"""Pipeline reference for scband-kgatlayer-70617852281325 (READ-ONLY COPY).

The authoritative reference and input builder live on the scoring server;
editing this copy changes nothing except your own understanding.
"""

import jax, jax.numpy as jnp
import numpy as np

N = 10000
E = 160000
D_IN = 256
HEADS = 4
C_OUT = 256
NEG_SLOPE = 0.2


def setup_inputs(seed: int = 0) -> dict:
    key = jax.random.key(seed)
    k1, k2, k3, k4, k5, k6 = jax.random.split(key, 6)
    x = jax.random.normal(k1, (N, D_IN), dtype=jnp.float32)
    edge_index = jax.random.randint(k2, (2, E), 0, N, dtype=jnp.int64)
    W = jax.random.normal(k3, (D_IN, HEADS * C_OUT), dtype=jnp.float32) * 0.05
    att_src = jax.random.normal(k4, (HEADS, C_OUT), dtype=jnp.float32) * 0.05
    att_dst = jax.random.normal(k5, (HEADS, C_OUT), dtype=jnp.float32) * 0.05
    bias = jnp.zeros((HEADS * C_OUT,), dtype=jnp.float32)
    return {"x": x, "edge_index": edge_index, "W": W, "att_src": att_src, "att_dst": att_dst, "bias": bias}


def reference(x, edge_index, W, att_src, att_dst, bias):
    # GATConv (PyG semantics, concat=True, add_self_loops=True, dropout=0)
    # wrapped in HeteroConv with a single ('entity','relates_to','entity') relation.
    n = x.shape[0]
    loops = jnp.arange(n, dtype=edge_index.dtype)
    src = jnp.concatenate([edge_index[0], loops])
    dst = jnp.concatenate([edge_index[1], loops])
    # linear projection, reshaped to [N, H, C]
    xp = (x @ W).reshape(n, HEADS, C_OUT)
    # per-node attention logits
    a_src = jnp.sum(xp * att_src[None, :, :], axis=-1)  # [N, H]
    a_dst = jnp.sum(xp * att_dst[None, :, :], axis=-1)  # [N, H]
    # per-edge attention coefficients (gather)
    alpha = a_src[src] + a_dst[dst]  # [E', H]
    alpha = jax.nn.leaky_relu(alpha, negative_slope=NEG_SLOPE)
    # softmax over incoming edges of each dst node (segment softmax)
    amax = jax.ops.segment_max(alpha, dst, num_segments=n)  # [N, H]
    amax = jnp.where(jnp.isfinite(amax), amax, 0.0)
    alpha = jnp.exp(alpha - amax[dst])
    denom = jax.ops.segment_sum(alpha, dst, num_segments=n)  # [N, H]
    alpha = alpha / (denom[dst] + 1e-16)
    # weighted message aggregation (gather + scatter-add)
    msg = xp[src] * alpha[:, :, None]  # [E', H, C]
    out = jax.ops.segment_sum(msg, dst, num_segments=n)  # [N, H, C]
    out = out.reshape(n, HEADS * C_OUT) + bias
    # HeteroConv returns {'entity': out}; return the tensor
    return out

if __name__ == "__main__":
    import jax
    _d = setup_inputs()
    print(jax.jit(kernel)(*tuple(_d.values())))

</pallas_src>

<mosaic_0001>
#map = affine_map<(d0, d1) -> (0, 0)>
#map1 = affine_map<(d0, d1) -> (0)>
module attributes {stable_mosaic.version = 14 : i64} {
  func.func @_agg_body(%arg0: i32, %arg1: i32, %arg2: memref<90000x128xf32, #tpu.memory_space<hbm>>, %arg3: memref<160000xi32, #tpu.memory_space<hbm>>, %arg4: memref<160000xi32, #tpu.memory_space<hbm>>, %arg5: memref<680960xf32, #tpu.memory_space<hbm>>, %arg6: memref<1024xf32, #tpu.memory_space<hbm>>, %arg7: memref<10000x1024xf32, #tpu.memory_space<hbm>>, %arg8: memref<10000xf32, #tpu.memory_space<vmem>>, %arg9: memref<640xf32, #tpu.memory_space<vmem>>, %arg10: memref<80x128xf32, #tpu.memory_space<vmem>>, %arg11: memref<80x128xf32, #tpu.memory_space<vmem>>, %arg12: memref<80xi32, #tpu.memory_space<vmem>>, %arg13: memref<80xi32, #tpu.memory_space<vmem>>, %arg14: memref<80xi32, #tpu.memory_space<vmem>>, %arg15: memref<80xi32, #tpu.memory_space<vmem>>, %arg16: memref<80xi32, #tpu.memory_space<vmem>>, %arg17: memref<80xi32, #tpu.memory_space<vmem>>, %arg18: memref<80xi32, #tpu.memory_space<vmem>>, %arg19: memref<80xi32, #tpu.memory_space<vmem>>, %arg20: memref<128xf32, #tpu.memory_space<vmem>>, %arg21: memref<!tpu.dma_semaphore, #tpu.memory_space<semaphore_mem>>, %arg22: memref<!tpu.dma_semaphore, #tpu.memory_space<semaphore_mem>>, %arg23: memref<!tpu.dma_semaphore, #tpu.memory_space<semaphore_mem>>, %arg24: memref<!tpu.dma_semaphore, #tpu.memory_space<semaphore_mem>>, %arg25: memref<!tpu.dma_semaphore, #tpu.memory_space<semaphore_mem>>, %arg26: memref<!tpu.dma_semaphore, #tpu.memory_space<semaphore_mem>>, %arg27: memref<!tpu.dma_semaphore, #tpu.memory_space<semaphore_mem>>, %arg28: memref<!tpu.dma_semaphore, #tpu.memory_space<semaphore_mem>>, %arg29: memref<!tpu.dma_semaphore, #tpu.memory_space<semaphore_mem>>, %arg30: memref<!tpu.dma_semaphore, #tpu.memory_space<semaphore_mem>>, %arg31: memref<!tpu.dma_semaphore, #tpu.memory_space<semaphore_mem>>, %arg32: memref<!tpu.dma_semaphore, #tpu.memory_space<semaphore_mem>>, %arg33: memref<10240x128xf32, #tpu.memory_space<vmem_shared>>) attributes {dimension_semantics = [#tpu.dimension_semantics<core_parallel>, #tpu.dimension_semantics<subcore_parallel>], iteration_bounds = array<i64: 2, 16>, scalar_prefetch = 0 : i64, scratch_operands = 26 : i64, tpu.core_type = #tpu.core_type<sc_vector_subcore>, window_params = [{transform_indices = #map}, {transform_indices = #map1}, {transform_indices = #map1}, {transform_indices = #map1}, {transform_indices = #map1}, {transform_indices = #map}]} {
    %mul3A = arith.constant 640 : i32
    %mul3A_0 = arith.muli %arg1, %mul3A : i32
    %mul3A_1 = arith.constant 10000 : i32
    %mul3A_2 = arith.muli %arg1, %mul3A_1 : i32
    %scan3A = arith.constant 0 : i32
    %scan3A_3 = arith.constant 0 : i32
    %scan3A_4 = arith.constant 4 : i32
    %scan3A_5 = arith.addi %scan3A_3, %scan3A_4 : i32
    %scan3A_6 = arith.constant 1 : i32
    %scan3A_7 = scf.for %scan3A_9 = %scan3A_3 to %scan3A_5 step %scan3A_6 iter_args(%scan3A_10 = %scan3A) -> (i32)  : i32 {
      %mul3A_11 = arith.constant 4 : i32
      %mul3A_12 = arith.muli %mul3A_11, %arg0 : i32
      %add3A = arith.addi %mul3A_12, %scan3A_9 : i32
      %jit3A = arith.constant 2 : i32
      %div3A = arith.divsi %add3A, %jit3A : i32
      %sign3A = arith.constant 0 : i32
      %sign3A_13 = arith.cmpi sgt, %add3A, %sign3A : i32
      %sign3A_14 = arith.extui %sign3A_13 : i1 to i32
      %sign3A_15 = arith.constant 0 : i32
      %sign3A_16 = arith.cmpi slt, %add3A, %sign3A_15 : i32
      %sign3A_17 = arith.extui %sign3A_16 : i1 to i32
      %sign3A_18 = arith.subi %sign3A_14, %sign3A_17 : i32
      %sign3A_19 = arith.constant 0 : i32
      %sign3A_20 = arith.cmpi sgt, %jit3A, %sign3A_19 : i32
      %sign3A_21 = arith.extui %sign3A_20 : i1 to i32
      %sign3A_22 = arith.constant 0 : i32
      %sign3A_23 = arith.cmpi slt, %jit3A, %sign3A_22 : i32
      %sign3A_24 = arith.extui %sign3A_23 : i1 to i32
      %sign3A_25 = arith.subi %sign3A_21, %sign3A_24 : i32
      %ne3A = arith.cmpi ne, %sign3A_18, %sign3A_25 : i32
      %rem3A = arith.remsi %add3A, %jit3A : i32
      %ne3A_26 = arith.constant 0 : i32
      %ne3A_27 = arith.cmpi ne, %rem3A, %ne3A_26 : i32
      %and3A = arith.andi %ne3A, %ne3A_27 : i1
      %sub3A = arith.constant 1 : i32
      %sub3A_28 = arith.subi %div3A, %sub3A : i32
      %select_n3A = arith.select %and3A, %sub3A_28, %div3A : i32
      %mul3A_29 = arith.constant 170240 : i32
      %mul3A_30 = arith.muli %select_n3A, %mul3A_29 : i32
      %add3A_31 = arith.addi %mul3A_30, %mul3A_2 : i32
      "tpu.region"() ({
        %run_scoped3A = tpu.sem_alloc : memref<!tpu.dma_semaphore, #tpu.memory_space<semaphore_mem>>
        %dma_start3A_117 = tpu.memref_slice %arg5[%add3A_31] : memref<680960xf32, #tpu.memory_space<hbm>> -> memref<10000xf32, #tpu.memory_space<hbm>>
        %dma_start3A_118 = tpu.memref_slice %arg5[%add3A_31] : memref<680960xf32, #tpu.memory_space<hbm>> -> memref<10000xf32, #tpu.memory_space<hbm>>
        tpu.enqueue_dma source(%dma_start3A_118 : memref<10000xf32, #tpu.memory_space<hbm>>) target(%arg8 : memref<10000xf32, #tpu.memory_space<vmem>>) target_semaphore(%run_scoped3A : memref<!tpu.dma_semaphore, #tpu.memory_space<semaphore_mem>>)
        %dma_wait3A_119 = tpu.memref_slice %arg5[%add3A_31] : memref<680960xf32, #tpu.memory_space<hbm>> -> memref<10000xf32, #tpu.memory_space<hbm>>
        %dma_wait3A_120 = tpu.memref_slice %arg5[%add3A_31] : memref<680960xf32, #tpu.memory_space<hbm>> -> memref<10000xf32, #tpu.memory_space<hbm>>
        tpu.wait_dma2 semaphore(%run_scoped3A : memref<!tpu.dma_semaphore, #tpu.memory_space<semaphore_mem>>) src(%dma_wait3A_120 : memref<10000xf32, #tpu.memory_space<hbm>>) dst(%arg8 : memref<10000xf32, #tpu.memory_space<vmem>>)
        tpu.yield
      }) : () -> ()
      %mul3A_32 = arith.constant 170240 : i32
      %mul3A_33 = arith.muli %select_n3A, %mul3A_32 : i32
      %add3A_34 = arith.constant 160000 : i32
      %add3A_35 = arith.addi %mul3A_33, %add3A_34 : i32
      %mul3A_36 = arith.constant 640 : i32
      %mul3A_37 = arith.muli %arg1, %mul3A_36 : i32
      %add3A_38 = arith.addi %add3A_35, %mul3A_37 : i32
      "tpu.region"() ({
        %run_scoped3A = tpu.sem_alloc : memref<!tpu.dma_semaphore, #tpu.memory_space<semaphore_mem>>
        %dma_start3A_117 = tpu.memref_slice %arg5[%add3A_38] : memref<680960xf32, #tpu.memory_space<hbm>> -> memref<640xf32, #tpu.memory_space<hbm>>
        %dma_start3A_118 = tpu.memref_slice %arg5[%add3A_38] : memref<680960xf32, #tpu.memory_space<hbm>> -> memref<640xf32, #tpu.memory_space<hbm>>
        tpu.enqueue_dma source(%dma_start3A_118 : memref<640xf32, #tpu.memory_space<hbm>>) target(%arg9 : memref<640xf32, #tpu.memory_space<vmem>>) target_semaphore(%run_scoped3A : memref<!tpu.dma_semaphore, #tpu.memory_space<semaphore_mem>>)
        %dma_wait3A_119 = tpu.memref_slice %arg5[%add3A_38] : memref<680960xf32, #tpu.memory_space<hbm>> -> memref<640xf32, #tpu.memory_space<hbm>>
        %dma_wait3A_120 = tpu.memref_slice %arg5[%add3A_38] : memref<680960xf32, #tpu.memory_space<hbm>> -> memref<640xf32, #tpu.memory_space<hbm>>
        tpu.wait_dma2 semaphore(%run_scoped3A : memref<!tpu.dma_semaphore, #tpu.memory_space<semaphore_mem>>) src(%dma_wait3A_120 : memref<640xf32, #tpu.memory_space<hbm>>) dst(%arg9 : memref<640xf32, #tpu.memory_space<vmem>>)
        tpu.yield
      }) : () -> ()
      %mul3A_39 = arith.constant 128 : i32
      %mul3A_40 = arith.muli %add3A, %mul3A_39 : i32
      "tpu.region"() ({
        %run_scoped3A = tpu.sem_alloc : memref<!tpu.dma_semaphore, #tpu.memory_space<semaphore_mem>>
        %dma_start3A_117 = tpu.memref_slice %arg6[%mul3A_40] : memref<1024xf32, #tpu.memory_space<hbm>> -> memref<128xf32, #tpu.memory_space<hbm>>
        %dma_start3A_118 = tpu.memref_slice %arg6[%mul3A_40] : memref<1024xf32, #tpu.memory_space<hbm>> -> memref<128xf32, #tpu.memory_space<hbm>>
        tpu.enqueue_dma source(%dma_start3A_118 : memref<128xf32, #tpu.memory_space<hbm>>) target(%arg20 : memref<128xf32, #tpu.memory_space<vmem>>) target_semaphore(%run_scoped3A : memref<!tpu.dma_semaphore, #tpu.memory_space<semaphore_mem>>)
        %dma_wait3A_119 = tpu.memref_slice %arg6[%mul3A_40] : memref<1024xf32, #tpu.memory_space<hbm>> -> memref<128xf32, #tpu.memory_space<hbm>>
        %dma_wait3A_120 = tpu.memref_slice %arg6[%mul3A_40] : memref<1024xf32, #tpu.memory_space<hbm>> -> memref<128xf32, #tpu.memory_space<hbm>>
        tpu.wait_dma2 semaphore(%run_scoped3A : memref<!tpu.dma_semaphore, #tpu.memory_space<semaphore_mem>>) src(%dma_wait3A_120 : memref<128xf32, #tpu.memory_space<hbm>>) dst(%arg20 : memref<128xf32, #tpu.memory_space<vmem>>)
        tpu.yield
      }) : () -> ()
      %scan3A_41 = arith.constant 0 : i32
      %scan3A_42 = arith.constant 0 : i32
      %scan3A_43 = arith.constant 10 : i32
      %scan3A_44 = arith.addi %scan3A_42, %scan3A_43 : i32
      %scan3A_45 = arith.constant 1 : i32
      %scan3A_46 = scf.for %scan3A_117 = %scan3A_42 to %scan3A_44 step %scan3A_45 iter_args(%scan3A_118 = %scan3A_41) -> (i32)  : i32 {
        %mul3A_119 = arith.constant 64 : i32
        %mul3A_120 = arith.muli %scan3A_117, %mul3A_119 : i32
        %add3A_121 = arith.addi %mul3A_0, %mul3A_120 : i32
        %add3A_122 = arith.constant 64 : i32
        %add3A_123 = arith.addi %add3A_121, %add3A_122 : i32
        %le3A = arith.constant 10000 : i32
        %le3A_124 = arith.cmpi sle, %add3A_123, %le3A : i32
        %convert_element_type3A = arith.extui %le3A_124 : i1 to i32
        %cond3A = arith.constant 0 : i32
        %cond3A_125 = arith.cmpi ne, %convert_element_type3A, %cond3A : i32
        scf.if %cond3A_125 {
          %mul3A_131 = arith.constant 10000 : i32
          %mul3A_132 = arith.muli %add3A, %mul3A_131 : i32
          %add3A_133 = arith.addi %mul3A_132, %add3A_121 : i32
          "tpu.region"() ({
            %run_scoped3A = tpu.sem_alloc : memref<!tpu.dma_semaphore, #tpu.memory_space<semaphore_mem>>
            %dma_start3A_143 = arith.constant 0 : i32
            %dma_start3A_144 = arith.constant 0 : i32
            %dma_start3A_145 = tpu.memref_slice %arg10[%dma_start3A_143, %dma_start3A_144] : memref<80x128xf32, #tpu.memory_space<vmem>> -> memref<64x128xf32, #tpu.memory_space<vmem>>
            %dma_start3A_146 = arith.constant 0 : i32
            %dma_start3A_147 = tpu.memref_slice %arg2[%add3A_133, %dma_start3A_146] : memref<90000x128xf32, #tpu.memory_space<hbm>> -> memref<64x128xf32, #tpu.memory_space<hbm>>
            %dma_start3A_148 = arith.constant 0 : i32
            %dma_start3A_149 = arith.constant 0 : i32
            %dma_start3A_150 = tpu.memref_slice %arg10[%dma_start3A_148, %dma_start3A_149] : memref<80x128xf32, #tpu.memory_space<vmem>> -> memref<64x128xf32, #tpu.memory_space<vmem>>
            %dma_start3A_151 = arith.constant 0 : i32
            %dma_start3A_152 = tpu.memref_slice %arg2[%add3A_133, %dma_start3A_151] : memref<90000x128xf32, #tpu.memory_space<hbm>> -> memref<64x128xf32, #tpu.memory_space<hbm>>
            tpu.enqueue_dma source(%dma_start3A_152 : memref<64x128xf32, #tpu.memory_space<hbm>>) target(%dma_start3A_150 : memref<64x128xf32, #tpu.memory_space<vmem>>) target_semaphore(%run_scoped3A : memref<!tpu.dma_semaphore, #tpu.memory_space<semaphore_mem>>)
            %dma_wait3A_153 = arith.constant 0 : i32
            %dma_wait3A_154 = arith.constant 0 : i32
            %dma_wait3A_155 = tpu.memref_slice %arg10[%dma_wait3A_153, %dma_wait3A_154] : memref<80x128xf32, #tpu.memory_space<vmem>> -> memref<64x128xf32, #tpu.memory_space<vmem>>
            %dma_wait3A_156 = arith.constant 0 : i32
            %dma_wait3A_157 = tpu.memref_slice %arg2[%add3A_133, %dma_wait3A_156] : memref<90000x128xf32, #tpu.memory_space<hbm>> -> memref<64x128xf32, #tpu.memory_space<hbm>>
            %dma_wait3A_158 = arith.constant 0 : i32
            %dma_wait3A_159 = arith.constant 0 : i32
            %dma_wait3A_160 = tpu.memref_slice %arg10[%dma_wait3A_158, %dma_wait3A_159] : memref<80x128xf32, #tpu.memory_space<vmem>> -> memref<64x128xf32, #tpu.memory_space<vmem>>
            %dma_wait3A_161 = arith.constant 0 : i32
            %dma_wait3A_162 = tpu.memref_slice %arg2[%add3A_133, %dma_wait3A_161] : memref<90000x128xf32, #tpu.memory_space<hbm>> -> memref<64x128xf32, #tpu.memory_space<hbm>>
            tpu.wait_dma2 semaphore(%run_scoped3A : memref<!tpu.dma_semaphore, #tpu.memory_space<semaphore_mem>>) src(%dma_wait3A_162 : memref<64x128xf32, #tpu.memory_space<hbm>>) dst(%dma_wait3A_160 : memref<64x128xf32, #tpu.memory_space<vmem>>)
            tpu.yield
          }) : () -> ()
          %mul3A_134 = arith.constant 64 : i32
          %mul3A_135 = arith.muli %scan3A_117, %mul3A_134 : i32
          %scan3A_136 = arith.constant 0 : i32
          %scan3A_137 = arith.constant 0 : i32
          %scan3A_138 = arith.constant 32 : i32
          %scan3A_139 = arith.addi %scan3A_137, %scan3A_138 : i32
          %scan3A_140 = arith.constant 1 : i32
          %scan3A_141 = scf.for %scan3A_143 = %scan3A_137 to %scan3A_139 step %scan3A_140 iter_args(%scan3A_144 = %scan3A_136) -> (i32)  : i32 {
            %mul3A_145 = arith.constant 2 : i32
            %mul3A_146 = arith.muli %scan3A_143, %mul3A_145 : i32
            %broadcast_in_dim3A = vector.broadcast %mul3A_135 : i32 to vector<16xi32>
            %add3A_147 = vector.broadcast %mul3A_146 : i32 to vector<16xi32>
            %add3A_148 = arith.addi %broadcast_in_dim3A, %add3A_147 : vector<16xi32>
            %gather3A = tpu.vector_load_idx %arg9[%add3A_148] : memref<640xf32, #tpu.memory_space<vmem>>[vector<16xi32>], vector<16xf32>,
            %add3A_149 = arith.constant 1 : i32
            %add3A_150 = arith.addi %mul3A_135, %add3A_149 : i32
            %broadcast_in_dim3A_151 = vector.broadcast %add3A_150 : i32 to vector<16xi32>
            %add3A_152 = vector.broadcast %mul3A_146 : i32 to vector<16xi32>
            %add3A_153 = arith.addi %broadcast_in_dim3A_151, %add3A_152 : vector<16xi32>
            %gather3A_154 = tpu.vector_load_idx %arg9[%add3A_153] : memref<640xf32, #tpu.memory_space<vmem>>[vector<16xi32>], vector<16xf32>,
            %get3A = arith.index_cast %mul3A_146 : i32 to index
            %get3A_155 = arith.constant 0 : index
            %get3A_156 = tpu.vector_load %arg10[%get3A, %get3A_155] {strides = array<i32>} : memref<80x128xf32, #tpu.memory_space<vmem>>, vector<16xf32>,
            %mul3A_157 = arith.mulf %get3A_156, %gather3A : vector<16xf32>
            %get3A_158 = arith.constant 0 : index
            %get3A_159 = tpu.vector_load %arg20[%get3A_158] {strides = array<i32>} : memref<128xf32, #tpu.memory_space<vmem>>, vector<16xf32>,
            %add3A_160 = arith.addf %mul3A_157, %get3A_159 : vector<16xf32>
            %swap3A = arith.index_cast %mul3A_146 : i32 to index
            %swap3A_161 = arith.constant 0 : index
            %swap3A_162 = tpu.vector_load %arg10[%swap3A, %swap3A_161] {strides = array<i32>} : memref<80x128xf32, #tpu.memory_space<vmem>>, vector<16xf32>,
            tpu.vector_store %arg10[%swap3A, %swap3A_161], %add3A_160 {strides = array<i32>} : memref<80x128xf32, #tpu.memory_space<vmem>>, vector<16xf32>,
            %get3A_163 = arith.index_cast %mul3A_146 : i32 to index
            %get3A_164 = arith.constant 16 : index
            %get3A_165 = tpu.vector_load %arg10[%get3A_163, %get3A_164] {strides = array<i32>} : memref<80x128xf32, #tpu.memory_space<vmem>>, vector<16xf32>,
            %mul3A_166 = arith.mulf %get3A_165, %gather3A : vector<16xf32>
            %get3A_167 = arith.constant 16 : index
            %get3A_168 = tpu.vector_load %arg20[%get3A_167] {strides = array<i32>} : memref<128xf32, #tpu.memory_space<vmem>>, vector<16xf32>,
            %add3A_169 = arith.addf %mul3A_166, %get3A_168 : vector<16xf32>
            %swap3A_170 = arith.index_cast %mul3A_146 : i32 to index
            %swap3A_171 = arith.constant 16 : index
            %swap3A_172 = tpu.vector_load %arg10[%swap3A_170, %swap3A_171] {strides = array<i32>} : memref<80x128xf32, #tpu.memory_space<vmem>>, vector<16xf32>,
            tpu.vector_store %arg10[%swap3A_170, %swap3A_171], %add3A_169 {strides = array<i32>} : memref<80x128xf32, #tpu.memory_space<vmem>>, vector<16xf32>,
            %get3A_173 = arith.index_cast %mul3A_146 : i32 to index
            %get3A_174 = arith.constant 32 : index
            %get3A_175 = tpu.vector_load %arg10[%get3A_173, %get3A_174] {strides = array<i32>} : memref<80x128xf32, #tpu.memory_space<vmem>>, vector<16xf32>,
            %mul3A_176 = arith.mulf %get3A_175, %gather3A : vector<16xf32>
            %get3A_177 = arith.constant 32 : index
            %get3A_178 = tpu.vector_load %arg20[%get3A_177] {strides = array<i32>} : memref<128xf32, #tpu.memory_space<vmem>>, vector<16xf32>,
            %add3A_179 = arith.addf %mul3A_176, %get3A_178 : vector<16xf32>
            %swap3A_180 = arith.index_cast %mul3A_146 : i32 to index
            %swap3A_181 = arith.constant 32 : index
            %swap3A_182 = tpu.vector_load %arg10[%swap3A_180, %swap3A_181] {strides = array<i32>} : memref<80x128xf32, #tpu.memory_space<vmem>>, vector<16xf32>,
            tpu.vector_store %arg10[%swap3A_180, %swap3A_181], %add3A_179 {strides = array<i32>} : memref<80x128xf32, #tpu.memory_space<vmem>>, vector<16xf32>,
            %get3A_183 = arith.index_cast %mul3A_146 : i32 to index
            %get3A_184 = arith.constant 48 : index
            %get3A_185 = tpu.vector_load %arg10[%get3A_183, %get3A_184] {strides = array<i32>} : memref<80x128xf32, #tpu.memory_space<vmem>>, vector<16xf32>,
            %mul3A_186 = arith.mulf %get3A_185, %gather3A : vector<16xf32>
            %get3A_187 = arith.constant 48 : index
            %get3A_188 = tpu.vector_load %arg20[%get3A_187] {strides = array<i32>} : memref<128xf32, #tpu.memory_space<vmem>>, vector<16xf32>,
            %add3A_189 = arith.addf %mul3A_186, %get3A_188 : vector<16xf32>
            %swap3A_190 = arith.index_cast %mul3A_146 : i32 to index
            %swap3A_191 = arith.constant 48 : index
            %swap3A_192 = tpu.vector_load %arg10[%swap3A_190, %swap3A_191] {strides = array<i32>} : memref<80x128xf32, #tpu.memory_space<vmem>>, vector<16xf32>,
            tpu.vector_store %arg10[%swap3A_190, %swap3A_191], %add3A_189 {strides = array<i32>} : memref<80x128xf32, #tpu.memory_space<vmem>>, vector<16xf32>,
            %get3A_193 = arith.index_cast %mul3A_146 : i32 to index
            %get3A_194 = arith.constant 64 : index
            %get3A_195 = tpu.vector_load %arg10[%get3A_193, %get3A_194] {strides = array<i32>} : memref<80x128xf32, #tpu.memory_space<vmem>>, vector<16xf32>,
            %mul3A_196 = arith.mulf %get3A_195, %gather3A : vector<16xf32>
            %get3A_197 = arith.constant 64 : index
            %get3A_198 = tpu.vector_load %arg20[%get3A_197] {strides = array<i32>} : memref<128xf32, #tpu.memory_space<vmem>>, vector<16xf32>,
            %add3A_199 = arith.addf %mul3A_196, %get3A_198 : vector<16xf32>
            %swap3A_200 = arith.index_cast %mul3A_146 : i32 to index
            %swap3A_201 = arith.constant 64 : index
            %swap3A_202 = tpu.vector_load %arg10[%swap3A_200, %swap3A_201] {strides = array<i32>} : memref<80x128xf32, #tpu.memory_space<vmem>>, vector<16xf32>,
            tpu.vector_store %arg10[%swap3A_200, %swap3A_201], %add3A_199 {strides = array<i32>} : memref<80x128xf32, #tpu.memory_space<vmem>>, vector<16xf32>,
            %get3A_203 = arith.index_cast %mul3A_146 : i32 to index
            %get3A_204 = arith.constant 80 : index
            %get3A_205 = tpu.vector_load %arg10[%get3A_203, %get3A_204] {strides = array<i32>} : memref<80x128xf32, #tpu.memory_space<vmem>>, vector<16xf32>,
            %mul3A_206 = arith.mulf %get3A_205, %gather3A : vector<16xf32>
            %get3A_207 = arith.constant 80 : index
            %get3A_208 = tpu.vector_load %arg20[%get3A_207] {strides = array<i32>} : memref<128xf32, #tpu.memory_space<vmem>>, vector<16xf32>,
            %add3A_209 = arith.addf %mul3A_206, %get3A_208 : vector<16xf32>
            %swap3A_210 = arith.index_cast %mul3A_146 : i32 to index
            %swap3A_211 = arith.constant 80 : index
            %swap3A_212 = tpu.vector_load %arg10[%swap3A_210, %swap3A_211] {strides = array<i32>} : memref<80x128xf32, #tpu.memory_space<vmem>>, vector<16xf32>,
            tpu.vector_store %arg10[%swap3A_210, %swap3A_211], %add3A_209 {strides = array<i32>} : memref<80x128xf32, #tpu.memory_space<vmem>>, vector<16xf32>,
            %get3A_213 = arith.index_cast %mul3A_146 : i32 to index
            %get3A_214 = arith.constant 96 : index
            %get3A_215 = tpu.vector_load %arg10[%get3A_213, %get3A_214] {strides = array<i32>} : memref<80x128xf32, #tpu.memory_space<vmem>>, vector<16xf32>,
            %mul3A_216 = arith.mulf %get3A_215, %gather3A : vector<16xf32>
            %get3A_217 = arith.constant 96 : index
            %get3A_218 = tpu.vector_load %arg20[%get3A_217] {strides = array<i32>} : memref<128xf32, #tpu.memory_space<vmem>>, vector<16xf32>,
            %add3A_219 = arith.addf %mul3A_216, %get3A_218 : vector<16xf32>
            %swap3A_220 = arith.index_cast %mul3A_146 : i32 to index
            %swap3A_221 = arith.constant 96 : index
            %swap3A_222 = tpu.vector_load %arg10[%swap3A_220, %swap3A_221] {strides = array<i32>} : memref<80x128xf32, #tpu.memory_space<vmem>>, vector<16xf32>,
            tpu.vector_store %arg10[%swap3A_220, %swap3A_221], %add3A_219 {strides = array<i32>} : memref<80x128xf32, #tpu.memory_space<vmem>>, vector<16xf32>,
            %get3A_223 = arith.index_cast %mul3A_146 : i32 to index
            %get3A_224 = arith.constant 112 : index
            %get3A_225 = tpu.vector_load %arg10[%get3A_223, %get3A_224] {strides = array<i32>} : memref<80x128xf32, #tpu.memory_space<vmem>>, vector<16xf32>,
            %mul3A_226 = arith.mulf %get3A_225, %gather3A : vector<16xf32>
            %get3A_227 = arith.constant 112 : index
            %get3A_228 = tpu.vector_load %arg20[%get3A_227] {strides = array<i32>} : memref<128xf32, #tpu.memory_space<vmem>>, vector<16xf32>,
            %add3A_229 = arith.addf %mul3A_226, %get3A_228 : vector<16xf32>
            %swap3A_230 = arith.index_cast %mul3A_146 : i32 to index
            %swap3A_231 = arith.constant 112 : index
            %swap3A_232 = tpu.vector_load %arg10[%swap3A_230, %swap3A_231] {strides = array<i32>} : memref<80x128xf32, #tpu.memory_space<vmem>>, vector<16xf32>,
            tpu.vector_store %arg10[%swap3A_230, %swap3A_231], %add3A_229 {strides = array<i32>} : memref<80x128xf32, #tpu.memory_space<vmem>>, vector<16xf32>,
            %add3A_233 = arith.constant 1 : i32
            %add3A_234 = arith.addi %mul3A_146, %add3A_233 : i32
            %get3A_235 = arith.index_cast %add3A_234 : i32 to index
            %get3A_236 = arith.constant 0 : index
            %get3A_237 = tpu.vector_load %arg10[%get3A_235, %get3A_236] {strides = array<i32>} : memref<80x128xf32, #tpu.memory_space<vmem>>, vector<16xf32>,
            %mul3A_238 = arith.mulf %get3A_237, %gather3A_154 : vector<16xf32>
            %get3A_239 = arith.constant 0 : index
            %get3A_240 = tpu.vector_load %arg20[%get3A_239] {strides = array<i32>} : memref<128xf32, #tpu.memory_space<vmem>>, vector<16xf32>,
            %add3A_241 = arith.addf %mul3A_238, %get3A_240 : vector<16xf32>
            %add3A_242 = arith.constant 1 : i32
            %add3A_243 = arith.addi %mul3A_146, %add3A_242 : i32
            %swap3A_244 = arith.index_cast %add3A_243 : i32 to index
            %swap3A_245 = arith.constant 0 : index
            %swap3A_246 = tpu.vector_load %arg10[%swap3A_244, %swap3A_245] {strides = array<i32>} : memref<80x128xf32, #tpu.memory_space<vmem>>, vector<16xf32>,
            tpu.vector_store %arg10[%swap3A_244, %swap3A_245], %add3A_241 {strides = array<i32>} : memref<80x128xf32, #tpu.memory_space<vmem>>, vector<16xf32>,
            %add3A_247 = arith.constant 1 : i32
            %add3A_248 = arith.addi %mul3A_146, %add3A_247 : i32
            %get3A_249 = arith.index_cast %add3A_248 : i32 to index
            %get3A_250 = arith.constant 16 : index
            %get3A_251 = tpu.vector_load %arg10[%get3A_249, %get3A_250] {strides = array<i32>} : memref<80x128xf32, #tpu.memory_space<vmem>>, vector<16xf32>,
            %mul3A_252 = arith.mulf %get3A_251, %gather3A_154 : vector<16xf32>
            %get3A_253 = arith.constant 16 : index
            %get3A_254 = tpu.vector_load %arg20[%get3A_253] {strides = array<i32>} : memref<128xf32, #tpu.memory_space<vmem>>, vector<16xf32>,
            %add3A_255 = arith.addf %mul3A_252, %get3A_254 : vector<16xf32>
            %add3A_256 = arith.constant 1 : i32
            %add3A_257 = arith.addi %mul3A_146, %add3A_256 : i32
            %swap3A_258 = arith.index_cast %add3A_257 : i32 to index
            %swap3A_259 = arith.constant 16 : index
            %swap3A_260 = tpu.vector_load %arg10[%swap3A_258, %swap3A_259] {strides = array<i32>} : memref<80x128xf32, #tpu.memory_space<vmem>>, vector<16xf32>,
            tpu.vector_store %arg10[%swap3A_258, %swap3A_259], %add3A_255 {strides = array<i32>} : memref<80x128xf32, #tpu.memory_space<vmem>>, vector<16xf32>,
            %add3A_261 = arith.constant 1 : i32
            %add3A_262 = arith.addi %mul3A_146, %add3A_261 : i32
            %get3A_263 = arith.index_cast %add3A_262 : i32 to index
            %get3A_264 = arith.constant 32 : index
            %get3A_265 = tpu.vector_load %arg10[%get3A_263, %get3A_264] {strides = array<i32>} : memref<80x128xf32, #tpu.memory_space<vmem>>, vector<16xf32>,
            %mul3A_266 = arith.mulf %get3A_265, %gather3A_154 : vector<16xf32>
            %get3A_267 = arith.constant 32 : index
            %get3A_268 = tpu.vector_load %arg20[%get3A_267] {strides = array<i32>} : memref<128xf32, #tpu.memory_space<vmem>>, vector<16xf32>,
            %add3A_269 = arith.addf %mul3A_266, %get3A_268 : vector<16xf32>
            %add3A_270 = arith.constant 1 : i32
            %add3A_271 = arith.addi %mul3A_146, %add3A_270 : i32
            %swap3A_272 = arith.index_cast %add3A_271 : i32 to index
            %swap3A_273 = arith.constant 32 : index
            %swap3A_274 = tpu.vector_load %arg10[%swap3A_272, %swap3A_273] {strides = array<i32>} : memref<80x128xf32, #tpu.memory_space<vmem>>, vector<16xf32>,
            tpu.vector_store %arg10[%swap3A_272, %swap3A_273], %add3A_269 {strides = array<i32>} : memref<80x128xf32, #tpu.memory_space<vmem>>, vector<16xf32>,
            %add3A_275 = arith.constant 1 : i32
            %add3A_276 = arith.addi %mul3A_146, %add3A_275 : i32
            %get3A_277 = arith.index_cast %add3A_276 : i32 to index
            %get3A_278 = arith.constant 48 : index
            %get3A_279 = tpu.vector_load %arg10[%get3A_277, %get3A_278] {strides = array<i32>} : memref<80x128xf32, #tpu.memory_space<vmem>>, vector<16xf32>,
            %mul3A_280 = arith.mulf %get3A_279, %gather3A_154 : vector<16xf32>
            %get3A_281 = arith.constant 48 : index
            %get3A_282 = tpu.vector_load %arg20[%get3A_281] {strides = array<i32>} : memref<128xf32, #tpu.memory_space<vmem>>, vector<16xf32>,
            %add3A_283 = arith.addf %mul3A_280, %get3A_282 : vector<16xf32>
            %add3A_284 = arith.constant 1 : i32
            %add3A_285 = arith.addi %mul3A_146, %add3A_284 : i32
            %swap3A_286 = arith.index_cast %add3A_285 : i32 to index
            %swap3A_287 = arith.constant 48 : index
            %swap3A_288 = tpu.vector_load %arg10[%swap3A_286, %swap3A_287] {strides = array<i32>} : memref<80x128xf32, #tpu.memory_space<vmem>>, vector<16xf32>,
            tpu.vector_store %arg10[%swap3A_286, %swap3A_287], %add3A_283 {strides = array<i32>} : memref<80x128xf32, #tpu.memory_space<vmem>>, vector<16xf32>,
            %add3A_289 = arith.constant 1 : i32
            %add3A_290 = arith.addi %mul3A_146, %add3A_289 : i32
            %get3A_291 = arith.index_cast %add3A_290 : i32 to index
            %get3A_292 = arith.constant 64 : index
            %get3A_293 = tpu.vector_load %arg10[%get3A_291, %get3A_292] {strides = array<i32>} : memref<80x128xf32, #tpu.memory_space<vmem>>, vector<16xf32>,
            %mul3A_294 = arith.mulf %get3A_293, %gather3A_154 : vector<16xf32>
            %get3A_295 = arith.constant 64 : index
            %get3A_296 = tpu.vector_load %arg20[%get3A_295] {strides = array<i32>} : memref<128xf32, #tpu.memory_space<vmem>>, vector<16xf32>,
            %add3A_297 = arith.addf %mul3A_294, %get3A_296 : vector<16xf32>
            %add3A_298 = arith.constant 1 : i32
            %add3A_299 = arith.addi %mul3A_146, %add3A_298 : i32
            %swap3A_300 = arith.index_cast %add3A_299 : i32 to index
            %swap3A_301 = arith.constant 64 : index
            %swap3A_302 = tpu.vector_load %arg10[%swap3A_300, %swap3A_301] {strides = array<i32>} : memref<80x128xf32, #tpu.memory_space<vmem>>, vector<16xf32>,
            tpu.vector_store %arg10[%swap3A_300, %swap3A_301], %add3A_297 {strides = array<i32>} : memref<80x128xf32, #tpu.memory_space<vmem>>, vector<16xf32>,
            %add3A_303 = arith.constant 1 : i32
            %add3A_304 = arith.addi %mul3A_146, %add3A_303 : i32
            %get3A_305 = arith.index_cast %add3A_304 : i32 to index
            %get3A_306 = arith.constant 80 : index
            %get3A_307 = tpu.vector_load %arg10[%get3A_305, %get3A_306] {strides = array<i32>} : memref<80x128xf32, #tpu.memory_space<vmem>>, vector<16xf32>,
            %mul3A_308 = arith.mulf %get3A_307, %gather3A_154 : vector<16xf32>
            %get3A_309 = arith.constant 80 : index
            %get3A_310 = tpu.vector_load %arg20[%get3A_309] {strides = array<i32>} : memref<128xf32, #tpu.memory_space<vmem>>, vector<16xf32>,
            %add3A_311 = arith.addf %mul3A_308, %get3A_310 : vector<16xf32>
            %add3A_312 = arith.constant 1 : i32
            %add3A_313 = arith.addi %mul3A_146, %add3A_312 : i32
            %swap3A_314 = arith.index_cast %add3A_313 : i32 to index
            %swap3A_315 = arith.constant 80 : index
            %swap3A_316 = tpu.vector_load %arg10[%swap3A_314, %swap3A_315] {strides = array<i32>} : memref<80x128xf32, #tpu.memory_space<vmem>>, vector<16xf32>,
            tpu.vector_store %arg10[%swap3A_314, %swap3A_315], %add3A_311 {strides = array<i32>} : memref<80x128xf32, #tpu.memory_space<vmem>>, vector<16xf32>,
            %add3A_317 = arith.constant 1 : i32
            %add3A_318 = arith.addi %mul3A_146, %add3A_317 : i32
            %get3A_319 = arith.index_cast %add3A_318 : i32 to index
            %get3A_320 = arith.constant 96 : index
            %get3A_321 = tpu.vector_load %arg10[%get3A_319, %get3A_320] {strides = array<i32>} : memref<80x128xf32, #tpu.memory_space<vmem>>, vector<16xf32>,
            %mul3A_322 = arith.mulf %get3A_321, %gather3A_154 : vector<16xf32>
            %get3A_323 = arith.constant 96 : index
            %get3A_324 = tpu.vector_load %arg20[%get3A_323] {strides = array<i32>} : memref<128xf32, #tpu.memory_space<vmem>>, vector<16xf32>,
            %add3A_325 = arith.addf %mul3A_322, %get3A_324 : vector<16xf32>
            %add3A_326 = arith.constant 1 : i32
            %add3A_327 = arith.addi %mul3A_146, %add3A_326 : i32
            %swap3A_328 = arith.index_cast %add3A_327 : i32 to index
            %swap3A_329 = arith.constant 96 : index
            %swap3A_330 = tpu.vector_load %arg10[%swap3A_328, %swap3A_329] {strides = array<i32>} : memref<80x128xf32, #tpu.memory_space<vmem>>, vector<16xf32>,
            tpu.vector_store %arg10[%swap3A_328, %swap3A_329], %add3A_325 {strides = array<i32>} : memref<80x128xf32, #tpu.memory_space<vmem>>, vector<16xf32>,
            %add3A_331 = arith.constant 1 : i32
            %add3A_332 = arith.addi %mul3A_146, %add3A_331 : i32
            %get3A_333 = arith.index_cast %add3A_332 : i32 to index
            %get3A_334 = arith.constant 112 : index
            %get3A_335 = tpu.vector_load %arg10[%get3A_333, %get3A_334] {strides = array<i32>} : memref<80x128xf32, #tpu.memory_space<vmem>>, vector<16xf32>,
            %mul3A_336 = arith.mulf %get3A_335, %gather3A_154 : vector<16xf32>
            %get3A_337 = arith.constant 112 : index
            %get3A_338 = tpu.vector_load %arg20[%get3A_337] {strides = array<i32>} : memref<128xf32, #tpu.memory_space<vmem>>, vector<16xf32>,
            %add3A_339 = arith.addf %mul3A_336, %get3A_338 : vector<16xf32>
            %add3A_340 = arith.constant 1 : i32
            %add3A_341 = arith.addi %mul3A_146, %add3A_340 : i32
            %swap3A_342 = arith.index_cast %add3A_341 : i32 to index
            %swap3A_343 = arith.constant 112 : index
            %swap3A_344 = tpu.vector_load %arg10[%swap3A_342, %swap3A_343] {strides = array<i32>} : memref<80x128xf32, #tpu.memory_space<vmem>>, vector<16xf32>,
            tpu.vector_store %arg10[%swap3A_342, %swap3A_343], %add3A_339 {strides = array<i32>} : memref<80x128xf32, #tpu.memory_space<vmem>>, vector<16xf32>,
            %scan3A_345 = arith.constant 0 : i32
            scf.yield %scan3A_345 : i32
          }
          %scan3A_142 = arith.constant 32 : i32
          "tpu.region"() ({
            %run_scoped3A = tpu.sem_alloc : memref<!tpu.dma_semaphore, #tpu.memory_space<semaphore_mem>>
            %dma_start3A_143 = arith.constant 0 : i32
            %dma_start3A_144 = arith.constant 0 : i32
            %dma_start3A_145 = tpu.memref_slice %arg10[%dma_start3A_143, %dma_start3A_144] : memref<80x128xf32, #tpu.memory_space<vmem>> -> memref<64x128xf32, #tpu.memory_space<vmem>>
            %dma_start3A_146 = arith.constant 0 : i32
            %dma_start3A_147 = tpu.memref_slice %arg33[%add3A_121, %dma_start3A_146] : memref<10240x128xf32, #tpu.memory_space<vmem_shared>> -> memref<64x128xf32, #tpu.memory_space<vmem_shared>>
            %dma_start3A_148 = arith.constant 0 : i32
            %dma_start3A_149 = tpu.memref_slice %arg33[%add3A_121, %dma_start3A_148] : memref<10240x128xf32, #tpu.memory_space<vmem_shared>> -> memref<64x128xf32, #tpu.memory_space<vmem_shared>>
            %dma_start3A_150 = arith.constant 0 : i32
            %dma_start3A_151 = arith.constant 0 : i32
            %dma_start3A_152 = tpu.memref_slice %arg10[%dma_start3A_150, %dma_start3A_151] : memref<80x128xf32, #tpu.memory_space<vmem>> -> memref<64x128xf32, #tpu.memory_space<vmem>>
            tpu.enqueue_dma source(%dma_start3A_152 : memref<64x128xf32, #tpu.memory_space<vmem>>) target(%dma_start3A_149 : memref<64x128xf32, #tpu.memory_space<vmem_shared>>) target_semaphore(%run_scoped3A : memref<!tpu.dma_semaphore, #tpu.memory_space<semaphore_mem>>)
            %dma_wait3A_153 = arith.constant 0 : i32
            %dma_wait3A_154 = arith.constant 0 : i32
            %dma_wait3A_155 = tpu.memref_slice %arg10[%dma_wait3A_153, %dma_wait3A_154] : memref<80x128xf32, #tpu.memory_space<vmem>> -> memref<64x128xf32, #tpu.memory_space<vmem>>
            %dma_wait3A_156 = arith.constant 0 : i32
            %dma_wait3A_157 = tpu.memref_slice %arg33[%add3A_121, %dma_wait3A_156] : memref<10240x128xf32, #tpu.memory_space<vmem_shared>> -> memref<64x128xf32, #tpu.memory_space<vmem_shared>>
            %dma_wait3A_158 = arith.constant 0 : i32
            %dma_wait3A_159 = tpu.memref_slice %arg33[%add3A_121, %dma_wait3A_158] : memref<10240x128xf32, #tpu.memory_space<vmem_shared>> -> memref<64x128xf32, #tpu.memory_space<vmem_shared>>
            %dma_wait3A_160 = arith.constant 0 : i32
            %dma_wait3A_161 = arith.constant 0 : i32
            %dma_wait3A_162 = tpu.memref_slice %arg10[%dma_wait3A_160, %dma_wait3A_161] : memref<80x128xf32, #tpu.memory_space<vmem>> -> memref<64x128xf32, #tpu.memory_space<vmem>>
            tpu.wait_dma2 semaphore(%run_scoped3A : memref<!tpu.dma_semaphore, #tpu.memory_space<semaphore_mem>>) src(%dma_wait3A_162 : memref<64x128xf32, #tpu.memory_space<vmem>>) dst(%dma_wait3A_159 : memref<64x128xf32, #tpu.memory_space<vmem_shared>>)
            tpu.yield
          }) : () -> ()
        } else {
        }
        %eq3A = arith.constant 9984 : i32
        %eq3A_126 = arith.cmpi eq, %add3A_121, %eq3A : i32
        %convert_element_type3A_127 = arith.extui %eq3A_126 : i1 to i32
        %cond3A_128 = arith.constant 0 : i32
        %cond3A_129 = arith.cmpi ne, %convert_element_type3A_127, %cond3A_128 : i32
        scf.if %cond3A_129 {
          %mul3A_131 = arith.constant 10000 : i32
          %mul3A_132 = arith.muli %add3A, %mul3A_131 : i32
          %add3A_133 = arith.addi %mul3A_132, %add3A_121 : i32
          "tpu.region"() ({
            %run_scoped3A = tpu.sem_alloc : memref<!tpu.dma_semaphore, #tpu.memory_space<semaphore_mem>>
            %dma_start3A_143 = arith.constant 0 : i32
            %dma_start3A_144 = arith.constant 0 : i32
            %dma_start3A_145 = tpu.memref_slice %arg10[%dma_start3A_143, %dma_start3A_144] : memref<80x128xf32, #tpu.memory_space<vmem>> -> memref<16x128xf32, #tpu.memory_space<vmem>>
            %dma_start3A_146 = arith.constant 0 : i32
            %dma_start3A_147 = tpu.memref_slice %arg2[%add3A_133, %dma_start3A_146] : memref<90000x128xf32, #tpu.memory_space<hbm>> -> memref<16x128xf32, #tpu.memory_space<hbm>>
            %dma_start3A_148 = arith.constant 0 : i32
            %dma_start3A_149 = arith.constant 0 : i32
            %dma_start3A_150 = tpu.memref_slice %arg10[%dma_start3A_148, %dma_start3A_149] : memref<80x128xf32, #tpu.memory_space<vmem>> -> memref<16x128xf32, #tpu.memory_space<vmem>>
            %dma_start3A_151 = arith.constant 0 : i32
            %dma_start3A_152 = tpu.memref_slice %arg2[%add3A_133, %dma_start3A_151] : memref<90000x128xf32, #tpu.memory_space<hbm>> -> memref<16x128xf32, #tpu.memory_space<hbm>>
            tpu.enqueue_dma source(%dma_start3A_152 : memref<16x128xf32, #tpu.memory_space<hbm>>) target(%dma_start3A_150 : memref<16x128xf32, #tpu.memory_space<vmem>>) target_semaphore(%run_scoped3A : memref<!tpu.dma_semaphore, #tpu.memory_space<semaphore_mem>>)
            %dma_wait3A_153 = arith.constant 0 : i32
            %dma_wait3A_154 = arith.constant 0 : i32
            %dma_wait3A_155 = tpu.memref_slice %arg10[%dma_wait3A_153, %dma_wait3A_154] : memref<80x128xf32, #tpu.memory_space<vmem>> -> memref<16x128xf32, #tpu.memory_space<vmem>>
            %dma_wait3A_156 = arith.constant 0 : i32
            %dma_wait3A_157 = tpu.memref_slice %arg2[%add3A_133, %dma_wait3A_156] : memref<90000x128xf32, #tpu.memory_space<hbm>> -> memref<16x128xf32, #tpu.memory_space<hbm>>
            %dma_wait3A_158 = arith.constant 0 : i32
            %dma_wait3A_159 = arith.constant 0 : i32
            %dma_wait3A_160 = tpu.memref_slice %arg10[%dma_wait3A_158, %dma_wait3A_159] : memref<80x128xf32, #tpu.memory_space<vmem>> -> memref<16x128xf32, #tpu.memory_space<vmem>>
            %dma_wait3A_161 = arith.constant 0 : i32
            %dma_wait3A_162 = tpu.memref_slice %arg2[%add3A_133, %dma_wait3A_161] : memref<90000x128xf32, #tpu.memory_space<hbm>> -> memref<16x128xf32, #tpu.memory_space<hbm>>
            tpu.wait_dma2 semaphore(%run_scoped3A : memref<!tpu.dma_semaphore, #tpu.memory_space<semaphore_mem>>) src(%dma_wait3A_162 : memref<16x128xf32, #tpu.memory_space<hbm>>) dst(%dma_wait3A_160 : memref<16x128xf32, #tpu.memory_space<vmem>>)
            tpu.yield
          }) : () -> ()
          %mul3A_134 = arith.constant 64 : i32
          %mul3A_135 = arith.muli %scan3A_117, %mul3A_134 : i32
          %scan3A_136 = arith.constant 0 : i32
          %scan3A_137 = arith.constant 0 : i32
          %scan3A_138 = arith.constant 8 : i32
          %scan3A_139 = arith.addi %scan3A_137, %scan3A_138 : i32
          %scan3A_140 = arith.constant 1 : i32
          %scan3A_141 = scf.for %scan3A_143 = %scan3A_137 to %scan3A_139 step %scan3A_140 iter_args(%scan3A_144 = %scan3A_136) -> (i32)  : i32 {
            %mul3A_145 = arith.constant 2 : i32
            %mul3A_146 = arith.muli %scan3A_143, %mul3A_145 : i32
            %broadcast_in_dim3A = vector.broadcast %mul3A_135 : i32 to vector<16xi32>
            %add3A_147 = vector.broadcast %mul3A_146 : i32 to vector<16xi32>
            %add3A_148 = arith.addi %broadcast_in_dim3A, %add3A_147 : vector<16xi32>
            %gather3A = tpu.vector_load_idx %arg9[%add3A_148] : memref<640xf32, #tpu.memory_space<vmem>>[vector<16xi32>], vector<16xf32>,
            %add3A_149 = arith.constant 1 : i32
            %add3A_150 = arith.addi %mul3A_135, %add3A_149 : i32
            %broadcast_in_dim3A_151 = vector.broadcast %add3A_150 : i32 to vector<16xi32>
            %add3A_152 = vector.broadcast %mul3A_146 : i32 to vector<16xi32>
            %add3A_153 = arith.addi %broadcast_in_dim3A_151, %add3A_152 : vector<16xi32>
            %gather3A_154 = tpu.vector_load_idx %arg9[%add3A_153] : memref<640xf32, #tpu.memory_space<vmem>>[vector<16xi32>], vector<16xf32>,
            %get3A = arith.index_cast %mul3A_146 : i32 to index
            %get3A_155 = arith.constant 0 : index
            %get3A_156 = tpu.vector_load %arg10[%get3A, %get3A_155] {strides = array<i32>} : memref<80x128xf32, #tpu.memory_space<vmem>>, vector<16xf32>,
            %mul3A_157 = arith.mulf %get3A_156, %gather3A : vector<16xf32>
            %get3A_158 = arith.constant 0 : index
            %get3A_159 = tpu.vector_load %arg20[%get3A_158] {strides = array<i32>} : memref<128xf32, #tpu.memory_space<vmem>>, vector<16xf32>,
            %add3A_160 = arith.addf %mul3A_157, %get3A_159 : vector<16xf32>
            %swap3A = arith.index_cast %mul3A_146 : i32 to index
            %swap3A_161 = arith.constant 0 : index
            %swap3A_162 = tpu.vector_load %arg10[%swap3A, %swap3A_161] {strides = array<i32>} : memref<80x128xf32, #tpu.memory_space<vmem>>, vector<16xf32>,
            tpu.vector_store %arg10[%swap3A, %swap3A_161], %add3A_160 {strides = array<i32>} : memref<80x128xf32, #tpu.memory_space<vmem>>, vector<16xf32>,
            %get3A_163 = arith.index_cast %mul3A_146 : i32 to index
            %get3A_164 = arith.constant 16 : index
            %get3A_165 = tpu.vector_load %arg10[%get3A_163, %get3A_164] {strides = array<i32>} : memref<80x128xf32, #tpu.memory_space<vmem>>, vector<16xf32>,
            %mul3A_166 = arith.mulf %get3A_165, %gather3A : vector<16xf32>
            %get3A_167 = arith.constant 16 : index
            %get3A_168 = tpu.vector_load %arg20[%get3A_167] {strides = array<i32>} : memref<128xf32, #tpu.memory_space<vmem>>, vector<16xf32>,
            %add3A_169 = arith.addf %mul3A_166, %get3A_168 : vector<16xf32>
            %swap3A_170 = arith.index_cast %mul3A_146 : i32 to index
            %swap3A_171 = arith.constant 16 : index
            %swap3A_172 = tpu.vector_load %arg10[%swap3A_170, %swap3A_171] {strides = array<i32>} : memref<80x128xf32, #tpu.memory_space<vmem>>, vector<16xf32>,
            tpu.vector_store %arg10[%swap3A_170, %swap3A_171], %add3A_169 {strides = array<i32>} : memref<80x128xf32, #tpu.memory_space<vmem>>, vector<16xf32>,
            %get3A_173 = arith.index_cast %mul3A_146 : i32 to index
            %get3A_174 = arith.constant 32 : index
            %get3A_175 = tpu.vector_load %arg10[%get3A_173, %get3A_174] {strides = array<i32>} : memref<80x128xf32, #tpu.memory_space<vmem>>, vector<16xf32>,
            %mul3A_176 = arith.mulf %get3A_175, %gather3A : vector<16xf32>
            %get3A_177 = arith.constant 32 : index
            %get3A_178 = tpu.vector_load %arg20[%get3A_177] {strides = array<i32>} : memref<128xf32, #tpu.memory_space<vmem>>, vector<16xf32>,
            %add3A_179 = arith.addf %mul3A_176, %get3A_178 : vector<16xf32>
            %swap3A_180 = arith.index_cast %mul3A_146 : i32 to index
            %swap3A_181 = arith.constant 32 : index
            %swap3A_182 = tpu.vector_load %arg10[%swap3A_180, %swap3A_181] {strides = array<i32>} : memref<80x128xf32, #tpu.memory_space<vmem>>, vector<16xf32>,
            tpu.vector_store %arg10[%swap3A_180, %swap3A_181], %add3A_179 {strides = array<i32>} : memref<80x128xf32, #tpu.memory_space<vmem>>, vector<16xf32>,
            %get3A_183 = arith.index_cast %mul3A_146 : i32 to index
            %get3A_184 = arith.constant 48 : index
            %get3A_185 = tpu.vector_load %arg10[%get3A_183, %get3A_184] {strides = array<i32>} : memref<80x128xf32, #tpu.memory_space<vmem>>, vector<16xf32>,
            %mul3A_186 = arith.mulf %get3A_185, %gather3A : vector<16xf32>
            %get3A_187 = arith.constant 48 : index
            %get3A_188 = tpu.vector_load %arg20[%get3A_187] {strides = array<i32>} : memref<128xf32, #tpu.memory_space<vmem>>, vector<16xf32>,
            %add3A_189 = arith.addf %mul3A_186, %get3A_188 : vector<16xf32>
            %swap3A_190 = arith.index_cast %mul3A_146 : i32 to index
            %swap3A_191 = arith.constant 48 : index
            %swap3A_192 = tpu.vector_load %arg10[%swap3A_190, %swap3A_191] {strides = array<i32>} : memref<80x128xf32, #tpu.memory_space<vmem>>, vector<16xf32>,
            tpu.vector_store %arg10[%swap3A_190, %swap3A_191], %add3A_189 {strides = array<i32>} : memref<80x128xf32, #tpu.memory_space<vmem>>, vector<16xf32>,
            %get3A_193 = arith.index_cast %mul3A_146 : i32 to index
            %get3A_194 = arith.constant 64 : index
            %get3A_195 = tpu.vector_load %arg10[%get3A_193, %get3A_194] {strides = array<i32>} : memref<80x128xf32, #tpu.memory_space<vmem>>, vector<16xf32>,
            %mul3A_196 = arith.mulf %get3A_195, %gather3A : vector<16xf32>
            %get3A_197 = arith.constant 64 : index
            %get3A_198 = tpu.vector_load %arg20[%get3A_197] {strides = array<i32>} : memref<128xf32, #tpu.memory_space<vmem>>, vector<16xf32>,
            %add3A_199 = arith.addf %mul3A_196, %get3A_198 : vector<16xf32>
            %swap3A_200 = arith.index_cast %mul3A_146 : i32 to index
            %swap3A_201 = arith.constant 64 : index
            %swap3A_202 = tpu.vector_load %arg10[%swap3A_200, %swap3A_201] {strides = array<i32>} : memref<80x128xf32, #tpu.memory_space<vmem>>, vector<16xf32>,
            tpu.vector_store %arg10[%swap3A_200, %swap3A_201], %add3A_199 {strides = array<i32>} : memref<80x128xf32, #tpu.memory_space<vmem>>, vector<16xf32>,
            %get3A_203 = arith.index_cast %mul3A_146 : i32 to index
            %get3A_204 = arith.constant 80 : index
            %get3A_205 = tpu.vector_load %arg10[%get3A_203, %get3A_204] {strides = array<i32>} : memref<80x128xf32, #tpu.memory_space<vmem>>, vector<16xf32>,
            %mul3A_206 = arith.mulf %get3A_205, %gather3A : vector<16xf32>
            %get3A_207 = arith.constant 80 : index
            %get3A_208 = tpu.vector_load %arg20[%get3A_207] {strides = array<i32>} : memref<128xf32, #tpu.memory_space<vmem>>, vector<16xf32>,
            %add3A_209 = arith.addf %mul3A_206, %get3A_208 : vector<16xf32>
            %swap3A_210 = arith.index_cast %mul3A_146 : i32 to index
            %swap3A_211 = arith.constant 80 : index
            %swap3A_212 = tpu.vector_load %arg10[%swap3A_210, %swap3A_211] {strides = array<i32>} : memref<80x128xf32, #tpu.memory_space<vmem>>, vector<16xf32>,
            tpu.vector_store %arg10[%swap3A_210, %swap3A_211], %add3A_209 {strides = array<i32>} : memref<80x128xf32, #tpu.memory_space<vmem>>, vector<16xf32>,
            %get3A_213 = arith.index_cast %mul3A_146 : i32 to index
            %get3A_214 = arith.constant 96 : index
            %get3A_215 = tpu.vector_load %arg10[%get3A_213, %get3A_214] {strides = array<i32>} : memref<80x128xf32, #tpu.memory_space<vmem>>, vector<16xf32>,
            %mul3A_216 = arith.mulf %get3A_215, %gather3A : vector<16xf32>
            %get3A_217 = arith.constant 96 : index
            %get3A_218 = tpu.vector_load %arg20[%get3A_217] {strides = array<i32>} : memref<128xf32, #tpu.memory_space<vmem>>, vector<16xf32>,
            %add3A_219 = arith.addf %mul3A_216, %get3A_218 : vector<16xf32>
            %swap3A_220 = arith.index_cast %mul3A_146 : i32 to index
            %swap3A_221 = arith.constant 96 : index
            %swap3A_222 = tpu.vector_load %arg10[%swap3A_220, %swap3A_221] {strides = array<i32>} : memref<80x128xf32, #tpu.memory_space<vmem>>, vector<16xf32>,
            tpu.vector_store %arg10[%swap3A_220, %swap3A_221], %add3A_219 {strides = array<i32>} : memref<80x128xf32, #tpu.memory_space<vmem>>, vector<16xf32>,
            %get3A_223 = arith.index_cast %mul3A_146 : i32 to index
            %get3A_224 = arith.constant 112 : index
            %get3A_225 = tpu.vector_load %arg10[%get3A_223, %get3A_224] {strides = array<i32>} : memref<80x128xf32, #tpu.memory_space<vmem>>, vector<16xf32>,
            %mul3A_226 = arith.mulf %get3A_225, %gather3A : vector<16xf32>
            %get3A_227 = arith.constant 112 : index
            %get3A_228 = tpu.vector_load %arg20[%get3A_227] {strides = array<i32>} : memref<128xf32, #tpu.memory_space<vmem>>, vector<16xf32>,
            %add3A_229 = arith.addf %mul3A_226, %get3A_228 : vector<16xf32>
            %swap3A_230 = arith.index_cast %mul3A_146 : i32 to index
            %swap3A_231 = arith.constant 112 : index
            %swap3A_232 = tpu.vector_load %arg10[%swap3A_230, %swap3A_231] {strides = array<i32>} : memref<80x128xf32, #tpu.memory_space<vmem>>, vector<16xf32>,
            tpu.vector_store %arg10[%swap3A_230, %swap3A_231], %add3A_229 {strides = array<i32>} : memref<80x128xf32, #tpu.memory_space<vmem>>, vector<16xf32>,
            %add3A_233 = arith.constant 1 : i32
            %add3A_234 = arith.addi %mul3A_146, %add3A_233 : i32
            %get3A_235 = arith.index_cast %add3A_234 : i32 to index
            %get3A_236 = arith.constant 0 : index
            %get3A_237 = tpu.vector_load %arg10[%get3A_235, %get3A_236] {strides = array<i32>} : memref<80x128xf32, #tpu.memory_space<vmem>>, vector<16xf32>,
            %mul3A_238 = arith.mulf %get3A_237, %gather3A_154 : vector<16xf32>
            %get3A_239 = arith.constant 0 : index
            %get3A_240 = tpu.vector_load %arg20[%get3A_239] {strides = array<i32>} : memref<128xf32, #tpu.memory_space<vmem>>, vector<16xf32>,
            %add3A_241 = arith.addf %mul3A_238, %get3A_240 : vector<16xf32>
            %add3A_242 = arith.constant 1 : i32
            %add3A_243 = arith.addi %mul3A_146, %add3A_242 : i32
            %swap3A_244 = arith.index_cast %add3A_243 : i32 to index
            %swap3A_245 = arith.constant 0 : index
            %swap3A_246 = tpu.vector_load %arg10[%swap3A_244, %swap3A_245] {strides = array<i32>} : memref<80x128xf32, #tpu.memory_space<vmem>>, vector<16xf32>,
            tpu.vector_store %arg10[%swap3A_244, %swap3A_245], %add3A_241 {strides = array<i32>} : memref<80x128xf32, #tpu.memory_space<vmem>>, vector<16xf32>,
            %add3A_247 = arith.constant 1 : i32
            %add3A_248 = arith.addi %mul3A_146, %add3A_247 : i32
            %get3A_249 = arith.index_cast %add3A_248 : i32 to index
            %get3A_250 = arith.constant 16 : index
            %get3A_251 = tpu.vector_load %arg10[%get3A_249, %get3A_250] {strides = array<i32>} : memref<80x128xf32, #tpu.memory_space<vmem>>, vector<16xf32>,
            %mul3A_252 = arith.mulf %get3A_251, %gather3A_154 : vector<16xf32>
            %get3A_253 = arith.constant 16 : index
            %get3A_254 = tpu.vector_load %arg20[%get3A_253] {strides = array<i32>} : memref<128xf32, #tpu.memory_space<vmem>>, vector<16xf32>,
            %add3A_255 = arith.addf %mul3A_252, %get3A_254 : vector<16xf32>
            %add3A_256 = arith.constant 1 : i32
            %add3A_257 = arith.addi %mul3A_146, %add3A_256 : i32
            %swap3A_258 = arith.index_cast %add3A_257 : i32 to index
            %swap3A_259 = arith.constant 16 : index
            %swap3A_260 = tpu.vector_load %arg10[%swap3A_258, %swap3A_259] {strides = array<i32>} : memref<80x128xf32, #tpu.memory_space<vmem>>, vector<16xf32>,
            tpu.vector_store %arg10[%swap3A_258, %swap3A_259], %add3A_255 {strides = array<i32>} : memref<80x128xf32, #tpu.memory_space<vmem>>, vector<16xf32>,
            %add3A_261 = arith.constant 1 : i32
            %add3A_262 = arith.addi %mul3A_146, %add3A_261 : i32
            %get3A_263 = arith.index_cast %add3A_262 : i32 to index
            %get3A_264 = arith.constant 32 : index
            %get3A_265 = tpu.vector_load %arg10[%get3A_263, %get3A_264] {strides = array<i32>} : memref<80x128xf32, #tpu.memory_space<vmem>>, vector<16xf32>,
            %mul3A_266 = arith.mulf %get3A_265, %gather3A_154 : vector<16xf32>
            %get3A_267 = arith.constant 32 : index
            %get3A_268 = tpu.vector_load %arg20[%get3A_267] {strides = array<i32>} : memref<128xf32, #tpu.memory_space<vmem>>, vector<16xf32>,
            %add3A_269 = arith.addf %mul3A_266, %get3A_268 : vector<16xf32>
            %add3A_270 = arith.constant 1 : i32
            %add3A_271 = arith.addi %mul3A_146, %add3A_270 : i32
            %swap3A_272 = arith.index_cast %add3A_271 : i32 to index
            %swap3A_273 = arith.constant 32 : index
            %swap3A_274 = tpu.vector_load %arg10[%swap3A_272, %swap3A_273] {strides = array<i32>} : memref<80x128xf32, #tpu.memory_space<vmem>>, vector<16xf32>,
            tpu.vector_store %arg10[%swap3A_272, %swap3A_273], %add3A_269 {strides = array<i32>} : memref<80x128xf32, #tpu.memory_space<vmem>>, vector<16xf32>,
            %add3A_275 = arith.constant 1 : i32
            %add3A_276 = arith.addi %mul3A_146, %add3A_275 : i32
            %get3A_277 = arith.index_cast %add3A_276 : i32 to index
            %get3A_278 = arith.constant 48 : index
            %get3A_279 = tpu.vector_load %arg10[%get3A_277, %get3A_278] {strides = array<i32>} : memref<80x128xf32, #tpu.memory_space<vmem>>, vector<16xf32>,
            %mul3A_280 = arith.mulf %get3A_279, %gather3A_154 : vector<16xf32>
            %get3A_281 = arith.constant 48 : index
            %get3A_282 = tpu.vector_load %arg20[%get3A_281] {strides = array<i32>} : memref<128xf32, #tpu.memory_space<vmem>>, vector<16xf32>,
            %add3A_283 = arith.addf %mul3A_280, %get3A_282 : vector<16xf32>
            %add3A_284 = arith.constant 1 : i32
            %add3A_285 = arith.addi %mul3A_146, %add3A_284 : i32
            %swap3A_286 = arith.index_cast %add3A_285 : i32 to index
            %swap3A_287 = arith.constant 48 : index
            %swap3A_288 = tpu.vector_load %arg10[%swap3A_286, %swap3A_287] {strides = array<i32>} : memref<80x128xf32, #tpu.memory_space<vmem>>, vector<16xf32>,
            tpu.vector_store %arg10[%swap3A_286, %swap3A_287], %add3A_283 {strides = array<i32>} : memref<80x128xf32, #tpu.memory_space<vmem>>, vector<16xf32>,
            %add3A_289 = arith.constant 1 : i32
            %add3A_290 = arith.addi %mul3A_146, %add3A_289 : i32
            %get3A_291 = arith.index_cast %add3A_290 : i32 to index
            %get3A_292 = arith.constant 64 : index
            %get3A_293 = tpu.vector_load %arg10[%get3A_291, %get3A_292] {strides = array<i32>} : memref<80x128xf32, #tpu.memory_space<vmem>>, vector<16xf32>,
            %mul3A_294 = arith.mulf %get3A_293, %gather3A_154 : vector<16xf32>
            %get3A_295 = arith.constant 64 : index
            %get3A_296 = tpu.vector_load %arg20[%get3A_295] {strides = array<i32>} : memref<128xf32, #tpu.memory_space<vmem>>, vector<16xf32>,
            %add3A_297 = arith.addf %mul3A_294, %get3A_296 : vector<16xf32>
            %add3A_298 = arith.constant 1 : i32
            %add3A_299 = arith.addi %mul3A_146, %add3A_298 : i32
            %swap3A_300 = arith.index_cast %add3A_299 : i32 to index
            %swap3A_301 = arith.constant 64 : index
            %swap3A_302 = tpu.vector_load %arg10[%swap3A_300, %swap3A_301] {strides = array<i32>} : memref<80x128xf32, #tpu.memory_space<vmem>>, vector<16xf32>,
            tpu.vector_store %arg10[%swap3A_300, %swap3A_301], %add3A_297 {strides = array<i32>} : memref<80x128xf32, #tpu.memory_space<vmem>>, vector<16xf32>,
            %add3A_303 = arith.constant 1 : i32
            %add3A_304 = arith.addi %mul3A_146, %add3A_303 : i32
            %get3A_305 = arith.index_cast %add3A_304 : i32 to index
            %get3A_306 = arith.constant 80 : index
            %get3A_307 = tpu.vector_load %arg10[%get3A_305, %get3A_306] {strides = array<i32>} : memref<80x128xf32, #tpu.memory_space<vmem>>, vector<16xf32>,
            %mul3A_308 = arith.mulf %get3A_307, %gather3A_154 : vector<16xf32>
            %get3A_309 = arith.constant 80 : index
            %get3A_310 = tpu.vector_load %arg20[%get3A_309] {strides = array<i32>} : memref<128xf32, #tpu.memory_space<vmem>>, vector<16xf32>,
            %add3A_311 = arith.addf %mul3A_308, %get3A_310 : vector<16xf32>
            %add3A_312 = arith.constant 1 : i32
            %add3A_313 = arith.addi %mul3A_146, %add3A_312 : i32
            %swap3A_314 = arith.index_cast %add3A_313 : i32 to index
            %swap3A_315 = arith.constant 80 : index
            %swap3A_316 = tpu.vector_load %arg10[%swap3A_314, %swap3A_315] {strides = array<i32>} : memref<80x128xf32, #tpu.memory_space<vmem>>, vector<16xf32>,
            tpu.vector_store %arg10[%swap3A_314, %swap3A_315], %add3A_311 {strides = array<i32>} : memref<80x128xf32, #tpu.memory_space<vmem>>, vector<16xf32>,
            %add3A_317 = arith.constant 1 : i32
            %add3A_318 = arith.addi %mul3A_146, %add3A_317 : i32
            %get3A_319 = arith.index_cast %add3A_318 : i32 to index
            %get3A_320 = arith.constant 96 : index
            %get3A_321 = tpu.vector_load %arg10[%get3A_319, %get3A_320] {strides = array<i32>} : memref<80x128xf32, #tpu.memory_space<vmem>>, vector<16xf32>,
            %mul3A_322 = arith.mulf %get3A_321, %gather3A_154 : vector<16xf32>
            %get3A_323 = arith.constant 96 : index
            %get3A_324 = tpu.vector_load %arg20[%get3A_323] {strides = array<i32>} : memref<128xf32, #tpu.memory_space<vmem>>, vector<16xf32>,
            %add3A_325 = arith.addf %mul3A_322, %get3A_324 : vector<16xf32>
            %add3A_326 = arith.constant 1 : i32
            %add3A_327 = arith.addi %mul3A_146, %add3A_326 : i32
            %swap3A_328 = arith.index_cast %add3A_327 : i32 to index
            %swap3A_329 = arith.constant 96 : index
            %swap3A_330 = tpu.vector_load %arg10[%swap3A_328, %swap3A_329] {strides = array<i32>} : memref<80x128xf32, #tpu.memory_space<vmem>>, vector<16xf32>,
            tpu.vector_store %arg10[%swap3A_328, %swap3A_329], %add3A_325 {strides = array<i32>} : memref<80x128xf32, #tpu.memory_space<vmem>>, vector<16xf32>,
            %add3A_331 = arith.constant 1 : i32
            %add3A_332 = arith.addi %mul3A_146, %add3A_331 : i32
            %get3A_333 = arith.index_cast %add3A_332 : i32 to index
            %get3A_334 = arith.constant 112 : index
            %get3A_335 = tpu.vector_load %arg10[%get3A_333, %get3A_334] {strides = array<i32>} : memref<80x128xf32, #tpu.memory_space<vmem>>, vector<16xf32>,
            %mul3A_336 = arith.mulf %get3A_335, %gather3A_154 : vector<16xf32>
            %get3A_337 = arith.constant 112 : index
            %get3A_338 = tpu.vector_load %arg20[%get3A_337] {strides = array<i32>} : memref<128xf32, #tpu.memory_space<vmem>>, vector<16xf32>,
            %add3A_339 = arith.addf %mul3A_336, %get3A_338 : vector<16xf32>
            %add3A_340 = arith.constant 1 : i32
            %add3A_341 = arith.addi %mul3A_146, %add3A_340 : i32
            %swap3A_342 = arith.index_cast %add3A_341 : i32 to index
            %swap3A_343 = arith.constant 112 : index
            %swap3A_344 = tpu.vector_load %arg10[%swap3A_342, %swap3A_343] {strides = array<i32>} : memref<80x128xf32, #tpu.memory_space<vmem>>, vector<16xf32>,
            tpu.vector_store %arg10[%swap3A_342, %swap3A_343], %add3A_339 {strides = array<i32>} : memref<80x128xf32, #tpu.memory_space<vmem>>, vector<16xf32>,
            %scan3A_345 = arith.constant 0 : i32
            scf.yield %scan3A_345 : i32
          }
          %scan3A_142 = arith.constant 8 : i32
          "tpu.region"() ({
            %run_scoped3A = tpu.sem_alloc : memref<!tpu.dma_semaphore, #tpu.memory_space<semaphore_mem>>
            %dma_start3A_143 = arith.constant 0 : i32
            %dma_start3A_144 = arith.constant 0 : i32
            %dma_start3A_145 = tpu.memref_slice %arg10[%dma_start3A_143, %dma_start3A_144] : memref<80x128xf32, #tpu.memory_space<vmem>> -> memref<16x128xf32, #tpu.memory_space<vmem>>
            %dma_start3A_146 = arith.constant 0 : i32
            %dma_start3A_147 = tpu.memref_slice %arg33[%add3A_121, %dma_start3A_146] : memref<10240x128xf32, #tpu.memory_space<vmem_shared>> -> memref<16x128xf32, #tpu.memory_space<vmem_shared>>
            %dma_start3A_148 = arith.constant 0 : i32
            %dma_start3A_149 = tpu.memref_slice %arg33[%add3A_121, %dma_start3A_148] : memref<10240x128xf32, #tpu.memory_space<vmem_shared>> -> memref<16x128xf32, #tpu.memory_space<vmem_shared>>
            %dma_start3A_150 = arith.constant 0 : i32
            %dma_start3A_151 = arith.constant 0 : i32
            %dma_start3A_152 = tpu.memref_slice %arg10[%dma_start3A_150, %dma_start3A_151] : memref<80x128xf32, #tpu.memory_space<vmem>> -> memref<16x128xf32, #tpu.memory_space<vmem>>
            tpu.enqueue_dma source(%dma_start3A_152 : memref<16x128xf32, #tpu.memory_space<vmem>>) target(%dma_start3A_149 : memref<16x128xf32, #tpu.memory_space<vmem_shared>>) target_semaphore(%run_scoped3A : memref<!tpu.dma_semaphore, #tpu.memory_space<semaphore_mem>>)
            %dma_wait3A_153 = arith.constant 0 : i32
            %dma_wait3A_154 = arith.constant 0 : i32
            %dma_wait3A_155 = tpu.memref_slice %arg10[%dma_wait3A_153, %dma_wait3A_154] : memref<80x128xf32, #tpu.memory_space<vmem>> -> memref<16x128xf32, #tpu.memory_space<vmem>>
            %dma_wait3A_156 = arith.constant 0 : i32
            %dma_wait3A_157 = tpu.memref_slice %arg33[%add3A_121, %dma_wait3A_156] : memref<10240x128xf32, #tpu.memory_space<vmem_shared>> -> memref<16x128xf32, #tpu.memory_space<vmem_shared>>
            %dma_wait3A_158 = arith.constant 0 : i32
            %dma_wait3A_159 = tpu.memref_slice %arg33[%add3A_121, %dma_wait3A_158] : memref<10240x128xf32, #tpu.memory_space<vmem_shared>> -> memref<16x128xf32, #tpu.memory_space<vmem_shared>>
            %dma_wait3A_160 = arith.constant 0 : i32
            %dma_wait3A_161 = arith.constant 0 : i32
            %dma_wait3A_162 = tpu.memref_slice %arg10[%dma_wait3A_160, %dma_wait3A_161] : memref<80x128xf32, #tpu.memory_space<vmem>> -> memref<16x128xf32, #tpu.memory_space<vmem>>
            tpu.wait_dma2 semaphore(%run_scoped3A : memref<!tpu.dma_semaphore, #tpu.memory_space<semaphore_mem>>) src(%dma_wait3A_162 : memref<16x128xf32, #tpu.memory_space<vmem>>) dst(%dma_wait3A_159 : memref<16x128xf32, #tpu.memory_space<vmem_shared>>)
            tpu.yield
          }) : () -> ()
        } else {
        }
        %scan3A_130 = arith.constant 0 : i32
        scf.yield %scan3A_130 : i32
      }
      %scan3A_47 = arith.constant 10 : i32
      %barrier3A = arith.constant 0 : index
      tpu.barrier barrier_id(%barrier3A)
      %add3A_48 = arith.constant 0 : i32
      %add3A_49 = arith.addi %mul3A_2, %add3A_48 : i32
      %dma_start3A = tpu.memref_slice %arg3[%add3A_49] : memref<160000xi32, #tpu.memory_space<hbm>> -> memref<80xi32, #tpu.memory_space<hbm>>
      %dma_start3A_50 = tpu.memref_slice %arg3[%add3A_49] : memref<160000xi32, #tpu.memory_space<hbm>> -> memref<80xi32, #tpu.memory_space<hbm>>
      tpu.enqueue_dma source(%dma_start3A_50 : memref<80xi32, #tpu.memory_space<hbm>>) target(%arg12 : memref<80xi32, #tpu.memory_space<vmem>>) target_semaphore(%arg21 : memref<!tpu.dma_semaphore, #tpu.memory_space<semaphore_mem>>)
      %add3A_51 = arith.constant 0 : i32
      %add3A_52 = arith.addi %mul3A_2, %add3A_51 : i32
      %dma_start3A_53 = tpu.memref_slice %arg4[%add3A_52] : memref<160000xi32, #tpu.memory_space<hbm>> -> memref<80xi32, #tpu.memory_space<hbm>>
      %dma_start3A_54 = tpu.memref_slice %arg4[%add3A_52] : memref<160000xi32, #tpu.memory_space<hbm>> -> memref<80xi32, #tpu.memory_space<hbm>>
      tpu.enqueue_dma source(%dma_start3A_54 : memref<80xi32, #tpu.memory_space<hbm>>) target(%arg16 : memref<80xi32, #tpu.memory_space<vmem>>) target_semaphore(%arg25 : memref<!tpu.dma_semaphore, #tpu.memory_space<semaphore_mem>>)
      %add3A_55 = arith.constant 80 : i32
      %add3A_56 = arith.addi %mul3A_2, %add3A_55 : i32
      %dma_start3A_57 = tpu.memref_slice %arg3[%add3A_56] : memref<160000xi32, #tpu.memory_space<hbm>> -> memref<80xi32, #tpu.memory_space<hbm>>
      %dma_start3A_58 = tpu.memref_slice %arg3[%add3A_56] : memref<160000xi32, #tpu.memory_space<hbm>> -> memref<80xi32, #tpu.memory_space<hbm>>
      tpu.enqueue_dma source(%dma_start3A_58 : memref<80xi32, #tpu.memory_space<hbm>>) target(%arg13 : memref<80xi32, #tpu.memory_space<vmem>>) target_semaphore(%arg22 : memref<!tpu.dma_semaphore, #tpu.memory_space<semaphore_mem>>)
      %add3A_59 = arith.constant 80 : i32
      %add3A_60 = arith.addi %mul3A_2, %add3A_59 : i32
      %dma_start3A_61 = tpu.memref_slice %arg4[%add3A_60] : memref<160000xi32, #tpu.memory_space<hbm>> -> memref<80xi32, #tpu.memory_space<hbm>>
      %dma_start3A_62 = tpu.memref_slice %arg4[%add3A_60] : memref<160000xi32, #tpu.memory_space<hbm>> -> memref<80xi32, #tpu.memory_space<hbm>>
      tpu.enqueue_dma source(%dma_start3A_62 : memref<80xi32, #tpu.memory_space<hbm>>) target(%arg17 : memref<80xi32, #tpu.memory_space<vmem>>) target_semaphore(%arg26 : memref<!tpu.dma_semaphore, #tpu.memory_space<semaphore_mem>>)
      %add3A_63 = arith.constant 160 : i32
      %add3A_64 = arith.addi %mul3A_2, %add3A_63 : i32
      %dma_start3A_65 = tpu.memref_slice %arg3[%add3A_64] : memref<160000xi32, #tpu.memory_space<hbm>> -> memref<80xi32, #tpu.memory_space<hbm>>
      %dma_start3A_66 = tpu.memref_slice %arg3[%add3A_64] : memref<160000xi32, #tpu.memory_space<hbm>> -> memref<80xi32, #tpu.memory_space<hbm>>
      tpu.enqueue_dma source(%dma_start3A_66 : memref<80xi32, #tpu.memory_space<hbm>>) target(%arg14 : memref<80xi32, #tpu.memory_space<vmem>>) target_semaphore(%arg23 : memref<!tpu.dma_semaphore, #tpu.memory_space<semaphore_mem>>)
      %add3A_67 = arith.constant 160 : i32
      %add3A_68 = arith.addi %mul3A_2, %add3A_67 : i32
      %dma_start3A_69 = tpu.memref_slice %arg4[%add3A_68] : memref<160000xi32, #tpu.memory_space<hbm>> -> memref<80xi32, #tpu.memory_space<hbm>>
      %dma_start3A_70 = tpu.memref_slice %arg4[%add3A_68] : memref<160000xi32, #tpu.memory_space<hbm>> -> memref<80xi32, #tpu.memory_space<hbm>>
      tpu.enqueue_dma source(%dma_start3A_70 : memref<80xi32, #tpu.memory_space<hbm>>) target(%arg18 : memref<80xi32, #tpu.memory_space<vmem>>) target_semaphore(%arg27 : memref<!tpu.dma_semaphore, #tpu.memory_space<semaphore_mem>>)
      %add3A_71 = arith.constant 240 : i32
      %add3A_72 = arith.addi %mul3A_2, %add3A_71 : i32
      %dma_start3A_73 = tpu.memref_slice %arg3[%add3A_72] : memref<160000xi32, #tpu.memory_space<hbm>> -> memref<80xi32, #tpu.memory_space<hbm>>
      %dma_start3A_74 = tpu.memref_slice %arg3[%add3A_72] : memref<160000xi32, #tpu.memory_space<hbm>> -> memref<80xi32, #tpu.memory_space<hbm>>
      tpu.enqueue_dma source(%dma_start3A_74 : memref<80xi32, #tpu.memory_space<hbm>>) target(%arg15 : memref<80xi32, #tpu.memory_space<vmem>>) target_semaphore(%arg24 : memref<!tpu.dma_semaphore, #tpu.memory_space<semaphore_mem>>)
      %add3A_75 = arith.constant 240 : i32
      %add3A_76 = arith.addi %mul3A_2, %add3A_75 : i32
      %dma_start3A_77 = tpu.memref_slice %arg4[%add3A_76] : memref<160000xi32, #tpu.memory_space<hbm>> -> memref<80xi32, #tpu.memory_space<hbm>>
      %dma_start3A_78 = tpu.memref_slice %arg4[%add3A_76] : memref<160000xi32, #tpu.memory_space<hbm>> -> memref<80xi32, #tpu.memory_space<hbm>>
      tpu.enqueue_dma source(%dma_start3A_78 : memref<80xi32, #tpu.memory_space<hbm>>) target(%arg19 : memref<80xi32, #tpu.memory_space<vmem>>) target_semaphore(%arg28 : memref<!tpu.dma_semaphore, #tpu.memory_space<semaphore_mem>>)
      %scan3A_79 = arith.constant 0 : i32
      %scan3A_80 = arith.constant 0 : i32
      %scan3A_81 = arith.constant 31 : i32
      %scan3A_82 = arith.addi %scan3A_80, %scan3A_81 : i32
      %scan3A_83 = arith.constant 1 : i32
      %scan3A_84 = scf.for %scan3A_117 = %scan3A_80 to %scan3A_82 step %scan3A_83 iter_args(%scan3A_118 = %scan3A_79) -> (i32)  : i32 {
        %mul3A_119 = arith.constant 4 : i32
        %mul3A_120 = arith.muli %mul3A_119, %scan3A_117 : i32
        %gt3A = arith.constant 0 : i32
        %gt3A_121 = arith.cmpi sgt, %scan3A_117, %gt3A : i32
        %convert_element_type3A = arith.extui %gt3A_121 : i1 to i32
        %cond3A = arith.constant 0 : i32
        %cond3A_122 = arith.cmpi ne, %convert_element_type3A, %cond3A : i32
        scf.if %cond3A_122 {
          %dma_wait3A_313 = arith.constant 0 : i32
          %dma_wait3A_314 = arith.constant 0 : i32
          %dma_wait3A_315 = tpu.memref_slice %arg33[%dma_wait3A_313, %dma_wait3A_314] : memref<10240x128xf32, #tpu.memory_space<vmem_shared>> -> memref<10240x128xf32, #tpu.memory_space<vmem_shared>>
          tpu.wait_indirect_dma semaphore(%arg31 : memref<!tpu.dma_semaphore, #tpu.memory_space<semaphore_mem>>) src(%arg10 : memref<80x128xf32, #tpu.memory_space<vmem>>) dst(%dma_wait3A_315 : memref<10240x128xf32, #tpu.memory_space<vmem_shared>>)
          %add3A_316 = arith.constant 2 : i32
          %add3A_317 = arith.addi %mul3A_120, %add3A_316 : i32
          %mul3A_318 = arith.constant 80 : i32
          %mul3A_319 = arith.muli %add3A_317, %mul3A_318 : i32
          %add3A_320 = arith.addi %mul3A_2, %mul3A_319 : i32
          %dma_start3A_321 = tpu.memref_slice %arg4[%add3A_320] : memref<160000xi32, #tpu.memory_space<hbm>> -> memref<80xi32, #tpu.memory_space<hbm>>
          %dma_start3A_322 = tpu.memref_slice %arg4[%add3A_320] : memref<160000xi32, #tpu.memory_space<hbm>> -> memref<80xi32, #tpu.memory_space<hbm>>
          tpu.enqueue_dma source(%dma_start3A_322 : memref<80xi32, #tpu.memory_space<hbm>>) target(%arg18 : memref<80xi32, #tpu.memory_space<vmem>>) target_semaphore(%arg27 : memref<!tpu.dma_semaphore, #tpu.memory_space<semaphore_mem>>)
          %dma_wait3A_323 = arith.constant 0 : i32
          %dma_wait3A_324 = arith.constant 0 : i32
          %dma_wait3A_325 = tpu.memref_slice %arg33[%dma_wait3A_323, %dma_wait3A_324] : memref<10240x128xf32, #tpu.memory_space<vmem_shared>> -> memref<10240x128xf32, #tpu.memory_space<vmem_shared>>
          tpu.wait_indirect_dma semaphore(%arg32 : memref<!tpu.dma_semaphore, #tpu.memory_space<semaphore_mem>>) src(%arg11 : memref<80x128xf32, #tpu.memory_space<vmem>>) dst(%dma_wait3A_325 : memref<10240x128xf32, #tpu.memory_space<vmem_shared>>)
          %add3A_326 = arith.constant 3 : i32
          %add3A_327 = arith.addi %mul3A_120, %add3A_326 : i32
          %mul3A_328 = arith.constant 80 : i32
          %mul3A_329 = arith.muli %add3A_327, %mul3A_328 : i32
          %add3A_330 = arith.addi %mul3A_2, %mul3A_329 : i32
          %dma_start3A_331 = tpu.memref_slice %arg4[%add3A_330] : memref<160000xi32, #tpu.memory_space<hbm>> -> memref<80xi32, #tpu.memory_space<hbm>>
          %dma_start3A_332 = tpu.memref_slice %arg4[%add3A_330] : memref<160000xi32, #tpu.memory_space<hbm>> -> memref<80xi32, #tpu.memory_space<hbm>>
          tpu.enqueue_dma source(%dma_start3A_332 : memref<80xi32, #tpu.memory_space<hbm>>) target(%arg19 : memref<80xi32, #tpu.memory_space<vmem>>) target_semaphore(%arg28 : memref<!tpu.dma_semaphore, #tpu.memory_space<semaphore_mem>>)
        } else {
        }
        %add3A_123 = arith.constant 1 : i32
        %add3A_124 = arith.addi %scan3A_117, %add3A_123 : i32
        %lt3A = arith.constant 31 : i32
        %lt3A_125 = arith.cmpi slt, %add3A_124, %lt3A : i32
        %add3A_126 = arith.constant 0 : i32
        %add3A_127 = arith.addi %mul3A_120, %add3A_126 : i32
        %mul3A_128 = arith.constant 80 : i32
        %mul3A_129 = arith.muli %add3A_127, %mul3A_128 : i32
        %add3A_130 = arith.addi %mul3A_2, %mul3A_129 : i32
        %dma_wait3A_131 = tpu.memref_slice %arg3[%add3A_130] : memref<160000xi32, #tpu.memory_space<hbm>> -> memref<80xi32, #tpu.memory_space<hbm>>
        %dma_wait3A_132 = tpu.memref_slice %arg3[%add3A_130] : memref<160000xi32, #tpu.memory_space<hbm>> -> memref<80xi32, #tpu.memory_space<hbm>>
        tpu.wait_dma2 semaphore(%arg21 : memref<!tpu.dma_semaphore, #tpu.memory_space<semaphore_mem>>) src(%dma_wait3A_132 : memref<80xi32, #tpu.memory_space<hbm>>) dst(%arg12 : memref<80xi32, #tpu.memory_space<vmem>>)
        %scan3A_133 = arith.constant 0 : i32
        %scan3A_134 = arith.constant 0 : i32
        %scan3A_135 = arith.constant 5 : i32
        %scan3A_136 = arith.addi %scan3A_134, %scan3A_135 : i32
        %scan3A_137 = arith.constant 1 : i32
        %scan3A_138 = scf.for %scan3A_313 = %scan3A_134 to %scan3A_136 step %scan3A_137 iter_args(%scan3A_314 = %scan3A_133) -> (i32)  : i32 {
          %mul3A_315 = arith.constant 16 : i32
          %mul3A_316 = arith.muli %scan3A_313, %mul3A_315 : i32
          %get3A = arith.index_cast %mul3A_316 : i32 to index
          %get3A_317 = tpu.vector_load %arg12[%get3A] {strides = array<i32>} : memref<80xi32, #tpu.memory_space<vmem>>, vector<16xi32>,
          %mul3A_318 = arith.constant 10000 : i32
          %mul3A_319 = arith.muli %add3A, %mul3A_318 : i32
          %add3A_320 = vector.broadcast %mul3A_319 : i32 to vector<16xi32>
          %add3A_321 = arith.addi %get3A_317, %add3A_320 : vector<16xi32>
          %swap3A = arith.index_cast %mul3A_316 : i32 to index
          %swap3A_322 = tpu.vector_load %arg12[%swap3A] {strides = array<i32>} : memref<80xi32, #tpu.memory_space<vmem>>, vector<16xi32>,
          tpu.vector_store %arg12[%swap3A], %add3A_321 {strides = array<i32>} : memref<80xi32, #tpu.memory_space<vmem>>, vector<16xi32>,
          %scan3A_323 = arith.constant 0 : i32
          scf.yield %scan3A_323 : i32
        }
        %scan3A_139 = arith.constant 5 : i32
        %dma_start3A_140 = arith.constant 0 : i32
        %dma_start3A_141 = arith.constant 0 : i32
        %dma_start3A_142 = tpu.memref_slice %arg2[%dma_start3A_140, %dma_start3A_141] : memref<90000x128xf32, #tpu.memory_space<hbm>> -> memref<90000x128xf32, #tpu.memory_space<hbm>>
        tpu.enqueue_indirect_dma source(%dma_start3A_142 : memref<90000x128xf32, #tpu.memory_space<hbm>>) target(%arg10 : memref<80x128xf32, #tpu.memory_space<vmem>>) offsets(%arg12 : memref<80xi32, #tpu.memory_space<vmem>>) semaphore(%arg29 : memref<!tpu.dma_semaphore, #tpu.memory_space<semaphore_mem>>)
        %add3A_143 = arith.constant 1 : i32
        %add3A_144 = arith.addi %mul3A_120, %add3A_143 : i32
        %mul3A_145 = arith.constant 80 : i32
        %mul3A_146 = arith.muli %add3A_144, %mul3A_145 : i32
        %add3A_147 = arith.addi %mul3A_2, %mul3A_146 : i32
        %dma_wait3A_148 = tpu.memref_slice %arg3[%add3A_147] : memref<160000xi32, #tpu.memory_space<hbm>> -> memref<80xi32, #tpu.memory_space<hbm>>
        %dma_wait3A_149 = tpu.memref_slice %arg3[%add3A_147] : memref<160000xi32, #tpu.memory_space<hbm>> -> memref<80xi32, #tpu.memory_space<hbm>>
        tpu.wait_dma2 semaphore(%arg22 : memref<!tpu.dma_semaphore, #tpu.memory_space<semaphore_mem>>) src(%dma_wait3A_149 : memref<80xi32, #tpu.memory_space<hbm>>) dst(%arg13 : memref<80xi32, #tpu.memory_space<vmem>>)
        %scan3A_150 = arith.constant 0 : i32
        %scan3A_151 = arith.constant 0 : i32
        %scan3A_152 = arith.constant 5 : i32
        %scan3A_153 = arith.addi %scan3A_151, %scan3A_152 : i32
        %scan3A_154 = arith.constant 1 : i32
        %scan3A_155 = scf.for %scan3A_313 = %scan3A_151 to %scan3A_153 step %scan3A_154 iter_args(%scan3A_314 = %scan3A_150) -> (i32)  : i32 {
          %mul3A_315 = arith.constant 16 : i32
          %mul3A_316 = arith.muli %scan3A_313, %mul3A_315 : i32
          %get3A = arith.index_cast %mul3A_316 : i32 to index
          %get3A_317 = tpu.vector_load %arg13[%get3A] {strides = array<i32>} : memref<80xi32, #tpu.memory_space<vmem>>, vector<16xi32>,
          %mul3A_318 = arith.constant 10000 : i32
          %mul3A_319 = arith.muli %add3A, %mul3A_318 : i32
          %add3A_320 = vector.broadcast %mul3A_319 : i32 to vector<16xi32>
          %add3A_321 = arith.addi %get3A_317, %add3A_320 : vector<16xi32>
          %swap3A = arith.index_cast %mul3A_316 : i32 to index
          %swap3A_322 = tpu.vector_load %arg13[%swap3A] {strides = array<i32>} : memref<80xi32, #tpu.memory_space<vmem>>, vector<16xi32>,
          tpu.vector_store %arg13[%swap3A], %add3A_321 {strides = array<i32>} : memref<80xi32, #tpu.memory_space<vmem>>, vector<16xi32>,
          %scan3A_323 = arith.constant 0 : i32
          scf.yield %scan3A_323 : i32
        }
        %scan3A_156 = arith.constant 5 : i32
        %dma_start3A_157 = arith.constant 0 : i32
        %dma_start3A_158 = arith.constant 0 : i32
        %dma_start3A_159 = tpu.memref_slice %arg2[%dma_start3A_157, %dma_start3A_158] : memref<90000x128xf32, #tpu.memory_space<hbm>> -> memref<90000x128xf32, #tpu.memory_space<hbm>>
        tpu.enqueue_indirect_dma source(%dma_start3A_159 : memref<90000x128xf32, #tpu.memory_space<hbm>>) target(%arg11 : memref<80x128xf32, #tpu.memory_space<vmem>>) offsets(%arg13 : memref<80xi32, #tpu.memory_space<vmem>>) semaphore(%arg30 : memref<!tpu.dma_semaphore, #tpu.memory_space<semaphore_mem>>)
        %dma_wait3A_160 = arith.constant 0 : i32
        %dma_wait3A_161 = arith.constant 0 : i32
        %dma_wait3A_162 = tpu.memref_slice %arg2[%dma_wait3A_160, %dma_wait3A_161] : memref<90000x128xf32, #tpu.memory_space<hbm>> -> memref<90000x128xf32, #tpu.memory_space<hbm>>
        tpu.wait_indirect_dma semaphore(%arg29 : memref<!tpu.dma_semaphore, #tpu.memory_space<semaphore_mem>>) src(%dma_wait3A_162 : memref<90000x128xf32, #tpu.memory_space<hbm>>) dst(%arg10 : memref<80x128xf32, #tpu.memory_space<vmem>>)
        %convert_element_type3A_163 = arith.extui %lt3A_125 : i1 to i32
        %cond3A_164 = arith.constant 0 : i32
        %cond3A_165 = arith.cmpi ne, %convert_element_type3A_163, %cond3A_164 : i32
        scf.if %cond3A_165 {
          %add3A_313 = arith.constant 4 : i32
          %add3A_314 = arith.addi %mul3A_120, %add3A_313 : i32
          %mul3A_315 = arith.constant 80 : i32
          %mul3A_316 = arith.muli %add3A_314, %mul3A_315 : i32
          %add3A_317 = arith.addi %mul3A_2, %mul3A_316 : i32
          %dma_start3A_318 = tpu.memref_slice %arg3[%add3A_317] : memref<160000xi32, #tpu.memory_space<hbm>> -> memref<80xi32, #tpu.memory_space<hbm>>
          %dma_start3A_319 = tpu.memref_slice %arg3[%add3A_317] : memref<160000xi32, #tpu.memory_space<hbm>> -> memref<80xi32, #tpu.memory_space<hbm>>
          tpu.enqueue_dma source(%dma_start3A_319 : memref<80xi32, #tpu.memory_space<hbm>>) target(%arg12 : memref<80xi32, #tpu.memory_space<vmem>>) target_semaphore(%arg21 : memref<!tpu.dma_semaphore, #tpu.memory_space<semaphore_mem>>)
        } else {
        }
        %mul3A_166 = arith.constant 80 : i32
        %mul3A_167 = arith.muli %mul3A_120, %mul3A_166 : i32
        %scan3A_168 = arith.constant 0 : i32
        %scan3A_169 = arith.constant 0 : i32
        %scan3A_170 = arith.constant 40 : i32
        %scan3A_171 = arith.addi %scan3A_169, %scan3A_170 : i32
        %scan3A_172 = arith.constant 1 : i32
        %scan3A_173 = scf.for %scan3A_313 = %scan3A_169 to %scan3A_171 step %scan3A_172 iter_args(%scan3A_314 = %scan3A_168) -> (i32)  : i32 {
          %mul3A_315 = arith.constant 2 : i32
          %mul3A_316 = arith.muli %scan3A_313, %mul3A_315 : i32
          %broadcast_in_dim3A = vector.broadcast %mul3A_167 : i32 to vector<16xi32>
          %add3A_317 = vector.broadcast %mul3A_316 : i32 to vector<16xi32>
          %add3A_318 = arith.addi %broadcast_in_dim3A, %add3A_317 : vector<16xi32>
          %gather3A = tpu.vector_load_idx %arg8[%add3A_318] : memref<10000xf32, #tpu.memory_space<vmem>>[vector<16xi32>], vector<16xf32>,
          %add3A_319 = arith.constant 1 : i32
          %add3A_320 = arith.addi %mul3A_167, %add3A_319 : i32
          %broadcast_in_dim3A_321 = vector.broadcast %add3A_320 : i32 to vector<16xi32>
          %add3A_322 = vector.broadcast %mul3A_316 : i32 to vector<16xi32>
          %add3A_323 = arith.addi %broadcast_in_dim3A_321, %add3A_322 : vector<16xi32>
          %gather3A_324 = tpu.vector_load_idx %arg8[%add3A_323] : memref<10000xf32, #tpu.memory_space<vmem>>[vector<16xi32>], vector<16xf32>,
          %get3A = arith.index_cast %mul3A_316 : i32 to index
          %get3A_325 = arith.constant 0 : index
          %get3A_326 = tpu.vector_load %arg10[%get3A, %get3A_325] {strides = array<i32>} : memref<80x128xf32, #tpu.memory_space<vmem>>, vector<16xf32>,
          %mul3A_327 = arith.mulf %get3A_326, %gather3A : vector<16xf32>
          %swap3A = arith.index_cast %mul3A_316 : i32 to index
          %swap3A_328 = arith.constant 0 : index
          %swap3A_329 = tpu.vector_load %arg10[%swap3A, %swap3A_328] {strides = array<i32>} : memref<80x128xf32, #tpu.memory_space<vmem>>, vector<16xf32>,
          tpu.vector_store %arg10[%swap3A, %swap3A_328], %mul3A_327 {strides = array<i32>} : memref<80x128xf32, #tpu.memory_space<vmem>>, vector<16xf32>,
          %get3A_330 = arith.index_cast %mul3A_316 : i32 to index
          %get3A_331 = arith.constant 16 : index
          %get3A_332 = tpu.vector_load %arg10[%get3A_330, %get3A_331] {strides = array<i32>} : memref<80x128xf32, #tpu.memory_space<vmem>>, vector<16xf32>,
          %mul3A_333 = arith.mulf %get3A_332, %gather3A : vector<16xf32>
          %swap3A_334 = arith.index_cast %mul3A_316 : i32 to index
          %swap3A_335 = arith.constant 16 : index
          %swap3A_336 = tpu.vector_load %arg10[%swap3A_334, %swap3A_335] {strides = array<i32>} : memref<80x128xf32, #tpu.memory_space<vmem>>, vector<16xf32>,
          tpu.vector_store %arg10[%swap3A_334, %swap3A_335], %mul3A_333 {strides = array<i32>} : memref<80x128xf32, #tpu.memory_space<vmem>>, vector<16xf32>,
          %get3A_337 = arith.index_cast %mul3A_316 : i32 to index
          %get3A_338 = arith.constant 32 : index
          %get3A_339 = tpu.vector_load %arg10[%get3A_337, %get3A_338] {strides = array<i32>} : memref<80x128xf32, #tpu.memory_space<vmem>>, vector<16xf32>,
          %mul3A_340 = arith.mulf %get3A_339, %gather3A : vector<16xf32>
          %swap3A_341 = arith.index_cast %mul3A_316 : i32 to index
          %swap3A_342 = arith.constant 32 : index
          %swap3A_343 = tpu.vector_load %arg10[%swap3A_341, %swap3A_342] {strides = array<i32>} : memref<80x128xf32, #tpu.memory_space<vmem>>, vector<16xf32>,
          tpu.vector_store %arg10[%swap3A_341, %swap3A_342], %mul3A_340 {strides = array<i32>} : memref<80x128xf32, #tpu.memory_space<vmem>>, vector<16xf32>,
          %get3A_344 = arith.index_cast %mul3A_316 : i32 to index
          %get3A_345 = arith.constant 48 : index
          %get3A_346 = tpu.vector_load %arg10[%get3A_344, %get3A_345] {strides = array<i32>} : memref<80x128xf32, #tpu.memory_space<vmem>>, vector<16xf32>,
          %mul3A_347 = arith.mulf %get3A_346, %gather3A : vector<16xf32>
          %swap3A_348 = arith.index_cast %mul3A_316 : i32 to index
          %swap3A_349 = arith.constant 48 : index
          %swap3A_350 = tpu.vector_load %arg10[%swap3A_348, %swap3A_349] {strides = array<i32>} : memref<80x128xf32, #tpu.memory_space<vmem>>, vector<16xf32>,
          tpu.vector_store %arg10[%swap3A_348, %swap3A_349], %mul3A_347 {strides = array<i32>} : memref<80x128xf32, #tpu.memory_space<vmem>>, vector<16xf32>,
          %get3A_351 = arith.index_cast %mul3A_316 : i32 to index
          %get3A_352 = arith.constant 64 : index
          %get3A_353 = tpu.vector_load %arg10[%get3A_351, %get3A_352] {strides = array<i32>} : memref<80x128xf32, #tpu.memory_space<vmem>>, vector<16xf32>,
          %mul3A_354 = arith.mulf %get3A_353, %gather3A : vector<16xf32>
          %swap3A_355 = arith.index_cast %mul3A_316 : i32 to index
          %swap3A_356 = arith.constant 64 : index
          %swap3A_357 = tpu.vector_load %arg10[%swap3A_355, %swap3A_356] {strides = array<i32>} : memref<80x128xf32, #tpu.memory_space<vmem>>, vector<16xf32>,
          tpu.vector_store %arg10[%swap3A_355, %swap3A_356], %mul3A_354 {strides = array<i32>} : memref<80x128xf32, #tpu.memory_space<vmem>>, vector<16xf32>,
          %get3A_358 = arith.index_cast %mul3A_316 : i32 to index
          %get3A_359 = arith.constant 80 : index
          %get3A_360 = tpu.vector_load %arg10[%get3A_358, %get3A_359] {strides = array<i32>} : memref<80x128xf32, #tpu.memory_space<vmem>>, vector<16xf32>,
          %mul3A_361 = arith.mulf %get3A_360, %gather3A : vector<16xf32>
          %swap3A_362 = arith.index_cast %mul3A_316 : i32 to index
          %swap3A_363 = arith.constant 80 : index
          %swap3A_364 = tpu.vector_load %arg10[%swap3A_362, %swap3A_363] {strides = array<i32>} : memref<80x128xf32, #tpu.memory_space<vmem>>, vector<16xf32>,
          tpu.vector_store %arg10[%swap3A_362, %swap3A_363], %mul3A_361 {strides = array<i32>} : memref<80x128xf32, #tpu.memory_space<vmem>>, vector<16xf32>,
          %get3A_365 = arith.index_cast %mul3A_316 : i32 to index
          %get3A_366 = arith.constant 96 : index
          %get3A_367 = tpu.vector_load %arg10[%get3A_365, %get3A_366] {strides = array<i32>} : memref<80x128xf32, #tpu.memory_space<vmem>>, vector<16xf32>,
          %mul3A_368 = arith.mulf %get3A_367, %gather3A : vector<16xf32>
          %swap3A_369 = arith.index_cast %mul3A_316 : i32 to index
          %swap3A_370 = arith.constant 96 : index
          %swap3A_371 = tpu.vector_load %arg10[%swap3A_369, %swap3A_370] {strides = array<i32>} : memref<80x128xf32, #tpu.memory_space<vmem>>, vector<16xf32>,
          tpu.vector_store %arg10[%swap3A_369, %swap3A_370], %mul3A_368 {strides = array<i32>} : memref<80x128xf32, #tpu.memory_space<vmem>>, vector<16xf32>,
          %get3A_372 = arith.index_cast %mul3A_316 : i32 to index
          %get3A_373 = arith.constant 112 : index
          %get3A_374 = tpu.vector_load %arg10[%get3A_372, %get3A_373] {strides = array<i32>} : memref<80x128xf32, #tpu.memory_space<vmem>>, vector<16xf32>,
          %mul3A_375 = arith.mulf %get3A_374, %gather3A : vector<16xf32>
          %swap3A_376 = arith.index_cast %mul3A_316 : i32 to index
          %swap3A_377 = arith.constant 112 : index
          %swap3A_378 = tpu.vector_load %arg10[%swap3A_376, %swap3A_377] {strides = array<i32>} : memref<80x128xf32, #tpu.memory_space<vmem>>, vector<16xf32>,
          tpu.vector_store %arg10[%swap3A_376, %swap3A_377], %mul3A_375 {strides = array<i32>} : memref<80x128xf32, #tpu.memory_space<vmem>>, vector<16xf32>,
          %add3A_379 = arith.constant 1 : i32
          %add3A_380 = arith.addi %mul3A_316, %add3A_379 : i32
          %get3A_381 = arith.index_cast %add3A_380 : i32 to index
          %get3A_382 = arith.constant 0 : index
          %get3A_383 = tpu.vector_load %arg10[%get3A_381, %get3A_382] {strides = array<i32>} : memref<80x128xf32, #tpu.memory_space<vmem>>, vector<16xf32>,
          %mul3A_384 = arith.mulf %get3A_383, %gather3A_324 : vector<16xf32>
          %add3A_385 = arith.constant 1 : i32
          %add3A_386 = arith.addi %mul3A_316, %add3A_385 : i32
          %swap3A_387 = arith.index_cast %add3A_386 : i32 to index
          %swap3A_388 = arith.constant 0 : index
          %swap3A_389 = tpu.vector_load %arg10[%swap3A_387, %swap3A_388] {strides = array<i32>} : memref<80x128xf32, #tpu.memory_space<vmem>>, vector<16xf32>,
          tpu.vector_store %arg10[%swap3A_387, %swap3A_388], %mul3A_384 {strides = array<i32>} : memref<80x128xf32, #tpu.memory_space<vmem>>, vector<16xf32>,
          %add3A_390 = arith.constant 1 : i32
          %add3A_391 = arith.addi %mul3A_316, %add3A_390 : i32
          %get3A_392 = arith.index_cast %add3A_391 : i32 to index
          %get3A_393 = arith.constant 16 : index
          %get3A_394 = tpu.vector_load %arg10[%get3A_392, %get3A_393] {strides = array<i32>} : memref<80x128xf32, #tpu.memory_space<vmem>>, vector<16xf32>,
          %mul3A_395 = arith.mulf %get3A_394, %gather3A_324 : vector<16xf32>
          %add3A_396 = arith.constant 1 : i32
          %add3A_397 = arith.addi %mul3A_316, %add3A_396 : i32
          %swap3A_398 = arith.index_cast %add3A_397 : i32 to index
          %swap3A_399 = arith.constant 16 : index
          %swap3A_400 = tpu.vector_load %arg10[%swap3A_398, %swap3A_399] {strides = array<i32>} : memref<80x128xf32, #tpu.memory_space<vmem>>, vector<16xf32>,
          tpu.vector_store %arg10[%swap3A_398, %swap3A_399], %mul3A_395 {strides = array<i32>} : memref<80x128xf32, #tpu.memory_space<vmem>>, vector<16xf32>,
          %add3A_401 = arith.constant 1 : i32
          %add3A_402 = arith.addi %mul3A_316, %add3A_401 : i32
          %get3A_403 = arith.index_cast %add3A_402 : i32 to index
          %get3A_404 = arith.constant 32 : index
          %get3A_405 = tpu.vector_load %arg10[%get3A_403, %get3A_404] {strides = array<i32>} : memref<80x128xf32, #tpu.memory_space<vmem>>, vector<16xf32>,
          %mul3A_406 = arith.mulf %get3A_405, %gather3A_324 : vector<16xf32>
          %add3A_407 = arith.constant 1 : i32
          %add3A_408 = arith.addi %mul3A_316, %add3A_407 : i32
          %swap3A_409 = arith.index_cast %add3A_408 : i32 to index
          %swap3A_410 = arith.constant 32 : index
          %swap3A_411 = tpu.vector_load %arg10[%swap3A_409, %swap3A_410] {strides = array<i32>} : memref<80x128xf32, #tpu.memory_space<vmem>>, vector<16xf32>,
          tpu.vector_store %arg10[%swap3A_409, %swap3A_410], %mul3A_406 {strides = array<i32>} : memref<80x128xf32, #tpu.memory_space<vmem>>, vector<16xf32>,
          %add3A_412 = arith.constant 1 : i32
          %add3A_413 = arith.addi %mul3A_316, %add3A_412 : i32
          %get3A_414 = arith.index_cast %add3A_413 : i32 to index
          %get3A_415 = arith.constant 48 : index
          %get3A_416 = tpu.vector_load %arg10[%get3A_414, %get3A_415] {strides = array<i32>} : memref<80x128xf32, #tpu.memory_space<vmem>>, vector<16xf32>,
          %mul3A_417 = arith.mulf %get3A_416, %gather3A_324 : vector<16xf32>
          %add3A_418 = arith.constant 1 : i32
          %add3A_419 = arith.addi %mul3A_316, %add3A_418 : i32
          %swap3A_420 = arith.index_cast %add3A_419 : i32 to index
          %swap3A_421 = arith.constant 48 : index
          %swap3A_422 = tpu.vector_load %arg10[%swap3A_420, %swap3A_421] {strides = array<i32>} : memref<80x128xf32, #tpu.memory_space<vmem>>, vector<16xf32>,
          tpu.vector_store %arg10[%swap3A_420, %swap3A_421], %mul3A_417 {strides = array<i32>} : memref<80x128xf32, #tpu.memory_space<vmem>>, vector<16xf32>,
          %add3A_423 = arith.constant 1 : i32
          %add3A_424 = arith.addi %mul3A_316, %add3A_423 : i32
          %get3A_425 = arith.index_cast %add3A_424 : i32 to index
          %get3A_426 = arith.constant 64 : index
          %get3A_427 = tpu.vector_load %arg10[%get3A_425, %get3A_426] {strides = array<i32>} : memref<80x128xf32, #tpu.memory_space<vmem>>, vector<16xf32>,
          %mul3A_428 = arith.mulf %get3A_427, %gather3A_324 : vector<16xf32>
          %add3A_429 = arith.constant 1 : i32
          %add3A_430 = arith.addi %mul3A_316, %add3A_429 : i32
          %swap3A_431 = arith.index_cast %add3A_430 : i32 to index
          %swap3A_432 = arith.constant 64 : index
          %swap3A_433 = tpu.vector_load %arg10[%swap3A_431, %swap3A_432] {strides = array<i32>} : memref<80x128xf32, #tpu.memory_space<vmem>>, vector<16xf32>,
          tpu.vector_store %arg10[%swap3A_431, %swap3A_432], %mul3A_428 {strides = array<i32>} : memref<80x128xf32, #tpu.memory_space<vmem>>, vector<16xf32>,
          %add3A_434 = arith.constant 1 : i32
          %add3A_435 = arith.addi %mul3A_316, %add3A_434 : i32
          %get3A_436 = arith.index_cast %add3A_435 : i32 to index
          %get3A_437 = arith.constant 80 : index
          %get3A_438 = tpu.vector_load %arg10[%get3A_436, %get3A_437] {strides = array<i32>} : memref<80x128xf32, #tpu.memory_space<vmem>>, vector<16xf32>,
          %mul3A_439 = arith.mulf %get3A_438, %gather3A_324 : vector<16xf32>
          %add3A_440 = arith.constant 1 : i32
          %add3A_441 = arith.addi %mul3A_316, %add3A_440 : i32
          %swap3A_442 = arith.index_cast %add3A_441 : i32 to index
          %swap3A_443 = arith.constant 80 : index
          %swap3A_444 = tpu.vector_load %arg10[%swap3A_442, %swap3A_443] {strides = array<i32>} : memref<80x128xf32, #tpu.memory_space<vmem>>, vector<16xf32>,
          tpu.vector_store %arg10[%swap3A_442, %swap3A_443], %mul3A_439 {strides = array<i32>} : memref<80x128xf32, #tpu.memory_space<vmem>>, vector<16xf32>,
          %add3A_445 = arith.constant 1 : i32
          %add3A_446 = arith.addi %mul3A_316, %add3A_445 : i32
          %get3A_447 = arith.index_cast %add3A_446 : i32 to index
          %get3A_448 = arith.constant 96 : index
          %get3A_449 = tpu.vector_load %arg10[%get3A_447, %get3A_448] {strides = array<i32>} : memref<80x128xf32, #tpu.memory_space<vmem>>, vector<16xf32>,
          %mul3A_450 = arith.mulf %get3A_449, %gather3A_324 : vector<16xf32>
          %add3A_451 = arith.constant 1 : i32
          %add3A_452 = arith.addi %mul3A_316, %add3A_451 : i32
          %swap3A_453 = arith.index_cast %add3A_452 : i32 to index
          %swap3A_454 = arith.constant 96 : index
          %swap3A_455 = tpu.vector_load %arg10[%swap3A_453, %swap3A_454] {strides = array<i32>} : memref<80x128xf32, #tpu.memory_space<vmem>>, vector<16xf32>,
          tpu.vector_store %arg10[%swap3A_453, %swap3A_454], %mul3A_450 {strides = array<i32>} : memref<80x128xf32, #tpu.memory_space<vmem>>, vector<16xf32>,
          %add3A_456 = arith.constant 1 : i32
          %add3A_457 = arith.addi %mul3A_316, %add3A_456 : i32
          %get3A_458 = arith.index_cast %add3A_457 : i32 to index
          %get3A_459 = arith.constant 112 : index
          %get3A_460 = tpu.vector_load %arg10[%get3A_458, %get3A_459] {strides = array<i32>} : memref<80x128xf32, #tpu.memory_space<vmem>>, vector<16xf32>,
          %mul3A_461 = arith.mulf %get3A_460, %gather3A_324 : vector<16xf32>
          %add3A_462 = arith.constant 1 : i32
          %add3A_463 = arith.addi %mul3A_316, %add3A_462 : i32
          %swap3A_464 = arith.index_cast %add3A_463 : i32 to index
          %swap3A_465 = arith.constant 112 : index
          %swap3A_466 = tpu.vector_load %arg10[%swap3A_464, %swap3A_465] {strides = array<i32>} : memref<80x128xf32, #tpu.memory_space<vmem>>, vector<16xf32>,
          tpu.vector_store %arg10[%swap3A_464, %swap3A_465], %mul3A_461 {strides = array<i32>} : memref<80x128xf32, #tpu.memory_space<vmem>>, vector<16xf32>,
          %scan3A_467 = arith.constant 0 : i32
          scf.yield %scan3A_467 : i32
        }
        %scan3A_174 = arith.constant 40 : i32
        %add3A_175 = arith.constant 0 : i32
        %add3A_176 = arith.addi %mul3A_120, %add3A_175 : i32
        %mul3A_177 = arith.constant 80 : i32
        %mul3A_178 = arith.muli %add3A_176, %mul3A_177 : i32
        %add3A_179 = arith.addi %mul3A_2, %mul3A_178 : i32
        %dma_wait3A_180 = tpu.memref_slice %arg4[%add3A_179] : memref<160000xi32, #tpu.memory_space<hbm>> -> memref<80xi32, #tpu.memory_space<hbm>>
        %dma_wait3A_181 = tpu.memref_slice %arg4[%add3A_179] : memref<160000xi32, #tpu.memory_space<hbm>> -> memref<80xi32, #tpu.memory_space<hbm>>
        tpu.wait_dma2 semaphore(%arg25 : memref<!tpu.dma_semaphore, #tpu.memory_space<semaphore_mem>>) src(%dma_wait3A_181 : memref<80xi32, #tpu.memory_space<hbm>>) dst(%arg16 : memref<80xi32, #tpu.memory_space<vmem>>)
        %dma_start3A_182 = arith.constant 0 : i32
        %dma_start3A_183 = arith.constant 0 : i32
        %dma_start3A_184 = tpu.memref_slice %arg33[%dma_start3A_182, %dma_start3A_183] : memref<10240x128xf32, #tpu.memory_space<vmem_shared>> -> memref<10240x128xf32, #tpu.memory_space<vmem_shared>>
        tpu.enqueue_indirect_dma source(%arg10 : memref<80x128xf32, #tpu.memory_space<vmem>>) target(%dma_start3A_184 : memref<10240x128xf32, #tpu.memory_space<vmem_shared>>) offsets(%arg16 : memref<80xi32, #tpu.memory_space<vmem>>) semaphore(%arg31 : memref<!tpu.dma_semaphore, #tpu.memory_space<semaphore_mem>>) {add = true}
        %dma_wait3A_185 = arith.constant 0 : i32
        %dma_wait3A_186 = arith.constant 0 : i32
        %dma_wait3A_187 = tpu.memref_slice %arg2[%dma_wait3A_185, %dma_wait3A_186] : memref<90000x128xf32, #tpu.memory_space<hbm>> -> memref<90000x128xf32, #tpu.memory_space<hbm>>
        tpu.wait_indirect_dma semaphore(%arg30 : memref<!tpu.dma_semaphore, #tpu.memory_space<semaphore_mem>>) src(%dma_wait3A_187 : memref<90000x128xf32, #tpu.memory_space<hbm>>) dst(%arg11 : memref<80x128xf32, #tpu.memory_space<vmem>>)
        %convert_element_type3A_188 = arith.extui %lt3A_125 : i1 to i32
        %cond3A_189 = arith.constant 0 : i32
        %cond3A_190 = arith.cmpi ne, %convert_element_type3A_188, %cond3A_189 : i32
        scf.if %cond3A_190 {
          %add3A_313 = arith.constant 5 : i32
          %add3A_314 = arith.addi %mul3A_120, %add3A_313 : i32
          %mul3A_315 = arith.constant 80 : i32
          %mul3A_316 = arith.muli %add3A_314, %mul3A_315 : i32
          %add3A_317 = arith.addi %mul3A_2, %mul3A_316 : i32
          %dma_start3A_318 = tpu.memref_slice %arg3[%add3A_317] : memref<160000xi32, #tpu.memory_space<hbm>> -> memref<80xi32, #tpu.memory_space<hbm>>
          %dma_start3A_319 = tpu.memref_slice %arg3[%add3A_317] : memref<160000xi32, #tpu.memory_space<hbm>> -> memref<80xi32, #tpu.memory_space<hbm>>
          tpu.enqueue_dma source(%dma_start3A_319 : memref<80xi32, #tpu.memory_space<hbm>>) target(%arg13 : memref<80xi32, #tpu.memory_space<vmem>>) target_semaphore(%arg22 : memref<!tpu.dma_semaphore, #tpu.memory_space<semaphore_mem>>)
        } else {
        }
        %add3A_191 = arith.constant 1 : i32
        %add3A_192 = arith.addi %mul3A_120, %add3A_191 : i32
        %mul3A_193 = arith.constant 80 : i32
        %mul3A_194 = arith.muli %add3A_192, %mul3A_193 : i32
        %scan3A_195 = arith.constant 0 : i32
        %scan3A_196 = arith.constant 0 : i32
        %scan3A_197 = arith.constant 40 : i32
        %scan3A_198 = arith.addi %scan3A_196, %scan3A_197 : i32
        %scan3A_199 = arith.constant 1 : i32
        %scan3A_200 = scf.for %scan3A_313 = %scan3A_196 to %scan3A_198 step %scan3A_199 iter_args(%scan3A_314 = %scan3A_195) -> (i32)  : i32 {
          %mul3A_315 = arith.constant 2 : i32
          %mul3A_316 = arith.muli %scan3A_313, %mul3A_315 : i32
          %broadcast_in_dim3A = vector.broadcast %mul3A_194 : i32 to vector<16xi32>
          %add3A_317 = vector.broadcast %mul3A_316 : i32 to vector<16xi32>
          %add3A_318 = arith.addi %broadcast_in_dim3A, %add3A_317 : vector<16xi32>
          %gather3A = tpu.vector_load_idx %arg8[%add3A_318] : memref<10000xf32, #tpu.memory_space<vmem>>[vector<16xi32>], vector<16xf32>,
          %add3A_319 = arith.constant 1 : i32
          %add3A_320 = arith.addi %mul3A_194, %add3A_319 : i32
          %broadcast_in_dim3A_321 = vector.broadcast %add3A_320 : i32 to vector<16xi32>
          %add3A_322 = vector.broadcast %mul3A_316 : i32 to vector<16xi32>
          %add3A_323 = arith.addi %broadcast_in_dim3A_321, %add3A_322 : vector<16xi32>
          %gather3A_324 = tpu.vector_load_idx %arg8[%add3A_323] : memref<10000xf32, #tpu.memory_space<vmem>>[vector<16xi32>], vector<16xf32>,
          %get3A = arith.index_cast %mul3A_316 : i32 to index
          %get3A_325 = arith.constant 0 : index
          %get3A_326 = tpu.vector_load %arg11[%get3A, %get3A_325] {strides = array<i32>} : memref<80x128xf32, #tpu.memory_space<vmem>>, vector<16xf32>,
          %mul3A_327 = arith.mulf %get3A_326, %gather3A : vector<16xf32>
          %swap3A = arith.index_cast %mul3A_316 : i32 to index
          %swap3A_328 = arith.constant 0 : index
          %swap3A_329 = tpu.vector_load %arg11[%swap3A, %swap3A_328] {strides = array<i32>} : memref<80x128xf32, #tpu.memory_space<vmem>>, vector<16xf32>,
          tpu.vector_store %arg11[%swap3A, %swap3A_328], %mul3A_327 {strides = array<i32>} : memref<80x128xf32, #tpu.memory_space<vmem>>, vector<16xf32>,
          %get3A_330 = arith.index_cast %mul3A_316 : i32 to index
          %get3A_331 = arith.constant 16 : index
          %get3A_332 = tpu.vector_load %arg11[%get3A_330, %get3A_331] {strides = array<i32>} : memref<80x128xf32, #tpu.memory_space<vmem>>, vector<16xf32>,
          %mul3A_333 = arith.mulf %get3A_332, %gather3A : vector<16xf32>
          %swap3A_334 = arith.index_cast %mul3A_316 : i32 to index
          %swap3A_335 = arith.constant 16 : index
          %swap3A_336 = tpu.vector_load %arg11[%swap3A_334, %swap3A_335] {strides = array<i32>} : memref<80x128xf32, #tpu.memory_space<vmem>>, vector<16xf32>,
          tpu.vector_store %arg11[%swap3A_334, %swap3A_335], %mul3A_333 {strides = array<i32>} : memref<80x128xf32, #tpu.memory_space<vmem>>, vector<16xf32>,
          %get3A_337 = arith.index_cast %mul3A_316 : i32 to index
          %get3A_338 = arith.constant 32 : index
          %get3A_339 = tpu.vector_load %arg11[%get3A_337, %get3A_338] {strides = array<i32>} : memref<80x128xf32, #tpu.memory_space<vmem>>, vector<16xf32>,
          %mul3A_340 = arith.mulf %get3A_339, %gather3A : vector<16xf32>
          %swap3A_341 = arith.index_cast %mul3A_316 : i32 to index
          %swap3A_342 = arith.constant 32 : index
          %swap3A_343 = tpu.vector_load %arg11[%swap3A_341, %swap3A_342] {strides = array<i32>} : memref<80x128xf32, #tpu.memory_space<vmem>>, vector<16xf32>,
          tpu.vector_store %arg11[%swap3A_341, %swap3A_342], %mul3A_340 {strides = array<i32>} : memref<80x128xf32, #tpu.memory_space<vmem>>, vector<16xf32>,
          %get3A_344 = arith.index_cast %mul3A_316 : i32 to index
          %get3A_345 = arith.constant 48 : index
          %get3A_346 = tpu.vector_load %arg11[%get3A_344, %get3A_345] {strides = array<i32>} : memref<80x128xf32, #tpu.memory_space<vmem>>, vector<16xf32>,
          %mul3A_347 = arith.mulf %get3A_346, %gather3A : vector<16xf32>
          %swap3A_348 = arith.index_cast %mul3A_316 : i32 to index
          %swap3A_349 = arith.constant 48 : index
          %swap3A_350 = tpu.vector_load %arg11[%swap3A_348, %swap3A_349] {strides = array<i32>} : memref<80x128xf32, #tpu.memory_space<vmem>>, vector<16xf32>,
          tpu.vector_store %arg11[%swap3A_348, %swap3A_349], %mul3A_347 {strides = array<i32>} : memref<80x128xf32, #tpu.memory_space<vmem>>, vector<16xf32>,
          %get3A_351 = arith.index_cast %mul3A_316 : i32 to index
          %get3A_352 = arith.constant 64 : index
          %get3A_353 = tpu.vector_load %arg11[%get3A_351, %get3A_352] {strides = array<i32>} : memref<80x128xf32, #tpu.memory_space<vmem>>, vector<16xf32>,
          %mul3A_354 = arith.mulf %get3A_353, %gather3A : vector<16xf32>
          %swap3A_355 = arith.index_cast %mul3A_316 : i32 to index
          %swap3A_356 = arith.constant 64 : index
          %swap3A_357 = tpu.vector_load %arg11[%swap3A_355, %swap3A_356] {strides = array<i32>} : memref<80x128xf32, #tpu.memory_space<vmem>>, vector<16xf32>,
          tpu.vector_store %arg11[%swap3A_355, %swap3A_356], %mul3A_354 {strides = array<i32>} : memref<80x128xf32, #tpu.memory_space<vmem>>, vector<16xf32>,
          %get3A_358 = arith.index_cast %mul3A_316 : i32 to index
          %get3A_359 = arith.constant 80 : index
          %get3A_360 = tpu.vector_load %arg11[%get3A_358, %get3A_359] {strides = array<i32>} : memref<80x128xf32, #tpu.memory_space<vmem>>, vector<16xf32>,
          %mul3A_361 = arith.mulf %get3A_360, %gather3A : vector<16xf32>
          %swap3A_362 = arith.index_cast %mul3A_316 : i32 to index
          %swap3A_363 = arith.constant 80 : index
          %swap3A_364 = tpu.vector_load %arg11[%swap3A_362, %swap3A_363] {strides = array<i32>} : memref<80x128xf32, #tpu.memory_space<vmem>>, vector<16xf32>,
          tpu.vector_store %arg11[%swap3A_362, %swap3A_363], %mul3A_361 {strides = array<i32>} : memref<80x128xf32, #tpu.memory_space<vmem>>, vector<16xf32>,
          %get3A_365 = arith.index_cast %mul3A_316 : i32 to index
          %get3A_366 = arith.constant 96 : index
          %get3A_367 = tpu.vector_load %arg11[%get3A_365, %get3A_366] {strides = array<i32>} : memref<80x128xf32, #tpu.memory_space<vmem>>, vector<16xf32>,
          %mul3A_368 = arith.mulf %get3A_367, %gather3A : vector<16xf32>
          %swap3A_369 = arith.index_cast %mul3A_316 : i32 to index
          %swap3A_370 = arith.constant 96 : index
          %swap3A_371 = tpu.vector_load %arg11[%swap3A_369, %swap3A_370] {strides = array<i32>} : memref<80x128xf32, #tpu.memory_space<vmem>>, vector<16xf32>,
          tpu.vector_store %arg11[%swap3A_369, %swap3A_370], %mul3A_368 {strides = array<i32>} : memref<80x128xf32, #tpu.memory_space<vmem>>, vector<16xf32>,
          %get3A_372 = arith.index_cast %mul3A_316 : i32 to index
          %get3A_373 = arith.constant 112 : index
          %get3A_374 = tpu.vector_load %arg11[%get3A_372, %get3A_373] {strides = array<i32>} : memref<80x128xf32, #tpu.memory_space<vmem>>, vector<16xf32>,
          %mul3A_375 = arith.mulf %get3A_374, %gather3A : vector<16xf32>
          %swap3A_376 = arith.index_cast %mul3A_316 : i32 to index
          %swap3A_377 = arith.constant 112 : index
          %swap3A_378 = tpu.vector_load %arg11[%swap3A_376, %swap3A_377] {strides = array<i32>} : memref<80x128xf32, #tpu.memory_space<vmem>>, vector<16xf32>,
          tpu.vector_store %arg11[%swap3A_376, %swap3A_377], %mul3A_375 {strides = array<i32>} : memref<80x128xf32, #tpu.memory_space<vmem>>, vector<16xf32>,
          %add3A_379 = arith.constant 1 : i32
          %add3A_380 = arith.addi %mul3A_316, %add3A_379 : i32
          %get3A_381 = arith.index_cast %add3A_380 : i32 to index
          %get3A_382 = arith.constant 0 : index
          %get3A_383 = tpu.vector_load %arg11[%get3A_381, %get3A_382] {strides = array<i32>} : memref<80x128xf32, #tpu.memory_space<vmem>>, vector<16xf32>,
          %mul3A_384 = arith.mulf %get3A_383, %gather3A_324 : vector<16xf32>
          %add3A_385 = arith.constant 1 : i32
          %add3A_386 = arith.addi %mul3A_316, %add3A_385 : i32
          %swap3A_387 = arith.index_cast %add3A_386 : i32 to index
          %swap3A_388 = arith.constant 0 : index
          %swap3A_389 = tpu.vector_load %arg11[%swap3A_387, %swap3A_388] {strides = array<i32>} : memref<80x128xf32, #tpu.memory_space<vmem>>, vector<16xf32>,
          tpu.vector_store %arg11[%swap3A_387, %swap3A_388], %mul3A_384 {strides = array<i32>} : memref<80x128xf32, #tpu.memory_space<vmem>>, vector<16xf32>,
          %add3A_390 = arith.constant 1 : i32
          %add3A_391 = arith.addi %mul3A_316, %add3A_390 : i32
          %get3A_392 = arith.index_cast %add3A_391 : i32 to index
          %get3A_393 = arith.constant 16 : index
          %get3A_394 = tpu.vector_load %arg11[%get3A_392, %get3A_393] {strides = array<i32>} : memref<80x128xf32, #tpu.memory_space<vmem>>, vector<16xf32>,
          %mul3A_395 = arith.mulf %get3A_394, %gather3A_324 : vector<16xf32>
          %add3A_396 = arith.constant 1 : i32
          %add3A_397 = arith.addi %mul3A_316, %add3A_396 : i32
          %swap3A_398 = arith.index_cast %add3A_397 : i32 to index
          %swap3A_399 = arith.constant 16 : index
          %swap3A_400 = tpu.vector_load %arg11[%swap3A_398, %swap3A_399] {strides = array<i32>} : memref<80x128xf32, #tpu.memory_space<vmem>>, vector<16xf32>,
          tpu.vector_store %arg11[%swap3A_398, %swap3A_399], %mul3A_395 {strides = array<i32>} : memref<80x128xf32, #tpu.memory_space<vmem>>, vector<16xf32>,
          %add3A_401 = arith.constant 1 : i32
          %add3A_402 = arith.addi %mul3A_316, %add3A_401 : i32
          %get3A_403 = arith.index_cast %add3A_402 : i32 to index
          %get3A_404 = arith.constant 32 : index
          %get3A_405 = tpu.vector_load %arg11[%get3A_403, %get3A_404] {strides = array<i32>} : memref<80x128xf32, #tpu.memory_space<vmem>>, vector<16xf32>,
          %mul3A_406 = arith.mulf %get3A_405, %gather3A_324 : vector<16xf32>
          %add3A_407 = arith.constant 1 : i32
          %add3A_408 = arith.addi %mul3A_316, %add3A_407 : i32
          %swap3A_409 = arith.index_cast %add3A_408 : i32 to index
          %swap3A_410 = arith.constant 32 : index
          %swap3A_411 = tpu.vector_load %arg11[%swap3A_409, %swap3A_410] {strides = array<i32>} : memref<80x128xf32, #tpu.memory_space<vmem>>, vector<16xf32>,
          tpu.vector_store %arg11[%swap3A_409, %swap3A_410], %mul3A_406 {strides = array<i32>} : memref<80x128xf32, #tpu.memory_space<vmem>>, vector<16xf32>,
          %add3A_412 = arith.constant 1 : i32
          %add3A_413 = arith.addi %mul3A_316, %add3A_412 : i32
          %get3A_414 = arith.index_cast %add3A_413 : i32 to index
          %get3A_415 = arith.constant 48 : index
          %get3A_416 = tpu.vector_load %arg11[%get3A_414, %get3A_415] {strides = array<i32>} : memref<80x128xf32, #tpu.memory_space<vmem>>, vector<16xf32>,
          %mul3A_417 = arith.mulf %get3A_416, %gather3A_324 : vector<16xf32>
          %add3A_418 = arith.constant 1 : i32
          %add3A_419 = arith.addi %mul3A_316, %add3A_418 : i32
          %swap3A_420 = arith.index_cast %add3A_419 : i32 to index
          %swap3A_421 = arith.constant 48 : index
          %swap3A_422 = tpu.vector_load %arg11[%swap3A_420, %swap3A_421] {strides = array<i32>} : memref<80x128xf32, #tpu.memory_space<vmem>>, vector<16xf32>,
          tpu.vector_store %arg11[%swap3A_420, %swap3A_421], %mul3A_417 {strides = array<i32>} : memref<80x128xf32, #tpu.memory_space<vmem>>, vector<16xf32>,
          %add3A_423 = arith.constant 1 : i32
          %add3A_424 = arith.addi %mul3A_316, %add3A_423 : i32
          %get3A_425 = arith.index_cast %add3A_424 : i32 to index
          %get3A_426 = arith.constant 64 : index
          %get3A_427 = tpu.vector_load %arg11[%get3A_425, %get3A_426] {strides = array<i32>} : memref<80x128xf32, #tpu.memory_space<vmem>>, vector<16xf32>,
          %mul3A_428 = arith.mulf %get3A_427, %gather3A_324 : vector<16xf32>
          %add3A_429 = arith.constant 1 : i32
          %add3A_430 = arith.addi %mul3A_316, %add3A_429 : i32
          %swap3A_431 = arith.index_cast %add3A_430 : i32 to index
          %swap3A_432 = arith.constant 64 : index
          %swap3A_433 = tpu.vector_load %arg11[%swap3A_431, %swap3A_432] {strides = array<i32>} : memref<80x128xf32, #tpu.memory_space<vmem>>, vector<16xf32>,
          tpu.vector_store %arg11[%swap3A_431, %swap3A_432], %mul3A_428 {strides = array<i32>} : memref<80x128xf32, #tpu.memory_space<vmem>>, vector<16xf32>,
          %add3A_434 = arith.constant 1 : i32
          %add3A_435 = arith.addi %mul3A_316, %add3A_434 : i32
          %get3A_436 = arith.index_cast %add3A_435 : i32 to index
          %get3A_437 = arith.constant 80 : index
          %get3A_438 = tpu.vector_load %arg11[%get3A_436, %get3A_437] {strides = array<i32>} : memref<80x128xf32, #tpu.memory_space<vmem>>, vector<16xf32>,
          %mul3A_439 = arith.mulf %get3A_438, %gather3A_324 : vector<16xf32>
          %add3A_440 = arith.constant 1 : i32
          %add3A_441 = arith.addi %mul3A_316, %add3A_440 : i32
          %swap3A_442 = arith.index_cast %add3A_441 : i32 to index
          %swap3A_443 = arith.constant 80 : index
          %swap3A_444 = tpu.vector_load %arg11[%swap3A_442, %swap3A_443] {strides = array<i32>} : memref<80x128xf32, #tpu.memory_space<vmem>>, vector<16xf32>,
          tpu.vector_store %arg11[%swap3A_442, %swap3A_443], %mul3A_439 {strides = array<i32>} : memref<80x128xf32, #tpu.memory_space<vmem>>, vector<16xf32>,
          %add3A_445 = arith.constant 1 : i32
          %add3A_446 = arith.addi %mul3A_316, %add3A_445 : i32
          %get3A_447 = arith.index_cast %add3A_446 : i32 to index
          %get3A_448 = arith.constant 96 : index
          %get3A_449 = tpu.vector_load %arg11[%get3A_447, %get3A_448] {strides = array<i32>} : memref<80x128xf32, #tpu.memory_space<vmem>>, vector<16xf32>,
          %mul3A_450 = arith.mulf %get3A_449, %gather3A_324 : vector<16xf32>
          %add3A_451 = arith.constant 1 : i32
          %add3A_452 = arith.addi %mul3A_316, %add3A_451 : i32
          %swap3A_453 = arith.index_cast %add3A_452 : i32 to index
          %swap3A_454 = arith.constant 96 : index
          %swap3A_455 = tpu.vector_load %arg11[%swap3A_453, %swap3A_454] {strides = array<i32>} : memref<80x128xf32, #tpu.memory_space<vmem>>, vector<16xf32>,
          tpu.vector_store %arg11[%swap3A_453, %swap3A_454], %mul3A_450 {strides = array<i32>} : memref<80x128xf32, #tpu.memory_space<vmem>>, vector<16xf32>,
          %add3A_456 = arith.constant 1 : i32
          %add3A_457 = arith.addi %mul3A_316, %add3A_456 : i32
          %get3A_458 = arith.index_cast %add3A_457 : i32 to index
          %get3A_459 = arith.constant 112 : index
          %get3A_460 = tpu.vector_load %arg11[%get3A_458, %get3A_459] {strides = array<i32>} : memref<80x128xf32, #tpu.memory_space<vmem>>, vector<16xf32>,
          %mul3A_461 = arith.mulf %get3A_460, %gather3A_324 : vector<16xf32>
          %add3A_462 = arith.constant 1 : i32
          %add3A_463 = arith.addi %mul3A_316, %add3A_462 : i32
          %swap3A_464 = arith.index_cast %add3A_463 : i32 to index
          %swap3A_465 = arith.constant 112 : index
          %swap3A_466 = tpu.vector_load %arg11[%swap3A_464, %swap3A_465] {strides = array<i32>} : memref<80x128xf32, #tpu.memory_space<vmem>>, vector<16xf32>,
          tpu.vector_store %arg11[%swap3A_464, %swap3A_465], %mul3A_461 {strides = array<i32>} : memref<80x128xf32, #tpu.memory_space<vmem>>, vector<16xf32>,
          %scan3A_467 = arith.constant 0 : i32
          scf.yield %scan3A_467 : i32
        }
        %scan3A_201 = arith.constant 40 : i32
        %add3A_202 = arith.constant 1 : i32
        %add3A_203 = arith.addi %mul3A_120, %add3A_202 : i32
        %mul3A_204 = arith.constant 80 : i32
        %mul3A_205 = arith.muli %add3A_203, %mul3A_204 : i32
        %add3A_206 = arith.addi %mul3A_2, %mul3A_205 : i32
        %dma_wait3A_207 = tpu.memref_slice %arg4[%add3A_206] : memref<160000xi32, #tpu.memory_space<hbm>> -> memref<80xi32, #tpu.memory_space<hbm>>
        %dma_wait3A_208 = tpu.memref_slice %arg4[%add3A_206] : memref<160000xi32, #tpu.memory_space<hbm>> -> memref<80xi32, #tpu.memory_space<hbm>>
        tpu.wait_dma2 semaphore(%arg26 : memref<!tpu.dma_semaphore, #tpu.memory_space<semaphore_mem>>) src(%dma_wait3A_208 : memref<80xi32, #tpu.memory_space<hbm>>) dst(%arg17 : memref<80xi32, #tpu.memory_space<vmem>>)
        %dma_start3A_209 = arith.constant 0 : i32
        %dma_start3A_210 = arith.constant 0 : i32
        %dma_start3A_211 = tpu.memref_slice %arg33[%dma_start3A_209, %dma_start3A_210] : memref<10240x128xf32, #tpu.memory_space<vmem_shared>> -> memref<10240x128xf32, #tpu.memory_space<vmem_shared>>
        tpu.enqueue_indirect_dma source(%arg11 : memref<80x128xf32, #tpu.memory_space<vmem>>) target(%dma_start3A_211 : memref<10240x128xf32, #tpu.memory_space<vmem_shared>>) offsets(%arg17 : memref<80xi32, #tpu.memory_space<vmem>>) semaphore(%arg32 : memref<!tpu.dma_semaphore, #tpu.memory_space<semaphore_mem>>) {add = true}
        %add3A_212 = arith.constant 2 : i32
        %add3A_213 = arith.addi %mul3A_120, %add3A_212 : i32
        %mul3A_214 = arith.constant 80 : i32
        %mul3A_215 = arith.muli %add3A_213, %mul3A_214 : i32
        %add3A_216 = arith.addi %mul3A_2, %mul3A_215 : i32
        %dma_wait3A_217 = tpu.memref_slice %arg3[%add3A_216] : memref<160000xi32, #tpu.memory_space<hbm>> -> memref<80xi32, #tpu.memory_space<hbm>>
        %dma_wait3A_218 = tpu.memref_slice %arg3[%add3A_216] : memref<160000xi32, #tpu.memory_space<hbm>> -> memref<80xi32, #tpu.memory_space<hbm>>
        tpu.wait_dma2 semaphore(%arg23 : memref<!tpu.dma_semaphore, #tpu.memory_space<semaphore_mem>>) src(%dma_wait3A_218 : memref<80xi32, #tpu.memory_space<hbm>>) dst(%arg14 : memref<80xi32, #tpu.memory_space<vmem>>)
        %scan3A_219 = arith.constant 0 : i32
        %scan3A_220 = arith.constant 0 : i32
        %scan3A_221 = arith.constant 5 : i32
        %scan3A_222 = arith.addi %scan3A_220, %scan3A_221 : i32
        %scan3A_223 = arith.constant 1 : i32
        %scan3A_224 = scf.for %scan3A_313 = %scan3A_220 to %scan3A_222 step %scan3A_223 iter_args(%scan3A_314 = %scan3A_219) -> (i32)  : i32 {
          %mul3A_315 = arith.constant 16 : i32
          %mul3A_316 = arith.muli %scan3A_313, %mul3A_315 : i32
          %get3A = arith.index_cast %mul3A_316 : i32 to index
          %get3A_317 = tpu.vector_load %arg14[%get3A] {strides = array<i32>} : memref<80xi32, #tpu.memory_space<vmem>>, vector<16xi32>,
          %mul3A_318 = arith.constant 10000 : i32
          %mul3A_319 = arith.muli %add3A, %mul3A_318 : i32
          %add3A_320 = vector.broadcast %mul3A_319 : i32 to vector<16xi32>
          %add3A_321 = arith.addi %get3A_317, %add3A_320 : vector<16xi32>
          %swap3A = arith.index_cast %mul3A_316 : i32 to index
          %swap3A_322 = tpu.vector_load %arg14[%swap3A] {strides = array<i32>} : memref<80xi32, #tpu.memory_space<vmem>>, vector<16xi32>,
          tpu.vector_store %arg14[%swap3A], %add3A_321 {strides = array<i32>} : memref<80xi32, #tpu.memory_space<vmem>>, vector<16xi32>,
          %scan3A_323 = arith.constant 0 : i32
          scf.yield %scan3A_323 : i32
        }
        %scan3A_225 = arith.constant 5 : i32
        %dma_wait3A_226 = arith.constant 0 : i32
        %dma_wait3A_227 = arith.constant 0 : i32
        %dma_wait3A_228 = tpu.memref_slice %arg33[%dma_wait3A_226, %dma_wait3A_227] : memref<10240x128xf32, #tpu.memory_space<vmem_shared>> -> memref<10240x128xf32, #tpu.memory_space<vmem_shared>>
        tpu.wait_indirect_dma semaphore(%arg31 : memref<!tpu.dma_semaphore, #tpu.memory_space<semaphore_mem>>) src(%arg10 : memref<80x128xf32, #tpu.memory_space<vmem>>) dst(%dma_wait3A_228 : memref<10240x128xf32, #tpu.memory_space<vmem_shared>>)
        %convert_element_type3A_229 = arith.extui %lt3A_125 : i1 to i32
        %cond3A_230 = arith.constant 0 : i32
        %cond3A_231 = arith.cmpi ne, %convert_element_type3A_229, %cond3A_230 : i32
        scf.if %cond3A_231 {
          %add3A_313 = arith.constant 4 : i32
          %add3A_314 = arith.addi %mul3A_120, %add3A_313 : i32
          %mul3A_315 = arith.constant 80 : i32
          %mul3A_316 = arith.muli %add3A_314, %mul3A_315 : i32
          %add3A_317 = arith.addi %mul3A_2, %mul3A_316 : i32
          %dma_start3A_318 = tpu.memref_slice %arg4[%add3A_317] : memref<160000xi32, #tpu.memory_space<hbm>> -> memref<80xi32, #tpu.memory_space<hbm>>
          %dma_start3A_319 = tpu.memref_slice %arg4[%add3A_317] : memref<160000xi32, #tpu.memory_space<hbm>> -> memref<80xi32, #tpu.memory_space<hbm>>
          tpu.enqueue_dma source(%dma_start3A_319 : memref<80xi32, #tpu.memory_space<hbm>>) target(%arg16 : memref<80xi32, #tpu.memory_space<vmem>>) target_semaphore(%arg25 : memref<!tpu.dma_semaphore, #tpu.memory_space<semaphore_mem>>)
        } else {
        }
        %dma_start3A_232 = arith.constant 0 : i32
        %dma_start3A_233 = arith.constant 0 : i32
        %dma_start3A_234 = tpu.memref_slice %arg2[%dma_start3A_232, %dma_start3A_233] : memref<90000x128xf32, #tpu.memory_space<hbm>> -> memref<90000x128xf32, #tpu.memory_space<hbm>>
        tpu.enqueue_indirect_dma source(%dma_start3A_234 : memref<90000x128xf32, #tpu.memory_space<hbm>>) target(%arg10 : memref<80x128xf32, #tpu.memory_space<vmem>>) offsets(%arg14 : memref<80xi32, #tpu.memory_space<vmem>>) semaphore(%arg29 : memref<!tpu.dma_semaphore, #tpu.memory_space<semaphore_mem>>)
        %add3A_235 = arith.constant 3 : i32
        %add3A_236 = arith.addi %mul3A_120, %add3A_235 : i32
        %mul3A_237 = arith.constant 80 : i32
        %mul3A_238 = arith.muli %add3A_236, %mul3A_237 : i32
        %add3A_239 = arith.addi %mul3A_2, %mul3A_238 : i32
        %dma_wait3A_240 = tpu.memref_slice %arg3[%add3A_239] : memref<160000xi32, #tpu.memory_space<hbm>> -> memref<80xi32, #tpu.memory_space<hbm>>
        %dma_wait3A_241 = tpu.memref_slice %arg3[%add3A_239] : memref<160000xi32, #tpu.memory_space<hbm>> -> memref<80xi32, #tpu.memory_space<hbm>>
        tpu.wait_dma2 semaphore(%arg24 : memref<!tpu.dma_semaphore, #tpu.memory_space<semaphore_mem>>) src(%dma_wait3A_241 : memref<80xi32, #tpu.memory_space<hbm>>) dst(%arg15 : memref<80xi32, #tpu.memory_space<vmem>>)
        %scan3A_242 = arith.constant 0 : i32
        %scan3A_243 = arith.constant 0 : i32
        %scan3A_244 = arith.constant 5 : i32
        %scan3A_245 = arith.addi %scan3A_243, %scan3A_244 : i32
        %scan3A_246 = arith.constant 1 : i32
        %scan3A_247 = scf.for %scan3A_313 = %scan3A_243 to %scan3A_245 step %scan3A_246 iter_args(%scan3A_314 = %scan3A_242) -> (i32)  : i32 {
          %mul3A_315 = arith.constant 16 : i32
          %mul3A_316 = arith.muli %scan3A_313, %mul3A_315 : i32
          %get3A = arith.index_cast %mul3A_316 : i32 to index
          %get3A_317 = tpu.vector_load %arg15[%get3A] {strides = array<i32>} : memref<80xi32, #tpu.memory_space<vmem>>, vector<16xi32>,
          %mul3A_318 = arith.constant 10000 : i32
          %mul3A_319 = arith.muli %add3A, %mul3A_318 : i32
          %add3A_320 = vector.broadcast %mul3A_319 : i32 to vector<16xi32>
          %add3A_321 = arith.addi %get3A_317, %add3A_320 : vector<16xi32>
          %swap3A = arith.index_cast %mul3A_316 : i32 to index
          %swap3A_322 = tpu.vector_load %arg15[%swap3A] {strides = array<i32>} : memref<80xi32, #tpu.memory_space<vmem>>, vector<16xi32>,
          tpu.vector_store %arg15[%swap3A], %add3A_321 {strides = array<i32>} : memref<80xi32, #tpu.memory_space<vmem>>, vector<16xi32>,
          %scan3A_323 = arith.constant 0 : i32
          scf.yield %scan3A_323 : i32
        }
        %scan3A_248 = arith.constant 5 : i32
        %dma_wait3A_249 = arith.constant 0 : i32
        %dma_wait3A_250 = arith.constant 0 : i32
        %dma_wait3A_251 = tpu.memref_slice %arg33[%dma_wait3A_249, %dma_wait3A_250] : memref<10240x128xf32, #tpu.memory_space<vmem_shared>> -> memref<10240x128xf32, #tpu.memory_space<vmem_shared>>
        tpu.wait_indirect_dma semaphore(%arg32 : memref<!tpu.dma_semaphore, #tpu.memory_space<semaphore_mem>>) src(%arg11 : memref<80x128xf32, #tpu.memory_space<vmem>>) dst(%dma_wait3A_251 : memref<10240x128xf32, #tpu.memory_space<vmem_shared>>)
        %convert_element_type3A_252 = arith.extui %lt3A_125 : i1 to i32
        %cond3A_253 = arith.constant 0 : i32
        %cond3A_254 = arith.cmpi ne, %convert_element_type3A_252, %cond3A_253 : i32
        scf.if %cond3A_254 {
          %add3A_313 = arith.constant 5 : i32
          %add3A_314 = arith.addi %mul3A_120, %add3A_313 : i32
          %mul3A_315 = arith.constant 80 : i32
          %mul3A_316 = arith.muli %add3A_314, %mul3A_315 : i32
          %add3A_317 = arith.addi %mul3A_2, %mul3A_316 : i32
          %dma_start3A_318 = tpu.memref_slice %arg4[%add3A_317] : memref<160000xi32, #tpu.memory_space<hbm>> -> memref<80xi32, #tpu.memory_space<hbm>>
          %dma_start3A_319 = tpu.memref_slice %arg4[%add3A_317] : memref<160000xi32, #tpu.memory_space<hbm>> -> memref<80xi32, #tpu.memory_space<hbm>>
          tpu.enqueue_dma source(%dma_start3A_319 : memref<80xi32, #tpu.memory_space<hbm>>) target(%arg17 : memref<80xi32, #tpu.memory_space<vmem>>) target_semaphore(%arg26 : memref<!tpu.dma_semaphore, #tpu.memory_space<semaphore_mem>>)
        } else {
        }
        %dma_start3A_255 = arith.constant 0 : i32
        %dma_start3A_256 = arith.constant 0 : i32
        %dma_start3A_257 = tpu.memref_slice %arg2[%dma_start3A_255, %dma_start3A_256] : memref<90000x128xf32, #tpu.memory_space<hbm>> -> memref<90000x128xf32, #tpu.memory_space<hbm>>
        tpu.enqueue_indirect_dma source(%dma_start3A_257 : memref<90000x128xf32, #tpu.memory_space<hbm>>) target(%arg11 : memref<80x128xf32, #tpu.memory_space<vmem>>) offsets(%arg15 : memref<80xi32, #tpu.memory_space<vmem>>) semaphore(%arg30 : memref<!tpu.dma_semaphore, #tpu.memory_space<semaphore_mem>>)
        %dma_wait3A_258 = arith.constant 0 : i32
        %dma_wait3A_259 = arith.constant 0 : i32
        %dma_wait3A_260 = tpu.memref_slice %arg2[%dma_wait3A_258, %dma_wait3A_259] : memref<90000x128xf32, #tpu.memory_space<hbm>> -> memref<90000x128xf32, #tpu.memory_space<hbm>>
        tpu.wait_indirect_dma semaphore(%arg29 : memref<!tpu.dma_semaphore, #tpu.memory_space<semaphore_mem>>) src(%dma_wait3A_260 : memref<90000x128xf32, #tpu.memory_space<hbm>>) dst(%arg10 : memref<80x128xf32, #tpu.memory_space<vmem>>)
        %convert_element_type3A_261 = arith.extui %lt3A_125 : i1 to i32
        %cond3A_262 = arith.constant 0 : i32
        %cond3A_263 = arith.cmpi ne, %convert_element_type3A_261, %cond3A_262 : i32
        scf.if %cond3A_263 {
          %add3A_313 = arith.constant 6 : i32
          %add3A_314 = arith.addi %mul3A_120, %add3A_313 : i32
          %mul3A_315 = arith.constant 80 : i32
          %mul3A_316 = arith.muli %add3A_314, %mul3A_315 : i32
          %add3A_317 = arith.addi %mul3A_2, %mul3A_316 : i32
          %dma_start3A_318 = tpu.memref_slice %arg3[%add3A_317] : memref<160000xi32, #tpu.memory_space<hbm>> -> memref<80xi32, #tpu.memory_space<hbm>>
          %dma_start3A_319 = tpu.memref_slice %arg3[%add3A_317] : memref<160000xi32, #tpu.memory_space<hbm>> -> memref<80xi32, #tpu.memory_space<hbm>>
          tpu.enqueue_dma source(%dma_start3A_319 : memref<80xi32, #tpu.memory_space<hbm>>) target(%arg14 : memref<80xi32, #tpu.memory_space<vmem>>) target_semaphore(%arg23 : memref<!tpu.dma_semaphore, #tpu.memory_space<semaphore_mem>>)
        } else {
        }
        %add3A_264 = arith.constant 2 : i32
        %add3A_265 = arith.addi %mul3A_120, %add3A_264 : i32
        %mul3A_266 = arith.constant 80 : i32
        %mul3A_267 = arith.muli %add3A_265, %mul3A_266 : i32
        %scan3A_268 = arith.constant 0 : i32
        %scan3A_269 = arith.constant 0 : i32
        %scan3A_270 = arith.constant 40 : i32
        %scan3A_271 = arith.addi %scan3A_269, %scan3A_270 : i32
        %scan3A_272 = arith.constant 1 : i32
        %scan3A_273 = scf.for %scan3A_313 = %scan3A_269 to %scan3A_271 step %scan3A_272 iter_args(%scan3A_314 = %scan3A_268) -> (i32)  : i32 {
          %mul3A_315 = arith.constant 2 : i32
          %mul3A_316 = arith.muli %scan3A_313, %mul3A_315 : i32
          %broadcast_in_dim3A = vector.broadcast %mul3A_267 : i32 to vector<16xi32>
          %add3A_317 = vector.broadcast %mul3A_316 : i32 to vector<16xi32>
          %add3A_318 = arith.addi %broadcast_in_dim3A, %add3A_317 : vector<16xi32>
          %gather3A = tpu.vector_load_idx %arg8[%add3A_318] : memref<10000xf32, #tpu.memory_space<vmem>>[vector<16xi32>], vector<16xf32>,
          %add3A_319 = arith.constant 1 : i32
          %add3A_320 = arith.addi %mul3A_267, %add3A_319 : i32
          %broadcast_in_dim3A_321 = vector.broadcast %add3A_320 : i32 to vector<16xi32>
          %add3A_322 = vector.broadcast %mul3A_316 : i32 to vector<16xi32>
          %add3A_323 = arith.addi %broadcast_in_dim3A_321, %add3A_322 : vector<16xi32>
          %gather3A_324 = tpu.vector_load_idx %arg8[%add3A_323] : memref<10000xf32, #tpu.memory_space<vmem>>[vector<16xi32>], vector<16xf32>,
          %get3A = arith.index_cast %mul3A_316 : i32 to index
          %get3A_325 = arith.constant 0 : index
          %get3A_326 = tpu.vector_load %arg10[%get3A, %get3A_325] {strides = array<i32>} : memref<80x128xf32, #tpu.memory_space<vmem>>, vector<16xf32>,
          %mul3A_327 = arith.mulf %get3A_326, %gather3A : vector<16xf32>
          %swap3A = arith.index_cast %mul3A_316 : i32 to index
          %swap3A_328 = arith.constant 0 : index
          %swap3A_329 = tpu.vector_load %arg10[%swap3A, %swap3A_328] {strides = array<i32>} : memref<80x128xf32, #tpu.memory_space<vmem>>, vector<16xf32>,
          tpu.vector_store %arg10[%swap3A, %swap3A_328], %mul3A_327 {strides = array<i32>} : memref<80x128xf32, #tpu.memory_space<vmem>>, vector<16xf32>,
          %get3A_330 = arith.index_cast %mul3A_316 : i32 to index
          %get3A_331 = arith.constant 16 : index
          %get3A_332 = tpu.vector_load %arg10[%get3A_330, %get3A_331] {strides = array<i32>} : memref<80x128xf32, #tpu.memory_space<vmem>>, vector<16xf32>,
          %mul3A_333 = arith.mulf %get3A_332, %gather3A : vector<16xf32>
          %swap3A_334 = arith.index_cast %mul3A_316 : i32 to index
          %swap3A_335 = arith.constant 16 : index
          %swap3A_336 = tpu.vector_load %arg10[%swap3A_334, %swap3A_335] {strides = array<i32>} : memref<80x128xf32, #tpu.memory_space<vmem>>, vector<16xf32>,
          tpu.vector_store %arg10[%swap3A_334, %swap3A_335], %mul3A_333 {strides = array<i32>} : memref<80x128xf32, #tpu.memory_space<vmem>>, vector<16xf32>,
          %get3A_337 = arith.index_cast %mul3A_316 : i32 to index
          %get3A_338 = arith.constant 32 : index
          %get3A_339 = tpu.vector_load %arg10[%get3A_337, %get3A_338] {strides = array<i32>} : memref<80x128xf32, #tpu.memory_space<vmem>>, vector<16xf32>,
          %mul3A_340 = arith.mulf %get3A_339, %gather3A : vector<16xf32>
          %swap3A_341 = arith.index_cast %mul3A_316 : i32 to index
          %swap3A_342 = arith.constant 32 : index
          %swap3A_343 = tpu.vector_load %arg10[%swap3A_341, %swap3A_342] {strides = array<i32>} : memref<80x128xf32, #tpu.memory_space<vmem>>, vector<16xf32>,
          tpu.vector_store %arg10[%swap3A_341, %swap3A_342], %mul3A_340 {strides = array<i32>} : memref<80x128xf32, #tpu.memory_space<vmem>>, vector<16xf32>,
          %get3A_344 = arith.index_cast %mul3A_316 : i32 to index
          %get3A_345 = arith.constant 48 : index
          %get3A_346 = tpu.vector_load %arg10[%get3A_344, %get3A_345] {strides = array<i32>} : memref<80x128xf32, #tpu.memory_space<vmem>>, vector<16xf32>,
          %mul3A_347 = arith.mulf %get3A_346, %gather3A : vector<16xf32>
          %swap3A_348 = arith.index_cast %mul3A_316 : i32 to index
          %swap3A_349 = arith.constant 48 : index
          %swap3A_350 = tpu.vector_load %arg10[%swap3A_348, %swap3A_349] {strides = array<i32>} : memref<80x128xf32, #tpu.memory_space<vmem>>, vector<16xf32>,
          tpu.vector_store %arg10[%swap3A_348, %swap3A_349], %mul3A_347 {strides = array<i32>} : memref<80x128xf32, #tpu.memory_space<vmem>>, vector<16xf32>,
          %get3A_351 = arith.index_cast %mul3A_316 : i32 to index
          %get3A_352 = arith.constant 64 : index
          %get3A_353 = tpu.vector_load %arg10[%get3A_351, %get3A_352] {strides = array<i32>} : memref<80x128xf32, #tpu.memory_space<vmem>>, vector<16xf32>,
          %mul3A_354 = arith.mulf %get3A_353, %gather3A : vector<16xf32>
          %swap3A_355 = arith.index_cast %mul3A_316 : i32 to index
          %swap3A_356 = arith.constant 64 : index
          %swap3A_357 = tpu.vector_load %arg10[%swap3A_355, %swap3A_356] {strides = array<i32>} : memref<80x128xf32, #tpu.memory_space<vmem>>, vector<16xf32>,
          tpu.vector_store %arg10[%swap3A_355, %swap3A_356], %mul3A_354 {strides = array<i32>} : memref<80x128xf32, #tpu.memory_space<vmem>>, vector<16xf32>,
          %get3A_358 = arith.index_cast %mul3A_316 : i32 to index
          %get3A_359 = arith.constant 80 : index
          %get3A_360 = tpu.vector_load %arg10[%get3A_358, %get3A_359] {strides = array<i32>} : memref<80x128xf32, #tpu.memory_space<vmem>>, vector<16xf32>,
          %mul3A_361 = arith.mulf %get3A_360, %gather3A : vector<16xf32>
          %swap3A_362 = arith.index_cast %mul3A_316 : i32 to index
          %swap3A_363 = arith.constant 80 : index
          %swap3A_364 = tpu.vector_load %arg10[%swap3A_362, %swap3A_363] {strides = array<i32>} : memref<80x128xf32, #tpu.memory_space<vmem>>, vector<16xf32>,
          tpu.vector_store %arg10[%swap3A_362, %swap3A_363], %mul3A_361 {strides = array<i32>} : memref<80x128xf32, #tpu.memory_space<vmem>>, vector<16xf32>,
          %get3A_365 = arith.index_cast %mul3A_316 : i32 to index
          %get3A_366 = arith.constant 96 : index
          %get3A_367 = tpu.vector_load %arg10[%get3A_365, %get3A_366] {strides = array<i32>} : memref<80x128xf32, #tpu.memory_space<vmem>>, vector<16xf32>,
          %mul3A_368 = arith.mulf %get3A_367, %gather3A : vector<16xf32>
          %swap3A_369 = arith.index_cast %mul3A_316 : i32 to index
          %swap3A_370 = arith.constant 96 : index
          %swap3A_371 = tpu.vector_load %arg10[%swap3A_369, %swap3A_370] {strides = array<i32>} : memref<80x128xf32, #tpu.memory_space<vmem>>, vector<16xf32>,
          tpu.vector_store %arg10[%swap3A_369, %swap3A_370], %mul3A_368 {strides = array<i32>} : memref<80x128xf32, #tpu.memory_space<vmem>>, vector<16xf32>,
          %get3A_372 = arith.index_cast %mul3A_316 : i32 to index
          %get3A_373 = arith.constant 112 : index
          %get3A_374 = tpu.vector_load %arg10[%get3A_372, %get3A_373] {strides = array<i32>} : memref<80x128xf32, #tpu.memory_space<vmem>>, vector<16xf32>,
          %mul3A_375 = arith.mulf %get3A_374, %gather3A : vector<16xf32>
          %swap3A_376 = arith.index_cast %mul3A_316 : i32 to index
          %swap3A_377 = arith.constant 112 : index
          %swap3A_378 = tpu.vector_load %arg10[%swap3A_376, %swap3A_377] {strides = array<i32>} : memref<80x128xf32, #tpu.memory_space<vmem>>, vector<16xf32>,
          tpu.vector_store %arg10[%swap3A_376, %swap3A_377], %mul3A_375 {strides = array<i32>} : memref<80x128xf32, #tpu.memory_space<vmem>>, vector<16xf32>,
          %add3A_379 = arith.constant 1 : i32
          %add3A_380 = arith.addi %mul3A_316, %add3A_379 : i32
          %get3A_381 = arith.index_cast %add3A_380 : i32 to index
          %get3A_382 = arith.constant 0 : index
          %get3A_383 = tpu.vector_load %arg10[%get3A_381, %get3A_382] {strides = array<i32>} : memref<80x128xf32, #tpu.memory_space<vmem>>, vector<16xf32>,
          %mul3A_384 = arith.mulf %get3A_383, %gather3A_324 : vector<16xf32>
          %add3A_385 = arith.constant 1 : i32
          %add3A_386 = arith.addi %mul3A_316, %add3A_385 : i32
          %swap3A_387 = arith.index_cast %add3A_386 : i32 to index
          %swap3A_388 = arith.constant 0 : index
          %swap3A_389 = tpu.vector_load %arg10[%swap3A_387, %swap3A_388] {strides = array<i32>} : memref<80x128xf32, #tpu.memory_space<vmem>>, vector<16xf32>,
          tpu.vector_store %arg10[%swap3A_387, %swap3A_388], %mul3A_384 {strides = array<i32>} : memref<80x128xf32, #tpu.memory_space<vmem>>, vector<16xf32>,
          %add3A_390 = arith.constant 1 : i32
          %add3A_391 = arith.addi %mul3A_316, %add3A_390 : i32
          %get3A_392 = arith.index_cast %add3A_391 : i32 to index
          %get3A_393 = arith.constant 16 : index
          %get3A_394 = tpu.vector_load %arg10[%get3A_392, %get3A_393] {strides = array<i32>} : memref<80x128xf32, #tpu.memory_space<vmem>>, vector<16xf32>,
          %mul3A_395 = arith.mulf %get3A_394, %gather3A_324 : vector<16xf32>
          %add3A_396 = arith.constant 1 : i32
          %add3A_397 = arith.addi %mul3A_316, %add3A_396 : i32
          %swap3A_398 = arith.index_cast %add3A_397 : i32 to index
          %swap3A_399 = arith.constant 16 : index
          %swap3A_400 = tpu.vector_load %arg10[%swap3A_398, %swap3A_399] {strides = array<i32>} : memref<80x128xf32, #tpu.memory_space<vmem>>, vector<16xf32>,
          tpu.vector_store %arg10[%swap3A_398, %swap3A_399], %mul3A_395 {strides = array<i32>} : memref<80x128xf32, #tpu.memory_space<vmem>>, vector<16xf32>,
          %add3A_401 = arith.constant 1 : i32
          %add3A_402 = arith.addi %mul3A_316, %add3A_401 : i32
          %get3A_403 = arith.index_cast %add3A_402 : i32 to index
          %get3A_404 = arith.constant 32 : index
          %get3A_405 = tpu.vector_load %arg10[%get3A_403, %get3A_404] {strides = array<i32>} : memref<80x128xf32, #tpu.memory_space<vmem>>, vector<16xf32>,
          %mul3A_406 = arith.mulf %get3A_405, %gather3A_324 : vector<16xf32>
          %add3A_407 = arith.constant 1 : i32
          %add3A_408 = arith.addi %mul3A_316, %add3A_407 : i32
          %swap3A_409 = arith.index_cast %add3A_408 : i32 to index
          %swap3A_410 = arith.constant 32 : index
          %swap3A_411 = tpu.vector_load %arg10[%swap3A_409, %swap3A_410] {strides = array<i32>} : memref<80x128xf32, #tpu.memory_space<vmem>>, vector<16xf32>,
          tpu.vector_store %arg10[%swap3A_409, %swap3A_410], %mul3A_406 {strides = array<i32>} : memref<80x128xf32, #tpu.memory_space<vmem>>, vector<16xf32>,
          %add3A_412 = arith.constant 1 : i32
          %add3A_413 = arith.addi %mul3A_316, %add3A_412 : i32
          %get3A_414 = arith.index_cast %add3A_413 : i32 to index
          %get3A_415 = arith.constant 48 : index
          %get3A_416 = tpu.vector_load %arg10[%get3A_414, %get3A_415] {strides = array<i32>} : memref<80x128xf32, #tpu.memory_space<vmem>>, vector<16xf32>,
          %mul3A_417 = arith.mulf %get3A_416, %gather3A_324 : vector<16xf32>
          %add3A_418 = arith.constant 1 : i32
          %add3A_419 = arith.addi %mul3A_316, %add3A_418 : i32
          %swap3A_420 = arith.index_cast %add3A_419 : i32 to index
          %swap3A_421 = arith.constant 48 : index
          %swap3A_422 = tpu.vector_load %arg10[%swap3A_420, %swap3A_421] {strides = array<i32>} : memref<80x128xf32, #tpu.memory_space<vmem>>, vector<16xf32>,
          tpu.vector_store %arg10[%swap3A_420, %swap3A_421], %mul3A_417 {strides = array<i32>} : memref<80x128xf32, #tpu.memory_space<vmem>>, vector<16xf32>,
          %add3A_423 = arith.constant 1 : i32
          %add3A_424 = arith.addi %mul3A_316, %add3A_423 : i32
          %get3A_425 = arith.index_cast %add3A_424 : i32 to index
          %get3A_426 = arith.constant 64 : index
          %get3A_427 = tpu.vector_load %arg10[%get3A_425, %get3A_426] {strides = array<i32>} : memref<80x128xf32, #tpu.memory_space<vmem>>, vector<16xf32>,
          %mul3A_428 = arith.mulf %get3A_427, %gather3A_324 : vector<16xf32>
          %add3A_429 = arith.constant 1 : i32
          %add3A_430 = arith.addi %mul3A_316, %add3A_429 : i32
          %swap3A_431 = arith.index_cast %add3A_430 : i32 to index
          %swap3A_432 = arith.constant 64 : index
          %swap3A_433 = tpu.vector_load %arg10[%swap3A_431, %swap3A_432] {strides = array<i32>} : memref<80x128xf32, #tpu.memory_space<vmem>>, vector<16xf32>,
          tpu.vector_store %arg10[%swap3A_431, %swap3A_432], %mul3A_428 {strides = array<i32>} : memref<80x128xf32, #tpu.memory_space<vmem>>, vector<16xf32>,
          %add3A_434 = arith.constant 1 : i32
          %add3A_435 = arith.addi %mul3A_316, %add3A_434 : i32
          %get3A_436 = arith.index_cast %add3A_435 : i32 to index
          %get3A_437 = arith.constant 80 : index
          %get3A_438 = tpu.vector_load %arg10[%get3A_436, %get3A_437] {strides = array<i32>} : memref<80x128xf32, #tpu.memory_space<vmem>>, vector<16xf32>,
          %mul3A_439 = arith.mulf %get3A_438, %gather3A_324 : vector<16xf32>
          %add3A_440 = arith.constant 1 : i32
          %add3A_441 = arith.addi %mul3A_316, %add3A_440 : i32
          %swap3A_442 = arith.index_cast %add3A_441 : i32 to index
          %swap3A_443 = arith.constant 80 : index
          %swap3A_444 = tpu.vector_load %arg10[%swap3A_442, %swap3A_443] {strides = array<i32>} : memref<80x128xf32, #tpu.memory_space<vmem>>, vector<16xf32>,
          tpu.vector_store %arg10[%swap3A_442, %swap3A_443], %mul3A_439 {strides = array<i32>} : memref<80x128xf32, #tpu.memory_space<vmem>>, vector<16xf32>,
          %add3A_445 = arith.constant 1 : i32
          %add3A_446 = arith.addi %mul3A_316, %add3A_445 : i32
          %get3A_447 = arith.index_cast %add3A_446 : i32 to index
          %get3A_448 = arith.constant 96 : index
          %get3A_449 = tpu.vector_load %arg10[%get3A_447, %get3A_448] {strides = array<i32>} : memref<80x128xf32, #tpu.memory_space<vmem>>, vector<16xf32>,
          %mul3A_450 = arith.mulf %get3A_449, %gather3A_324 : vector<16xf32>
          %add3A_451 = arith.constant 1 : i32
          %add3A_452 = arith.addi %mul3A_316, %add3A_451 : i32
          %swap3A_453 = arith.index_cast %add3A_452 : i32 to index
          %swap3A_454 = arith.constant 96 : index
          %swap3A_455 = tpu.vector_load %arg10[%swap3A_453, %swap3A_454] {strides = array<i32>} : memref<80x128xf32, #tpu.memory_space<vmem>>, vector<16xf32>,
          tpu.vector_store %arg10[%swap3A_453, %swap3A_454], %mul3A_450 {strides = array<i32>} : memref<80x128xf32, #tpu.memory_space<vmem>>, vector<16xf32>,
          %add3A_456 = arith.constant 1 : i32
          %add3A_457 = arith.addi %mul3A_316, %add3A_456 : i32
          %get3A_458 = arith.index_cast %add3A_457 : i32 to index
          %get3A_459 = arith.constant 112 : index
          %get3A_460 = tpu.vector_load %arg10[%get3A_458, %get3A_459] {strides = array<i32>} : memref<80x128xf32, #tpu.memory_space<vmem>>, vector<16xf32>,
          %mul3A_461 = arith.mulf %get3A_460, %gather3A_324 : vector<16xf32>
          %add3A_462 = arith.constant 1 : i32
          %add3A_463 = arith.addi %mul3A_316, %add3A_462 : i32
          %swap3A_464 = arith.index_cast %add3A_463 : i32 to index
          %swap3A_465 = arith.constant 112 : index
          %swap3A_466 = tpu.vector_load %arg10[%swap3A_464, %swap3A_465] {strides = array<i32>} : memref<80x128xf32, #tpu.memory_space<vmem>>, vector<16xf32>,
          tpu.vector_store %arg10[%swap3A_464, %swap3A_465], %mul3A_461 {strides = array<i32>} : memref<80x128xf32, #tpu.memory_space<vmem>>, vector<16xf32>,
          %scan3A_467 = arith.constant 0 : i32
          scf.yield %scan3A_467 : i32
        }
        %scan3A_274 = arith.constant 40 : i32
        %add3A_275 = arith.constant 2 : i32
        %add3A_276 = arith.addi %mul3A_120, %add3A_275 : i32
        %mul3A_277 = arith.constant 80 : i32
        %mul3A_278 = arith.muli %add3A_276, %mul3A_277 : i32
        %add3A_279 = arith.addi %mul3A_2, %mul3A_278 : i32
        %dma_wait3A_280 = tpu.memref_slice %arg4[%add3A_279] : memref<160000xi32, #tpu.memory_space<hbm>> -> memref<80xi32, #tpu.memory_space<hbm>>
        %dma_wait3A_281 = tpu.memref_slice %arg4[%add3A_279] : memref<160000xi32, #tpu.memory_space<hbm>> -> memref<80xi32, #tpu.memory_space<hbm>>
        tpu.wait_dma2 semaphore(%arg27 : memref<!tpu.dma_semaphore, #tpu.memory_space<semaphore_mem>>) src(%dma_wait3A_281 : memref<80xi32, #tpu.memory_space<hbm>>) dst(%arg18 : memref<80xi32, #tpu.memory_space<vmem>>)
        %dma_start3A_282 = arith.constant 0 : i32
        %dma_start3A_283 = arith.constant 0 : i32
        %dma_start3A_284 = tpu.memref_slice %arg33[%dma_start3A_282, %dma_start3A_283] : memref<10240x128xf32, #tpu.memory_space<vmem_shared>> -> memref<10240x128xf32, #tpu.memory_space<vmem_shared>>
        tpu.enqueue_indirect_dma source(%arg10 : memref<80x128xf32, #tpu.memory_space<vmem>>) target(%dma_start3A_284 : memref<10240x128xf32, #tpu.memory_space<vmem_shared>>) offsets(%arg18 : memref<80xi32, #tpu.memory_space<vmem>>) semaphore(%arg31 : memref<!tpu.dma_semaphore, #tpu.memory_space<semaphore_mem>>) {add = true}
        %dma_wait3A_285 = arith.constant 0 : i32
        %dma_wait3A_286 = arith.constant 0 : i32
        %dma_wait3A_287 = tpu.memref_slice %arg2[%dma_wait3A_285, %dma_wait3A_286] : memref<90000x128xf32, #tpu.memory_space<hbm>> -> memref<90000x128xf32, #tpu.memory_space<hbm>>
        tpu.wait_indirect_dma semaphore(%arg30 : memref<!tpu.dma_semaphore, #tpu.memory_space<semaphore_mem>>) src(%dma_wait3A_287 : memref<90000x128xf32, #tpu.memory_space<hbm>>) dst(%arg11 : memref<80x128xf32, #tpu.memory_space<vmem>>)
        %convert_element_type3A_288 = arith.extui %lt3A_125 : i1 to i32
        %cond3A_289 = arith.constant 0 : i32
        %cond3A_290 = arith.cmpi ne, %convert_element_type3A_288, %cond3A_289 : i32
        scf.if %cond3A_290 {
          %add3A_313 = arith.constant 7 : i32
          %add3A_314 = arith.addi %mul3A_120, %add3A_313 : i32
          %mul3A_315 = arith.constant 80 : i32
          %mul3A_316 = arith.muli %add3A_314, %mul3A_315 : i32
          %add3A_317 = arith.addi %mul3A_2, %mul3A_316 : i32
          %dma_start3A_318 = tpu.memref_slice %arg3[%add3A_317] : memref<160000xi32, #tpu.memory_space<hbm>> -> memref<80xi32, #tpu.memory_space<hbm>>
          %dma_start3A_319 = tpu.memref_slice %arg3[%add3A_317] : memref<160000xi32, #tpu.memory_space<hbm>> -> memref<80xi32, #tpu.memory_space<hbm>>
          tpu.enqueue_dma source(%dma_start3A_319 : memref<80xi32, #tpu.memory_space<hbm>>) target(%arg15 : memref<80xi32, #tpu.memory_space<vmem>>) target_semaphore(%arg24 : memref<!tpu.dma_semaphore, #tpu.memory_space<semaphore_mem>>)
        } else {
        }
        %add3A_291 = arith.constant 3 : i32
        %add3A_292 = arith.addi %mul3A_120, %add3A_291 : i32
        %mul3A_293 = arith.constant 80 : i32
        %mul3A_294 = arith.muli %add3A_292, %mul3A_293 : i32
        %scan3A_295 = arith.constant 0 : i32
        %scan3A_296 = arith.constant 0 : i32
        %scan3A_297 = arith.constant 40 : i32
        %scan3A_298 = arith.addi %scan3A_296, %scan3A_297 : i32
        %scan3A_299 = arith.constant 1 : i32
        %scan3A_300 = scf.for %scan3A_313 = %scan3A_296 to %scan3A_298 step %scan3A_299 iter_args(%scan3A_314 = %scan3A_295) -> (i32)  : i32 {
          %mul3A_315 = arith.constant 2 : i32
          %mul3A_316 = arith.muli %scan3A_313, %mul3A_315 : i32
          %broadcast_in_dim3A = vector.broadcast %mul3A_294 : i32 to vector<16xi32>
          %add3A_317 = vector.broadcast %mul3A_316 : i32 to vector<16xi32>
          %add3A_318 = arith.addi %broadcast_in_dim3A, %add3A_317 : vector<16xi32>
          %gather3A = tpu.vector_load_idx %arg8[%add3A_318] : memref<10000xf32, #tpu.memory_space<vmem>>[vector<16xi32>], vector<16xf32>,
          %add3A_319 = arith.constant 1 : i32
          %add3A_320 = arith.addi %mul3A_294, %add3A_319 : i32
          %broadcast_in_dim3A_321 = vector.broadcast %add3A_320 : i32 to vector<16xi32>
          %add3A_322 = vector.broadcast %mul3A_316 : i32 to vector<16xi32>
          %add3A_323 = arith.addi %broadcast_in_dim3A_321, %add3A_322 : vector<16xi32>
          %gather3A_324 = tpu.vector_load_idx %arg8[%add3A_323] : memref<10000xf32, #tpu.memory_space<vmem>>[vector<16xi32>], vector<16xf32>,
          %get3A = arith.index_cast %mul3A_316 : i32 to index
          %get3A_325 = arith.constant 0 : index
          %get3A_326 = tpu.vector_load %arg11[%get3A, %get3A_325] {strides = array<i32>} : memref<80x128xf32, #tpu.memory_space<vmem>>, vector<16xf32>,
          %mul3A_327 = arith.mulf %get3A_326, %gather3A : vector<16xf32>
          %swap3A = arith.index_cast %mul3A_316 : i32 to index
          %swap3A_328 = arith.constant 0 : index
          %swap3A_329 = tpu.vector_load %arg11[%swap3A, %swap3A_328] {strides = array<i32>} : memref<80x128xf32, #tpu.memory_space<vmem>>, vector<16xf32>,
          tpu.vector_store %arg11[%swap3A, %swap3A_328], %mul3A_327 {strides = array<i32>} : memref<80x128xf32, #tpu.memory_space<vmem>>, vector<16xf32>,
          %get3A_330 = arith.index_cast %mul3A_316 : i32 to index
          %get3A_331 = arith.constant 16 : index
          %get3A_332 = tpu.vector_load %arg11[%get3A_330, %get3A_331] {strides = array<i32>} : memref<80x128xf32, #tpu.memory_space<vmem>>, vector<16xf32>,
          %mul3A_333 = arith.mulf %get3A_332, %gather3A : vector<16xf32>
          %swap3A_334 = arith.index_cast %mul3A_316 : i32 to index
          %swap3A_335 = arith.constant 16 : index
          %swap3A_336 = tpu.vector_load %arg11[%swap3A_334, %swap3A_335] {strides = array<i32>} : memref<80x128xf32, #tpu.memory_space<vmem>>, vector<16xf32>,
          tpu.vector_store %arg11[%swap3A_334, %swap3A_335], %mul3A_333 {strides = array<i32>} : memref<80x128xf32, #tpu.memory_space<vmem>>, vector<16xf32>,
          %get3A_337 = arith.index_cast %mul3A_316 : i32 to index
          %get3A_338 = arith.constant 32 : index
          %get3A_339 = tpu.vector_load %arg11[%get3A_337, %get3A_338] {strides = array<i32>} : memref<80x128xf32, #tpu.memory_space<vmem>>, vector<16xf32>,
          %mul3A_340 = arith.mulf %get3A_339, %gather3A : vector<16xf32>
          %swap3A_341 = arith.index_cast %mul3A_316 : i32 to index
          %swap3A_342 = arith.constant 32 : index
          %swap3A_343 = tpu.vector_load %arg11[%swap3A_341, %swap3A_342] {strides = array<i32>} : memref<80x128xf32, #tpu.memory_space<vmem>>, vector<16xf32>,
          tpu.vector_store %arg11[%swap3A_341, %swap3A_342], %mul3A_340 {strides = array<i32>} : memref<80x128xf32, #tpu.memory_space<vmem>>, vector<16xf32>,
          %get3A_344 = arith.index_cast %mul3A_316 : i32 to index
          %get3A_345 = arith.constant 48 : index
          %get3A_346 = tpu.vector_load %arg11[%get3A_344, %get3A_345] {strides = array<i32>} : memref<80x128xf32, #tpu.memory_space<vmem>>, vector<16xf32>,
          %mul3A_347 = arith.mulf %get3A_346, %gather3A : vector<16xf32>
          %swap3A_348 = arith.index_cast %mul3A_316 : i32 to index
          %swap3A_349 = arith.constant 48 : index
          %swap3A_350 = tpu.vector_load %arg11[%swap3A_348, %swap3A_349] {strides = array<i32>} : memref<80x128xf32, #tpu.memory_space<vmem>>, vector<16xf32>,
          tpu.vector_store %arg11[%swap3A_348, %swap3A_349], %mul3A_347 {strides = array<i32>} : memref<80x128xf32, #tpu.memory_space<vmem>>, vector<16xf32>,
          %get3A_351 = arith.index_cast %mul3A_316 : i32 to index
          %get3A_352 = arith.constant 64 : index
          %get3A_353 = tpu.vector_load %arg11[%get3A_351, %get3A_352] {strides = array<i32>} : memref<80x128xf32, #tpu.memory_space<vmem>>, vector<16xf32>,
          %mul3A_354 = arith.mulf %get3A_353, %gather3A : vector<16xf32>
          %swap3A_355 = arith.index_cast %mul3A_316 : i32 to index
          %swap3A_356 = arith.constant 64 : index
          %swap3A_357 = tpu.vector_load %arg11[%swap3A_355, %swap3A_356] {strides = array<i32>} : memref<80x128xf32, #tpu.memory_space<vmem>>, vector<16xf32>,
          tpu.vector_store %arg11[%swap3A_355, %swap3A_356], %mul3A_354 {strides = array<i32>} : memref<80x128xf32, #tpu.memory_space<vmem>>, vector<16xf32>,
          %get3A_358 = arith.index_cast %mul3A_316 : i32 to index
          %get3A_359 = arith.constant 80 : index
          %get3A_360 = tpu.vector_load %arg11[%get3A_358, %get3A_359] {strides = array<i32>} : memref<80x128xf32, #tpu.memory_space<vmem>>, vector<16xf32>,
          %mul3A_361 = arith.mulf %get3A_360, %gather3A : vector<16xf32>
          %swap3A_362 = arith.index_cast %mul3A_316 : i32 to index
          %swap3A_363 = arith.constant 80 : index
          %swap3A_364 = tpu.vector_load %arg11[%swap3A_362, %swap3A_363] {strides = array<i32>} : memref<80x128xf32, #tpu.memory_space<vmem>>, vector<16xf32>,
          tpu.vector_store %arg11[%swap3A_362, %swap3A_363], %mul3A_361 {strides = array<i32>} : memref<80x128xf32, #tpu.memory_space<vmem>>, vector<16xf32>,
          %get3A_365 = arith.index_cast %mul3A_316 : i32 to index
          %get3A_366 = arith.constant 96 : index
          %get3A_367 = tpu.vector_load %arg11[%get3A_365, %get3A_366] {strides = array<i32>} : memref<80x128xf32, #tpu.memory_space<vmem>>, vector<16xf32>,
          %mul3A_368 = arith.mulf %get3A_367, %gather3A : vector<16xf32>
          %swap3A_369 = arith.index_cast %mul3A_316 : i32 to index
          %swap3A_370 = arith.constant 96 : index
          %swap3A_371 = tpu.vector_load %arg11[%swap3A_369, %swap3A_370] {strides = array<i32>} : memref<80x128xf32, #tpu.memory_space<vmem>>, vector<16xf32>,
          tpu.vector_store %arg11[%swap3A_369, %swap3A_370], %mul3A_368 {strides = array<i32>} : memref<80x128xf32, #tpu.memory_space<vmem>>, vector<16xf32>,
          %get3A_372 = arith.index_cast %mul3A_316 : i32 to index
          %get3A_373 = arith.constant 112 : index
          %get3A_374 = tpu.vector_load %arg11[%get3A_372, %get3A_373] {strides = array<i32>} : memref<80x128xf32, #tpu.memory_space<vmem>>, vector<16xf32>,
          %mul3A_375 = arith.mulf %get3A_374, %gather3A : vector<16xf32>
          %swap3A_376 = arith.index_cast %mul3A_316 : i32 to index
          %swap3A_377 = arith.constant 112 : index
          %swap3A_378 = tpu.vector_load %arg11[%swap3A_376, %swap3A_377] {strides = array<i32>} : memref<80x128xf32, #tpu.memory_space<vmem>>, vector<16xf32>,
          tpu.vector_store %arg11[%swap3A_376, %swap3A_377], %mul3A_375 {strides = array<i32>} : memref<80x128xf32, #tpu.memory_space<vmem>>, vector<16xf32>,
          %add3A_379 = arith.constant 1 : i32
          %add3A_380 = arith.addi %mul3A_316, %add3A_379 : i32
          %get3A_381 = arith.index_cast %add3A_380 : i32 to index
          %get3A_382 = arith.constant 0 : index
          %get3A_383 = tpu.vector_load %arg11[%get3A_381, %get3A_382] {strides = array<i32>} : memref<80x128xf32, #tpu.memory_space<vmem>>, vector<16xf32>,
          %mul3A_384 = arith.mulf %get3A_383, %gather3A_324 : vector<16xf32>
          %add3A_385 = arith.constant 1 : i32
          %add3A_386 = arith.addi %mul3A_316, %add3A_385 : i32
          %swap3A_387 = arith.index_cast %add3A_386 : i32 to index
          %swap3A_388 = arith.constant 0 : index
          %swap3A_389 = tpu.vector_load %arg11[%swap3A_387, %swap3A_388] {strides = array<i32>} : memref<80x128xf32, #tpu.memory_space<vmem>>, vector<16xf32>,
          tpu.vector_store %arg11[%swap3A_387, %swap3A_388], %mul3A_384 {strides = array<i32>} : memref<80x128xf32, #tpu.memory_space<vmem>>, vector<16xf32>,
          %add3A_390 = arith.constant 1 : i32
          %add3A_391 = arith.addi %mul3A_316, %add3A_390 : i32
          %get3A_392 = arith.index_cast %add3A_391 : i32 to index
          %get3A_393 = arith.constant 16 : index
          %get3A_394 = tpu.vector_load %arg11[%get3A_392, %get3A_393] {strides = array<i32>} : memref<80x128xf32, #tpu.memory_space<vmem>>, vector<16xf32>,
          %mul3A_395 = arith.mulf %get3A_394, %gather3A_324 : vector<16xf32>
          %add3A_396 = arith.constant 1 : i32
          %add3A_397 = arith.addi %mul3A_316, %add3A_396 : i32
          %swap3A_398 = arith.index_cast %add3A_397 : i32 to index
          %swap3A_399 = arith.constant 16 : index
          %swap3A_400 = tpu.vector_load %arg11[%swap3A_398, %swap3A_399] {strides = array<i32>} : memref<80x128xf32, #tpu.memory_space<vmem>>, vector<16xf32>,
          tpu.vector_store %arg11[%swap3A_398, %swap3A_399], %mul3A_395 {strides = array<i32>} : memref<80x128xf32, #tpu.memory_space<vmem>>, vector<16xf32>,
          %add3A_401 = arith.constant 1 : i32
          %add3A_402 = arith.addi %mul3A_316, %add3A_401 : i32
          %get3A_403 = arith.index_cast %add3A_402 : i32 to index
          %get3A_404 = arith.constant 32 : index
          %get3A_405 = tpu.vector_load %arg11[%get3A_403, %get3A_404] {strides = array<i32>} : memref<80x128xf32, #tpu.memory_space<vmem>>, vector<16xf32>,
          %mul3A_406 = arith.mulf %get3A_405, %gather3A_324 : vector<16xf32>
          %add3A_407 = arith.constant 1 : i32
          %add3A_408 = arith.addi %mul3A_316, %add3A_407 : i32
          %swap3A_409 = arith.index_cast %add3A_408 : i32 to index
          %swap3A_410 = arith.constant 32 : index
          %swap3A_411 = tpu.vector_load %arg11[%swap3A_409, %swap3A_410] {strides = array<i32>} : memref<80x128xf32, #tpu.memory_space<vmem>>, vector<16xf32>,
          tpu.vector_store %arg11[%swap3A_409, %swap3A_410], %mul3A_406 {strides = array<i32>} : memref<80x128xf32, #tpu.memory_space<vmem>>, vector<16xf32>,
          %add3A_412 = arith.constant 1 : i32
          %add3A_413 = arith.addi %mul3A_316, %add3A_412 : i32
          %get3A_414 = arith.index_cast %add3A_413 : i32 to index
          %get3A_415 = arith.constant 48 : index
          %get3A_416 = tpu.vector_load %arg11[%get3A_414, %get3A_415] {strides = array<i32>} : memref<80x128xf32, #tpu.memory_space<vmem>>, vector<16xf32>,
          %mul3A_417 = arith.mulf %get3A_416, %gather3A_324 : vector<16xf32>
          %add3A_418 = arith.constant 1 : i32
          %add3A_419 = arith.addi %mul3A_316, %add3A_418 : i32
          %swap3A_420 = arith.index_cast %add3A_419 : i32 to index
          %swap3A_421 = arith.constant 48 : index
          %swap3A_422 = tpu.vector_load %arg11[%swap3A_420, %swap3A_421] {strides = array<i32>} : memref<80x128xf32, #tpu.memory_space<vmem>>, vector<16xf32>,
          tpu.vector_store %arg11[%swap3A_420, %swap3A_421], %mul3A_417 {strides = array<i32>} : memref<80x128xf32, #tpu.memory_space<vmem>>, vector<16xf32>,
          %add3A_423 = arith.constant 1 : i32
          %add3A_424 = arith.addi %mul3A_316, %add3A_423 : i32
          %get3A_425 = arith.index_cast %add3A_424 : i32 to index
          %get3A_426 = arith.constant 64 : index
          %get3A_427 = tpu.vector_load %arg11[%get3A_425, %get3A_426] {strides = array<i32>} : memref<80x128xf32, #tpu.memory_space<vmem>>, vector<16xf32>,
          %mul3A_428 = arith.mulf %get3A_427, %gather3A_324 : vector<16xf32>
          %add3A_429 = arith.constant 1 : i32
          %add3A_430 = arith.addi %mul3A_316, %add3A_429 : i32
          %swap3A_431 = arith.index_cast %add3A_430 : i32 to index
          %swap3A_432 = arith.constant 64 : index
          %swap3A_433 = tpu.vector_load %arg11[%swap3A_431, %swap3A_432] {strides = array<i32>} : memref<80x128xf32, #tpu.memory_space<vmem>>, vector<16xf32>,
          tpu.vector_store %arg11[%swap3A_431, %swap3A_432], %mul3A_428 {strides = array<i32>} : memref<80x128xf32, #tpu.memory_space<vmem>>, vector<16xf32>,
          %add3A_434 = arith.constant 1 : i32
          %add3A_435 = arith.addi %mul3A_316, %add3A_434 : i32
          %get3A_436 = arith.index_cast %add3A_435 : i32 to index
          %get3A_437 = arith.constant 80 : index
          %get3A_438 = tpu.vector_load %arg11[%get3A_436, %get3A_437] {strides = array<i32>} : memref<80x128xf32, #tpu.memory_space<vmem>>, vector<16xf32>,
          %mul3A_439 = arith.mulf %get3A_438, %gather3A_324 : vector<16xf32>
          %add3A_440 = arith.constant 1 : i32
          %add3A_441 = arith.addi %mul3A_316, %add3A_440 : i32
          %swap3A_442 = arith.index_cast %add3A_441 : i32 to index
          %swap3A_443 = arith.constant 80 : index
          %swap3A_444 = tpu.vector_load %arg11[%swap3A_442, %swap3A_443] {strides = array<i32>} : memref<80x128xf32, #tpu.memory_space<vmem>>, vector<16xf32>,
          tpu.vector_store %arg11[%swap3A_442, %swap3A_443], %mul3A_439 {strides = array<i32>} : memref<80x128xf32, #tpu.memory_space<vmem>>, vector<16xf32>,
          %add3A_445 = arith.constant 1 : i32
          %add3A_446 = arith.addi %mul3A_316, %add3A_445 : i32
          %get3A_447 = arith.index_cast %add3A_446 : i32 to index
          %get3A_448 = arith.constant 96 : index
          %get3A_449 = tpu.vector_load %arg11[%get3A_447, %get3A_448] {strides = array<i32>} : memref<80x128xf32, #tpu.memory_space<vmem>>, vector<16xf32>,
          %mul3A_450 = arith.mulf %get3A_449, %gather3A_324 : vector<16xf32>
          %add3A_451 = arith.constant 1 : i32
          %add3A_452 = arith.addi %mul3A_316, %add3A_451 : i32
          %swap3A_453 = arith.index_cast %add3A_452 : i32 to index
          %swap3A_454 = arith.constant 96 : index
          %swap3A_455 = tpu.vector_load %arg11[%swap3A_453, %swap3A_454] {strides = array<i32>} : memref<80x128xf32, #tpu.memory_space<vmem>>, vector<16xf32>,
          tpu.vector_store %arg11[%swap3A_453, %swap3A_454], %mul3A_450 {strides = array<i32>} : memref<80x128xf32, #tpu.memory_space<vmem>>, vector<16xf32>,
          %add3A_456 = arith.constant 1 : i32
          %add3A_457 = arith.addi %mul3A_316, %add3A_456 : i32
          %get3A_458 = arith.index_cast %add3A_457 : i32 to index
          %get3A_459 = arith.constant 112 : index
          %get3A_460 = tpu.vector_load %arg11[%get3A_458, %get3A_459] {strides = array<i32>} : memref<80x128xf32, #tpu.memory_space<vmem>>, vector<16xf32>,
          %mul3A_461 = arith.mulf %get3A_460, %gather3A_324 : vector<16xf32>
          %add3A_462 = arith.constant 1 : i32
          %add3A_463 = arith.addi %mul3A_316, %add3A_462 : i32
          %swap3A_464 = arith.index_cast %add3A_463 : i32 to index
          %swap3A_465 = arith.constant 112 : index
          %swap3A_466 = tpu.vector_load %arg11[%swap3A_464, %swap3A_465] {strides = array<i32>} : memref<80x128xf32, #tpu.memory_space<vmem>>, vector<16xf32>,
          tpu.vector_store %arg11[%swap3A_464, %swap3A_465], %mul3A_461 {strides = array<i32>} : memref<80x128xf32, #tpu.memory_space<vmem>>, vector<16xf32>,
          %scan3A_467 = arith.constant 0 : i32
          scf.yield %scan3A_467 : i32
        }
        %scan3A_301 = arith.constant 40 : i32
        %add3A_302 = arith.constant 3 : i32
        %add3A_303 = arith.addi %mul3A_120, %add3A_302 : i32
        %mul3A_304 = arith.constant 80 : i32
        %mul3A_305 = arith.muli %add3A_303, %mul3A_304 : i32
        %add3A_306 = arith.addi %mul3A_2, %mul3A_305 : i32
        %dma_wait3A_307 = tpu.memref_slice %arg4[%add3A_306] : memref<160000xi32, #tpu.memory_space<hbm>> -> memref<80xi32, #tpu.memory_space<hbm>>
        %dma_wait3A_308 = tpu.memref_slice %arg4[%add3A_306] : memref<160000xi32, #tpu.memory_space<hbm>> -> memref<80xi32, #tpu.memory_space<hbm>>
        tpu.wait_dma2 semaphore(%arg28 : memref<!tpu.dma_semaphore, #tpu.memory_space<semaphore_mem>>) src(%dma_wait3A_308 : memref<80xi32, #tpu.memory_space<hbm>>) dst(%arg19 : memref<80xi32, #tpu.memory_space<vmem>>)
        %dma_start3A_309 = arith.constant 0 : i32
        %dma_start3A_310 = arith.constant 0 : i32
        %dma_start3A_311 = tpu.memref_slice %arg33[%dma_start3A_309, %dma_start3A_310] : memref<10240x128xf32, #tpu.memory_space<vmem_shared>> -> memref<10240x128xf32, #tpu.memory_space<vmem_shared>>
        tpu.enqueue_indirect_dma source(%arg11 : memref<80x128xf32, #tpu.memory_space<vmem>>) target(%dma_start3A_311 : memref<10240x128xf32, #tpu.memory_space<vmem_shared>>) offsets(%arg19 : memref<80xi32, #tpu.memory_space<vmem>>) semaphore(%arg32 : memref<!tpu.dma_semaphore, #tpu.memory_space<semaphore_mem>>) {add = true}
        %scan3A_312 = arith.constant 0 : i32
        scf.yield %scan3A_312 : i32
      }
      %scan3A_85 = arith.constant 31 : i32
      %dma_wait3A = arith.constant 0 : i32
      %dma_wait3A_86 = arith.constant 0 : i32
      %dma_wait3A_87 = tpu.memref_slice %arg33[%dma_wait3A, %dma_wait3A_86] : memref<10240x128xf32, #tpu.memory_space<vmem_shared>> -> memref<10240x128xf32, #tpu.memory_space<vmem_shared>>
      tpu.wait_indirect_dma semaphore(%arg31 : memref<!tpu.dma_semaphore, #tpu.memory_space<semaphore_mem>>) src(%arg10 : memref<80x128xf32, #tpu.memory_space<vmem>>) dst(%dma_wait3A_87 : memref<10240x128xf32, #tpu.memory_space<vmem_shared>>)
      %dma_wait3A_88 = arith.constant 0 : i32
      %dma_wait3A_89 = arith.constant 0 : i32
      %dma_wait3A_90 = tpu.memref_slice %arg33[%dma_wait3A_88, %dma_wait3A_89] : memref<10240x128xf32, #tpu.memory_space<vmem_shared>> -> memref<10240x128xf32, #tpu.memory_space<vmem_shared>>
      tpu.wait_indirect_dma semaphore(%arg32 : memref<!tpu.dma_semaphore, #tpu.memory_space<semaphore_mem>>) src(%arg11 : memref<80x128xf32, #tpu.memory_space<vmem>>) dst(%dma_wait3A_90 : memref<10240x128xf32, #tpu.memory_space<vmem_shared>>)
      %add3A_91 = arith.constant 9920 : i32
      %add3A_92 = arith.addi %mul3A_2, %add3A_91 : i32
      "tpu.region"() ({
        %run_scoped3A = tpu.sem_alloc : memref<!tpu.dma_semaphore, #tpu.memory_space<semaphore_mem>>
        %dma_start3A_117 = tpu.memref_slice %arg3[%add3A_92] : memref<160000xi32, #tpu.memory_space<hbm>> -> memref<80xi32, #tpu.memory_space<hbm>>
        %dma_start3A_118 = tpu.memref_slice %arg3[%add3A_92] : memref<160000xi32, #tpu.memory_space<hbm>> -> memref<80xi32, #tpu.memory_space<hbm>>
        tpu.enqueue_dma source(%dma_start3A_118 : memref<80xi32, #tpu.memory_space<hbm>>) target(%arg12 : memref<80xi32, #tpu.memory_space<vmem>>) target_semaphore(%run_scoped3A : memref<!tpu.dma_semaphore, #tpu.memory_space<semaphore_mem>>)
        %dma_wait3A_119 = tpu.memref_slice %arg3[%add3A_92] : memref<160000xi32, #tpu.memory_space<hbm>> -> memref<80xi32, #tpu.memory_space<hbm>>
        %dma_wait3A_120 = tpu.memref_slice %arg3[%add3A_92] : memref<160000xi32, #tpu.memory_space<hbm>> -> memref<80xi32, #tpu.memory_space<hbm>>
        tpu.wait_dma2 semaphore(%run_scoped3A : memref<!tpu.dma_semaphore, #tpu.memory_space<semaphore_mem>>) src(%dma_wait3A_120 : memref<80xi32, #tpu.memory_space<hbm>>) dst(%arg12 : memref<80xi32, #tpu.memory_space<vmem>>)
        tpu.yield
      }) : () -> ()
      "tpu.region"() ({
        %run_scoped3A = tpu.sem_alloc : memref<!tpu.dma_semaphore, #tpu.memory_space<semaphore_mem>>
        %dma_start3A_117 = tpu.memref_slice %arg4[%add3A_92] : memref<160000xi32, #tpu.memory_space<hbm>> -> memref<80xi32, #tpu.memory_space<hbm>>
        %dma_start3A_118 = tpu.memref_slice %arg4[%add3A_92] : memref<160000xi32, #tpu.memory_space<hbm>> -> memref<80xi32, #tpu.memory_space<hbm>>
        tpu.enqueue_dma source(%dma_start3A_118 : memref<80xi32, #tpu.memory_space<hbm>>) target(%arg16 : memref<80xi32, #tpu.memory_space<vmem>>) target_semaphore(%run_scoped3A : memref<!tpu.dma_semaphore, #tpu.memory_space<semaphore_mem>>)
        %dma_wait3A_119 = tpu.memref_slice %arg4[%add3A_92] : memref<160000xi32, #tpu.memory_space<hbm>> -> memref<80xi32, #tpu.memory_space<hbm>>
        %dma_wait3A_120 = tpu.memref_slice %arg4[%add3A_92] : memref<160000xi32, #tpu.memory_space<hbm>> -> memref<80xi32, #tpu.memory_space<hbm>>
        tpu.wait_dma2 semaphore(%run_scoped3A : memref<!tpu.dma_semaphore, #tpu.memory_space<semaphore_mem>>) src(%dma_wait3A_120 : memref<80xi32, #tpu.memory_space<hbm>>) dst(%arg16 : memref<80xi32, #tpu.memory_space<vmem>>)
        tpu.yield
      }) : () -> ()
      %scan3A_93 = arith.constant 0 : i32
      %scan3A_94 = arith.constant 0 : i32
      %scan3A_95 = arith.constant 5 : i32
      %scan3A_96 = arith.addi %scan3A_94, %scan3A_95 : i32
      %scan3A_97 = arith.constant 1 : i32
      %scan3A_98 = scf.for %scan3A_117 = %scan3A_94 to %scan3A_96 step %scan3A_97 iter_args(%scan3A_118 = %scan3A_93) -> (i32)  : i32 {
        %mul3A_119 = arith.constant 16 : i32
        %mul3A_120 = arith.muli %scan3A_117, %mul3A_119 : i32
        %get3A = arith.index_cast %mul3A_120 : i32 to index
        %get3A_121 = tpu.vector_load %arg12[%get3A] {strides = array<i32>} : memref<80xi32, #tpu.memory_space<vmem>>, vector<16xi32>,
        %mul3A_122 = arith.constant 10000 : i32
        %mul3A_123 = arith.muli %add3A, %mul3A_122 : i32
        %add3A_124 = vector.broadcast %mul3A_123 : i32 to vector<16xi32>
        %add3A_125 = arith.addi %get3A_121, %add3A_124 : vector<16xi32>
        %swap3A = arith.index_cast %mul3A_120 : i32 to index
        %swap3A_126 = tpu.vector_load %arg12[%swap3A] {strides = array<i32>} : memref<80xi32, #tpu.memory_space<vmem>>, vector<16xi32>,
        tpu.vector_store %arg12[%swap3A], %add3A_125 {strides = array<i32>} : memref<80xi32, #tpu.memory_space<vmem>>, vector<16xi32>,
        %scan3A_127 = arith.constant 0 : i32
        scf.yield %scan3A_127 : i32
      }
      %scan3A_99 = arith.constant 5 : i32
      "tpu.region"() ({
        %run_scoped3A = tpu.sem_alloc : memref<!tpu.dma_semaphore, #tpu.memory_space<semaphore_mem>>
        %dma_start3A_117 = arith.constant 0 : i32
        %dma_start3A_118 = arith.constant 0 : i32
        %dma_start3A_119 = tpu.memref_slice %arg2[%dma_start3A_117, %dma_start3A_118] : memref<90000x128xf32, #tpu.memory_space<hbm>> -> memref<90000x128xf32, #tpu.memory_space<hbm>>
        tpu.enqueue_indirect_dma source(%dma_start3A_119 : memref<90000x128xf32, #tpu.memory_space<hbm>>) target(%arg10 : memref<80x128xf32, #tpu.memory_space<vmem>>) offsets(%arg12 : memref<80xi32, #tpu.memory_space<vmem>>) semaphore(%run_scoped3A : memref<!tpu.dma_semaphore, #tpu.memory_space<semaphore_mem>>)
        %dma_wait3A_120 = arith.constant 0 : i32
        %dma_wait3A_121 = arith.constant 0 : i32
        %dma_wait3A_122 = tpu.memref_slice %arg2[%dma_wait3A_120, %dma_wait3A_121] : memref<90000x128xf32, #tpu.memory_space<hbm>> -> memref<90000x128xf32, #tpu.memory_space<hbm>>
        tpu.wait_indirect_dma semaphore(%run_scoped3A : memref<!tpu.dma_semaphore, #tpu.memory_space<semaphore_mem>>) src(%dma_wait3A_122 : memref<90000x128xf32, #tpu.memory_space<hbm>>) dst(%arg10 : memref<80x128xf32, #tpu.memory_space<vmem>>)
        tpu.yield
      }) : () -> ()
      %scan3A_100 = arith.constant 0 : i32
      %scan3A_101 = arith.constant 0 : i32
      %scan3A_102 = arith.constant 40 : i32
      %scan3A_103 = arith.addi %scan3A_101, %scan3A_102 : i32
      %scan3A_104 = arith.constant 1 : i32
      %scan3A_105 = scf.for %scan3A_117 = %scan3A_101 to %scan3A_103 step %scan3A_104 iter_args(%scan3A_118 = %scan3A_100) -> (i32)  : i32 {
        %mul3A_119 = arith.constant 2 : i32
        %mul3A_120 = arith.muli %scan3A_117, %mul3A_119 : i32
        %broadcast_in_dim3A = arith.constant 9920 : i32
        %broadcast_in_dim3A_121 = vector.broadcast %broadcast_in_dim3A : i32 to vector<16xi32>
        %add3A_122 = vector.broadcast %mul3A_120 : i32 to vector<16xi32>
        %add3A_123 = arith.addi %broadcast_in_dim3A_121, %add3A_122 : vector<16xi32>
        %gather3A = tpu.vector_load_idx %arg8[%add3A_123] : memref<10000xf32, #tpu.memory_space<vmem>>[vector<16xi32>], vector<16xf32>,
        %broadcast_in_dim3A_124 = arith.constant 9921 : i32
        %broadcast_in_dim3A_125 = vector.broadcast %broadcast_in_dim3A_124 : i32 to vector<16xi32>
        %add3A_126 = vector.broadcast %mul3A_120 : i32 to vector<16xi32>
        %add3A_127 = arith.addi %broadcast_in_dim3A_125, %add3A_126 : vector<16xi32>
        %gather3A_128 = tpu.vector_load_idx %arg8[%add3A_127] : memref<10000xf32, #tpu.memory_space<vmem>>[vector<16xi32>], vector<16xf32>,
        %get3A = arith.index_cast %mul3A_120 : i32 to index
        %get3A_129 = arith.constant 0 : index
        %get3A_130 = tpu.vector_load %arg10[%get3A, %get3A_129] {strides = array<i32>} : memref<80x128xf32, #tpu.memory_space<vmem>>, vector<16xf32>,
        %mul3A_131 = arith.mulf %get3A_130, %gather3A : vector<16xf32>
        %swap3A = arith.index_cast %mul3A_120 : i32 to index
        %swap3A_132 = arith.constant 0 : index
        %swap3A_133 = tpu.vector_load %arg10[%swap3A, %swap3A_132] {strides = array<i32>} : memref<80x128xf32, #tpu.memory_space<vmem>>, vector<16xf32>,
        tpu.vector_store %arg10[%swap3A, %swap3A_132], %mul3A_131 {strides = array<i32>} : memref<80x128xf32, #tpu.memory_space<vmem>>, vector<16xf32>,
        %get3A_134 = arith.index_cast %mul3A_120 : i32 to index
        %get3A_135 = arith.constant 16 : index
        %get3A_136 = tpu.vector_load %arg10[%get3A_134, %get3A_135] {strides = array<i32>} : memref<80x128xf32, #tpu.memory_space<vmem>>, vector<16xf32>,
        %mul3A_137 = arith.mulf %get3A_136, %gather3A : vector<16xf32>
        %swap3A_138 = arith.index_cast %mul3A_120 : i32 to index
        %swap3A_139 = arith.constant 16 : index
        %swap3A_140 = tpu.vector_load %arg10[%swap3A_138, %swap3A_139] {strides = array<i32>} : memref<80x128xf32, #tpu.memory_space<vmem>>, vector<16xf32>,
        tpu.vector_store %arg10[%swap3A_138, %swap3A_139], %mul3A_137 {strides = array<i32>} : memref<80x128xf32, #tpu.memory_space<vmem>>, vector<16xf32>,
        %get3A_141 = arith.index_cast %mul3A_120 : i32 to index
        %get3A_142 = arith.constant 32 : index
        %get3A_143 = tpu.vector_load %arg10[%get3A_141, %get3A_142] {strides = array<i32>} : memref<80x128xf32, #tpu.memory_space<vmem>>, vector<16xf32>,
        %mul3A_144 = arith.mulf %get3A_143, %gather3A : vector<16xf32>
        %swap3A_145 = arith.index_cast %mul3A_120 : i32 to index
        %swap3A_146 = arith.constant 32 : index
        %swap3A_147 = tpu.vector_load %arg10[%swap3A_145, %swap3A_146] {strides = array<i32>} : memref<80x128xf32, #tpu.memory_space<vmem>>, vector<16xf32>,
        tpu.vector_store %arg10[%swap3A_145, %swap3A_146], %mul3A_144 {strides = array<i32>} : memref<80x128xf32, #tpu.memory_space<vmem>>, vector<16xf32>,
        %get3A_148 = arith.index_cast %mul3A_120 : i32 to index
        %get3A_149 = arith.constant 48 : index
        %get3A_150 = tpu.vector_load %arg10[%get3A_148, %get3A_149] {strides = array<i32>} : memref<80x128xf32, #tpu.memory_space<vmem>>, vector<16xf32>,
        %mul3A_151 = arith.mulf %get3A_150, %gather3A : vector<16xf32>
        %swap3A_152 = arith.index_cast %mul3A_120 : i32 to index
        %swap3A_153 = arith.constant 48 : index
        %swap3A_154 = tpu.vector_load %arg10[%swap3A_152, %swap3A_153] {strides = array<i32>} : memref<80x128xf32, #tpu.memory_space<vmem>>, vector<16xf32>,
        tpu.vector_store %arg10[%swap3A_152, %swap3A_153], %mul3A_151 {strides = array<i32>} : memref<80x128xf32, #tpu.memory_space<vmem>>, vector<16xf32>,
        %get3A_155 = arith.index_cast %mul3A_120 : i32 to index
        %get3A_156 = arith.constant 64 : index
        %get3A_157 = tpu.vector_load %arg10[%get3A_155, %get3A_156] {strides = array<i32>} : memref<80x128xf32, #tpu.memory_space<vmem>>, vector<16xf32>,
        %mul3A_158 = arith.mulf %get3A_157, %gather3A : vector<16xf32>
        %swap3A_159 = arith.index_cast %mul3A_120 : i32 to index
        %swap3A_160 = arith.constant 64 : index
        %swap3A_161 = tpu.vector_load %arg10[%swap3A_159, %swap3A_160] {strides = array<i32>} : memref<80x128xf32, #tpu.memory_space<vmem>>, vector<16xf32>,
        tpu.vector_store %arg10[%swap3A_159, %swap3A_160], %mul3A_158 {strides = array<i32>} : memref<80x128xf32, #tpu.memory_space<vmem>>, vector<16xf32>,
        %get3A_162 = arith.index_cast %mul3A_120 : i32 to index
        %get3A_163 = arith.constant 80 : index
        %get3A_164 = tpu.vector_load %arg10[%get3A_162, %get3A_163] {strides = array<i32>} : memref<80x128xf32, #tpu.memory_space<vmem>>, vector<16xf32>,
        %mul3A_165 = arith.mulf %get3A_164, %gather3A : vector<16xf32>
        %swap3A_166 = arith.index_cast %mul3A_120 : i32 to index
        %swap3A_167 = arith.constant 80 : index
        %swap3A_168 = tpu.vector_load %arg10[%swap3A_166, %swap3A_167] {strides = array<i32>} : memref<80x128xf32, #tpu.memory_space<vmem>>, vector<16xf32>,
        tpu.vector_store %arg10[%swap3A_166, %swap3A_167], %mul3A_165 {strides = array<i32>} : memref<80x128xf32, #tpu.memory_space<vmem>>, vector<16xf32>,
        %get3A_169 = arith.index_cast %mul3A_120 : i32 to index
        %get3A_170 = arith.constant 96 : index
        %get3A_171 = tpu.vector_load %arg10[%get3A_169, %get3A_170] {strides = array<i32>} : memref<80x128xf32, #tpu.memory_space<vmem>>, vector<16xf32>,
        %mul3A_172 = arith.mulf %get3A_171, %gather3A : vector<16xf32>
        %swap3A_173 = arith.index_cast %mul3A_120 : i32 to index
        %swap3A_174 = arith.constant 96 : index
        %swap3A_175 = tpu.vector_load %arg10[%swap3A_173, %swap3A_174] {strides = array<i32>} : memref<80x128xf32, #tpu.memory_space<vmem>>, vector<16xf32>,
        tpu.vector_store %arg10[%swap3A_173, %swap3A_174], %mul3A_172 {strides = array<i32>} : memref<80x128xf32, #tpu.memory_space<vmem>>, vector<16xf32>,
        %get3A_176 = arith.index_cast %mul3A_120 : i32 to index
        %get3A_177 = arith.constant 112 : index
        %get3A_178 = tpu.vector_load %arg10[%get3A_176, %get3A_177] {strides = array<i32>} : memref<80x128xf32, #tpu.memory_space<vmem>>, vector<16xf32>,
        %mul3A_179 = arith.mulf %get3A_178, %gather3A : vector<16xf32>
        %swap3A_180 = arith.index_cast %mul3A_120 : i32 to index
        %swap3A_181 = arith.constant 112 : index
        %swap3A_182 = tpu.vector_load %arg10[%swap3A_180, %swap3A_181] {strides = array<i32>} : memref<80x128xf32, #tpu.memory_space<vmem>>, vector<16xf32>,
        tpu.vector_store %arg10[%swap3A_180, %swap3A_181], %mul3A_179 {strides = array<i32>} : memref<80x128xf32, #tpu.memory_space<vmem>>, vector<16xf32>,
        %add3A_183 = arith.constant 1 : i32
        %add3A_184 = arith.addi %mul3A_120, %add3A_183 : i32
        %get3A_185 = arith.index_cast %add3A_184 : i32 to index
        %get3A_186 = arith.constant 0 : index
        %get3A_187 = tpu.vector_load %arg10[%get3A_185, %get3A_186] {strides = array<i32>} : memref<80x128xf32, #tpu.memory_space<vmem>>, vector<16xf32>,
        %mul3A_188 = arith.mulf %get3A_187, %gather3A_128 : vector<16xf32>
        %add3A_189 = arith.constant 1 : i32
        %add3A_190 = arith.addi %mul3A_120, %add3A_189 : i32
        %swap3A_191 = arith.index_cast %add3A_190 : i32 to index
        %swap3A_192 = arith.constant 0 : index
        %swap3A_193 = tpu.vector_load %arg10[%swap3A_191, %swap3A_192] {strides = array<i32>} : memref<80x128xf32, #tpu.memory_space<vmem>>, vector<16xf32>,
        tpu.vector_store %arg10[%swap3A_191, %swap3A_192], %mul3A_188 {strides = array<i32>} : memref<80x128xf32, #tpu.memory_space<vmem>>, vector<16xf32>,
        %add3A_194 = arith.constant 1 : i32
        %add3A_195 = arith.addi %mul3A_120, %add3A_194 : i32
        %get3A_196 = arith.index_cast %add3A_195 : i32 to index
        %get3A_197 = arith.constant 16 : index
        %get3A_198 = tpu.vector_load %arg10[%get3A_196, %get3A_197] {strides = array<i32>} : memref<80x128xf32, #tpu.memory_space<vmem>>, vector<16xf32>,
        %mul3A_199 = arith.mulf %get3A_198, %gather3A_128 : vector<16xf32>
        %add3A_200 = arith.constant 1 : i32
        %add3A_201 = arith.addi %mul3A_120, %add3A_200 : i32
        %swap3A_202 = arith.index_cast %add3A_201 : i32 to index
        %swap3A_203 = arith.constant 16 : index
        %swap3A_204 = tpu.vector_load %arg10[%swap3A_202, %swap3A_203] {strides = array<i32>} : memref<80x128xf32, #tpu.memory_space<vmem>>, vector<16xf32>,
        tpu.vector_store %arg10[%swap3A_202, %swap3A_203], %mul3A_199 {strides = array<i32>} : memref<80x128xf32, #tpu.memory_space<vmem>>, vector<16xf32>,
        %add3A_205 = arith.constant 1 : i32
        %add3A_206 = arith.addi %mul3A_120, %add3A_205 : i32
        %get3A_207 = arith.index_cast %add3A_206 : i32 to index
        %get3A_208 = arith.constant 32 : index
        %get3A_209 = tpu.vector_load %arg10[%get3A_207, %get3A_208] {strides = array<i32>} : memref<80x128xf32, #tpu.memory_space<vmem>>, vector<16xf32>,
        %mul3A_210 = arith.mulf %get3A_209, %gather3A_128 : vector<16xf32>
        %add3A_211 = arith.constant 1 : i32
        %add3A_212 = arith.addi %mul3A_120, %add3A_211 : i32
        %swap3A_213 = arith.index_cast %add3A_212 : i32 to index
        %swap3A_214 = arith.constant 32 : index
        %swap3A_215 = tpu.vector_load %arg10[%swap3A_213, %swap3A_214] {strides = array<i32>} : memref<80x128xf32, #tpu.memory_space<vmem>>, vector<16xf32>,
        tpu.vector_store %arg10[%swap3A_213, %swap3A_214], %mul3A_210 {strides = array<i32>} : memref<80x128xf32, #tpu.memory_space<vmem>>, vector<16xf32>,
        %add3A_216 = arith.constant 1 : i32
        %add3A_217 = arith.addi %mul3A_120, %add3A_216 : i32
        %get3A_218 = arith.index_cast %add3A_217 : i32 to index
        %get3A_219 = arith.constant 48 : index
        %get3A_220 = tpu.vector_load %arg10[%get3A_218, %get3A_219] {strides = array<i32>} : memref<80x128xf32, #tpu.memory_space<vmem>>, vector<16xf32>,
        %mul3A_221 = arith.mulf %get3A_220, %gather3A_128 : vector<16xf32>
        %add3A_222 = arith.constant 1 : i32
        %add3A_223 = arith.addi %mul3A_120, %add3A_222 : i32
        %swap3A_224 = arith.index_cast %add3A_223 : i32 to index
        %swap3A_225 = arith.constant 48 : index
        %swap3A_226 = tpu.vector_load %arg10[%swap3A_224, %swap3A_225] {strides = array<i32>} : memref<80x128xf32, #tpu.memory_space<vmem>>, vector<16xf32>,
        tpu.vector_store %arg10[%swap3A_224, %swap3A_225], %mul3A_221 {strides = array<i32>} : memref<80x128xf32, #tpu.memory_space<vmem>>, vector<16xf32>,
        %add3A_227 = arith.constant 1 : i32
        %add3A_228 = arith.addi %mul3A_120, %add3A_227 : i32
        %get3A_229 = arith.index_cast %add3A_228 : i32 to index
        %get3A_230 = arith.constant 64 : index
        %get3A_231 = tpu.vector_load %arg10[%get3A_229, %get3A_230] {strides = array<i32>} : memref<80x128xf32, #tpu.memory_space<vmem>>, vector<16xf32>,
        %mul3A_232 = arith.mulf %get3A_231, %gather3A_128 : vector<16xf32>
        %add3A_233 = arith.constant 1 : i32
        %add3A_234 = arith.addi %mul3A_120, %add3A_233 : i32
        %swap3A_235 = arith.index_cast %add3A_234 : i32 to index
        %swap3A_236 = arith.constant 64 : index
        %swap3A_237 = tpu.vector_load %arg10[%swap3A_235, %swap3A_236] {strides = array<i32>} : memref<80x128xf32, #tpu.memory_space<vmem>>, vector<16xf32>,
        tpu.vector_store %arg10[%swap3A_235, %swap3A_236], %mul3A_232 {strides = array<i32>} : memref<80x128xf32, #tpu.memory_space<vmem>>, vector<16xf32>,
        %add3A_238 = arith.constant 1 : i32
        %add3A_239 = arith.addi %mul3A_120, %add3A_238 : i32
        %get3A_240 = arith.index_cast %add3A_239 : i32 to index
        %get3A_241 = arith.constant 80 : index
        %get3A_242 = tpu.vector_load %arg10[%get3A_240, %get3A_241] {strides = array<i32>} : memref<80x128xf32, #tpu.memory_space<vmem>>, vector<16xf32>,
        %mul3A_243 = arith.mulf %get3A_242, %gather3A_128 : vector<16xf32>
        %add3A_244 = arith.constant 1 : i32
        %add3A_245 = arith.addi %mul3A_120, %add3A_244 : i32
        %swap3A_246 = arith.index_cast %add3A_245 : i32 to index
        %swap3A_247 = arith.constant 80 : index
        %swap3A_248 = tpu.vector_load %arg10[%swap3A_246, %swap3A_247] {strides = array<i32>} : memref<80x128xf32, #tpu.memory_space<vmem>>, vector<16xf32>,
        tpu.vector_store %arg10[%swap3A_246, %swap3A_247], %mul3A_243 {strides = array<i32>} : memref<80x128xf32, #tpu.memory_space<vmem>>, vector<16xf32>,
        %add3A_249 = arith.constant 1 : i32
        %add3A_250 = arith.addi %mul3A_120, %add3A_249 : i32
        %get3A_251 = arith.index_cast %add3A_250 : i32 to index
        %get3A_252 = arith.constant 96 : index
        %get3A_253 = tpu.vector_load %arg10[%get3A_251, %get3A_252] {strides = array<i32>} : memref<80x128xf32, #tpu.memory_space<vmem>>, vector<16xf32>,
        %mul3A_254 = arith.mulf %get3A_253, %gather3A_128 : vector<16xf32>
        %add3A_255 = arith.constant 1 : i32
        %add3A_256 = arith.addi %mul3A_120, %add3A_255 : i32
        %swap3A_257 = arith.index_cast %add3A_256 : i32 to index
        %swap3A_258 = arith.constant 96 : index
        %swap3A_259 = tpu.vector_load %arg10[%swap3A_257, %swap3A_258] {strides = array<i32>} : memref<80x128xf32, #tpu.memory_space<vmem>>, vector<16xf32>,
        tpu.vector_store %arg10[%swap3A_257, %swap3A_258], %mul3A_254 {strides = array<i32>} : memref<80x128xf32, #tpu.memory_space<vmem>>, vector<16xf32>,
        %add3A_260 = arith.constant 1 : i32
        %add3A_261 = arith.addi %mul3A_120, %add3A_260 : i32
        %get3A_262 = arith.index_cast %add3A_261 : i32 to index
        %get3A_263 = arith.constant 112 : index
        %get3A_264 = tpu.vector_load %arg10[%get3A_262, %get3A_263] {strides = array<i32>} : memref<80x128xf32, #tpu.memory_space<vmem>>, vector<16xf32>,
        %mul3A_265 = arith.mulf %get3A_264, %gather3A_128 : vector<16xf32>
        %add3A_266 = arith.constant 1 : i32
        %add3A_267 = arith.addi %mul3A_120, %add3A_266 : i32
        %swap3A_268 = arith.index_cast %add3A_267 : i32 to index
        %swap3A_269 = arith.constant 112 : index
        %swap3A_270 = tpu.vector_load %arg10[%swap3A_268, %swap3A_269] {strides = array<i32>} : memref<80x128xf32, #tpu.memory_space<vmem>>, vector<16xf32>,
        tpu.vector_store %arg10[%swap3A_268, %swap3A_269], %mul3A_265 {strides = array<i32>} : memref<80x128xf32, #tpu.memory_space<vmem>>, vector<16xf32>,
        %scan3A_271 = arith.constant 0 : i32
        scf.yield %scan3A_271 : i32
      }
      %scan3A_106 = arith.constant 40 : i32
      "tpu.region"() ({
        %run_scoped3A = tpu.sem_alloc : memref<!tpu.dma_semaphore, #tpu.memory_space<semaphore_mem>>
        %dma_start3A_117 = arith.constant 0 : i32
        %dma_start3A_118 = arith.constant 0 : i32
        %dma_start3A_119 = tpu.memref_slice %arg33[%dma_start3A_117, %dma_start3A_118] : memref<10240x128xf32, #tpu.memory_space<vmem_shared>> -> memref<10240x128xf32, #tpu.memory_space<vmem_shared>>
        tpu.enqueue_indirect_dma source(%arg10 : memref<80x128xf32, #tpu.memory_space<vmem>>) target(%dma_start3A_119 : memref<10240x128xf32, #tpu.memory_space<vmem_shared>>) offsets(%arg16 : memref<80xi32, #tpu.memory_space<vmem>>) semaphore(%run_scoped3A : memref<!tpu.dma_semaphore, #tpu.memory_space<semaphore_mem>>) {add = true}
        %dma_wait3A_120 = arith.constant 0 : i32
        %dma_wait3A_121 = arith.constant 0 : i32
        %dma_wait3A_122 = tpu.memref_slice %arg33[%dma_wait3A_120, %dma_wait3A_121] : memref<10240x128xf32, #tpu.memory_space<vmem_shared>> -> memref<10240x128xf32, #tpu.memory_space<vmem_shared>>
        tpu.wait_indirect_dma semaphore(%run_scoped3A : memref<!tpu.dma_semaphore, #tpu.memory_space<semaphore_mem>>) src(%arg10 : memref<80x128xf32, #tpu.memory_space<vmem>>) dst(%dma_wait3A_122 : memref<10240x128xf32, #tpu.memory_space<vmem_shared>>)
        tpu.yield
      }) : () -> ()
      %barrier3A_107 = arith.constant 0 : index
      tpu.barrier barrier_id(%barrier3A_107)
      %scan3A_108 = arith.constant 0 : i32
      %scan3A_109 = arith.constant 0 : i32
      %scan3A_110 = arith.constant 10 : i32
      %scan3A_111 = arith.addi %scan3A_109, %scan3A_110 : i32
      %scan3A_112 = arith.constant 1 : i32
      %scan3A_113 = scf.for %scan3A_117 = %scan3A_109 to %scan3A_111 step %scan3A_112 iter_args(%scan3A_118 = %scan3A_108) -> (i32)  : i32 {
        %mul3A_119 = arith.constant 64 : i32
        %mul3A_120 = arith.muli %scan3A_117, %mul3A_119 : i32
        %add3A_121 = arith.addi %mul3A_0, %mul3A_120 : i32
        %add3A_122 = arith.constant 64 : i32
        %add3A_123 = arith.addi %add3A_121, %add3A_122 : i32
        %le3A = arith.constant 10000 : i32
        %le3A_124 = arith.cmpi sle, %add3A_123, %le3A : i32
        %convert_element_type3A = arith.extui %le3A_124 : i1 to i32
        %cond3A = arith.constant 0 : i32
        %cond3A_125 = arith.cmpi ne, %convert_element_type3A, %cond3A : i32
        scf.if %cond3A_125 {
          %mul3A_131 = arith.constant 128 : i32
          %mul3A_132 = arith.muli %add3A, %mul3A_131 : i32
          "tpu.region"() ({
            %run_scoped3A = tpu.sem_alloc : memref<!tpu.dma_semaphore, #tpu.memory_space<semaphore_mem>>
            %dma_start3A_133 = tpu.memref_slice %arg7[%add3A_121, %mul3A_132] : memref<10000x1024xf32, #tpu.memory_space<hbm>> -> memref<64x128xf32, #tpu.memory_space<hbm>>
            %dma_start3A_134 = arith.constant 0 : i32
            %dma_start3A_135 = tpu.memref_slice %arg33[%add3A_121, %dma_start3A_134] : memref<10240x128xf32, #tpu.memory_space<vmem_shared>> -> memref<64x128xf32, #tpu.memory_space<vmem_shared>>
            tpu.enqueue_dma source(%dma_start3A_135 : memref<64x128xf32, #tpu.memory_space<vmem_shared>>) target(%dma_start3A_133 : memref<64x128xf32, #tpu.memory_space<hbm>>) target_semaphore(%run_scoped3A : memref<!tpu.dma_semaphore, #tpu.memory_space<semaphore_mem>>)
            %dma_wait3A_136 = tpu.memref_slice %arg7[%add3A_121, %mul3A_132] : memref<10000x1024xf32, #tpu.memory_space<hbm>> -> memref<64x128xf32, #tpu.memory_space<hbm>>
            %dma_wait3A_137 = arith.constant 0 : i32
            %dma_wait3A_138 = tpu.memref_slice %arg33[%add3A_121, %dma_wait3A_137] : memref<10240x128xf32, #tpu.memory_space<vmem_shared>> -> memref<64x128xf32, #tpu.memory_space<vmem_shared>>
            tpu.wait_dma2 semaphore(%run_scoped3A : memref<!tpu.dma_semaphore, #tpu.memory_space<semaphore_mem>>) src(%dma_wait3A_138 : memref<64x128xf32, #tpu.memory_space<vmem_shared>>) dst(%dma_wait3A_136 : memref<64x128xf32, #tpu.memory_space<hbm>>)
            tpu.yield
          }) : () -> ()
        } else {
        }
        %eq3A = arith.constant 9984 : i32
        %eq3A_126 = arith.cmpi eq, %add3A_121, %eq3A : i32
        %convert_element_type3A_127 = arith.extui %eq3A_126 : i1 to i32
        %cond3A_128 = arith.constant 0 : i32
        %cond3A_129 = arith.cmpi ne, %convert_element_type3A_127, %cond3A_128 : i32
        scf.if %cond3A_129 {
          %mul3A_131 = arith.constant 128 : i32
          %mul3A_132 = arith.muli %add3A, %mul3A_131 : i32
          "tpu.region"() ({
            %run_scoped3A = tpu.sem_alloc : memref<!tpu.dma_semaphore, #tpu.memory_space<semaphore_mem>>
            %dma_start3A_133 = tpu.memref_slice %arg7[%add3A_121, %mul3A_132] : memref<10000x1024xf32, #tpu.memory_space<hbm>> -> memref<16x128xf32, #tpu.memory_space<hbm>>
            %dma_start3A_134 = arith.constant 0 : i32
            %dma_start3A_135 = tpu.memref_slice %arg33[%add3A_121, %dma_start3A_134] : memref<10240x128xf32, #tpu.memory_space<vmem_shared>> -> memref<16x128xf32, #tpu.memory_space<vmem_shared>>
            tpu.enqueue_dma source(%dma_start3A_135 : memref<16x128xf32, #tpu.memory_space<vmem_shared>>) target(%dma_start3A_133 : memref<16x128xf32, #tpu.memory_space<hbm>>) target_semaphore(%run_scoped3A : memref<!tpu.dma_semaphore, #tpu.memory_space<semaphore_mem>>)
            %dma_wait3A_136 = tpu.memref_slice %arg7[%add3A_121, %mul3A_132] : memref<10000x1024xf32, #tpu.memory_space<hbm>> -> memref<16x128xf32, #tpu.memory_space<hbm>>
            %dma_wait3A_137 = arith.constant 0 : i32
            %dma_wait3A_138 = tpu.memref_slice %arg33[%add3A_121, %dma_wait3A_137] : memref<10240x128xf32, #tpu.memory_space<vmem_shared>> -> memref<16x128xf32, #tpu.memory_space<vmem_shared>>
            tpu.wait_dma2 semaphore(%run_scoped3A : memref<!tpu.dma_semaphore, #tpu.memory_space<semaphore_mem>>) src(%dma_wait3A_138 : memref<16x128xf32, #tpu.memory_space<vmem_shared>>) dst(%dma_wait3A_136 : memref<16x128xf32, #tpu.memory_space<hbm>>)
            tpu.yield
          }) : () -> ()
        } else {
        }
        %scan3A_130 = arith.constant 0 : i32
        scf.yield %scan3A_130 : i32
      }
      %scan3A_114 = arith.constant 10 : i32
      %barrier3A_115 = arith.constant 0 : index
      tpu.barrier barrier_id(%barrier3A_115)
      %scan3A_116 = arith.constant 0 : i32
      scf.yield %scan3A_116 : i32
    }
    %scan3A_8 = arith.constant 4 : i32
    return
  }
}

#map = affine_map<(d0, d1) -> (0)>
module attributes {stable_mosaic.version = 14 : i64} {
  func.func @_softmax_body(%arg0: i32, %arg1: i32, %arg2: memref<80000xf32, #tpu.memory_space<hbm>>, %arg3: memref<160000xi32, #tpu.memory_space<hbm>>, %arg4: memref<160000xi32, #tpu.memory_space<hbm>>, %arg5: memref<680960xf32, #tpu.memory_space<hbm>>, %arg6: memref<40000xf32, #tpu.memory_space<vmem>>, %arg7: memref<20480xf32, #tpu.memory_space<vmem>>, %arg8: memref<2000xi32, #tpu.memory_space<vmem>>, %arg9: memref<2000xi32, #tpu.memory_space<vmem>>, %arg10: memref<4000xf32, #tpu.memory_space<vmem>>, %arg11: memref<1280xf32, #tpu.memory_space<vmem>>, %arg12: memref<1280xf32, #tpu.memory_space<vmem>>, %arg13: memref<20000xf32, #tpu.memory_space<vmem>>, %arg14: memref<348160xf32, #tpu.memory_space<vmem_shared>>) attributes {dimension_semantics = [#tpu.dimension_semantics<core_parallel>, #tpu.dimension_semantics<subcore_parallel>], iteration_bounds = array<i64: 2, 16>, scalar_prefetch = 0 : i64, scratch_operands = 9 : i64, tpu.core_type = #tpu.core_type<sc_vector_subcore>, window_params = [{transform_indices = #map}, {transform_indices = #map}, {transform_indices = #map}, {transform_indices = #map}]} {
    %mul3A = arith.constant 40000 : i32
    %mul3A_0 = arith.muli %arg0, %mul3A : i32
    "tpu.region"() ({
      %run_scoped3A = tpu.sem_alloc : memref<!tpu.dma_semaphore, #tpu.memory_space<semaphore_mem>>
      %dma_start3A = tpu.memref_slice %arg2[%mul3A_0] : memref<80000xf32, #tpu.memory_space<hbm>> -> memref<40000xf32, #tpu.memory_space<hbm>>
      %dma_start3A_70 = tpu.memref_slice %arg2[%mul3A_0] : memref<80000xf32, #tpu.memory_space<hbm>> -> memref<40000xf32, #tpu.memory_space<hbm>>
      tpu.enqueue_dma source(%dma_start3A_70 : memref<40000xf32, #tpu.memory_space<hbm>>) target(%arg6 : memref<40000xf32, #tpu.memory_space<vmem>>) target_semaphore(%run_scoped3A : memref<!tpu.dma_semaphore, #tpu.memory_space<semaphore_mem>>)
      %dma_wait3A = tpu.memref_slice %arg2[%mul3A_0] : memref<80000xf32, #tpu.memory_space<hbm>> -> memref<40000xf32, #tpu.memory_space<hbm>>
      %dma_wait3A_71 = tpu.memref_slice %arg2[%mul3A_0] : memref<80000xf32, #tpu.memory_space<hbm>> -> memref<40000xf32, #tpu.memory_space<hbm>>
      tpu.wait_dma2 semaphore(%run_scoped3A : memref<!tpu.dma_semaphore, #tpu.memory_space<semaphore_mem>>) src(%dma_wait3A_71 : memref<40000xf32, #tpu.memory_space<hbm>>) dst(%arg6 : memref<40000xf32, #tpu.memory_space<vmem>>)
      tpu.yield
    }) : () -> ()
    %scan3A = arith.constant 0 : i32
    %scan3A_1 = arith.constant 0 : i32
    %scan3A_2 = arith.constant 1280 : i32
    %scan3A_3 = arith.addi %scan3A_1, %scan3A_2 : i32
    %scan3A_4 = arith.constant 1 : i32
    %scan3A_5 = scf.for %scan3A_70 = %scan3A_1 to %scan3A_3 step %scan3A_4 iter_args(%scan3A_71 = %scan3A) -> (i32)  : i32 {
      %broadcast_in_dim3A = arith.constant 0.000000e+00 : f32
      %broadcast_in_dim3A_72 = vector.broadcast %broadcast_in_dim3A : f32 to vector<16xf32>
      %mul3A_73 = arith.constant 16 : i32
      %mul3A_74 = arith.muli %scan3A_70, %mul3A_73 : i32
      %swap3A = arith.index_cast %mul3A_74 : i32 to index
      %swap3A_75 = tpu.vector_load %arg7[%swap3A] {strides = array<i32>} : memref<20480xf32, #tpu.memory_space<vmem>>, vector<16xf32>,
      tpu.vector_store %arg7[%swap3A], %broadcast_in_dim3A_72 {strides = array<i32>} : memref<20480xf32, #tpu.memory_space<vmem>>, vector<16xf32>,
      %scan3A_76 = arith.constant 0 : i32
      scf.yield %scan3A_76 : i32
    }
    %scan3A_6 = arith.constant 1280 : i32
    %scan3A_7 = arith.constant 0 : i32
    %scan3A_8 = arith.constant 0 : i32
    %scan3A_9 = arith.constant 5 : i32
    %scan3A_10 = arith.addi %scan3A_8, %scan3A_9 : i32
    %scan3A_11 = arith.constant 1 : i32
    %scan3A_12 = scf.for %scan3A_70 = %scan3A_8 to %scan3A_10 step %scan3A_11 iter_args(%scan3A_71 = %scan3A_7) -> (i32)  : i32 {
      %mul3A_72 = arith.constant 10000 : i32
      %mul3A_73 = arith.muli %arg1, %mul3A_72 : i32
      %mul3A_74 = arith.constant 2000 : i32
      %mul3A_75 = arith.muli %scan3A_70, %mul3A_74 : i32
      %add3A_76 = arith.addi %mul3A_73, %mul3A_75 : i32
      "tpu.region"() ({
        %run_scoped3A = tpu.sem_alloc : memref<!tpu.dma_semaphore, #tpu.memory_space<semaphore_mem>>
        %dma_start3A = tpu.memref_slice %arg3[%add3A_76] : memref<160000xi32, #tpu.memory_space<hbm>> -> memref<2000xi32, #tpu.memory_space<hbm>>
        %dma_start3A_85 = tpu.memref_slice %arg3[%add3A_76] : memref<160000xi32, #tpu.memory_space<hbm>> -> memref<2000xi32, #tpu.memory_space<hbm>>
        tpu.enqueue_dma source(%dma_start3A_85 : memref<2000xi32, #tpu.memory_space<hbm>>) target(%arg8 : memref<2000xi32, #tpu.memory_space<vmem>>) target_semaphore(%run_scoped3A : memref<!tpu.dma_semaphore, #tpu.memory_space<semaphore_mem>>)
        %dma_wait3A = tpu.memref_slice %arg3[%add3A_76] : memref<160000xi32, #tpu.memory_space<hbm>> -> memref<2000xi32, #tpu.memory_space<hbm>>
        %dma_wait3A_86 = tpu.memref_slice %arg3[%add3A_76] : memref<160000xi32, #tpu.memory_space<hbm>> -> memref<2000xi32, #tpu.memory_space<hbm>>
        tpu.wait_dma2 semaphore(%run_scoped3A : memref<!tpu.dma_semaphore, #tpu.memory_space<semaphore_mem>>) src(%dma_wait3A_86 : memref<2000xi32, #tpu.memory_space<hbm>>) dst(%arg8 : memref<2000xi32, #tpu.memory_space<vmem>>)
        tpu.yield
      }) : () -> ()
      "tpu.region"() ({
        %run_scoped3A = tpu.sem_alloc : memref<!tpu.dma_semaphore, #tpu.memory_space<semaphore_mem>>
        %dma_start3A = tpu.memref_slice %arg4[%add3A_76] : memref<160000xi32, #tpu.memory_space<hbm>> -> memref<2000xi32, #tpu.memory_space<hbm>>
        %dma_start3A_85 = tpu.memref_slice %arg4[%add3A_76] : memref<160000xi32, #tpu.memory_space<hbm>> -> memref<2000xi32, #tpu.memory_space<hbm>>
        tpu.enqueue_dma source(%dma_start3A_85 : memref<2000xi32, #tpu.memory_space<hbm>>) target(%arg9 : memref<2000xi32, #tpu.memory_space<vmem>>) target_semaphore(%run_scoped3A : memref<!tpu.dma_semaphore, #tpu.memory_space<semaphore_mem>>)
        %dma_wait3A = tpu.memref_slice %arg4[%add3A_76] : memref<160000xi32, #tpu.memory_space<hbm>> -> memref<2000xi32, #tpu.memory_space<hbm>>
        %dma_wait3A_86 = tpu.memref_slice %arg4[%add3A_76] : memref<160000xi32, #tpu.memory_space<hbm>> -> memref<2000xi32, #tpu.memory_space<hbm>>
        tpu.wait_dma2 semaphore(%run_scoped3A : memref<!tpu.dma_semaphore, #tpu.memory_space<semaphore_mem>>) src(%dma_wait3A_86 : memref<2000xi32, #tpu.memory_space<hbm>>) dst(%arg9 : memref<2000xi32, #tpu.memory_space<vmem>>)
        tpu.yield
      }) : () -> ()
      %scan3A_77 = arith.constant 0 : i32
      %scan3A_78 = arith.constant 0 : i32
      %scan3A_79 = arith.constant 125 : i32
      %scan3A_80 = arith.addi %scan3A_78, %scan3A_79 : i32
      %scan3A_81 = arith.constant 1 : i32
      %scan3A_82 = scf.for %scan3A_85 = %scan3A_78 to %scan3A_80 step %scan3A_81 iter_args(%scan3A_86 = %scan3A_77) -> (i32)  : i32 {
        %mul3A_87 = arith.constant 16 : i32
        %mul3A_88 = arith.muli %scan3A_85, %mul3A_87 : i32
        %get3A = arith.index_cast %mul3A_88 : i32 to index
        %get3A_89 = tpu.vector_load %arg8[%get3A] {strides = array<i32>} : memref<2000xi32, #tpu.memory_space<vmem>>, vector<16xi32>,
        %mul3A_90 = arith.constant 16 : i32
        %mul3A_91 = arith.muli %scan3A_85, %mul3A_90 : i32
        %get3A_92 = arith.index_cast %mul3A_91 : i32 to index
        %get3A_93 = tpu.vector_load %arg9[%get3A_92] {strides = array<i32>} : memref<2000xi32, #tpu.memory_space<vmem>>, vector<16xi32>,
        %mul3A_94 = arith.constant 4 : i32
        %mul3A_95 = vector.broadcast %mul3A_94 : i32 to vector<16xi32>
        %mul3A_96 = arith.muli %get3A_89, %mul3A_95 : vector<16xi32>
        %add3A_97 = arith.constant 0 : i32
        %add3A_98 = vector.broadcast %add3A_97 : i32 to vector<16xi32>
        %add3A_99 = arith.addi %mul3A_96, %add3A_98 : vector<16xi32>
        %gather3A = tpu.vector_load_idx %arg6[%add3A_99] : memref<40000xf32, #tpu.memory_space<vmem>>[vector<16xi32>], vector<16xf32>,
        %mul3A_100 = arith.constant 4 : i32
        %mul3A_101 = vector.broadcast %mul3A_100 : i32 to vector<16xi32>
        %mul3A_102 = arith.muli %get3A_93, %mul3A_101 : vector<16xi32>
        %add3A_103 = arith.constant 2 : i32
        %add3A_104 = vector.broadcast %add3A_103 : i32 to vector<16xi32>
        %add3A_105 = arith.addi %mul3A_102, %add3A_104 : vector<16xi32>
        %gather3A_106 = tpu.vector_load_idx %arg6[%add3A_105] : memref<40000xf32, #tpu.memory_space<vmem>>[vector<16xi32>], vector<16xf32>,
        %add3A_107 = arith.addf %gather3A, %gather3A_106 : vector<16xf32>
        %mul3A_108 = arith.constant 2.000000e-01 : f32
        %mul3A_109 = vector.broadcast %mul3A_108 : f32 to vector<16xf32>
        %mul3A_110 = arith.mulf %mul3A_109, %add3A_107 : vector<16xf32>
        %max3A = arith.maximumf %add3A_107, %mul3A_110 : vector<16xf32>
        %exp3A = math.exp %max3A : vector<16xf32>
        %mul3A_111 = arith.constant 2000 : i32
        %mul3A_112 = arith.muli %scan3A_70, %mul3A_111 : i32
        %add3A_113 = arith.constant 0 : i32
        %add3A_114 = arith.addi %add3A_113, %mul3A_112 : i32
        %mul3A_115 = arith.constant 16 : i32
        %mul3A_116 = arith.muli %scan3A_85, %mul3A_115 : i32
        %add3A_117 = arith.addi %add3A_114, %mul3A_116 : i32
        %swap3A = arith.index_cast %add3A_117 : i32 to index
        %swap3A_118 = tpu.vector_load %arg13[%swap3A] {strides = array<i32>} : memref<20000xf32, #tpu.memory_space<vmem>>, vector<16xf32>,
        tpu.vector_store %arg13[%swap3A], %exp3A {strides = array<i32>} : memref<20000xf32, #tpu.memory_space<vmem>>, vector<16xf32>,
        %mul3A_119 = arith.constant 2 : i32
        %mul3A_120 = vector.broadcast %mul3A_119 : i32 to vector<16xi32>
        %mul3A_121 = arith.muli %get3A_93, %mul3A_120 : vector<16xi32>
        %add3A_122 = arith.constant 0 : i32
        %add3A_123 = vector.broadcast %add3A_122 : i32 to vector<16xi32>
        %add3A_124 = arith.addi %mul3A_121, %add3A_123 : vector<16xi32>
        tpu.vector_store_idx %arg7[%add3A_124], %exp3A {add = true} : memref<20480xf32, #tpu.memory_space<vmem>>[vector<16xi32>], vector<16xf32>,
        %mul3A_125 = arith.constant 4 : i32
        %mul3A_126 = vector.broadcast %mul3A_125 : i32 to vector<16xi32>
        %mul3A_127 = arith.muli %get3A_89, %mul3A_126 : vector<16xi32>
        %add3A_128 = arith.constant 1 : i32
        %add3A_129 = vector.broadcast %add3A_128 : i32 to vector<16xi32>
        %add3A_130 = arith.addi %mul3A_127, %add3A_129 : vector<16xi32>
        %gather3A_131 = tpu.vector_load_idx %arg6[%add3A_130] : memref<40000xf32, #tpu.memory_space<vmem>>[vector<16xi32>], vector<16xf32>,
        %mul3A_132 = arith.constant 4 : i32
        %mul3A_133 = vector.broadcast %mul3A_132 : i32 to vector<16xi32>
        %mul3A_134 = arith.muli %get3A_93, %mul3A_133 : vector<16xi32>
        %add3A_135 = arith.constant 3 : i32
        %add3A_136 = vector.broadcast %add3A_135 : i32 to vector<16xi32>
        %add3A_137 = arith.addi %mul3A_134, %add3A_136 : vector<16xi32>
        %gather3A_138 = tpu.vector_load_idx %arg6[%add3A_137] : memref<40000xf32, #tpu.memory_space<vmem>>[vector<16xi32>], vector<16xf32>,
        %add3A_139 = arith.addf %gather3A_131, %gather3A_138 : vector<16xf32>
        %mul3A_140 = arith.constant 2.000000e-01 : f32
        %mul3A_141 = vector.broadcast %mul3A_140 : f32 to vector<16xf32>
        %mul3A_142 = arith.mulf %mul3A_141, %add3A_139 : vector<16xf32>
        %max3A_143 = arith.maximumf %add3A_139, %mul3A_142 : vector<16xf32>
        %exp3A_144 = math.exp %max3A_143 : vector<16xf32>
        %mul3A_145 = arith.constant 2000 : i32
        %mul3A_146 = arith.muli %scan3A_70, %mul3A_145 : i32
        %add3A_147 = arith.constant 10000 : i32
        %add3A_148 = arith.addi %add3A_147, %mul3A_146 : i32
        %mul3A_149 = arith.constant 16 : i32
        %mul3A_150 = arith.muli %scan3A_85, %mul3A_149 : i32
        %add3A_151 = arith.addi %add3A_148, %mul3A_150 : i32
        %swap3A_152 = arith.index_cast %add3A_151 : i32 to index
        %swap3A_153 = tpu.vector_load %arg13[%swap3A_152] {strides = array<i32>} : memref<20000xf32, #tpu.memory_space<vmem>>, vector<16xf32>,
        tpu.vector_store %arg13[%swap3A_152], %exp3A_144 {strides = array<i32>} : memref<20000xf32, #tpu.memory_space<vmem>>, vector<16xf32>,
        %mul3A_154 = arith.constant 2 : i32
        %mul3A_155 = vector.broadcast %mul3A_154 : i32 to vector<16xi32>
        %mul3A_156 = arith.muli %get3A_93, %mul3A_155 : vector<16xi32>
        %add3A_157 = arith.constant 1 : i32
        %add3A_158 = vector.broadcast %add3A_157 : i32 to vector<16xi32>
        %add3A_159 = arith.addi %mul3A_156, %add3A_158 : vector<16xi32>
        tpu.vector_store_idx %arg7[%add3A_159], %exp3A_144 {add = true} : memref<20480xf32, #tpu.memory_space<vmem>>[vector<16xi32>], vector<16xf32>,
        %scan3A_160 = arith.constant 0 : i32
        scf.yield %scan3A_160 : i32
      }
      %scan3A_83 = arith.constant 125 : i32
      %scan3A_84 = arith.constant 0 : i32
      scf.yield %scan3A_84 : i32
    }
    %scan3A_13 = arith.constant 5 : i32
    %scan3A_14 = arith.constant 0 : i32
    %scan3A_15 = arith.constant 0 : i32
    %scan3A_16 = arith.constant 40 : i32
    %scan3A_17 = arith.addi %scan3A_15, %scan3A_16 : i32
    %scan3A_18 = arith.constant 1 : i32
    %scan3A_19 = scf.for %scan3A_70 = %scan3A_15 to %scan3A_17 step %scan3A_18 iter_args(%scan3A_71 = %scan3A_14) -> (i32)  : i32 {
      %mul3A_72 = arith.constant 640 : i32
      %mul3A_73 = arith.muli %arg1, %mul3A_72 : i32
      %mul3A_74 = arith.constant 16 : i32
      %mul3A_75 = arith.muli %scan3A_70, %mul3A_74 : i32
      %add3A_76 = arith.addi %mul3A_73, %mul3A_75 : i32
      %iota3A = tpu.iota {dimensions = array<i32: 0>} : vector<16xi32>
      %add3A_77 = vector.broadcast %add3A_76 : i32 to vector<16xi32>
      %add3A_78 = arith.addi %add3A_77, %iota3A : vector<16xi32>
      %lt3A = arith.constant 10000 : i32
      %lt3A_79 = vector.broadcast %lt3A : i32 to vector<16xi32>
      %lt3A_80 = arith.cmpi slt, %add3A_78, %lt3A_79 : vector<16xi32>
      %jit3A = arith.constant 9999 : i32
      %broadcast_in_dim3A = vector.broadcast %jit3A : i32 to vector<16xi32>
      %select_n3A = arith.select %lt3A_80, %add3A_78, %broadcast_in_dim3A : vector<16xi1>, vector<16xi32>
      %mul3A_81 = arith.constant 4 : i32
      %mul3A_82 = vector.broadcast %mul3A_81 : i32 to vector<16xi32>
      %mul3A_83 = arith.muli %select_n3A, %mul3A_82 : vector<16xi32>
      %add3A_84 = arith.constant 0 : i32
      %add3A_85 = vector.broadcast %add3A_84 : i32 to vector<16xi32>
      %add3A_86 = arith.addi %mul3A_83, %add3A_85 : vector<16xi32>
      %gather3A = tpu.vector_load_idx %arg6[%add3A_86] : memref<40000xf32, #tpu.memory_space<vmem>>[vector<16xi32>], vector<16xf32>,
      %mul3A_87 = arith.constant 4 : i32
      %mul3A_88 = vector.broadcast %mul3A_87 : i32 to vector<16xi32>
      %mul3A_89 = arith.muli %select_n3A, %mul3A_88 : vector<16xi32>
      %add3A_90 = arith.constant 2 : i32
      %add3A_91 = vector.broadcast %add3A_90 : i32 to vector<16xi32>
      %add3A_92 = arith.addi %mul3A_89, %add3A_91 : vector<16xi32>
      %gather3A_93 = tpu.vector_load_idx %arg6[%add3A_92] : memref<40000xf32, #tpu.memory_space<vmem>>[vector<16xi32>], vector<16xf32>,
      %add3A_94 = arith.addf %gather3A, %gather3A_93 : vector<16xf32>
      %mul3A_95 = arith.constant 2.000000e-01 : f32
      %mul3A_96 = vector.broadcast %mul3A_95 : f32 to vector<16xf32>
      %mul3A_97 = arith.mulf %mul3A_96, %add3A_94 : vector<16xf32>
      %max3A = arith.maximumf %add3A_94, %mul3A_97 : vector<16xf32>
      %exp3A = math.exp %max3A : vector<16xf32>
      %jit3A_98 = arith.constant 0.000000e+00 : f32
      %broadcast_in_dim3A_99 = vector.broadcast %jit3A_98 : f32 to vector<16xf32>
      %select_n3A_100 = arith.select %lt3A_80, %exp3A, %broadcast_in_dim3A_99 : vector<16xi1>, vector<16xf32>
      %mul3A_101 = arith.constant 2 : i32
      %mul3A_102 = vector.broadcast %mul3A_101 : i32 to vector<16xi32>
      %mul3A_103 = arith.muli %select_n3A, %mul3A_102 : vector<16xi32>
      %add3A_104 = arith.constant 0 : i32
      %add3A_105 = vector.broadcast %add3A_104 : i32 to vector<16xi32>
      %add3A_106 = arith.addi %mul3A_103, %add3A_105 : vector<16xi32>
      tpu.vector_store_idx %arg7[%add3A_106], %select_n3A_100 {add = true} : memref<20480xf32, #tpu.memory_space<vmem>>[vector<16xi32>], vector<16xf32>,
      %mul3A_107 = arith.constant 4 : i32
      %mul3A_108 = vector.broadcast %mul3A_107 : i32 to vector<16xi32>
      %mul3A_109 = arith.muli %select_n3A, %mul3A_108 : vector<16xi32>
      %add3A_110 = arith.constant 1 : i32
      %add3A_111 = vector.broadcast %add3A_110 : i32 to vector<16xi32>
      %add3A_112 = arith.addi %mul3A_109, %add3A_111 : vector<16xi32>
      %gather3A_113 = tpu.vector_load_idx %arg6[%add3A_112] : memref<40000xf32, #tpu.memory_space<vmem>>[vector<16xi32>], vector<16xf32>,
      %mul3A_114 = arith.constant 4 : i32
      %mul3A_115 = vector.broadcast %mul3A_114 : i32 to vector<16xi32>
      %mul3A_116 = arith.muli %select_n3A, %mul3A_115 : vector<16xi32>
      %add3A_117 = arith.constant 3 : i32
      %add3A_118 = vector.broadcast %add3A_117 : i32 to vector<16xi32>
      %add3A_119 = arith.addi %mul3A_116, %add3A_118 : vector<16xi32>
      %gather3A_120 = tpu.vector_load_idx %arg6[%add3A_119] : memref<40000xf32, #tpu.memory_space<vmem>>[vector<16xi32>], vector<16xf32>,
      %add3A_121 = arith.addf %gather3A_113, %gather3A_120 : vector<16xf32>
      %mul3A_122 = arith.constant 2.000000e-01 : f32
      %mul3A_123 = vector.broadcast %mul3A_122 : f32 to vector<16xf32>
      %mul3A_124 = arith.mulf %mul3A_123, %add3A_121 : vector<16xf32>
      %max3A_125 = arith.maximumf %add3A_121, %mul3A_124 : vector<16xf32>
      %exp3A_126 = math.exp %max3A_125 : vector<16xf32>
      %jit3A_127 = arith.constant 0.000000e+00 : f32
      %broadcast_in_dim3A_128 = vector.broadcast %jit3A_127 : f32 to vector<16xf32>
      %select_n3A_129 = arith.select %lt3A_80, %exp3A_126, %broadcast_in_dim3A_128 : vector<16xi1>, vector<16xf32>
      %mul3A_130 = arith.constant 2 : i32
      %mul3A_131 = vector.broadcast %mul3A_130 : i32 to vector<16xi32>
      %mul3A_132 = arith.muli %select_n3A, %mul3A_131 : vector<16xi32>
      %add3A_133 = arith.constant 1 : i32
      %add3A_134 = vector.broadcast %add3A_133 : i32 to vector<16xi32>
      %add3A_135 = arith.addi %mul3A_132, %add3A_134 : vector<16xi32>
      tpu.vector_store_idx %arg7[%add3A_135], %select_n3A_129 {add = true} : memref<20480xf32, #tpu.memory_space<vmem>>[vector<16xi32>], vector<16xf32>,
      %scan3A_136 = arith.constant 0 : i32
      scf.yield %scan3A_136 : i32
    }
    %scan3A_20 = arith.constant 40 : i32
    %mul3A_21 = arith.constant 20480 : i32
    %mul3A_22 = arith.muli %arg1, %mul3A_21 : i32
    "tpu.region"() ({
      %run_scoped3A = tpu.sem_alloc : memref<!tpu.dma_semaphore, #tpu.memory_space<semaphore_mem>>
      %dma_start3A = tpu.memref_slice %arg14[%mul3A_22] : memref<348160xf32, #tpu.memory_space<vmem_shared>> -> memref<20480xf32, #tpu.memory_space<vmem_shared>>
      %dma_start3A_70 = tpu.memref_slice %arg14[%mul3A_22] : memref<348160xf32, #tpu.memory_space<vmem_shared>> -> memref<20480xf32, #tpu.memory_space<vmem_shared>>
      tpu.enqueue_dma source(%arg7 : memref<20480xf32, #tpu.memory_space<vmem>>) target(%dma_start3A_70 : memref<20480xf32, #tpu.memory_space<vmem_shared>>) target_semaphore(%run_scoped3A : memref<!tpu.dma_semaphore, #tpu.memory_space<semaphore_mem>>)
      %dma_wait3A = tpu.memref_slice %arg14[%mul3A_22] : memref<348160xf32, #tpu.memory_space<vmem_shared>> -> memref<20480xf32, #tpu.memory_space<vmem_shared>>
      %dma_wait3A_71 = tpu.memref_slice %arg14[%mul3A_22] : memref<348160xf32, #tpu.memory_space<vmem_shared>> -> memref<20480xf32, #tpu.memory_space<vmem_shared>>
      tpu.wait_dma2 semaphore(%run_scoped3A : memref<!tpu.dma_semaphore, #tpu.memory_space<semaphore_mem>>) src(%arg7 : memref<20480xf32, #tpu.memory_space<vmem>>) dst(%dma_wait3A_71 : memref<20480xf32, #tpu.memory_space<vmem_shared>>)
      tpu.yield
    }) : () -> ()
    %barrier3A = arith.constant 0 : index
    tpu.barrier barrier_id(%barrier3A)
    %mul3A_23 = arith.constant 1280 : i32
    %mul3A_24 = arith.muli %arg1, %mul3A_23 : i32
    "tpu.region"() ({
      %run_scoped3A = tpu.sem_alloc : memref<!tpu.dma_semaphore, #tpu.memory_space<semaphore_mem>>
      %dma_start3A = tpu.memref_slice %arg14[%mul3A_24] : memref<348160xf32, #tpu.memory_space<vmem_shared>> -> memref<1280xf32, #tpu.memory_space<vmem_shared>>
      %dma_start3A_70 = tpu.memref_slice %arg14[%mul3A_24] : memref<348160xf32, #tpu.memory_space<vmem_shared>> -> memref<1280xf32, #tpu.memory_space<vmem_shared>>
      tpu.enqueue_dma source(%dma_start3A_70 : memref<1280xf32, #tpu.memory_space<vmem_shared>>) target(%arg12 : memref<1280xf32, #tpu.memory_space<vmem>>) target_semaphore(%run_scoped3A : memref<!tpu.dma_semaphore, #tpu.memory_space<semaphore_mem>>)
      %dma_wait3A = tpu.memref_slice %arg14[%mul3A_24] : memref<348160xf32, #tpu.memory_space<vmem_shared>> -> memref<1280xf32, #tpu.memory_space<vmem_shared>>
      %dma_wait3A_71 = tpu.memref_slice %arg14[%mul3A_24] : memref<348160xf32, #tpu.memory_space<vmem_shared>> -> memref<1280xf32, #tpu.memory_space<vmem_shared>>
      tpu.wait_dma2 semaphore(%run_scoped3A : memref<!tpu.dma_semaphore, #tpu.memory_space<semaphore_mem>>) src(%dma_wait3A_71 : memref<1280xf32, #tpu.memory_space<vmem_shared>>) dst(%arg12 : memref<1280xf32, #tpu.memory_space<vmem>>)
      tpu.yield
    }) : () -> ()
    %scan3A_25 = arith.constant 0 : i32
    %scan3A_26 = arith.constant 1 : i32
    %scan3A_27 = arith.constant 15 : i32
    %scan3A_28 = arith.addi %scan3A_26, %scan3A_27 : i32
    %scan3A_29 = arith.constant 1 : i32
    %scan3A_30 = scf.for %scan3A_70 = %scan3A_26 to %scan3A_28 step %scan3A_29 iter_args(%scan3A_71 = %scan3A_25) -> (i32)  : i32 {
      %mul3A_72 = arith.constant 20480 : i32
      %mul3A_73 = arith.muli %scan3A_70, %mul3A_72 : i32
      %add3A_74 = arith.addi %mul3A_73, %mul3A_24 : i32
      "tpu.region"() ({
        %run_scoped3A = tpu.sem_alloc : memref<!tpu.dma_semaphore, #tpu.memory_space<semaphore_mem>>
        %dma_start3A = tpu.memref_slice %arg14[%add3A_74] : memref<348160xf32, #tpu.memory_space<vmem_shared>> -> memref<1280xf32, #tpu.memory_space<vmem_shared>>
        %dma_start3A_83 = tpu.memref_slice %arg14[%add3A_74] : memref<348160xf32, #tpu.memory_space<vmem_shared>> -> memref<1280xf32, #tpu.memory_space<vmem_shared>>
        tpu.enqueue_dma source(%dma_start3A_83 : memref<1280xf32, #tpu.memory_space<vmem_shared>>) target(%arg11 : memref<1280xf32, #tpu.memory_space<vmem>>) target_semaphore(%run_scoped3A : memref<!tpu.dma_semaphore, #tpu.memory_space<semaphore_mem>>)
        %dma_wait3A = tpu.memref_slice %arg14[%add3A_74] : memref<348160xf32, #tpu.memory_space<vmem_shared>> -> memref<1280xf32, #tpu.memory_space<vmem_shared>>
        %dma_wait3A_84 = tpu.memref_slice %arg14[%add3A_74] : memref<348160xf32, #tpu.memory_space<vmem_shared>> -> memref<1280xf32, #tpu.memory_space<vmem_shared>>
        tpu.wait_dma2 semaphore(%run_scoped3A : memref<!tpu.dma_semaphore, #tpu.memory_space<semaphore_mem>>) src(%dma_wait3A_84 : memref<1280xf32, #tpu.memory_space<vmem_shared>>) dst(%arg11 : memref<1280xf32, #tpu.memory_space<vmem>>)
        tpu.yield
      }) : () -> ()
      %scan3A_75 = arith.constant 0 : i32
      %scan3A_76 = arith.constant 0 : i32
      %scan3A_77 = arith.constant 80 : i32
      %scan3A_78 = arith.addi %scan3A_76, %scan3A_77 : i32
      %scan3A_79 = arith.constant 1 : i32
      %scan3A_80 = scf.for %scan3A_83 = %scan3A_76 to %scan3A_78 step %scan3A_79 iter_args(%scan3A_84 = %scan3A_75) -> (i32)  : i32 {
        %mul3A_85 = arith.constant 16 : i32
        %mul3A_86 = arith.muli %scan3A_83, %mul3A_85 : i32
        %get3A = arith.index_cast %mul3A_86 : i32 to index
        %get3A_87 = tpu.vector_load %arg12[%get3A] {strides = array<i32>} : memref<1280xf32, #tpu.memory_space<vmem>>, vector<16xf32>,
        %get3A_88 = arith.index_cast %mul3A_86 : i32 to index
        %get3A_89 = tpu.vector_load %arg11[%get3A_88] {strides = array<i32>} : memref<1280xf32, #tpu.memory_space<vmem>>, vector<16xf32>,
        %add3A_90 = arith.addf %get3A_87, %get3A_89 : vector<16xf32>
        %swap3A = arith.index_cast %mul3A_86 : i32 to index
        %swap3A_91 = tpu.vector_load %arg12[%swap3A] {strides = array<i32>} : memref<1280xf32, #tpu.memory_space<vmem>>, vector<16xf32>,
        tpu.vector_store %arg12[%swap3A], %add3A_90 {strides = array<i32>} : memref<1280xf32, #tpu.memory_space<vmem>>, vector<16xf32>,
        %scan3A_92 = arith.constant 0 : i32
        scf.yield %scan3A_92 : i32
      }
      %scan3A_81 = arith.constant 80 : i32
      %scan3A_82 = arith.constant 0 : i32
      scf.yield %scan3A_82 : i32
    }
    %scan3A_31 = arith.constant 15 : i32
    %add3A = arith.constant 327680 : i32
    %add3A_32 = arith.addi %add3A, %mul3A_24 : i32
    "tpu.region"() ({
      %run_scoped3A = tpu.sem_alloc : memref<!tpu.dma_semaphore, #tpu.memory_space<semaphore_mem>>
      %dma_start3A = tpu.memref_slice %arg14[%add3A_32] : memref<348160xf32, #tpu.memory_space<vmem_shared>> -> memref<1280xf32, #tpu.memory_space<vmem_shared>>
      %dma_start3A_70 = tpu.memref_slice %arg14[%add3A_32] : memref<348160xf32, #tpu.memory_space<vmem_shared>> -> memref<1280xf32, #tpu.memory_space<vmem_shared>>
      tpu.enqueue_dma source(%arg12 : memref<1280xf32, #tpu.memory_space<vmem>>) target(%dma_start3A_70 : memref<1280xf32, #tpu.memory_space<vmem_shared>>) target_semaphore(%run_scoped3A : memref<!tpu.dma_semaphore, #tpu.memory_space<semaphore_mem>>)
      %dma_wait3A = tpu.memref_slice %arg14[%add3A_32] : memref<348160xf32, #tpu.memory_space<vmem_shared>> -> memref<1280xf32, #tpu.memory_space<vmem_shared>>
      %dma_wait3A_71 = tpu.memref_slice %arg14[%add3A_32] : memref<348160xf32, #tpu.memory_space<vmem_shared>> -> memref<1280xf32, #tpu.memory_space<vmem_shared>>
      tpu.wait_dma2 semaphore(%run_scoped3A : memref<!tpu.dma_semaphore, #tpu.memory_space<semaphore_mem>>) src(%arg12 : memref<1280xf32, #tpu.memory_space<vmem>>) dst(%dma_wait3A_71 : memref<1280xf32, #tpu.memory_space<vmem_shared>>)
      tpu.yield
    }) : () -> ()
    %barrier3A_33 = arith.constant 0 : index
    tpu.barrier barrier_id(%barrier3A_33)
    "tpu.region"() ({
      %run_scoped3A = tpu.sem_alloc : memref<!tpu.dma_semaphore, #tpu.memory_space<semaphore_mem>>
      %dma_start3A = arith.constant 327680 : i32
      %dma_start3A_70 = tpu.memref_slice %arg14[%dma_start3A] : memref<348160xf32, #tpu.memory_space<vmem_shared>> -> memref<20480xf32, #tpu.memory_space<vmem_shared>>
      %dma_start3A_71 = arith.constant 327680 : i32
      %dma_start3A_72 = tpu.memref_slice %arg14[%dma_start3A_71] : memref<348160xf32, #tpu.memory_space<vmem_shared>> -> memref<20480xf32, #tpu.memory_space<vmem_shared>>
      tpu.enqueue_dma source(%dma_start3A_72 : memref<20480xf32, #tpu.memory_space<vmem_shared>>) target(%arg7 : memref<20480xf32, #tpu.memory_space<vmem>>) target_semaphore(%run_scoped3A : memref<!tpu.dma_semaphore, #tpu.memory_space<semaphore_mem>>)
      %dma_wait3A = arith.constant 327680 : i32
      %dma_wait3A_73 = tpu.memref_slice %arg14[%dma_wait3A] : memref<348160xf32, #tpu.memory_space<vmem_shared>> -> memref<20480xf32, #tpu.memory_space<vmem_shared>>
      %dma_wait3A_74 = arith.constant 327680 : i32
      %dma_wait3A_75 = tpu.memref_slice %arg14[%dma_wait3A_74] : memref<348160xf32, #tpu.memory_space<vmem_shared>> -> memref<20480xf32, #tpu.memory_space<vmem_shared>>
      tpu.wait_dma2 semaphore(%run_scoped3A : memref<!tpu.dma_semaphore, #tpu.memory_space<semaphore_mem>>) src(%dma_wait3A_75 : memref<20480xf32, #tpu.memory_space<vmem_shared>>) dst(%arg7 : memref<20480xf32, #tpu.memory_space<vmem>>)
      tpu.yield
    }) : () -> ()
    %scan3A_34 = arith.constant 0 : i32
    %scan3A_35 = arith.constant 0 : i32
    %scan3A_36 = arith.constant 5 : i32
    %scan3A_37 = arith.addi %scan3A_35, %scan3A_36 : i32
    %scan3A_38 = arith.constant 1 : i32
    %scan3A_39 = scf.for %scan3A_70 = %scan3A_35 to %scan3A_37 step %scan3A_38 iter_args(%scan3A_71 = %scan3A_34) -> (i32)  : i32 {
      %mul3A_72 = arith.constant 10000 : i32
      %mul3A_73 = arith.muli %arg1, %mul3A_72 : i32
      %mul3A_74 = arith.constant 2000 : i32
      %mul3A_75 = arith.muli %scan3A_70, %mul3A_74 : i32
      %add3A_76 = arith.addi %mul3A_73, %mul3A_75 : i32
      "tpu.region"() ({
        %run_scoped3A = tpu.sem_alloc : memref<!tpu.dma_semaphore, #tpu.memory_space<semaphore_mem>>
        %dma_start3A = tpu.memref_slice %arg4[%add3A_76] : memref<160000xi32, #tpu.memory_space<hbm>> -> memref<2000xi32, #tpu.memory_space<hbm>>
        %dma_start3A_99 = tpu.memref_slice %arg4[%add3A_76] : memref<160000xi32, #tpu.memory_space<hbm>> -> memref<2000xi32, #tpu.memory_space<hbm>>
        tpu.enqueue_dma source(%dma_start3A_99 : memref<2000xi32, #tpu.memory_space<hbm>>) target(%arg9 : memref<2000xi32, #tpu.memory_space<vmem>>) target_semaphore(%run_scoped3A : memref<!tpu.dma_semaphore, #tpu.memory_space<semaphore_mem>>)
        %dma_wait3A = tpu.memref_slice %arg4[%add3A_76] : memref<160000xi32, #tpu.memory_space<hbm>> -> memref<2000xi32, #tpu.memory_space<hbm>>
        %dma_wait3A_100 = tpu.memref_slice %arg4[%add3A_76] : memref<160000xi32, #tpu.memory_space<hbm>> -> memref<2000xi32, #tpu.memory_space<hbm>>
        tpu.wait_dma2 semaphore(%run_scoped3A : memref<!tpu.dma_semaphore, #tpu.memory_space<semaphore_mem>>) src(%dma_wait3A_100 : memref<2000xi32, #tpu.memory_space<hbm>>) dst(%arg9 : memref<2000xi32, #tpu.memory_space<vmem>>)
        tpu.yield
      }) : () -> ()
      %scan3A_77 = arith.constant 0 : i32
      %scan3A_78 = arith.constant 0 : i32
      %scan3A_79 = arith.constant 125 : i32
      %scan3A_80 = arith.addi %scan3A_78, %scan3A_79 : i32
      %scan3A_81 = arith.constant 1 : i32
      %scan3A_82 = scf.for %scan3A_99 = %scan3A_78 to %scan3A_80 step %scan3A_81 iter_args(%scan3A_100 = %scan3A_77) -> (i32)  : i32 {
        %mul3A_101 = arith.constant 16 : i32
        %mul3A_102 = arith.muli %scan3A_99, %mul3A_101 : i32
        %get3A = arith.index_cast %mul3A_102 : i32 to index
        %get3A_103 = tpu.vector_load %arg9[%get3A] {strides = array<i32>} : memref<2000xi32, #tpu.memory_space<vmem>>, vector<16xi32>,
        %mul3A_104 = arith.constant 2000 : i32
        %mul3A_105 = arith.muli %scan3A_70, %mul3A_104 : i32
        %add3A_106 = arith.constant 0 : i32
        %add3A_107 = arith.addi %add3A_106, %mul3A_105 : i32
        %mul3A_108 = arith.constant 16 : i32
        %mul3A_109 = arith.muli %scan3A_99, %mul3A_108 : i32
        %add3A_110 = arith.addi %add3A_107, %mul3A_109 : i32
        %get3A_111 = arith.index_cast %add3A_110 : i32 to index
        %get3A_112 = tpu.vector_load %arg13[%get3A_111] {strides = array<i32>} : memref<20000xf32, #tpu.memory_space<vmem>>, vector<16xf32>,
        %mul3A_113 = arith.constant 2 : i32
        %mul3A_114 = vector.broadcast %mul3A_113 : i32 to vector<16xi32>
        %mul3A_115 = arith.muli %get3A_103, %mul3A_114 : vector<16xi32>
        %add3A_116 = arith.constant 0 : i32
        %add3A_117 = vector.broadcast %add3A_116 : i32 to vector<16xi32>
        %add3A_118 = arith.addi %mul3A_115, %add3A_117 : vector<16xi32>
        %gather3A = tpu.vector_load_idx %arg7[%add3A_118] : memref<20480xf32, #tpu.memory_space<vmem>>[vector<16xi32>], vector<16xf32>,
        %div3A = arith.divf %get3A_112, %gather3A : vector<16xf32>
        %mul3A_119 = arith.constant 16 : i32
        %mul3A_120 = arith.muli %scan3A_99, %mul3A_119 : i32
        %add3A_121 = arith.constant 0 : i32
        %add3A_122 = arith.addi %add3A_121, %mul3A_120 : i32
        %swap3A = arith.index_cast %add3A_122 : i32 to index
        %swap3A_123 = tpu.vector_load %arg10[%swap3A] {strides = array<i32>} : memref<4000xf32, #tpu.memory_space<vmem>>, vector<16xf32>,
        tpu.vector_store %arg10[%swap3A], %div3A {strides = array<i32>} : memref<4000xf32, #tpu.memory_space<vmem>>, vector<16xf32>,
        %mul3A_124 = arith.constant 2000 : i32
        %mul3A_125 = arith.muli %scan3A_70, %mul3A_124 : i32
        %add3A_126 = arith.constant 10000 : i32
        %add3A_127 = arith.addi %add3A_126, %mul3A_125 : i32
        %mul3A_128 = arith.constant 16 : i32
        %mul3A_129 = arith.muli %scan3A_99, %mul3A_128 : i32
        %add3A_130 = arith.addi %add3A_127, %mul3A_129 : i32
        %get3A_131 = arith.index_cast %add3A_130 : i32 to index
        %get3A_132 = tpu.vector_load %arg13[%get3A_131] {strides = array<i32>} : memref<20000xf32, #tpu.memory_space<vmem>>, vector<16xf32>,
        %mul3A_133 = arith.constant 2 : i32
        %mul3A_134 = vector.broadcast %mul3A_133 : i32 to vector<16xi32>
        %mul3A_135 = arith.muli %get3A_103, %mul3A_134 : vector<16xi32>
        %add3A_136 = arith.constant 1 : i32
        %add3A_137 = vector.broadcast %add3A_136 : i32 to vector<16xi32>
        %add3A_138 = arith.addi %mul3A_135, %add3A_137 : vector<16xi32>
        %gather3A_139 = tpu.vector_load_idx %arg7[%add3A_138] : memref<20480xf32, #tpu.memory_space<vmem>>[vector<16xi32>], vector<16xf32>,
        %div3A_140 = arith.divf %get3A_132, %gather3A_139 : vector<16xf32>
        %mul3A_141 = arith.constant 16 : i32
        %mul3A_142 = arith.muli %scan3A_99, %mul3A_141 : i32
        %add3A_143 = arith.constant 2000 : i32
        %add3A_144 = arith.addi %add3A_143, %mul3A_142 : i32
        %swap3A_145 = arith.index_cast %add3A_144 : i32 to index
        %swap3A_146 = tpu.vector_load %arg10[%swap3A_145] {strides = array<i32>} : memref<4000xf32, #tpu.memory_space<vmem>>, vector<16xf32>,
        tpu.vector_store %arg10[%swap3A_145], %div3A_140 {strides = array<i32>} : memref<4000xf32, #tpu.memory_space<vmem>>, vector<16xf32>,
        %scan3A_147 = arith.constant 0 : i32
        scf.yield %scan3A_147 : i32
      }
      %scan3A_83 = arith.constant 125 : i32
      %mul3A_84 = arith.constant 2 : i32
      %mul3A_85 = arith.muli %mul3A_84, %arg0 : i32
      %add3A_86 = arith.constant 0 : i32
      %add3A_87 = arith.addi %mul3A_85, %add3A_86 : i32
      %mul3A_88 = arith.constant 170240 : i32
      %mul3A_89 = arith.muli %add3A_87, %mul3A_88 : i32
      %add3A_90 = arith.addi %mul3A_89, %add3A_76 : i32
      "tpu.region"() ({
        %run_scoped3A = tpu.sem_alloc : memref<!tpu.dma_semaphore, #tpu.memory_space<semaphore_mem>>
        %dma_start3A = arith.constant 0 : i32
        %dma_start3A_99 = tpu.memref_slice %arg10[%dma_start3A] : memref<4000xf32, #tpu.memory_space<vmem>> -> memref<2000xf32, #tpu.memory_space<vmem>>
        %dma_start3A_100 = tpu.memref_slice %arg5[%add3A_90] : memref<680960xf32, #tpu.memory_space<hbm>> -> memref<2000xf32, #tpu.memory_space<hbm>>
        %dma_start3A_101 = tpu.memref_slice %arg5[%add3A_90] : memref<680960xf32, #tpu.memory_space<hbm>> -> memref<2000xf32, #tpu.memory_space<hbm>>
        %dma_start3A_102 = arith.constant 0 : i32
        %dma_start3A_103 = tpu.memref_slice %arg10[%dma_start3A_102] : memref<4000xf32, #tpu.memory_space<vmem>> -> memref<2000xf32, #tpu.memory_space<vmem>>
        tpu.enqueue_dma source(%dma_start3A_103 : memref<2000xf32, #tpu.memory_space<vmem>>) target(%dma_start3A_101 : memref<2000xf32, #tpu.memory_space<hbm>>) target_semaphore(%run_scoped3A : memref<!tpu.dma_semaphore, #tpu.memory_space<semaphore_mem>>)
        %dma_wait3A = arith.constant 0 : i32
        %dma_wait3A_104 = tpu.memref_slice %arg10[%dma_wait3A] : memref<4000xf32, #tpu.memory_space<vmem>> -> memref<2000xf32, #tpu.memory_space<vmem>>
        %dma_wait3A_105 = tpu.memref_slice %arg5[%add3A_90] : memref<680960xf32, #tpu.memory_space<hbm>> -> memref<2000xf32, #tpu.memory_space<hbm>>
        %dma_wait3A_106 = tpu.memref_slice %arg5[%add3A_90] : memref<680960xf32, #tpu.memory_space<hbm>> -> memref<2000xf32, #tpu.memory_space<hbm>>
        %dma_wait3A_107 = arith.constant 0 : i32
        %dma_wait3A_108 = tpu.memref_slice %arg10[%dma_wait3A_107] : memref<4000xf32, #tpu.memory_space<vmem>> -> memref<2000xf32, #tpu.memory_space<vmem>>
        tpu.wait_dma2 semaphore(%run_scoped3A : memref<!tpu.dma_semaphore, #tpu.memory_space<semaphore_mem>>) src(%dma_wait3A_108 : memref<2000xf32, #tpu.memory_space<vmem>>) dst(%dma_wait3A_106 : memref<2000xf32, #tpu.memory_space<hbm>>)
        tpu.yield
      }) : () -> ()
      %mul3A_91 = arith.constant 2 : i32
      %mul3A_92 = arith.muli %mul3A_91, %arg0 : i32
      %add3A_93 = arith.constant 1 : i32
      %add3A_94 = arith.addi %mul3A_92, %add3A_93 : i32
      %mul3A_95 = arith.constant 170240 : i32
      %mul3A_96 = arith.muli %add3A_94, %mul3A_95 : i32
      %add3A_97 = arith.addi %mul3A_96, %add3A_76 : i32
      "tpu.region"() ({
        %run_scoped3A = tpu.sem_alloc : memref<!tpu.dma_semaphore, #tpu.memory_space<semaphore_mem>>
        %dma_start3A = arith.constant 2000 : i32
        %dma_start3A_99 = tpu.memref_slice %arg10[%dma_start3A] : memref<4000xf32, #tpu.memory_space<vmem>> -> memref<2000xf32, #tpu.memory_space<vmem>>
        %dma_start3A_100 = tpu.memref_slice %arg5[%add3A_97] : memref<680960xf32, #tpu.memory_space<hbm>> -> memref<2000xf32, #tpu.memory_space<hbm>>
        %dma_start3A_101 = tpu.memref_slice %arg5[%add3A_97] : memref<680960xf32, #tpu.memory_space<hbm>> -> memref<2000xf32, #tpu.memory_space<hbm>>
        %dma_start3A_102 = arith.constant 2000 : i32
        %dma_start3A_103 = tpu.memref_slice %arg10[%dma_start3A_102] : memref<4000xf32, #tpu.memory_space<vmem>> -> memref<2000xf32, #tpu.memory_space<vmem>>
        tpu.enqueue_dma source(%dma_start3A_103 : memref<2000xf32, #tpu.memory_space<vmem>>) target(%dma_start3A_101 : memref<2000xf32, #tpu.memory_space<hbm>>) target_semaphore(%run_scoped3A : memref<!tpu.dma_semaphore, #tpu.memory_space<semaphore_mem>>)
        %dma_wait3A = arith.constant 2000 : i32
        %dma_wait3A_104 = tpu.memref_slice %arg10[%dma_wait3A] : memref<4000xf32, #tpu.memory_space<vmem>> -> memref<2000xf32, #tpu.memory_space<vmem>>
        %dma_wait3A_105 = tpu.memref_slice %arg5[%add3A_97] : memref<680960xf32, #tpu.memory_space<hbm>> -> memref<2000xf32, #tpu.memory_space<hbm>>
        %dma_wait3A_106 = tpu.memref_slice %arg5[%add3A_97] : memref<680960xf32, #tpu.memory_space<hbm>> -> memref<2000xf32, #tpu.memory_space<hbm>>
        %dma_wait3A_107 = arith.constant 2000 : i32
        %dma_wait3A_108 = tpu.memref_slice %arg10[%dma_wait3A_107] : memref<4000xf32, #tpu.memory_space<vmem>> -> memref<2000xf32, #tpu.memory_space<vmem>>
        tpu.wait_dma2 semaphore(%run_scoped3A : memref<!tpu.dma_semaphore, #tpu.memory_space<semaphore_mem>>) src(%dma_wait3A_108 : memref<2000xf32, #tpu.memory_space<vmem>>) dst(%dma_wait3A_106 : memref<2000xf32, #tpu.memory_space<hbm>>)
        tpu.yield
      }) : () -> ()
      %scan3A_98 = arith.constant 0 : i32
      scf.yield %scan3A_98 : i32
    }
    %scan3A_40 = arith.constant 5 : i32
    %scan3A_41 = arith.constant 0 : i32
    %scan3A_42 = arith.constant 0 : i32
    %scan3A_43 = arith.constant 40 : i32
    %scan3A_44 = arith.addi %scan3A_42, %scan3A_43 : i32
    %scan3A_45 = arith.constant 1 : i32
    %scan3A_46 = scf.for %scan3A_70 = %scan3A_42 to %scan3A_44 step %scan3A_45 iter_args(%scan3A_71 = %scan3A_41) -> (i32)  : i32 {
      %mul3A_72 = arith.constant 640 : i32
      %mul3A_73 = arith.muli %arg1, %mul3A_72 : i32
      %mul3A_74 = arith.constant 16 : i32
      %mul3A_75 = arith.muli %scan3A_70, %mul3A_74 : i32
      %add3A_76 = arith.addi %mul3A_73, %mul3A_75 : i32
      %iota3A = tpu.iota {dimensions = array<i32: 0>} : vector<16xi32>
      %add3A_77 = vector.broadcast %add3A_76 : i32 to vector<16xi32>
      %add3A_78 = arith.addi %add3A_77, %iota3A : vector<16xi32>
      %lt3A = arith.constant 10000 : i32
      %lt3A_79 = vector.broadcast %lt3A : i32 to vector<16xi32>
      %lt3A_80 = arith.cmpi slt, %add3A_78, %lt3A_79 : vector<16xi32>
      %jit3A = arith.constant 9999 : i32
      %broadcast_in_dim3A = vector.broadcast %jit3A : i32 to vector<16xi32>
      %select_n3A = arith.select %lt3A_80, %add3A_78, %broadcast_in_dim3A : vector<16xi1>, vector<16xi32>
      %mul3A_81 = arith.constant 4 : i32
      %mul3A_82 = vector.broadcast %mul3A_81 : i32 to vector<16xi32>
      %mul3A_83 = arith.muli %select_n3A, %mul3A_82 : vector<16xi32>
      %add3A_84 = arith.constant 0 : i32
      %add3A_85 = vector.broadcast %add3A_84 : i32 to vector<16xi32>
      %add3A_86 = arith.addi %mul3A_83, %add3A_85 : vector<16xi32>
      %gather3A = tpu.vector_load_idx %arg6[%add3A_86] : memref<40000xf32, #tpu.memory_space<vmem>>[vector<16xi32>], vector<16xf32>,
      %mul3A_87 = arith.constant 4 : i32
      %mul3A_88 = vector.broadcast %mul3A_87 : i32 to vector<16xi32>
      %mul3A_89 = arith.muli %select_n3A, %mul3A_88 : vector<16xi32>
      %add3A_90 = arith.constant 2 : i32
      %add3A_91 = vector.broadcast %add3A_90 : i32 to vector<16xi32>
      %add3A_92 = arith.addi %mul3A_89, %add3A_91 : vector<16xi32>
      %gather3A_93 = tpu.vector_load_idx %arg6[%add3A_92] : memref<40000xf32, #tpu.memory_space<vmem>>[vector<16xi32>], vector<16xf32>,
      %add3A_94 = arith.addf %gather3A, %gather3A_93 : vector<16xf32>
      %mul3A_95 = arith.constant 2.000000e-01 : f32
      %mul3A_96 = vector.broadcast %mul3A_95 : f32 to vector<16xf32>
      %mul3A_97 = arith.mulf %mul3A_96, %add3A_94 : vector<16xf32>
      %max3A = arith.maximumf %add3A_94, %mul3A_97 : vector<16xf32>
      %exp3A = math.exp %max3A : vector<16xf32>
      %mul3A_98 = arith.constant 2 : i32
      %mul3A_99 = vector.broadcast %mul3A_98 : i32 to vector<16xi32>
      %mul3A_100 = arith.muli %select_n3A, %mul3A_99 : vector<16xi32>
      %add3A_101 = arith.constant 0 : i32
      %add3A_102 = vector.broadcast %add3A_101 : i32 to vector<16xi32>
      %add3A_103 = arith.addi %mul3A_100, %add3A_102 : vector<16xi32>
      %gather3A_104 = tpu.vector_load_idx %arg7[%add3A_103] : memref<20480xf32, #tpu.memory_space<vmem>>[vector<16xi32>], vector<16xf32>,
      %div3A = arith.divf %exp3A, %gather3A_104 : vector<16xf32>
      %jit3A_105 = arith.constant 0.000000e+00 : f32
      %broadcast_in_dim3A_106 = vector.broadcast %jit3A_105 : f32 to vector<16xf32>
      %select_n3A_107 = arith.select %lt3A_80, %div3A, %broadcast_in_dim3A_106 : vector<16xi1>, vector<16xf32>
      %mul3A_108 = arith.constant 16 : i32
      %mul3A_109 = arith.muli %scan3A_70, %mul3A_108 : i32
      %add3A_110 = arith.constant 0 : i32
      %add3A_111 = arith.addi %add3A_110, %mul3A_109 : i32
      %swap3A = arith.index_cast %add3A_111 : i32 to index
      %swap3A_112 = tpu.vector_load %arg10[%swap3A] {strides = array<i32>} : memref<4000xf32, #tpu.memory_space<vmem>>, vector<16xf32>,
      tpu.vector_store %arg10[%swap3A], %select_n3A_107 {strides = array<i32>} : memref<4000xf32, #tpu.memory_space<vmem>>, vector<16xf32>,
      %mul3A_113 = arith.constant 4 : i32
      %mul3A_114 = vector.broadcast %mul3A_113 : i32 to vector<16xi32>
      %mul3A_115 = arith.muli %select_n3A, %mul3A_114 : vector<16xi32>
      %add3A_116 = arith.constant 1 : i32
      %add3A_117 = vector.broadcast %add3A_116 : i32 to vector<16xi32>
      %add3A_118 = arith.addi %mul3A_115, %add3A_117 : vector<16xi32>
      %gather3A_119 = tpu.vector_load_idx %arg6[%add3A_118] : memref<40000xf32, #tpu.memory_space<vmem>>[vector<16xi32>], vector<16xf32>,
      %mul3A_120 = arith.constant 4 : i32
      %mul3A_121 = vector.broadcast %mul3A_120 : i32 to vector<16xi32>
      %mul3A_122 = arith.muli %select_n3A, %mul3A_121 : vector<16xi32>
      %add3A_123 = arith.constant 3 : i32
      %add3A_124 = vector.broadcast %add3A_123 : i32 to vector<16xi32>
      %add3A_125 = arith.addi %mul3A_122, %add3A_124 : vector<16xi32>
      %gather3A_126 = tpu.vector_load_idx %arg6[%add3A_125] : memref<40000xf32, #tpu.memory_space<vmem>>[vector<16xi32>], vector<16xf32>,
      %add3A_127 = arith.addf %gather3A_119, %gather3A_126 : vector<16xf32>
      %mul3A_128 = arith.constant 2.000000e-01 : f32
      %mul3A_129 = vector.broadcast %mul3A_128 : f32 to vector<16xf32>
      %mul3A_130 = arith.mulf %mul3A_129, %add3A_127 : vector<16xf32>
      %max3A_131 = arith.maximumf %add3A_127, %mul3A_130 : vector<16xf32>
      %exp3A_132 = math.exp %max3A_131 : vector<16xf32>
      %mul3A_133 = arith.constant 2 : i32
      %mul3A_134 = vector.broadcast %mul3A_133 : i32 to vector<16xi32>
      %mul3A_135 = arith.muli %select_n3A, %mul3A_134 : vector<16xi32>
      %add3A_136 = arith.constant 1 : i32
      %add3A_137 = vector.broadcast %add3A_136 : i32 to vector<16xi32>
      %add3A_138 = arith.addi %mul3A_135, %add3A_137 : vector<16xi32>
      %gather3A_139 = tpu.vector_load_idx %arg7[%add3A_138] : memref<20480xf32, #tpu.memory_space<vmem>>[vector<16xi32>], vector<16xf32>,
      %div3A_140 = arith.divf %exp3A_132, %gather3A_139 : vector<16xf32>
      %jit3A_141 = arith.constant 0.000000e+00 : f32
      %broadcast_in_dim3A_142 = vector.broadcast %jit3A_141 : f32 to vector<16xf32>
      %select_n3A_143 = arith.select %lt3A_80, %div3A_140, %broadcast_in_dim3A_142 : vector<16xi1>, vector<16xf32>
      %mul3A_144 = arith.constant 16 : i32
      %mul3A_145 = arith.muli %scan3A_70, %mul3A_144 : i32
      %add3A_146 = arith.constant 2000 : i32
      %add3A_147 = arith.addi %add3A_146, %mul3A_145 : i32
      %swap3A_148 = arith.index_cast %add3A_147 : i32 to index
      %swap3A_149 = tpu.vector_load %arg10[%swap3A_148] {strides = array<i32>} : memref<4000xf32, #tpu.memory_space<vmem>>, vector<16xf32>,
      tpu.vector_store %arg10[%swap3A_148], %select_n3A_143 {strides = array<i32>} : memref<4000xf32, #tpu.memory_space<vmem>>, vector<16xf32>,
      %scan3A_150 = arith.constant 0 : i32
      scf.yield %scan3A_150 : i32
    }
    %scan3A_47 = arith.constant 40 : i32
    %mul3A_48 = arith.constant 2 : i32
    %mul3A_49 = arith.muli %mul3A_48, %arg0 : i32
    %add3A_50 = arith.constant 0 : i32
    %add3A_51 = arith.addi %mul3A_49, %add3A_50 : i32
    %mul3A_52 = arith.constant 170240 : i32
    %mul3A_53 = arith.muli %add3A_51, %mul3A_52 : i32
    %add3A_54 = arith.constant 160000 : i32
    %add3A_55 = arith.addi %mul3A_53, %add3A_54 : i32
    %mul3A_56 = arith.constant 640 : i32
    %mul3A_57 = arith.muli %arg1, %mul3A_56 : i32
    %add3A_58 = arith.addi %add3A_55, %mul3A_57 : i32
    "tpu.region"() ({
      %run_scoped3A = tpu.sem_alloc : memref<!tpu.dma_semaphore, #tpu.memory_space<semaphore_mem>>
      %dma_start3A = arith.constant 0 : i32
      %dma_start3A_70 = tpu.memref_slice %arg10[%dma_start3A] : memref<4000xf32, #tpu.memory_space<vmem>> -> memref<640xf32, #tpu.memory_space<vmem>>
      %dma_start3A_71 = tpu.memref_slice %arg5[%add3A_58] : memref<680960xf32, #tpu.memory_space<hbm>> -> memref<640xf32, #tpu.memory_space<hbm>>
      %dma_start3A_72 = tpu.memref_slice %arg5[%add3A_58] : memref<680960xf32, #tpu.memory_space<hbm>> -> memref<640xf32, #tpu.memory_space<hbm>>
      %dma_start3A_73 = arith.constant 0 : i32
      %dma_start3A_74 = tpu.memref_slice %arg10[%dma_start3A_73] : memref<4000xf32, #tpu.memory_space<vmem>> -> memref<640xf32, #tpu.memory_space<vmem>>
      tpu.enqueue_dma source(%dma_start3A_74 : memref<640xf32, #tpu.memory_space<vmem>>) target(%dma_start3A_72 : memref<640xf32, #tpu.memory_space<hbm>>) target_semaphore(%run_scoped3A : memref<!tpu.dma_semaphore, #tpu.memory_space<semaphore_mem>>)
      %dma_wait3A = arith.constant 0 : i32
      %dma_wait3A_75 = tpu.memref_slice %arg10[%dma_wait3A] : memref<4000xf32, #tpu.memory_space<vmem>> -> memref<640xf32, #tpu.memory_space<vmem>>
      %dma_wait3A_76 = tpu.memref_slice %arg5[%add3A_58] : memref<680960xf32, #tpu.memory_space<hbm>> -> memref<640xf32, #tpu.memory_space<hbm>>
      %dma_wait3A_77 = tpu.memref_slice %arg5[%add3A_58] : memref<680960xf32, #tpu.memory_space<hbm>> -> memref<640xf32, #tpu.memory_space<hbm>>
      %dma_wait3A_78 = arith.constant 0 : i32
      %dma_wait3A_79 = tpu.memref_slice %arg10[%dma_wait3A_78] : memref<4000xf32, #tpu.memory_space<vmem>> -> memref<640xf32, #tpu.memory_space<vmem>>
      tpu.wait_dma2 semaphore(%run_scoped3A : memref<!tpu.dma_semaphore, #tpu.memory_space<semaphore_mem>>) src(%dma_wait3A_79 : memref<640xf32, #tpu.memory_space<vmem>>) dst(%dma_wait3A_77 : memref<640xf32, #tpu.memory_space<hbm>>)
      tpu.yield
    }) : () -> ()
    %mul3A_59 = arith.constant 2 : i32
    %mul3A_60 = arith.muli %mul3A_59, %arg0 : i32
    %add3A_61 = arith.constant 1 : i32
    %add3A_62 = arith.addi %mul3A_60, %add3A_61 : i32
    %mul3A_63 = arith.constant 170240 : i32
    %mul3A_64 = arith.muli %add3A_62, %mul3A_63 : i32
    %add3A_65 = arith.constant 160000 : i32
    %add3A_66 = arith.addi %mul3A_64, %add3A_65 : i32
    %mul3A_67 = arith.constant 640 : i32
    %mul3A_68 = arith.muli %arg1, %mul3A_67 : i32
    %add3A_69 = arith.addi %add3A_66, %mul3A_68 : i32
    "tpu.region"() ({
      %run_scoped3A = tpu.sem_alloc : memref<!tpu.dma_semaphore, #tpu.memory_space<semaphore_mem>>
      %dma_start3A = arith.constant 2000 : i32
      %dma_start3A_70 = tpu.memref_slice %arg10[%dma_start3A] : memref<4000xf32, #tpu.memory_space<vmem>> -> memref<640xf32, #tpu.memory_space<vmem>>
      %dma_start3A_71 = tpu.memref_slice %arg5[%add3A_69] : memref<680960xf32, #tpu.memory_space<hbm>> -> memref<640xf32, #tpu.memory_space<hbm>>
      %dma_start3A_72 = tpu.memref_slice %arg5[%add3A_69] : memref<680960xf32, #tpu.memory_space<hbm>> -> memref<640xf32, #tpu.memory_space<hbm>>
      %dma_start3A_73 = arith.constant 2000 : i32
      %dma_start3A_74 = tpu.memref_slice %arg10[%dma_start3A_73] : memref<4000xf32, #tpu.memory_space<vmem>> -> memref<640xf32, #tpu.memory_space<vmem>>
      tpu.enqueue_dma source(%dma_start3A_74 : memref<640xf32, #tpu.memory_space<vmem>>) target(%dma_start3A_72 : memref<640xf32, #tpu.memory_space<hbm>>) target_semaphore(%run_scoped3A : memref<!tpu.dma_semaphore, #tpu.memory_space<semaphore_mem>>)
      %dma_wait3A = arith.constant 2000 : i32
      %dma_wait3A_75 = tpu.memref_slice %arg10[%dma_wait3A] : memref<4000xf32, #tpu.memory_space<vmem>> -> memref<640xf32, #tpu.memory_space<vmem>>
      %dma_wait3A_76 = tpu.memref_slice %arg5[%add3A_69] : memref<680960xf32, #tpu.memory_space<hbm>> -> memref<640xf32, #tpu.memory_space<hbm>>
      %dma_wait3A_77 = tpu.memref_slice %arg5[%add3A_69] : memref<680960xf32, #tpu.memory_space<hbm>> -> memref<640xf32, #tpu.memory_space<hbm>>
      %dma_wait3A_78 = arith.constant 2000 : i32
      %dma_wait3A_79 = tpu.memref_slice %arg10[%dma_wait3A_78] : memref<4000xf32, #tpu.memory_space<vmem>> -> memref<640xf32, #tpu.memory_space<vmem>>
      tpu.wait_dma2 semaphore(%run_scoped3A : memref<!tpu.dma_semaphore, #tpu.memory_space<semaphore_mem>>) src(%dma_wait3A_79 : memref<640xf32, #tpu.memory_space<vmem>>) dst(%dma_wait3A_77 : memref<640xf32, #tpu.memory_space<hbm>>)
      tpu.yield
    }) : () -> ()
    return
  }
}

module attributes {stable_mosaic.version = 14 : i64} {
  func.func @_matmul_body(%arg0: i32, %arg1: i32, %arg2: memref<1000x256xf32, #tpu.memory_space<vmem>>, %arg3: memref<256x128xf32, #tpu.memory_space<vmem>>, %arg4: memref<1x1000x128xf32, #tpu.memory_space<vmem>>, %arg5: memref<2x1000x4xf32, #tpu.memory_space<vmem>>) attributes {dimension_semantics = [#tpu.dimension_semantics<arbitrary>, #tpu.dimension_semantics<arbitrary>], iteration_bounds = array<i64: 10, 9>, scalar_prefetch = 0 : i64, scratch_operands = 0 : i64, tpu.core_type = #tpu.core_type<tc>, window_params = [{transform_indices = @transform_0, window_bounds = array<i64: 1000, 256>}, {transform_indices = @transform_1, window_bounds = array<i64: 256, 128>}, {transform_indices = @transform_2, window_bounds = array<i64: 1, 1000, 128>}, {transform_indices = @transform_3, window_bounds = array<i64: 2, 1000, 4>}]} {
    %get3A = arith.constant 0 : index
    %get3A_0 = arith.constant 0 : index
    %get3A_1 = vector.load %arg2[%get3A, %get3A_0] : memref<1000x256xf32, #tpu.memory_space<vmem>>, vector<1000x256xf32>
    %get3A_2 = arith.constant 0 : index
    %get3A_3 = arith.constant 0 : index
    %get3A_4 = vector.load %arg3[%get3A_2, %get3A_3] : memref<256x128xf32, #tpu.memory_space<vmem>>, vector<256x128xf32>
    %dot_general3A = arith.constant dense<0.000000e+00> : vector<1000x128xf32>
    %dot_general3A_5 = tpu.matmul %get3A_1, %get3A_4, %dot_general3A {dimension_numbers = #tpu.dot_dimension_numbers<[1], [0], [0], [1], [0, 0, 1, 1], [], []>, transpose_lhs_hint = false} : vector<1000x256xf32>, vector<256x128xf32>, vector<1000x128xf32> -> vector<1000x128xf32>
    %swap3A = arith.constant 0 : index
    %swap3A_6 = arith.constant 0 : index
    %swap3A_7 = arith.constant 0 : index
    %swap3A_8 = vector.load %arg4[%swap3A, %swap3A_6, %swap3A_7] : memref<1x1000x128xf32, #tpu.memory_space<vmem>>, vector<1x1000x128xf32>
    %swap3A_9 = vector.shape_cast %swap3A_8 : vector<1x1000x128xf32> to vector<1000x128xf32>
    %swap3A_10 = vector.shape_cast %dot_general3A_5 : vector<1000x128xf32> to vector<1x1000x128xf32>
    tpu.vector_store %arg4[%swap3A, %swap3A_6, %swap3A_7], %swap3A_10 {strides = array<i32>} : memref<1x1000x128xf32, #tpu.memory_space<vmem>>, vector<1x1000x128xf32>,
    %eq3A = arith.constant 8 : i32
    %eq3A_11 = arith.cmpi eq, %arg1, %eq3A : i32
    %convert_element_type3A = arith.extui %eq3A_11 : i1 to i32
    %cond3A = arith.constant 0 : i32
    %cond3A_12 = arith.cmpi ne, %convert_element_type3A, %cond3A : i32
    scf.if %cond3A_12 {
      %get3A_13 = arith.constant 0 : index
      %get3A_14 = arith.constant 0 : index
      %get3A_15 = vector.load %arg2[%get3A_13, %get3A_14] : memref<1000x256xf32, #tpu.memory_space<vmem>>, vector<1000x256xf32>
      %get3A_16 = arith.constant 0 : index
      %get3A_17 = arith.constant 0 : index
      %get3A_18 = vector.load %arg3[%get3A_16, %get3A_17] : memref<256x128xf32, #tpu.memory_space<vmem>>, vector<256x4xf32>
      %dot_general3A_19 = arith.constant dense<0.000000e+00> : vector<1000x4xf32>
      %dot_general3A_20 = tpu.matmul %get3A_15, %get3A_18, %dot_general3A_19 {dimension_numbers = #tpu.dot_dimension_numbers<[1], [0], [0], [1], [0, 0, 1, 1], [], []>, transpose_lhs_hint = false} : vector<1000x256xf32>, vector<256x4xf32>, vector<1000x4xf32> -> vector<1000x4xf32>
      %swap3A_21 = arith.constant 0 : index
      %swap3A_22 = arith.constant 0 : index
      %swap3A_23 = arith.constant 0 : index
      %swap3A_24 = vector.load %arg5[%swap3A_21, %swap3A_22, %swap3A_23] : memref<2x1000x4xf32, #tpu.memory_space<vmem>>, vector<1x1000x4xf32>
      %swap3A_25 = vector.shape_cast %swap3A_24 : vector<1x1000x4xf32> to vector<1000x4xf32>
      %swap3A_26 = vector.shape_cast %dot_general3A_20 : vector<1000x4xf32> to vector<1x1000x4xf32>
      tpu.vector_store %arg5[%swap3A_21, %swap3A_22, %swap3A_23], %swap3A_26 {strides = array<i32>} : memref<2x1000x4xf32, #tpu.memory_space<vmem>>, vector<1x1000x4xf32>,
      %get3A_27 = arith.constant 0 : index
      %get3A_28 = arith.constant 0 : index
      %get3A_29 = vector.load %arg2[%get3A_27, %get3A_28] : memref<1000x256xf32, #tpu.memory_space<vmem>>, vector<1000x256xf32>
      %get3A_30 = arith.constant 0 : index
      %get3A_31 = arith.constant 4 : index
      %get3A_32 = vector.load %arg3[%get3A_30, %get3A_31] : memref<256x128xf32, #tpu.memory_space<vmem>>, vector<256x4xf32>
      %dot_general3A_33 = arith.constant dense<0.000000e+00> : vector<1000x4xf32>
      %dot_general3A_34 = tpu.matmul %get3A_29, %get3A_32, %dot_general3A_33 {dimension_numbers = #tpu.dot_dimension_numbers<[1], [0], [0], [1], [0, 0, 1, 1], [], []>, transpose_lhs_hint = false} : vector<1000x256xf32>, vector<256x4xf32>, vector<1000x4xf32> -> vector<1000x4xf32>
      %swap3A_35 = arith.constant 1 : index
      %swap3A_36 = arith.constant 0 : index
      %swap3A_37 = arith.constant 0 : index
      %swap3A_38 = vector.load %arg5[%swap3A_35, %swap3A_36, %swap3A_37] : memref<2x1000x4xf32, #tpu.memory_space<vmem>>, vector<1x1000x4xf32>
      %swap3A_39 = vector.shape_cast %swap3A_38 : vector<1x1000x4xf32> to vector<1000x4xf32>
      %swap3A_40 = vector.shape_cast %dot_general3A_34 : vector<1000x4xf32> to vector<1x1000x4xf32>
      tpu.vector_store %arg5[%swap3A_35, %swap3A_36, %swap3A_37], %swap3A_40 {strides = array<i32>} : memref<2x1000x4xf32, #tpu.memory_space<vmem>>, vector<1x1000x4xf32>,
    } else {
    }
    return
  }
  func.func @transform_0(%arg0: i32, %arg1: i32) -> (i32, i32) {
    %c0_i32 = arith.constant 0 : i32
    %c0_i32_0 = arith.constant 0 : i32
    return %arg0, %c0_i32 : i32, i32
  }
  func.func @transform_1(%arg0: i32, %arg1: i32) -> (i32, i32) {
    %c0_i32 = arith.constant 0 : i32
    %c0_i32_0 = arith.constant 0 : i32
    return %c0_i32, %arg1 : i32, i32
  }
  func.func @transform_2(%arg0: i32, %arg1: i32) -> (i32, i32, i32) {
    %c0_i32 = arith.constant 0 : i32
    %c0_i32_0 = arith.constant 0 : i32
    return %arg1, %arg0, %c0_i32 : i32, i32, i32
  }
  func.func @transform_3(%arg0: i32, %arg1: i32) -> (i32, i32, i32) {
    %c0_i32 = arith.constant 0 : i32
    %c0_i32_0 = arith.constant 0 : i32
    %c0_i32_1 = arith.constant 0 : i32
    return %c0_i32, %arg0, %c0_i32_0 : i32, i32, i32
  }
}

</mosaic_0001>

<sc_bundles>
// kernel: kernel.5.cloned.1.call-start
scs
__scs_entry_jumppad:
0x0: {  	(pc) =	sbr.rel $0x88, $3  }
0x1: {  	(tag) =	ssettag $0x0;
	lr =	simm.s32 $0x1  }
0x2: {  	[smem:$0x3F9B] =	sst lr;
	_ =	strace $0xD0000000  }
0x3: {  	_ = 	snop  }
0x4: {  	_ = 	snop  }
0x5: {  	_ = 	snop  }
0x6: {  	_ = 	snop  }
0x7: {  	_ = 	snop  }
__scs_overlays_trampoline_lowered:
0x8: {  	[smem:$0x3FAA] =	sst s0  }
0x9: {  	[smem:$0x3FAB] =	sst s1  }
0xa: {  	[smem:$0x3FAC] =	sst s2  }
0xb: {  	[smem:$0x3FAD] =	sst s3  }
0xc: {  	[smem:$0x3FAE] =	sst s4  }
0xd: {  	[smem:$0x3FAF] =	sst s5  }
0xe: {  	[smem:$0x3FB0] =	sst s6  }
0xf: {  	[smem:$0x3FB1] =	sst s7  }
0x10: {  	[smem:$0x3FB2] =	sst s8  }
0x11: {  	[smem:$0x3FB3] =	sst s9;
	s0 =	simm.s32 @!p0 $0x0  }
0x12: {  	s1 =	sld [smem:$0x3F99];
	s0 =	simm.s32 @p0 $0x1  }
0x13: {  	[smem:$0x3FB4] =	sst s0;
	s0 =	simm.s32 @!p1 $0x0  }
0x14: {  	s2 =	sld [smem:$0x3F98];
	s0 =	simm.s32 @p1 $0x1  }
0x15: {  	[smem:$0x3FB5] =	sst s0;
	s0 =	simm.s32 @!p2 $0x0  }
0x16: {  	s3 =	sld [smem:$0x3FDB];
	s0 =	simm.s32 @p2 $0x1  }
0x17: {  	s4 =	simm.s32 $0x1BF5;
	[smem:$0x3FB7] =	sst s0  }
0x18: {  	s0 =	sld [smem:$0x3F9A];
	_ =	swait.ge [sflag:s4], $0x0  }
0x19: {  	s7 =	sld [smem:$0x3F9B]  }
0x1a: {  	s8 =	sadd.s32 $0xFFFFE003, lr  }
0x1b: {  	s9 =	sadd.s32 $0xFFFFFEF7, lr;
	s5 =	simm.s32 $0xFFFFFFFF;
	p2 =	slt.u32 s8, $0xFFFFF086  }
0x1c: {  	p1 =	slt.u32 s9, $0xF7A;
	s5 =	simm.s32 @!p2 $0x0  }
0x1d: {  	s5 =	simm.s32 @p1 $0x1;
	p0 =	seq.s32 s7, s2  }
0x1e: {  	s7 =	smul.u32 @!p0 $0xF7A, s2;
	p2 =	seq.s32 @!p0 s5, $0x0  }
0x1f: {  	s9 =	smul.u32 $0xF7A, s1;
	s8 =	simm.s32 @!p0 $0x1BF5;
	p2 =	por !p2, p0  }
0x20: {  	[sflag:s8] =	ssyncset.s32 @!p0 $0xFFFFF086;
	s6 =	sadd.s32 @!p0 s3, s7;
	s7 =	simm.s32 @!p0 $0x108  }
0x21: {  	s3 =	sadd.s32 s3, s9;
	s6 =	sadd.s32 @!p0 $0x88, s6;
	s7 =	simm.s32 @p2 $0x1082  }
0x22: {  	[simem:s7], [sflag:s8] =	dma.local @!p0 [hbm:s6], $0xF7A  }
0x23: {  	s9 =	sor.u32 $0xD0000000, s2;
	s6 =	simm.s32 $0x108;
	_ =	swait.ge @!p0 [sflag:s8], $0x0  }
0x24: {  	s3 =	sadd.s32 $0x88, s3;
	s6 =	simm.s32 @!p1 $0x1082;
	[sflag:s4] =	ssyncset.s32 $0xFFFFF086  }
0x25: {  	[simem:s6], [sflag:s4] =	dma.local [hbm:s3], $0xF7A  }
0x26: {  	[smem:$0x3F9B] =	sst s1;
	(tag) =	ssettag s2;
	_ =	strace s9  }
0x27: {  	s1 =	sld [smem:$0x3FAB]  }
0x28: {  	s2 =	sld [smem:$0x3FAC]  }
0x29: {  	s4 =	sld [smem:$0x3FAE]  }
0x2a: {  	p0 =	seq.s32 s5, $0x0;
	s5 =	sld [smem:$0x3FAF]  }
0x2b: {  	s6 =	sld [smem:$0x3FB0]  }
0x2c: {  	s7 =	sld [smem:$0x3FB1]  }
0x2d: {  	s3 =	simm.s32 $0x108;
	s8 =	sld [smem:$0x3FB2]  }
0x2e: {  	s3 =	simm.s32 @!p0 $0x1082;
	s9 =	sld [smem:$0x3FB3]  }
0x2f: {  	lr =	sadd.s32 s0, s3;
	s0 =	sld [smem:$0x3FAA]  }
0x30: {  	s3 =	sld [smem:$0x3FAD]  }
0x31: {  	[smem:$0x3FB6] =	sst s10  }
0x32: {  	s10 =	sld [smem:$0x3FB4];
	_ =	sdelay $0x3  }
0x33: {  	p0 =	seq.s32 s10, $0x1;
	s10 =	sld [smem:$0x3FB6];
	_ =	sdelay $0x3  }
0x34: {  	[smem:$0x3FB6] =	sst s10  }
0x35: {  	s10 =	sld [smem:$0x3FB5];
	_ =	sdelay $0x3  }
0x36: {  	p1 =	seq.s32 s10, $0x1;
	s10 =	sld [smem:$0x3FB6];
	_ =	sdelay $0x3  }
0x37: {  	[smem:$0x3FB6] =	sst s10  }
0x38: {  	s10 =	sld [smem:$0x3FB7]  }
0x39: {  	_ = 	snop;
	(pc) =	sbr.ind lr, $3  }
0x3a: {  	_ = 	snop  }
0x3b: {  	_ = 	snop  }
0x3c: {  	p2 =	seq.s32 s10, $0x1;
	s10 =	sld [smem:$0x3FB6]  }
0x3d: {  	_ =	shalt  }
0x3e: {  	_ =	shalt  }
0x3f: {  	_ =	shalt  }
0x40: {  	_ =	shalt  }
0x41: {  	_ =	shalt  }
0x42: {  	_ =	shalt  }
0x43: {  	_ =	shalt  }
0x44: {  	_ =	shalt  }
0x45: {  	_ =	shalt  }
0x46: {  	_ =	shalt  }
0x47: {  	_ =	shalt  }
0x48: {  	_ =	shalt  }
0x49: {  	_ =	shalt  }
0x4a: {  	_ =	shalt  }
0x4b: {  	_ =	shalt  }
0x4c: {  	_ =	shalt  }
0x4d: {  	_ =	shalt  }
0x4e: {  	_ =	shalt  }
0x4f: {  	_ =	shalt  }
0x50: {  	_ =	shalt  }
0x51: {  	_ =	shalt  }
0x52: {  	_ =	shalt  }
0x53: {  	_ =	shalt  }
0x54: {  	_ =	shalt  }
0x55: {  	_ =	shalt  }
0x56: {  	_ =	shalt  }
0x57: {  	_ =	shalt  }
0x58: {  	_ =	shalt  }
0x59: {  	_ =	shalt  }
0x5a: {  	_ =	shalt  }
0x5b: {  	_ =	shalt  }
0x5c: {  	_ =	shalt  }
0x5d: {  	_ =	shalt  }
0x5e: {  	_ =	shalt  }
0x5f: {  	_ =	shalt  }
0x60: {  	_ =	shalt  }
0x61: {  	_ =	shalt  }
0x62: {  	_ =	shalt  }
0x63: {  	_ =	shalt  }
0x64: {  	_ =	shalt  }
0x65: {  	_ =	shalt  }
0x66: {  	_ =	shalt  }
0x67: {  	_ =	shalt  }
0x68: {  	_ =	shalt  }
0x69: {  	_ =	shalt  }
0x6a: {  	_ =	shalt  }
0x6b: {  	_ =	shalt  }
0x6c: {  	_ =	shalt  }
0x6d: {  	_ =	shalt  }
0x6e: {  	_ =	shalt  }
0x6f: {  	_ =	shalt  }
0x70: {  	_ =	shalt  }
0x71: {  	_ =	shalt  }
0x72: {  	_ =	shalt  }
0x73: {  	_ =	shalt  }
0x74: {  	_ =	shalt  }
0x75: {  	_ =	shalt  }
0x76: {  	_ =	shalt  }
0x77: {  	_ =	shalt  }
0x78: {  	_ =	shalt  }
0x79: {  	_ =	shalt  }
0x7a: {  	_ =	shalt  }
0x7b: {  	_ =	shalt  }
0x7c: {  	_ =	shalt  }
0x7d: {  	_ =	shalt  }
0x7e: {  	_ =	shalt  }
0x7f: {  	_ =	shalt  }
0x80: {  	_ =	shalt  }
0x81: {  	_ =	shalt  }
0x82: {  	_ =	shalt  }
0x83: {  	_ =	shalt  }
0x84: {  	_ =	shalt  }
0x85: {  	_ =	shalt  }
0x86: {  	_ =	shalt  }
0x87: {  	_ =	shalt  }
.Lfunc_end0:
.L_simem_size_0:
called_computation_lowered:
.L_overlay_start_0:
0x88: {  	s2 =	sld [smem:$0x3FD9]  }
0x89: {  	s3 =	sld [smem:$0x3FFE];
	_ =	sdelay $0x1  }
0x8a: {  	s1 =	srdreg.scid  }
0x8b: {  	s0 =	sand.u32 $0x1, s1  }
0x8c: {  	s17 =	sshll.u32 s0, $0xA;
	s2 =	sadd.s32 s3, s2  }
0x8d: {  	s2 =	sadd.s32 s2, s17  }
0x8e: {  	[smem:$0x3FC2] =	sst s2  }
0x8f: {  	_ = 	snop  }
0x90: {  	s2 =	sld [smem:$0x3FD0];
	(tm) =	ssettm $0x1  }
0x91: {  	s18 =	sld [smem:$0x3FFB];
	_ =	sdelay $0x3  }
0x92: {  	_ =	strace s18  }
0x93: {  	s3 =	sld [smem:$0x3FFC];
	_ =	sdelay $0x3  }
0x94: {  	_ =	strace s3  }
0x95: {  	s3 =	sld [smem:$0x3FFD];
	_ =	sdelay $0x3  }
0x96: {  	_ =	strace s3  }
0x97: {  	_ =	strace $0x8FFFFFFF  }
0x98: {  	s19 =	sld [smem:$0x3FDB];
	_ =	sdelay $0x1  }
0x99: {  	s4 =	simm.s32 $_scs_section_size  }
0x9a: {  	s5 =	simm.s32 $_size__tile_overlayer_lowered;
	s6 =	simm.s32 $_tile_overlayer_lowered  }
0x9b: {  	s22 =	simm.s32 $0x1BFF;
	s21 =	sshll.u32 s6, $0x1;
	s3 =	sadd.s32 s4, s19  }
0x9c: {  	s7 =	simm.s32 $0x0;
	s20 =	sshll.u32 s5, $0x1;
	s5 =	sadd.s32 s21, s3  }
0x9d: {  	[timem:s7], [sflag:s22] =	dma.local [hbm:s5], s20  }
0x9e: {  	_ =	swait.ge [sflag:s22], s20  }
0x9f: {  	s4 =	ssub.s32 $0x0, s20;
	[sflag:s22] =	ssyncset.done $0x0  }
0xa0: {  	[sflag:s22] =	ssyncadd.s32 s4;
	_ =	sdelay $0x1  }
0xa1: {  	s23 =	simm.s32 $0x1B8B  }
0xa2: {  	_ =	swait.ge [sflag:s23], $0x1  }
0xa3: {  	[sflag:s23] =	ssyncset.done $0x0  }
0xa4: {  	s25 =	simm.s32 $0x1B8E;
	s24 =	sld [smem:$0x3FFE];
	[sflag:s23] =	ssyncadd.s32 $0xFFFFFFFF  }
0xa5: {  	s26 =	simm.s32 $execute0_lowered;
	[smem:$0x3FD2] =	sst s25  }
0xa6: {  	s5 =	sshll.u32 s26, $0x1;
	_ =	strace $0x80000046;
	[dreg:$0x1] =	wrdreg $0xFFFFFFFF  }
0xa7: {  	s28 =	simm.s32 $_size_execute0_lowered;
	s3 =	sadd.s32 s3, s5;
	[dreg:$0x0] =	wrdreg $0x0  }
0xa8: {  	s5 =	sshll.u32 s28, $0x1;
	[dreg:$0x2] =	wrdreg s3  }
0xa9: {  	[dreg:$0x3] =	wrdreg s5  }
0xaa: {  	[dreg:$0x4] =	wrdreg $0xC0  }
0xab: {  	_ =	task [dreg:s7], $0x5FFFF  }
0xac: {  	[dreg:$0x1] =	wrdreg $0xFFFFFFFF  }
0xad: {  	[dreg:$0x0] =	wrdreg $0x60  }
0xae: {  	[dreg:$0x2] =	wrdreg s2  }
0xaf: {  	[dreg:$0x3] =	wrdreg s24  }
0xb0: {  	[dreg:$0x4] =	wrdreg $0x165000  }
0xb1: {  	[dreg:$0x5] =	wrdreg $0x9  }
0xb2: {  	_ =	task.clear_ibuf [dreg:s7], $0x6FFFF;
	_ =	strace $0x90000046  }
0xb3: {  	s29 =	simm.s32 $0x9;
	_ =	strace $0x80000048  }
0xb4: {  	_ =	swait.ge [sflag:s29], $0x1  }
0xb5: {  	[sflag:s29] =	ssyncadd.s32 $0xFFFFFFFF  }
0xb6: {  	_ =	strace $0x90000048  }
0xb7: {  	_ =	sfence  }
0xb8: {  	s30 =	sld [smem:$0x0];
	_ =	sdelay $0x2  }
0xb9: {  	s31 =	sshll.u32 s1, $0xD;
	s1 =	sshrl.u32 s1, $0x2  }
0xba: {  	s3 =	sand.u32 $0x4000, s31;
	s1 =	sadd.s32 s1, s30  }
0xbb: {  	s0 =	sor.u32 s3, s0;
	s1 =	sshll.u32 s1, $0x11  }
0xbc: {  	s0 =	sor.u32 s1, s0  }
0xbd: {  	s0 =	sadd.s32 $0x8F2B, s0  }
0xbe: {  	[sflag:s0] =	ssyncadd.remote.s32 $0x1  }
0xbf: {  	_ =	sfence.sel $0xFFFF  }
0xc0: {  	[dreg:$0x0] =	wrdreg $0xFFFFFFFF;
	(pc) =	sbr.abs _section_cstart, $3  }
0xc1: {  	[dreg:$0x1] =	wrdreg $0xFFFFFFFF  }
0xc2: {  	_ =	task.clear_ibuf [dreg:s7], $0x2FFFF;
	_ =	strace $0x9FFFFFFF  }
0xc3: {  	(tm) =	ssettm $0x7FFFFFFF  }
tec
execute0_lowered:
.L_overlay_start_1:
0x0: {  	(tag) =	ssettag $0x1  }
0x1: {  	s0 =	rddreg [dreg:$0x0]  }
0x2: {  	s1 =	rddreg [dreg:$0x1]  }
0x3: {  	s2 =	rddreg [dreg:$0x2]  }
0x4: {  	s3 =	srdreg.scid;
	s13 =	stileid.u32  }
0x5: {  	s18 =	simm.s32 $0x1;
	s19 =	simm.s32 $0xEC80;
	s20 =	simm.s32 $0xF480  }
0x6: {  	s21 =	simm.s32 $0x9C80;
	s22 =	simm.s32 $0x11180;
	s23 =	simm.s32 $0x10C80  }
0x7: {  	s24 =	simm.s32 $0xFC80;
	s25 =	simm.s32 $0x10450;
	s4 =	smul.u32 $0x280, s13  }
0x8: {  	s26 =	simm.s32 $0x0;
	s7 =	sand.u32 $0x1, s3;
	s10 =	smul.u32 $0x14000, s13  }
0x9: {  	s3 =	simm.s32 $0x0;
	s5 =	sadd.s32 $0x5000, s1;
	s12 =	smul.u32 $0x1400, s13  }
0xa: {  	s6 =	sadd.s32 $0x169A00, s1;
	s8 =	smul.u32 $0x1388, s7;
	[smem:$0x7FF] =	sst s3  }
0xb: {  	s9 =	ssub.s32 $0x2, s7;
	s7 =	smul.u32 $0x53200, s7;
	_ =	strace $0x80000047  }
0xc: {  	s11 =	sshrl.u32 s9, $0x1;
	s29 =	sshrl.u32 s12, $0x2;
	s30 =	sshrl.u32 s10, $0x2  }
0xd: {  	s17 =	ssub.s32 s9, s11;
	s0 =	sadd.s32 s0, s8;
	s9 =	smul.u32 $0x2710, s13  }
0xe: {  	s10 =	sadd.s32 s29, s2;
	s31 =	sadd.s32 s7, s4;
	s11 =	sadd.s32 s30, s2  }
0xf: {  	s13 =	sadd.s32 $0x50000, s2;
	[dreg:$0x4] =	wrdreg s0;
	s0 =	sshrl.u32 s31, $0x3  }
0x10: {  	s14 =	sadd.s32 $0x29900, s7;
	s12 =	sadd.s32 $0x50000, s10;
	s0 =	sadd.s32 s6, s0  }
0x11: {  	v0 =	vimm.f32 $0.0e+00;
	v1 =	vlaneseq.u32;
	s17 =	smax.u32 s17, $0x1;
	s15 =	sadd.s32 $0x4E20, s0;
	s16 =	sadd.s32 $0xA140, s0  }
.LBB2_1:
0x12: {  	s0 =	rddreg [dreg:$0x4]  }
0x13: {  	[tilespmem:s3], [sflag:$0x1] =	stream.linear.gather [hbm4b:s0+s3], $0x9C40, $0x38;
	[tilespmem:$0x1BA00] =	vst v63  }
0x14: {  	_ =	swait.ge [sflag:s18], $0x9C40  }
0x15: {  	[sflag:s18] =	ssyncset.done $0x0  }
0x16: {  	s0 =	simm.s32 $0x0;
	[sflag:s18] =	ssyncadd.s32 $0xFFFF63C0  }
.LBB2_2:
0x17: {  	p0 =	sne.s32 s0, $0x13FC0  }
.Ltmp0:
0x18: {  	_ = 	snop;
	(pc) =	sbr.rel @p0 .LBB2_2-.Ltmp0, $3  }
0x19: {  	_ =	sdelay $0x1  }
0x1a: {  	s2 =	sshra.s32 s0, $0x2  }
0x1b: {  	s0 =	sadd.s32 $0x40, s0;
	[tilespmem:s2+$0x9C80] =	vst v0  }
0x1c: {  	s28 =	simm.s32 $0x0;
	s29 =	simm.s32 $0x11680;
	s30 =	simm.s32 $0x0  }
.LBB2_4:
0x1d: {  	s0 =	smul.u32 $0x7D0, s30;
	_ =	sdelay $0x1  }
0x1e: {  	s0 =	sadd.s32 s9, s0  }
0x1f: {  	s0 =	sshrl.u32 s0, $0x3  }
0x20: {  	s2 =	sadd.s32 s5, s0  }
0x21: {  	[tilespmem:s19], [sflag:$0x1] =	stream.linear.gather [hbm4b:s2+s28], $0x7D0, $0x38;
	[tilespmem:$0x1BA00] =	vst v63  }
0x22: {  	_ =	swait.ge [sflag:s18], $0x7D0  }
0x23: {  	[sflag:s18] =	ssyncset.done $0x0  }
0x24: {  	s0 =	sadd.s32 s1, s0;
	[sflag:s18] =	ssyncadd.s32 $0xFFFFF830  }
0x25: {  	[tilespmem:s20], [sflag:$0x1] =	stream.linear.gather [hbm4b:s0+s28], $0x7D0, $0x38;
	[tilespmem:$0x1BA00] =	vst v63  }
0x26: {  	_ =	swait.ge [sflag:s18], $0x7D0  }
0x27: {  	[sflag:s18] =	ssyncset.done $0x0  }
0x28: {  	s31 =	simm.s32 $0x0;
	[sflag:s18] =	ssyncadd.s32 $0xFFFFF830  }
0x29: {  	v3 =	vld [tilespmem:s31+$0xF480];
	_ =	sdelay $0x1  }
0x2a: {  	v2 =	vld [tilespmem:s31+$0xEC80];
	_ =	sdelay $0x2  }
0x2b: {  	v4 =	vshll.u32 v3, $0x2  }
0x2c: {  	v5 =	vor.u32 $0x2, v4  }
0x2d: {  	v6 =	vshll.u32 v2, $0x2;
	_ =	sdelay $0x3  }
0x2e: {  	v2 =	vld.idx.msk [tilespmem:v5+s3+$0x0], $0xffff  }
0x2f: {  	v5 =	vld.idx.msk [tilespmem:v6+s3+$0x0], $0xffff;
	_ =	sdelay $0x4  }
0x30: {  	v2 =	vadd.f32 v2, v5;
	_ =	sdelay $0x1  }
0x31: {  	v5 =	vmul.f32 $2.000000030e-01, v2;
	_ =	sdelay $0x1  }
0x32: {  	v2 =	vmax.f32 v2, v5  }
0x33: {  	v2 =	vmul.f32 $1.442695020e+00, v2;
	_ =	sdelay $0x1  }
0x34: {  	(erf) = vpow2.f32 v2;
	_ =	sdelay $0x4  }
0x35: {  	v2 =	vmov s29  }
0x36: {  	v3 =	vshll.u32 v3, $0x1  }
0x37: {  	v5 =	vor.u32 $0x1, v6  }
0x38: {  	v4 =	vor.u32 $0x3, v4  }
0x39: {  	v63 =	vpop (erf)  }
0x3a: {  	[tilespmem:v2+s31+$0x0 ss:$0x1] =	vst.idx.msk $0xffff, v63  }
0x3b: {  	[tilespmem:v3+s21+$0x0] =	vst.idx.add.f32.msk $0xffff, v63  }
0x3c: {  	v5 =	vld.idx.msk [tilespmem:v5+s3+$0x0], $0xffff  }
0x3d: {  	v4 =	vld.idx.msk [tilespmem:v4+s3+$0x0], $0xffff;
	_ =	sdelay $0x4  }
0x3e: {  	v4 =	vadd.f32 v4, v5;
	_ =	sdelay $0x1  }
0x3f: {  	v5 =	vmul.f32 $2.000000030e-01, v4;
	_ =	sdelay $0x1  }
0x40: {  	v4 =	vmax.f32 v4, v5  }
0x41: {  	v4 =	vmul.f32 $1.442695020e+00, v4;
	_ =	sdelay $0x1  }
0x42: {  	(erf) = vpow2.f32 v4;
	_ =	sdelay $0x4  }
0x43: {  	s0 =	simm.s32 $0x40;
	v3 =	vor.u32 $0x1, v3  }
.LBB2_5:
0x44: {  	_ =	sdelay $0x2  }
0x45: {  	p0 =	sne.s32 s0, $0x1F00;
	s2 =	smov.u32 s0;
	s0 =	sadd.s32 $0x40, s0;
	v4 =	vpop (erf)  }
0x46: {  	[tilespmem:v2+s31+$0x2710 ss:$0x1] =	vst.idx.msk $0xffff, v4  }
0x47: {  	s31 =	sshra.s32 s2, $0x2;
	[tilespmem:v3+s21+$0x0] =	vst.idx.add.f32.msk $0xffff, v4  }
0x48: {  	v3 =	vld [tilespmem:s31+$0xF480]  }
0x49: {  	v4 =	vld [tilespmem:s31+$0xEC80];
	_ =	sdelay $0x3  }
0x4a: {  	v5 =	vshll.u32 v3, $0x2  }
0x4b: {  	v4 =	vshll.u32 v4, $0x2;
	v6 =	vor.u32 $0x2, v5;
	_ =	sdelay $0x4  }
0x4c: {  	v6 =	vld.idx.msk [tilespmem:v6+s3+$0x0], $0xffff  }
0x4d: {  	v7 =	vld.idx.msk [tilespmem:v4+s3+$0x0], $0xffff;
	_ =	sdelay $0x5  }
0x4e: {  	v6 =	vadd.f32 v6, v7;
	_ =	sdelay $0x1  }
0x4f: {  	v7 =	vmul.f32 $2.000000030e-01, v6;
	_ =	sdelay $0x1  }
0x50: {  	v6 =	vmax.f32 v6, v7  }
0x51: {  	v6 =	vmul.f32 $1.442695020e+00, v6;
	_ =	sdelay $0x1  }
0x52: {  	(erf) = vpow2.f32 v6;
	_ =	sdelay $0x5  }
0x53: {  	v3 =	vshll.u32 v3, $0x1  }
0x54: {  	v5 =	vor.u32 $0x3, v5;
	v4 =	vor.u32 $0x1, v4;
	_ =	sdelay $0x1  }
0x55: {  	v6 =	vpop (erf)  }
0x56: {  	[tilespmem:v2+s31+$0x0 ss:$0x1] =	vst.idx.msk $0xffff, v6  }
0x57: {  	[tilespmem:v3+s21+$0x0] =	vst.idx.add.f32.msk $0xffff, v6  }
0x58: {  	v4 =	vld.idx.msk [tilespmem:v4+s3+$0x0], $0xffff  }
0x59: {  	v5 =	vld.idx.msk [tilespmem:v5+s3+$0x0], $0xffff;
	_ =	sdelay $0x5  }
0x5a: {  	v4 =	vadd.f32 v5, v4;
	_ =	sdelay $0x1  }
0x5b: {  	v5 =	vmul.f32 $2.000000030e-01, v4;
	_ =	sdelay $0x1  }
0x5c: {  	v4 =	vmax.f32 v4, v5  }
0x5d: {  	v4 =	vmul.f32 $1.442695020e+00, v4;
	_ =	sdelay $0x1  }
0x5e: {  	(erf) = vpow2.f32 v4  }
.Ltmp1:
0x5f: {  	(pc) =	sbr.rel @p0 .LBB2_5-.Ltmp1, $2  }
0x60: {  	_ =	sdelay $0x2  }
0x61: {  	v3 =	vor.u32 $0x1, v3  }
0x62: {  	s30 =	sadd.s32 $0x1, s30  }
0x63: {  	p0 =	sne.s32 s30, $0x5  }
.Ltmp2:
0x64: {  	_ = 	snop;
	(pc) =	sbr.rel @p0 .LBB2_4-.Ltmp2, $4  }
0x65: {  	_ = 	snop  }
0x66: {  	v4 =	vpop (erf)  }
0x67: {  	[tilespmem:v2+s31+$0x2710 ss:$0x1] =	vst.idx.msk $0xffff, v4  }
0x68: {  	s29 =	sadd.s32 $0x7D0, s29;
	[tilespmem:v3+s21+$0x0] =	vst.idx.add.f32.msk $0xffff, v4  }
0x69: {  	s0 =	sadd.s32 $0x0, s4  }
0x6a: {  	v2 =	vmov s0  }
0x6b: {  	v3 =	vmin.u32 v2, $0x270F  }
0x6c: {  	v3 =	vor.u32 v1, v3  }
0x6d: {  	v4 =	vshll.u32 v3, $0x2  }
0x6e: {  	v5 =	vor.u32 $0x2, v4;
	_ =	sdelay $0x3  }
0x6f: {  	v6 =	vld.idx.msk [tilespmem:v4+s3+$0x0], $0xffff  }
0x70: {  	v5 =	vld.idx.msk [tilespmem:v5+s3+$0x0], $0xffff;
	_ =	sdelay $0x4  }
0x71: {  	v5 =	vadd.f32 v5, v6;
	_ =	sdelay $0x1  }
0x72: {  	v6 =	vmul.f32 $2.000000030e-01, v5;
	_ =	sdelay $0x1  }
0x73: {  	v5 =	vmax.f32 v5, v6  }
0x74: {  	v5 =	vmul.f32 $1.442695020e+00, v5;
	_ =	sdelay $0x1  }
0x75: {  	(erf) = vpow2.f32 v5;
	_ =	sdelay $0x5  }
0x76: {  	v5 =	vshll.u32 v3, $0x1  }
0x77: {  	v3 =	vor.u32 $0x1, v4  }
0x78: {  	v4 =	vor.u32 $0x3, v4  }
0x79: {  	vm0 =	vlt.u32 v2, $0x2710;
	v2 =	vpop (erf)  }
0x7a: {  	v2 =	vnsel vm0, $0x0, v2  }
0x7b: {  	[tilespmem:v5+s21+$0x0] =	vst.idx.add.f32.msk $0xffff, v2  }
0x7c: {  	v2 =	vld.idx.msk [tilespmem:v3+s3+$0x0], $0xffff  }
0x7d: {  	v3 =	vld.idx.msk [tilespmem:v4+s3+$0x0], $0xffff;
	_ =	sdelay $0x4  }
0x7e: {  	v2 =	vadd.f32 v3, v2;
	_ =	sdelay $0x1  }
0x7f: {  	v3 =	vmul.f32 $2.000000030e-01, v2;
	_ =	sdelay $0x1  }
0x80: {  	v2 =	vmax.f32 v2, v3  }
0x81: {  	v2 =	vmul.f32 $1.442695020e+00, v2;
	_ =	sdelay $0x1  }
0x82: {  	(erf) = vpow2.f32 v2;
	_ =	sdelay $0x2  }
0x83: {  	s31 =	sadd.s32 $0x10, s4  }
0x84: {  	v2 =	vmov s31  }
0x85: {  	v3 =	vmin.u32 v2, $0x270F  }
0x86: {  	v5 =	vor.u32 $0x1, v5;
	v4 =	vor.u32 v1, v3  }
0x87: {  	v3 =	vshll.u32 v4, $0x2  }
0x88: {  	v6 =	vor.u32 $0x2, v3  }
0x89: {  	s0 =	simm.s32 $0x20;
	v7 =	vpop (erf)  }
.LBB2_8:
0x8a: {  	p0 =	sne.s32 s0, $0x270;
	v7 =	vnsel vm0, $0x0, v7;
	s28 =	smov.u32 s0;
	s0 =	sadd.s32 $0x10, s0  }
0x8b: {  	[tilespmem:v5+s21+$0x0] =	vst.idx.add.f32.msk $0xffff, v7  }
0x8c: {  	v5 =	vld.idx.msk [tilespmem:v3+s3+$0x0], $0xffff  }
0x8d: {  	v6 =	vld.idx.msk [tilespmem:v6+s3+$0x0], $0xffff;
	_ =	sdelay $0x5  }
0x8e: {  	v5 =	vadd.f32 v6, v5;
	_ =	sdelay $0x1  }
0x8f: {  	v6 =	vmul.f32 $2.000000030e-01, v5;
	_ =	sdelay $0x1  }
0x90: {  	v5 =	vmax.f32 v5, v6  }
0x91: {  	v5 =	vmul.f32 $1.442695020e+00, v5;
	_ =	sdelay $0x1  }
0x92: {  	(erf) = vpow2.f32 v5;
	_ =	sdelay $0x5  }
0x93: {  	v4 =	vshll.u32 v4, $0x1  }
0x94: {  	v5 =	vor.u32 $0x1, v3;
	v3 =	vor.u32 $0x3, v3;
	_ =	sdelay $0x1  }
0x95: {  	vm0 =	vlt.u32 v2, $0x2710;
	v2 =	vpop (erf)  }
0x96: {  	v2 =	vnsel vm0, $0x0, v2  }
0x97: {  	[tilespmem:v4+s21+$0x0] =	vst.idx.add.f32.msk $0xffff, v2  }
0x98: {  	v2 =	vld.idx.msk [tilespmem:v5+s3+$0x0], $0xffff  }
0x99: {  	v3 =	vld.idx.msk [tilespmem:v3+s3+$0x0], $0xffff;
	_ =	sdelay $0x5  }
0x9a: {  	v2 =	vadd.f32 v3, v2;
	_ =	sdelay $0x1  }
0x9b: {  	v3 =	vmul.f32 $2.000000030e-01, v2;
	_ =	sdelay $0x1  }
0x9c: {  	v2 =	vmax.f32 v2, v3  }
0x9d: {  	v2 =	vmul.f32 $1.442695020e+00, v2;
	_ =	sdelay $0x1  }
0x9e: {  	(erf) = vpow2.f32 v2;
	_ =	sdelay $0x2  }
0x9f: {  	s2 =	sadd.s32 s28, s4  }
0xa0: {  	v2 =	vmov s2  }
.Ltmp3:
0xa1: {  	v5 =	vor.u32 $0x1, v4;
	v3 =	vmin.u32 v2, $0x270F;
	(pc) =	sbr.rel @p0 .LBB2_8-.Ltmp3, $4  }
0xa2: {  	v4 =	vor.u32 v1, v3  }
0xa3: {  	v3 =	vshll.u32 v4, $0x2  }
0xa4: {  	v6 =	vor.u32 $0x2, v3  }
0xa5: {  	v7 =	vpop (erf)  }
0xa6: {  	_ =	sdelay $0x2  }
0xa7: {  	v7 =	vnsel vm0, $0x0, v7  }
0xa8: {  	[tilespmem:v5+s21+$0x0] =	vst.idx.add.f32.msk $0xffff, v7  }
0xa9: {  	v5 =	vld.idx.msk [tilespmem:v3+s3+$0x0], $0xffff  }
0xaa: {  	v6 =	vld.idx.msk [tilespmem:v6+s3+$0x0], $0xffff;
	_ =	sdelay $0x4  }
0xab: {  	v5 =	vadd.f32 v6, v5;
	_ =	sdelay $0x1  }
0xac: {  	v6 =	vmul.f32 $2.000000030e-01, v5;
	_ =	sdelay $0x1  }
0xad: {  	v5 =	vmax.f32 v5, v6  }
0xae: {  	v5 =	vmul.f32 $1.442695020e+00, v5;
	_ =	sdelay $0x1  }
0xaf: {  	(erf) = vpow2.f32 v5;
	_ =	sdelay $0x5  }
0xb0: {  	v4 =	vshll.u32 v4, $0x1  }
0xb1: {  	v63 =	vor.u32 $0x1, v3  }
0xb2: {  	v3 =	vor.u32 $0x3, v3  }
0xb3: {  	vm15 =	vlt.u32 v2, $0x2710;
	v2 =	vpop (erf)  }
0xb4: {  	v2 =	vnsel vm15, $0x0, v2  }
0xb5: {  	[tilespmem:v4+s21+$0x0] =	vst.idx.add.f32.msk $0xffff, v2  }
0xb6: {  	v2 =	vld.idx.msk [tilespmem:v63+s3+$0x0], $0xffff  }
0xb7: {  	v3 =	vld.idx.msk [tilespmem:v3+s3+$0x0], $0xffff;
	_ =	sdelay $0x4  }
0xb8: {  	v2 =	vadd.f32 v3, v2;
	_ =	sdelay $0x1  }
0xb9: {  	v3 =	vmul.f32 $2.000000030e-01, v2;
	_ =	sdelay $0x1  }
0xba: {  	v2 =	vmax.f32 v2, v3  }
0xbb: {  	v2 =	vmul.f32 $1.442695020e+00, v2;
	_ =	sdelay $0x1  }
0xbc: {  	(erf) = vpow2.f32 v2;
	_ =	sdelay $0x5  }
0xbd: {  	v2 =	vor.u32 $0x1, v4;
	_ =	sdelay $0x2  }
0xbe: {  	v3 =	vpop (erf)  }
0xbf: {  	v3 =	vnsel vm15, $0x0, v3  }
0xc0: {  	s0 =	simm.s32 $0x1;
	[tilespmem:v2+s21+$0x0] =	vst.idx.add.f32.msk $0xffff, v3  }
0xc1: {  	[spmem:s11] =	stream.linear.scatter [tilespmem:s21], [sflag:$0x1], $0x5000, $0x38;
	[tilespmem:$0x1BA00] =	vst v63  }
0xc2: {  	_ =	swait.ge [sflag:s0], $0x5000  }
0xc3: {  	[sflag:s0] =	ssyncset.done $0x0  }
0xc4: {  	[sflag:s0] =	ssyncadd.s32 $0xFFFFB000  }
0xc5: {  	[bflag:$0x0] =	sbarrier.arrive $0xFFFF  }
0xc6: {  	[tilespmem:s22], [sflag:$0x1] =	stream.linear.gather [spmem:s10], $0x500, $0x38;
	[tilespmem:$0x1BA00] =	vst v63  }
0xc7: {  	_ =	swait.ge [sflag:s0], $0x500  }
0xc8: {  	[sflag:s0] =	ssyncset.done $0x0  }
0xc9: {  	[sflag:s0] =	ssyncadd.s32 $0xFFFFFB00  }
.LBB2_10:
0xca: {  	s2 =	smul.u32 $0x14000, s0;
	_ =	sdelay $0x1  }
0xcb: {  	s2 =	sshra.s32 s2, $0x2  }
0xcc: {  	s2 =	sadd.s32 s2, s10  }
0xcd: {  	[tilespmem:s23], [sflag:$0x1] =	stream.linear.gather [spmem:s2], $0x500, $0x38;
	[tilespmem:$0x1BA00] =	vst v63  }
0xce: {  	_ =	swait.ge [sflag:s18], $0x500  }
0xcf: {  	[sflag:s18] =	ssyncset.done $0x0  }
0xd0: {  	s2 =	simm.s32 $0x0;
	[sflag:s18] =	ssyncadd.s32 $0xFFFFFB00  }
0xd1: {  	s8 =	simm.s32 $0x40;
	v2 =	vld [tilespmem:s2+$0x10C80]  }
.LBB2_11:
0xd2: {  	p0 =	sne.s32 s8, $0x13C0;
	v3 =	vld [tilespmem:s2+$0x11180];
	_ =	sdelay $0x2  }
.Ltmp4:
0xd3: {  	(pc) =	sbr.rel @p0 .LBB2_11-.Ltmp4, $4  }
0xd4: {  	_ = 	snop  }
0xd5: {  	v3 =	vadd.f32 v2, v3  }
0xd6: {  	s28 =	sshra.s32 s8, $0x2  }
0xd7: {  	s8 =	sadd.s32 $0x40, s8;
	v2 =	vld [tilespmem:s28+$0x10C80];
	[tilespmem:s2+$0x11180] =	vst v3;
	s2 =	smov.u32 s28  }
0xd8: {  	v3 =	vld [tilespmem:s2+$0x11180]  }
0xd9: {  	s0 =	sadd.s32 $0x1, s0  }
0xda: {  	p0 =	sne.s32 s0, $0x10  }
.Ltmp5:
0xdb: {  	_ = 	snop;
	(pc) =	sbr.rel @p0 .LBB2_10-.Ltmp5, $3  }
0xdc: {  	_ = 	snop  }
0xdd: {  	v2 =	vadd.f32 v2, v3;
	_ =	sdelay $0x1  }
0xde: {  	[tilespmem:s2+$0x11180] =	vst v2  }
0xdf: {  	[spmem:s12] =	stream.linear.scatter [tilespmem:s22], [sflag:$0x1], $0x500, $0x38;
	[tilespmem:$0x1BA00] =	vst v63  }
0xe0: {  	_ =	swait.ge [sflag:s18], $0x500  }
0xe1: {  	[sflag:s18] =	ssyncset.done $0x0  }
0xe2: {  	[sflag:s18] =	ssyncadd.s32 $0xFFFFFB00  }
0xe3: {  	[bflag:$0x0] =	sbarrier.arrive $0xFFFF  }
0xe4: {  	[tilespmem:s21], [sflag:$0x1] =	stream.linear.gather [spmem:s13], $0x5000, $0x38;
	[tilespmem:$0x1BA00] =	vst v63  }
0xe5: {  	_ =	swait.ge [sflag:s18], $0x5000  }
0xe6: {  	s28 =	simm.s32 $0x0;
	[sflag:s18] =	ssyncset.done $0x0  }
0xe7: {  	s29 =	simm.s32 $0x11680;
	s30 =	simm.s32 $0x0;
	[sflag:s18] =	ssyncadd.s32 $0xFFFFB000  }
.LBB2_14:
0xe8: {  	s0 =	smul.u32 $0x7D0, s30;
	_ =	sdelay $0x1  }
0xe9: {  	s31 =	sadd.s32 s9, s0  }
0xea: {  	s0 =	sshrl.u32 s31, $0x3  }
0xeb: {  	s0 =	sadd.s32 s1, s0  }
0xec: {  	[tilespmem:s20], [sflag:$0x1] =	stream.linear.gather [hbm4b:s0+s28], $0x7D0, $0x38;
	[tilespmem:$0x1BA00] =	vst v63  }
0xed: {  	_ =	swait.ge [sflag:s18], $0x7D0  }
0xee: {  	[sflag:s18] =	ssyncset.done $0x0  }
0xef: {  	s0 =	simm.s32 $0x0;
	[sflag:s18] =	ssyncadd.s32 $0xFFFFF830  }
0xf0: {  	v2 =	vld [tilespmem:s0+$0xF480];
	_ =	sdelay $0x4  }
0xf1: {  	v3 =	vshll.u32 v2, $0x1;
	_ =	sdelay $0x4  }
0xf2: {  	v4 =	vld.idx.msk [tilespmem:v3+s21+$0x0], $0xffff;
	_ =	sdelay $0x4  }
0xf3: {  	v2 =	vmov s29;
	(erf) = vrcp.f32 v4;
	_ =	sdelay $0x4  }
0xf4: {  	v4 =	vld.idx.msk [tilespmem:v2+s0+$0x0 ss:$0x1], $0xffff;
	_ =	sdelay $0x2  }
0xf5: {  	v3 =	vor.u32 $0x1, v3  }
0xf6: {  	v5 =	vpop (erf)  }
0xf7: {  	v4 =	vmul.f32 v5, v4;
	_ =	sdelay $0x1  }
0xf8: {  	[tilespmem:s0+$0xFC80] =	vst v4  }
0xf9: {  	v4 =	vld.idx.msk [tilespmem:v3+s21+$0x0], $0xffff;
	_ =	sdelay $0x4  }
0xfa: {  	(erf) = vrcp.f32 v4;
	_ =	sdelay $0x1  }
0xfb: {  	s8 =	simm.s32 $0x10;
	s2 =	simm.s32 $0x80;
	v3 =	vld.idx.msk [tilespmem:v2+s0+$0x2710 ss:$0x1], $0xffff  }
.LBB2_15:
0xfc: {  	p0 =	sne.s32 s2, $0x1F00;
	v4 =	vld [tilespmem:s8+$0xF480];
	_ =	sdelay $0x4  }
0xfd: {  	v4 =	vshll.u32 v4, $0x1  }
0xfe: {  	v5 =	vpop (erf)  }
0xff: {  	v3 =	vmul.f32 v5, v3;
	_ =	sdelay $0x1  }
0x100: {  	[tilespmem:s0+$0x10450] =	vst v3;
	s0 =	smov.u32 s8  }
0x101: {  	v3 =	vld.idx.msk [tilespmem:v4+s21+$0x0], $0xffff  }
0x102: {  	v5 =	vld.idx.msk [tilespmem:v2+s0+$0x0 ss:$0x1], $0xffff;
	_ =	sdelay $0x4  }
0x103: {  	(erf) = vrcp.f32 v3;
	_ =	sdelay $0x7  }
0x104: {  	v3 =	vor.u32 $0x1, v4  }
0x105: {  	v4 =	vpop (erf)  }
0x106: {  	v4 =	vmul.f32 v4, v5;
	_ =	sdelay $0x1  }
0x107: {  	[tilespmem:s0+$0xFC80] =	vst v4  }
0x108: {  	v4 =	vld.idx.msk [tilespmem:v3+s21+$0x0], $0xffff  }
0x109: {  	v3 =	vld.idx.msk [tilespmem:v2+s0+$0x2710 ss:$0x1], $0xffff;
	_ =	sdelay $0x2  }
.Ltmp6:
0x10a: {  	(pc) =	sbr.rel @p0 .LBB2_15-.Ltmp6, $3  }
0x10b: {  	_ = 	snop  }
0x10c: {  	(erf) = vrcp.f32 v4;
	_ =	sdelay $0x1  }
0x10d: {  	s8 =	sshra.s32 s2, $0x2;
	s2 =	sadd.s32 $0x40, s2  }
0x10e: {  	v4 =	vld [tilespmem:s8+$0xF480];
	_ =	sdelay $0x4  }
0x10f: {  	v4 =	vshll.u32 v4, $0x1  }
0x110: {  	v5 =	vpop (erf)  }
0x111: {  	v3 =	vmul.f32 v5, v3;
	_ =	sdelay $0x1  }
0x112: {  	[tilespmem:s0+$0x10450] =	vst v3  }
0x113: {  	v3 =	vld.idx.msk [tilespmem:v4+s21+$0x0], $0xffff;
	_ =	sdelay $0x4  }
0x114: {  	(erf) = vrcp.f32 v3;
	_ =	sdelay $0x4  }
0x115: {  	v3 =	vld.idx.msk [tilespmem:v2+s8+$0x0 ss:$0x1], $0xffff;
	_ =	sdelay $0x2  }
0x116: {  	v4 =	vor.u32 $0x1, v4  }
0x117: {  	v63 =	vpop (erf)  }
0x118: {  	v3 =	vmul.f32 v63, v3;
	_ =	sdelay $0x1  }
0x119: {  	[tilespmem:s8+$0xFC80] =	vst v3  }
0x11a: {  	v3 =	vld.idx.msk [tilespmem:v4+s21+$0x0], $0xffff;
	_ =	sdelay $0x4  }
0x11b: {  	(erf) = vrcp.f32 v3;
	_ =	sdelay $0x4  }
0x11c: {  	v2 =	vld.idx.msk [tilespmem:v2+s8+$0x2710 ss:$0x1], $0xffff;
	_ =	sdelay $0x3  }
0x11d: {  	v3 =	vpop (erf)  }
0x11e: {  	s2 =	sadd.s32 s7, s31;
	v2 =	vmul.f32 v3, v2  }
0x11f: {  	s0 =	sshrl.u32 s2, $0x3  }
0x120: {  	s2 =	simm.s32 $0x0;
	s0 =	sadd.s32 s6, s0;
	[tilespmem:s8+$0x10450] =	vst v2  }
0x121: {  	[hbm4b:s0+s2] =	stream.linear.scatter [tilespmem:s24], [sflag:$0x1], $0x7D0, $0x38;
	[tilespmem:$0x1BA00] =	vst v63  }
0x122: {  	s31 =	sadd.s32 s31, s14;
	s30 =	sadd.s32 $0x1, s30;
	_ =	swait.ge [sflag:s18], $0x7D0  }
0x123: {  	p0 =	sne.s32 s30, $0x5;
	s0 =	sshrl.u32 s31, $0x3;
	[sflag:s18] =	ssyncset.done $0x0  }
.Ltmp7:
0x124: {  	s0 =	sadd.s32 s6, s0;
	[sflag:s18] =	ssyncadd.s32 $0xFFFFF830;
	(pc) =	sbr.rel @p0 .LBB2_14-.Ltmp7, $4  }
0x125: {  	[hbm4b:s0+s2] =	stream.linear.scatter [tilespmem:s25], [sflag:$0x1], $0x7D0, $0x38;
	[tilespmem:$0x1BA00] =	vst v63  }
0x126: {  	_ =	swait.ge [sflag:s18], $0x7D0  }
0x127: {  	[sflag:s18] =	ssyncset.done $0x0  }
0x128: {  	s29 =	sadd.s32 $0x7D0, s29;
	[sflag:s18] =	ssyncadd.s32 $0xFFFFF830  }
0x129: {  	v2 =	vmov s4  }
0x12a: {  	v3 =	vmin.u32 v2, $0x270F  }
0x12b: {  	v3 =	vor.u32 v1, v3  }
0x12c: {  	v4 =	vshll.u32 v3, $0x2  }
0x12d: {  	v5 =	vor.u32 $0x2, v4;
	_ =	sdelay $0x3  }
0x12e: {  	v6 =	vld.idx.msk [tilespmem:v4+s3+$0x0], $0xffff  }
0x12f: {  	v5 =	vld.idx.msk [tilespmem:v5+s3+$0x0], $0xffff  }
0x130: {  	v3 =	vshll.u32 v3, $0x1;
	_ =	sdelay $0x3  }
0x131: {  	v5 =	vadd.f32 v5, v6  }
0x132: {  	v6 =	vld.idx.msk [tilespmem:v3+s21+$0x0], $0xffff  }
0x133: {  	v7 =	vmul.f32 $2.000000030e-01, v5;
	_ =	sdelay $0x1  }
0x134: {  	v5 =	vmax.f32 v5, v7  }
0x135: {  	v5 =	vmul.f32 $1.442695020e+00, v5  }
0x136: {  	(erf) = vrcp.f32 v6  }
0x137: {  	(erf) = vpow2.f32 v5;
	_ =	sdelay $0x7  }
0x138: {  	v5 =	vpop (erf)  }
0x139: {  	v6 =	vor.u32 $0x1, v4;
	v7 =	vpop (erf)  }
0x13a: {  	v4 =	vor.u32 $0x3, v4;
	v5 =	vmul.f32 v7, v5  }
0x13b: {  	vm0 =	vlt.u32 v2, $0x2710  }
0x13c: {  	s0 =	simm.s32 $0x0;
	v2 =	vnsel vm0, $0x0, v5  }
0x13d: {  	[tilespmem:s0+$0xFC80] =	vst v2  }
0x13e: {  	v2 =	vld.idx.msk [tilespmem:v6+s3+$0x0], $0xffff  }
0x13f: {  	v4 =	vld.idx.msk [tilespmem:v4+s3+$0x0], $0xffff  }
0x140: {  	v3 =	vor.u32 $0x1, v3;
	_ =	sdelay $0x3  }
0x141: {  	v2 =	vadd.f32 v4, v2  }
0x142: {  	v3 =	vld.idx.msk [tilespmem:v3+s21+$0x0], $0xffff  }
0x143: {  	v4 =	vmul.f32 $2.000000030e-01, v2;
	_ =	sdelay $0x1  }
0x144: {  	v2 =	vmax.f32 v2, v4  }
0x145: {  	v2 =	vmul.f32 $1.442695020e+00, v2  }
0x146: {  	(erf) = vrcp.f32 v3  }
0x147: {  	(erf) = vpow2.f32 v2;
	_ =	sdelay $0x3  }
0x148: {  	s29 =	sadd.s32 $0x10, s4  }
0x149: {  	v3 =	vmov s29  }
0x14a: {  	v2 =	vmin.u32 v3, $0x270F  }
0x14b: {  	v2 =	vor.u32 v1, v2  }
0x14c: {  	v6 =	vpop (erf);
	v4 =	vshll.u32 v2, $0x2  }
0x14d: {  	v5 =	vor.u32 $0x2, v4;
	v7 =	vpop (erf)  }
0x14e: {  	s28 =	simm.s32 $0x40;
	s30 =	simm.s32 $0x80;
	v2 =	vshll.u32 v2, $0x1;
	v6 =	vmul.f32 v7, v6  }
.LBB2_18:
0x14f: {  	p0 =	sne.s32 s30, $0x9C0;
	s2 =	smov.u32 s30;
	s30 =	sadd.s32 $0x40, s30  }
0x150: {  	v6 =	vnsel vm0, $0x0, v6  }
0x151: {  	[tilespmem:s0+$0x10450] =	vst v6  }
0x152: {  	v5 =	vld.idx.msk [tilespmem:v5+s3+$0x0], $0xffff  }
0x153: {  	v6 =	vld.idx.msk [tilespmem:v4+s3+$0x0], $0xffff;
	_ =	sdelay $0x5  }
0x154: {  	v5 =	vadd.f32 v5, v6;
	v6 =	vld.idx.msk [tilespmem:v2+s21+$0x0], $0xffff;
	_ =	sdelay $0x1  }
0x155: {  	v7 =	vmul.f32 $2.000000030e-01, v5;
	_ =	sdelay $0x1  }
0x156: {  	v5 =	vmax.f32 v5, v7  }
0x157: {  	v5 =	vmul.f32 $1.442695020e+00, v5  }
0x158: {  	(erf) = vrcp.f32 v6  }
0x159: {  	(erf) = vpow2.f32 v5;
	_ =	sdelay $0x7  }
0x15a: {  	v5 =	vpop (erf)  }
0x15b: {  	v6 =	vor.u32 $0x1, v4;
	v7 =	vpop (erf)  }
0x15c: {  	v4 =	vor.u32 $0x3, v4;
	v5 =	vmul.f32 v7, v5  }
0x15d: {  	vm0 =	vlt.u32 v3, $0x2710  }
0x15e: {  	s0 =	sshra.s32 s28, $0x2;
	s28 =	smov.u32 s2;
	v3 =	vnsel vm0, $0x0, v5  }
0x15f: {  	[tilespmem:s0+$0xFC80] =	vst v3  }
0x160: {  	v3 =	vld.idx.msk [tilespmem:v6+s3+$0x0], $0xffff  }
0x161: {  	v4 =	vld.idx.msk [tilespmem:v4+s3+$0x0], $0xffff  }
0x162: {  	v2 =	vor.u32 $0x1, v2;
	_ =	sdelay $0x4  }
0x163: {  	v3 =	vadd.f32 v4, v3;
	v2 =	vld.idx.msk [tilespmem:v2+s21+$0x0], $0xffff;
	_ =	sdelay $0x1  }
0x164: {  	v4 =	vmul.f32 $2.000000030e-01, v3;
	_ =	sdelay $0x1  }
0x165: {  	v3 =	vmax.f32 v3, v4  }
0x166: {  	v3 =	vmul.f32 $1.442695020e+00, v3  }
0x167: {  	(erf) = vrcp.f32 v2  }
0x168: {  	(erf) = vpow2.f32 v3;
	_ =	sdelay $0x3  }
0x169: {  	s29 =	sadd.s32 $0x10, s29  }
0x16a: {  	v3 =	vmov s29  }
.Ltmp8:
0x16b: {  	v2 =	vmin.u32 v3, $0x270F;
	(pc) =	sbr.rel @p0 .LBB2_18-.Ltmp8, $4  }
0x16c: {  	v2 =	vor.u32 v1, v2  }
0x16d: {  	v4 =	vshll.u32 v2, $0x2;
	v2 =	vshll.u32 v2, $0x1;
	v6 =	vpop (erf)  }
0x16e: {  	v5 =	vor.u32 $0x2, v4;
	v7 =	vpop (erf)  }
0x16f: {  	v6 =	vmul.f32 v7, v6  }
0x170: {  	_ =	sdelay $0x1  }
0x171: {  	v6 =	vnsel vm0, $0x0, v6  }
0x172: {  	[tilespmem:s0+$0x10450] =	vst v6  }
0x173: {  	v5 =	vld.idx.msk [tilespmem:v5+s3+$0x0], $0xffff  }
0x174: {  	v6 =	vld.idx.msk [tilespmem:v4+s3+$0x0], $0xffff;
	_ =	sdelay $0x4  }
0x175: {  	v5 =	vadd.f32 v5, v6  }
0x176: {  	v59 =	vld.idx.msk [tilespmem:v2+s21+$0x0], $0xffff  }
0x177: {  	v7 =	vmul.f32 $2.000000030e-01, v5;
	_ =	sdelay $0x1  }
0x178: {  	v5 =	vmax.f32 v5, v7  }
0x179: {  	v5 =	vmul.f32 $1.442695020e+00, v5  }
0x17a: {  	(erf) = vrcp.f32 v59  }
0x17b: {  	(erf) = vpow2.f32 v5;
	_ =	sdelay $0x7  }
0x17c: {  	v60 =	vpop (erf)  }
0x17d: {  	v61 =	vor.u32 $0x1, v4;
	v62 =	vpop (erf)  }
0x17e: {  	v63 =	vor.u32 $0x3, v4;
	v5 =	vmul.f32 v62, v60  }
0x17f: {  	vm15 =	vlt.u32 v3, $0x2710  }
0x180: {  	s31 =	sshra.s32 s28, $0x2;
	v3 =	vnsel vm15, $0x0, v5  }
0x181: {  	[tilespmem:s31+$0xFC80] =	vst v3  }
0x182: {  	v3 =	vld.idx.msk [tilespmem:v61+s3+$0x0], $0xffff  }
0x183: {  	v4 =	vld.idx.msk [tilespmem:v63+s3+$0x0], $0xffff  }
0x184: {  	v2 =	vor.u32 $0x1, v2;
	_ =	sdelay $0x3  }
0x185: {  	v3 =	vadd.f32 v4, v3  }
0x186: {  	v2 =	vld.idx.msk [tilespmem:v2+s21+$0x0], $0xffff  }
0x187: {  	v4 =	vmul.f32 $2.000000030e-01, v3;
	_ =	sdelay $0x1  }
0x188: {  	v3 =	vmax.f32 v3, v4  }
0x189: {  	v3 =	vmul.f32 $1.442695020e+00, v3  }
0x18a: {  	(erf) = vrcp.f32 v2  }
0x18b: {  	(erf) = vpow2.f32 v3;
	_ =	sdelay $0x7  }
0x18c: {  	v2 =	vpop (erf)  }
0x18d: {  	v3 =	vpop (erf)  }
0x18e: {  	v2 =	vmul.f32 v3, v2;
	_ =	sdelay $0x1  }
0x18f: {  	v2 =	vnsel vm15, $0x0, v2  }
0x190: {  	[tilespmem:s31+$0x10450] =	vst v2  }
0x191: {  	[hbm4b:s15+s3] =	stream.linear.scatter [tilespmem:s24], [sflag:$0x1], $0x280, $0x38;
	[tilespmem:$0x1BA00] =	vst v63  }
0x192: {  	s26 =	sadd.s32 $0x1, s26;
	_ =	swait.ge [sflag:s18], $0x280  }
0x193: {  	p0 =	sne.s32 s26, s17;
	[sflag:s18] =	ssyncset.done $0x0  }
.Ltmp9:
0x194: {  	[sflag:s18] =	ssyncadd.s32 $0xFFFFFD80;
	(pc) =	sbr.rel @p0 .LBB2_1-.Ltmp9, $4  }
0x195: {  	[hbm4b:s16+s3] =	stream.linear.scatter [tilespmem:s25], [sflag:$0x1], $0x280, $0x38;
	[tilespmem:$0x1BA00] =	vst v63  }
0x196: {  	_ =	swait.ge [sflag:s18], $0x280  }
0x197: {  	[sflag:s18] =	ssyncset.done $0x0  }
0x198: {  	[sflag:s18] =	ssyncadd.s32 $0xFFFFFD80  }
0x199: {  	_ =	sfence.sel $0x180000  }
0x19a: {  	[bflag:$0x0] =	sbarrier.arrive $0xFFFF  }
0x19b: {  	_ =	strace $0x90000047  }
0x19c: {  	s0 =	stileid.u32;
	[bflag:$0x2] =	sbarrier.arrive $0xFFFF  }
0x19d: {  	p0 =	sne.s32 s0, $0x0;
	s0 =	rddreg [dreg:$0x3]  }
0x19e: {  	s0 =	sadd.s32 @!p0 $0x100000, s0  }
0x19f: {  	[sflag:s0] =	ssyncadd.tile.s32 @!p0 $0x1;
	_ =	shalt  }
.Lfunc_end2:
_tile_overlayer_lowered:
.L_overlay_start_2:
0x1a0: {  	(tag) =	ssettag $0x2  }
0x1a1: {  	s0 =	rddreg [dreg:$0x0];
	s2 =	stileid.u32  }
0x1a2: {  	s1 =	rddreg [dreg:$0x1];
	p0 =	sne.s32 s2, $0x0  }
0x1a3: {  	s3 =	rddreg [dreg:$0x2];
	[bflag:$0x3] =	sbarrier.arrive $0xFFFF;
	s2 =	simm.s32 @!p0 $0x1C01  }
0x1a4: {  	[timem:s3], [sflag:s2] =	dma.local @!p0 [hbm:s0], s1  }
0x1a5: {  	s0 =	simm.s32 @!p0 $0x1  }
0x1a6: {  	_ =	swait.ge @!p0 [sflag:s0], s1  }
0x1a7: {  	s1 =	ssub.s32 @!p0 $0x0, s1;
	[sflag:s0] =	ssyncset.done @!p0 $0x0  }
0x1a8: {  	[sflag:s0] =	ssyncadd.s32 @!p0 s1  }
0x1a9: {  	[bflag:$0x3] =	sbarrier.arrive $0xFFFF  }
0x1aa: {  	_ =	shalt  }

// kernel: kernel.8.cloned.1.call-start
scs
__scs_entry_jumppad:
0x0: {  	(pc) =	sbr.rel $0x88, $3  }
0x1: {  	(tag) =	ssettag $0x0;
	lr =	simm.s32 $0x1  }
0x2: {  	[smem:$0x3F9B] =	sst lr;
	_ =	strace $0xD0000000  }
0x3: {  	_ = 	snop  }
0x4: {  	_ = 	snop  }
0x5: {  	_ = 	snop  }
0x6: {  	_ = 	snop  }
0x7: {  	_ = 	snop  }
__scs_overlays_trampoline_lowered:
0x8: {  	[smem:$0x3FAA] =	sst s0  }
0x9: {  	[smem:$0x3FAB] =	sst s1  }
0xa: {  	[smem:$0x3FAC] =	sst s2  }
0xb: {  	[smem:$0x3FAD] =	sst s3  }
0xc: {  	[smem:$0x3FAE] =	sst s4  }
0xd: {  	[smem:$0x3FAF] =	sst s5  }
0xe: {  	[smem:$0x3FB0] =	sst s6  }
0xf: {  	[smem:$0x3FB1] =	sst s7  }
0x10: {  	[smem:$0x3FB2] =	sst s8  }
0x11: {  	[smem:$0x3FB3] =	sst s9;
	s0 =	simm.s32 @!p0 $0x0  }
0x12: {  	s1 =	sld [smem:$0x3F99];
	s0 =	simm.s32 @p0 $0x1  }
0x13: {  	[smem:$0x3FB4] =	sst s0;
	s0 =	simm.s32 @!p1 $0x0  }
0x14: {  	s2 =	sld [smem:$0x3F98];
	s0 =	simm.s32 @p1 $0x1  }
0x15: {  	[smem:$0x3FB5] =	sst s0;
	s0 =	simm.s32 @!p2 $0x0  }
0x16: {  	s3 =	sld [smem:$0x3FDB];
	s0 =	simm.s32 @p2 $0x1  }
0x17: {  	s4 =	simm.s32 $0x1BF5;
	[smem:$0x3FB7] =	sst s0  }
0x18: {  	s0 =	sld [smem:$0x3F9A];
	_ =	swait.ge [sflag:s4], $0x0  }
0x19: {  	s7 =	sld [smem:$0x3F9B]  }
0x1a: {  	s8 =	sadd.s32 $0xFFFFE003, lr  }
0x1b: {  	s9 =	sadd.s32 $0xFFFFFEF7, lr;
	s5 =	simm.s32 $0xFFFFFFFF;
	p2 =	slt.u32 s8, $0xFFFFF086  }
0x1c: {  	p1 =	slt.u32 s9, $0xF7A;
	s5 =	simm.s32 @!p2 $0x0  }
0x1d: {  	s5 =	simm.s32 @p1 $0x1;
	p0 =	seq.s32 s7, s2  }
0x1e: {  	s7 =	smul.u32 @!p0 $0xF7A, s2;
	p2 =	seq.s32 @!p0 s5, $0x0  }
0x1f: {  	s9 =	smul.u32 $0xF7A, s1;
	s8 =	simm.s32 @!p0 $0x1BF5;
	p2 =	por !p2, p0  }
0x20: {  	[sflag:s8] =	ssyncset.s32 @!p0 $0xFFFFF086;
	s6 =	sadd.s32 @!p0 s3, s7;
	s7 =	simm.s32 @!p0 $0x108  }
0x21: {  	s3 =	sadd.s32 s3, s9;
	s6 =	sadd.s32 @!p0 $0x88, s6;
	s7 =	simm.s32 @p2 $0x1082  }
0x22: {  	[simem:s7], [sflag:s8] =	dma.local @!p0 [hbm:s6], $0xF7A  }
0x23: {  	s9 =	sor.u32 $0xD0000000, s2;
	s6 =	simm.s32 $0x108;
	_ =	swait.ge @!p0 [sflag:s8], $0x0  }
0x24: {  	s3 =	sadd.s32 $0x88, s3;
	s6 =	simm.s32 @!p1 $0x1082;
	[sflag:s4] =	ssyncset.s32 $0xFFFFF086  }
0x25: {  	[simem:s6], [sflag:s4] =	dma.local [hbm:s3], $0xF7A  }
0x26: {  	[smem:$0x3F9B] =	sst s1;
	(tag) =	ssettag s2;
	_ =	strace s9  }
0x27: {  	s1 =	sld [smem:$0x3FAB]  }
0x28: {  	s2 =	sld [smem:$0x3FAC]  }
0x29: {  	s4 =	sld [smem:$0x3FAE]  }
0x2a: {  	p0 =	seq.s32 s5, $0x0;
	s5 =	sld [smem:$0x3FAF]  }
0x2b: {  	s6 =	sld [smem:$0x3FB0]  }
0x2c: {  	s7 =	sld [smem:$0x3FB1]  }
0x2d: {  	s3 =	simm.s32 $0x108;
	s8 =	sld [smem:$0x3FB2]  }
0x2e: {  	s3 =	simm.s32 @!p0 $0x1082;
	s9 =	sld [smem:$0x3FB3]  }
0x2f: {  	lr =	sadd.s32 s0, s3;
	s0 =	sld [smem:$0x3FAA]  }
0x30: {  	s3 =	sld [smem:$0x3FAD]  }
0x31: {  	[smem:$0x3FB6] =	sst s10  }
0x32: {  	s10 =	sld [smem:$0x3FB4];
	_ =	sdelay $0x3  }
0x33: {  	p0 =	seq.s32 s10, $0x1;
	s10 =	sld [smem:$0x3FB6];
	_ =	sdelay $0x3  }
0x34: {  	[smem:$0x3FB6] =	sst s10  }
0x35: {  	s10 =	sld [smem:$0x3FB5];
	_ =	sdelay $0x3  }
0x36: {  	p1 =	seq.s32 s10, $0x1;
	s10 =	sld [smem:$0x3FB6];
	_ =	sdelay $0x3  }
0x37: {  	[smem:$0x3FB6] =	sst s10  }
0x38: {  	s10 =	sld [smem:$0x3FB7]  }
0x39: {  	_ = 	snop;
	(pc) =	sbr.ind lr, $3  }
0x3a: {  	_ = 	snop  }
0x3b: {  	_ = 	snop  }
0x3c: {  	p2 =	seq.s32 s10, $0x1;
	s10 =	sld [smem:$0x3FB6]  }
0x3d: {  	_ =	shalt  }
0x3e: {  	_ =	shalt  }
0x3f: {  	_ =	shalt  }
0x40: {  	_ =	shalt  }
0x41: {  	_ =	shalt  }
0x42: {  	_ =	shalt  }
0x43: {  	_ =	shalt  }
0x44: {  	_ =	shalt  }
0x45: {  	_ =	shalt  }
0x46: {  	_ =	shalt  }
0x47: {  	_ =	shalt  }
0x48: {  	_ =	shalt  }
0x49: {  	_ =	shalt  }
0x4a: {  	_ =	shalt  }
0x4b: {  	_ =	shalt  }
0x4c: {  	_ =	shalt  }
0x4d: {  	_ =	shalt  }
0x4e: {  	_ =	shalt  }
0x4f: {  	_ =	shalt  }
0x50: {  	_ =	shalt  }
0x51: {  	_ =	shalt  }
0x52: {  	_ =	shalt  }
0x53: {  	_ =	shalt  }
0x54: {  	_ =	shalt  }
0x55: {  	_ =	shalt  }
0x56: {  	_ =	shalt  }
0x57: {  	_ =	shalt  }
0x58: {  	_ =	shalt  }
0x59: {  	_ =	shalt  }
0x5a: {  	_ =	shalt  }
0x5b: {  	_ =	shalt  }
0x5c: {  	_ =	shalt  }
0x5d: {  	_ =	shalt  }
0x5e: {  	_ =	shalt  }
0x5f: {  	_ =	shalt  }
0x60: {  	_ =	shalt  }
0x61: {  	_ =	shalt  }
0x62: {  	_ =	shalt  }
0x63: {  	_ =	shalt  }
0x64: {  	_ =	shalt  }
0x65: {  	_ =	shalt  }
0x66: {  	_ =	shalt  }
0x67: {  	_ =	shalt  }
0x68: {  	_ =	shalt  }
0x69: {  	_ =	shalt  }
0x6a: {  	_ =	shalt  }
0x6b: {  	_ =	shalt  }
0x6c: {  	_ =	shalt  }
0x6d: {  	_ =	shalt  }
0x6e: {  	_ =	shalt  }
0x6f: {  	_ =	shalt  }
0x70: {  	_ =	shalt  }
0x71: {  	_ =	shalt  }
0x72: {  	_ =	shalt  }
0x73: {  	_ =	shalt  }
0x74: {  	_ =	shalt  }
0x75: {  	_ =	shalt  }
0x76: {  	_ =	shalt  }
0x77: {  	_ =	shalt  }
0x78: {  	_ =	shalt  }
0x79: {  	_ =	shalt  }
0x7a: {  	_ =	shalt  }
0x7b: {  	_ =	shalt  }
0x7c: {  	_ =	shalt  }
0x7d: {  	_ =	shalt  }
0x7e: {  	_ =	shalt  }
0x7f: {  	_ =	shalt  }
0x80: {  	_ =	shalt  }
0x81: {  	_ =	shalt  }
0x82: {  	_ =	shalt  }
0x83: {  	_ =	shalt  }
0x84: {  	_ =	shalt  }
0x85: {  	_ =	shalt  }
0x86: {  	_ =	shalt  }
0x87: {  	_ =	shalt  }
.Lfunc_end0:
.L_simem_size_0:
called_computation.1_lowered:
.L_overlay_start_0:
0x88: {  	s2 =	sld [smem:$0x3FD9]  }
0x89: {  	s3 =	sld [smem:$0x3FFE];
	_ =	sdelay $0x1  }
0x8a: {  	s1 =	srdreg.scid  }
0x8b: {  	s0 =	sand.u32 $0x1, s1  }
0x8c: {  	s17 =	sshll.u32 s0, $0xA;
	s2 =	sadd.s32 s3, s2  }
0x8d: {  	s2 =	sadd.s32 s2, s17  }
0x8e: {  	[smem:$0x3FC2] =	sst s2  }
0x8f: {  	_ = 	snop  }
0x90: {  	s2 =	sld [smem:$0x3FC4]  }
0x91: {  	s18 =	sld [smem:$0x3FD0];
	(tm) =	ssettm $0x1  }
0x92: {  	s4 =	sld [smem:$0x3FFB];
	_ =	sdelay $0x3  }
0x93: {  	_ =	strace s4  }
0x94: {  	s4 =	sld [smem:$0x3FFC];
	_ =	sdelay $0x3  }
0x95: {  	_ =	strace s4  }
0x96: {  	s4 =	sld [smem:$0x3FFD];
	_ =	sdelay $0x3  }
0x97: {  	_ =	strace s4  }
0x98: {  	_ =	strace $0x8FFFFFFF  }
0x99: {  	s19 =	sld [smem:$0x3FDB];
	_ =	sdelay $0x1  }
0x9a: {  	s5 =	simm.s32 $_scs_section_size  }
0x9b: {  	s6 =	simm.s32 $_size__tile_overlayer_lowered;
	s7 =	simm.s32 $_tile_overlayer_lowered  }
0x9c: {  	s22 =	simm.s32 $0x1BFF;
	s21 =	sshll.u32 s7, $0x1;
	s4 =	sadd.s32 s5, s19  }
0x9d: {  	s8 =	simm.s32 $0x0;
	s20 =	sshll.u32 s6, $0x1;
	s6 =	sadd.s32 s21, s4  }
0x9e: {  	[timem:s8], [sflag:s22] =	dma.local [hbm:s6], s20  }
0x9f: {  	_ =	swait.ge [sflag:s22], s20  }
0xa0: {  	s5 =	ssub.s32 $0x0, s20;
	[sflag:s22] =	ssyncset.done $0x0  }
0xa1: {  	[sflag:s22] =	ssyncadd.s32 s5;
	_ =	sdelay $0x1  }
0xa2: {  	s23 =	simm.s32 $0x1B8B  }
0xa3: {  	_ =	swait.ge [sflag:s23], $0x1  }
0xa4: {  	[sflag:s23] =	ssyncset.done $0x0  }
0xa5: {  	s25 =	simm.s32 $0x1B8E;
	s24 =	sld [smem:$0x3FFE];
	[sflag:s23] =	ssyncadd.s32 $0xFFFFFFFF  }
0xa6: {  	s26 =	simm.s32 $execute0_lowered;
	[smem:$0x3FD2] =	sst s25  }
0xa7: {  	s6 =	sshll.u32 s26, $0x1;
	_ =	strace $0x80000049;
	[dreg:$0x1] =	wrdreg $0xFFFFFFFF  }
0xa8: {  	s28 =	simm.s32 $_size_execute0_lowered;
	s4 =	sadd.s32 s4, s6;
	[dreg:$0x0] =	wrdreg $0x0  }
0xa9: {  	s6 =	sshll.u32 s28, $0x1;
	[dreg:$0x2] =	wrdreg s4  }
0xaa: {  	[dreg:$0x3] =	wrdreg s6  }
0xab: {  	[dreg:$0x4] =	wrdreg $0xC0  }
0xac: {  	_ =	task [dreg:s8], $0x5FFFF  }
0xad: {  	[dreg:$0x1] =	wrdreg $0xFFFFFFFF  }
0xae: {  	[dreg:$0x0] =	wrdreg $0x60  }
0xaf: {  	[dreg:$0x2] =	wrdreg s24  }
0xb0: {  	[dreg:$0x3] =	wrdreg s2  }
0xb1: {  	[dreg:$0x4] =	wrdreg s18  }
0xb2: {  	[dreg:$0x5] =	wrdreg $0x7E800  }
0xb3: {  	[dreg:$0x6] =	wrdreg $0x9  }
0xb4: {  	_ =	task.clear_ibuf [dreg:s8], $0x7FFFF;
	_ =	strace $0x90000049  }
0xb5: {  	s29 =	simm.s32 $0x9;
	_ =	strace $0x8000004B  }
0xb6: {  	_ =	swait.ge [sflag:s29], $0x1  }
0xb7: {  	[sflag:s29] =	ssyncadd.s32 $0xFFFFFFFF  }
0xb8: {  	_ =	strace $0x9000004B  }
0xb9: {  	_ =	sfence  }
0xba: {  	s30 =	sld [smem:$0x0];
	_ =	sdelay $0x2  }
0xbb: {  	s31 =	sshll.u32 s1, $0xD;
	s1 =	sshrl.u32 s1, $0x2  }
0xbc: {  	s3 =	sand.u32 $0x4000, s31;
	s1 =	sadd.s32 s1, s30  }
0xbd: {  	s0 =	sor.u32 s3, s0;
	s1 =	sshll.u32 s1, $0x11  }
0xbe: {  	s0 =	sor.u32 s1, s0  }
0xbf: {  	s0 =	sadd.s32 $0x8F2B, s0  }
0xc0: {  	[sflag:s0] =	ssyncadd.remote.s32 $0x1  }
0xc1: {  	_ =	sfence.sel $0xFFFF  }
0xc2: {  	[dreg:$0x0] =	wrdreg $0xFFFFFFFF;
	(pc) =	sbr.abs _section_cstart, $3  }
0xc3: {  	[dreg:$0x1] =	wrdreg $0xFFFFFFFF  }
0xc4: {  	_ =	task.clear_ibuf [dreg:s8], $0x2FFFF;
	_ =	strace $0x9FFFFFFF  }
0xc5: {  	(tm) =	ssettm $0x7FFFFFFF  }
tec
execute0_lowered:
.L_overlay_start_1:
0x0: {  	(tag) =	ssettag $0x1  }
0x1: {  	s1 =	rddreg [dreg:$0x0]  }
0x2: {  	s0 =	rddreg [dreg:$0x2]  }
0x3: {  	s4 =	rddreg [dreg:$0x3]  }
0x4: {  	s2 =	srdreg.scid;
	s5 =	simm.s32 $0x0;
	s3 =	stileid.u32  }
0x5: {  	s30 =	simm.s32 $0x5200;
	s2 =	sand.u32 $0x1, s2;
	s13 =	smul.u32 $0x2710, s3  }
0x6: {  	[smem:$0x7FF] =	sst s5;
	s29 =	smul.u32 $0x14000, s3;
	s21 =	sadd.s32 $0x169A00, s1  }
0x7: {  	_ =	strace $0x8000004A;
	s10 =	sshll.u32 s2, $0x2;
	[dreg:$0x17] =	wrdreg s21  }
0x8: {  	s7 =	sadd.s32 $0x5000, s1;
	s15 =	smul.u32 $0x50000, s3;
	[dreg:$0x6] =	wrdreg s10  }
0x9: {  	s31 =	sadd.s32 $0x138000, s4;
	s28 =	sadd.s32 $0xF0, s13;
	[dreg:$0x5] =	wrdreg s13  }
0xa: {  	s9 =	sshrl.u32 s13, $0x3;
	s18 =	sadd.s32 $0xA0, s13;
	[dreg:$0xc] =	wrdreg s28  }
0xb: {  	s6 =	ssub.s32 $0x2, s2;
	s23 =	sadd.s32 s7, s9;
	[dreg:$0xa] =	wrdreg s18  }
0xc: {  	s24 =	sadd.s32 $0xA, s9;
	s11 =	sadd.s32 s1, s9;
	[dreg:$0x7] =	wrdreg s23  }
0xd: {  	s2 =	sshll.u32 s2, $0x9;
	[dreg:$0x8] =	wrdreg s11;
	s25 =	sadd.s32 s7, s24  }
0xe: {  	s26 =	sshrl.u32 s18, $0x3;
	s10 =	sadd.s32 s1, s24;
	[dreg:$0x9] =	wrdreg s25  }
0xf: {  	s9 =	sadd.s32 $0x4D8, s9;
	s12 =	sadd.s32 s7, s26;
	[dreg:$0xb] =	wrdreg s10  }
0x10: {  	s8 =	sshrl.u32 s6, $0x1;
	s16 =	sadd.s32 s7, s9;
	[dreg:$0xd] =	wrdreg s12  }
0x11: {  	s6 =	ssub.s32 s6, s8;
	s17 =	sadd.s32 s1, s9;
	[dreg:$0x12] =	wrdreg s16  }
0x12: {  	s21 =	simm.s32 $0xB;
	s20 =	smax.u32 s6, $0x1;
	[dreg:$0x13] =	wrdreg s17  }
0x13: {  	s19 =	sshrl.u32 s15, $0x2;
	s23 =	sadd.s32 $0x31000, s1;
	[dreg:$0x15] =	wrdreg s20  }
0x14: {  	s8 =	smul.u32 $0x280, s3;
	s24 =	sadd.s32 $0x140, s13;
	[dreg:$0x19] =	wrdreg s23  }
0x15: {  	s11 =	sshrl.u32 s28, $0x3;
	s28 =	sadd.s32 $0x1E0, s13;
	[dreg:$0x1a] =	wrdreg s24  }
0x16: {  	s6 =	simm.s32 $0xC;
	s10 =	sadd.s32 s1, s26;
	[dreg:$0x1c] =	wrdreg s28  }
0x17: {  	s14 =	sadd.s32 s7, s11;
	s12 =	sadd.s32 s29, s0;
	[dreg:$0xe] =	wrdreg s10  }
0x18: {  	s11 =	sadd.s32 s1, s11;
	s0 =	sadd.s32 $0x138000, s0;
	[dreg:$0xf] =	wrdreg s14  }
0x19: {  	s26 =	sadd.s32 $0xA000, s1;
	s22 =	sadd.s32 $0x27100, s8;
	[dreg:$0x10] =	wrdreg s11  }
0x1a: {  	s25 =	sadd.s32 $0x190, s13;
	s29 =	sadd.s32 $0x230, s13;
	[dreg:$0x14] =	wrdreg s0  }
0x1b: {  	s23 =	simm.s32 $0x50;
	s17 =	simm.s32 $0xA;
	[dreg:$0x18] =	wrdreg s22  }
0x1c: {  	s16 =	simm.s32 $0x7;
	s2 =	sadd.s32 s2, s12;
	[dreg:$0x1b] =	wrdreg s25  }
0x1d: {  	s0 =	sadd.s32 s19, s4;
	[dreg:$0x1d] =	wrdreg s29;
	s25 =	simm.s32 $0xD  }
0x1e: {  	s11 =	simm.s32 $0x2780;
	s12 =	simm.s32 $0x2A00;
	s14 =	simm.s32 $0xE  }
0x1f: {  	s19 =	simm.s32 $0x3;
	s22 =	simm.s32 $0x4;
	[dreg:$0x11] =	wrdreg s2  }
0x20: {  	s10 =	simm.s32 $0x8;
	[dreg:$0x16] =	wrdreg s0;
	s2 =	simm.s32 $0x0  }
.LBB2_1:
0x21: {  	[dreg:$0x1e] =	wrdreg s2  }
0x22: {  	s0 =	rddreg [dreg:$0x11]  }
0x23: {  	s2 =	simm.s32 $0x0;
	[dreg:$0x1f] =	wrdreg s0  }
.LBB2_2:
0x24: {  	s0 =	rddreg [dreg:$0x6]  }
0x25: {  	s13 =	sand.u32 $0x1, s2;
	s15 =	sadd.s32 s0, s2  }
0x26: {  	p1 =	seq.s32 s13, $0x1;
	p0 =	seq.s32 s15, $0x0  }
0x27: {  	p0 =	por !p0, !p1  }
0x28: {  	s0 =	simm.s32 $0x1;
	p0 =	por !p0, !p0  }
0x29: {  	s20 =	sshrl.u32 s15, $0x1;
	s0 =	simm.s32 @!p0 $0x0  }
0x2a: {  	s0 =	ssub.s32 s20, s0  }
0x2b: {  	s0 =	smul.u32 $0x29900, s0  }
0x2c: {  	s24 =	rddreg [dreg:$0x5]  }
0x2d: {  	[smem:$0x7FB] =	sst s2;
	s2 =	sadd.s32 s24, s0  }
0x2e: {  	s9 =	rddreg [dreg:$0x17];
	s2 =	sshrl.u32 s2, $0x3  }
0x2f: {  	s13 =	simm.s32 $0x0;
	s2 =	sadd.s32 s9, s2  }
0x30: {  	[tilespmem:s13], [sflag:$0xD] =	stream.linear.gather [hbm4b:s2+s13], $0x2710, $0x38;
	[tilespmem:$0x1BE80] =	vst v63  }
0x31: {  	_ =	swait.ge [sflag:s25], $0x2710  }
0x32: {  	s29 =	rddreg [dreg:$0x18]  }
0x33: {  	s0 =	sadd.s32 s0, s29  }
0x34: {  	[sflag:s25] =	ssyncset.done $0x0;
	s0 =	sshrl.u32 s0, $0x3  }
0x35: {  	[sflag:s25] =	ssyncadd.s32 $0xFFFFD8F0;
	s0 =	sadd.s32 s9, s0  }
0x36: {  	[tilespmem:s11], [sflag:$0xD] =	stream.linear.gather [hbm4b:s0+s13], $0x280, $0x38;
	[tilespmem:$0x1BE80] =	vst v63  }
0x37: {  	_ =	swait.ge [sflag:s25], $0x280  }
0x38: {  	[sflag:s25] =	ssyncset.done $0x0  }
0x39: {  	[sflag:s25] =	ssyncadd.s32 $0xFFFFFD80  }
0x3a: {  	s2 =	sshll.u32 s15, $0x4;
	s9 =	rddreg [dreg:$0x1]  }
0x3b: {  	s20 =	simm.s32 $0x7E00;
	s0 =	sadd.s32 s9, s2  }
0x3c: {  	[tilespmem:s20], [sflag:$0xD] =	stream.linear.gather [hbm4b:s0+s13], $0x80, $0x38;
	[tilespmem:$0x1BE80] =	vst v63  }
.Ltmp0:
0x3d: {  	_ = 	snop;
	(pc) =	sbr.rel .LBB2_3-.Ltmp0, $4  }
0x3e: {  	s24 =	smul.u32 $0x27100, s15;
	_ =	swait.ge [sflag:s25], $0x80  }
0x3f: {  	s29 =	rddreg [dreg:$0x19]  }
0x40: {  	[sflag:s25] =	ssyncset.done $0x0;
	[smem:$0x7FC] =	sst s15;
	s0 =	sadd.s32 s24, s29  }
0x41: {  	s28 =	smul.u32 $0x2710, s15;
	[sflag:s25] =	ssyncadd.s32 $0xFFFFFF80;
	[smem:$0x7FD] =	sst s0  }
.LBB2_10:
0x42: {  	_ =	sdelay $0x2  }
0x43: {  	[tilespmem:s2+$0x70] =	vst v0  }
0x44: {  	s0 =	sadd.s32 $0x100, s2;
	v0 =	vld.idx.msk [tilespmem:v1+s11+$0x0], $0xffff  }
0x45: {  	v48 =	vld [tilespmem:s0+$0xFFFFFF80];
	_ =	sdelay $0x1  }
0x46: {  	v2 =	vld [tilespmem:$0x7E00]  }
0x47: {  	s29 =	sadd.s32 s20, s15  }
0x48: {  	v3 =	vmov s29  }
0x49: {  	v1 =	vmul.f32 v48, v0;
	_ =	sdelay $0x1  }
0x4a: {  	v1 =	vadd.f32 v2, v1  }
0x4b: {  	v49 =	vld [tilespmem:s0+$0xFFFFFF90]  }
0x4c: {  	v3 =	vld.idx.msk [tilespmem:v3+s11+$0x0], $0xffff;
	[tilespmem:s0+$0xFFFFFF80] =	vst v1  }
0x4d: {  	v1 =	vld [tilespmem:$0x7E10];
	_ =	sdelay $0x2  }
0x4e: {  	v2 =	vmul.f32 v49, v0;
	_ =	sdelay $0x1  }
0x4f: {  	v1 =	vadd.f32 v1, v2  }
0x50: {  	v50 =	vld [tilespmem:s0+$0xFFFFFFA0]  }
0x51: {  	[tilespmem:s0+$0xFFFFFF90] =	vst v1  }
0x52: {  	v1 =	vld [tilespmem:$0x7E20];
	_ =	sdelay $0x2  }
0x53: {  	v2 =	vmul.f32 v50, v0;
	_ =	sdelay $0x1  }
0x54: {  	v1 =	vadd.f32 v1, v2  }
0x55: {  	v51 =	vld [tilespmem:s0+$0xFFFFFFB0]  }
0x56: {  	[tilespmem:s0+$0xFFFFFFA0] =	vst v1  }
0x57: {  	v1 =	vld [tilespmem:$0x7E30];
	_ =	sdelay $0x2  }
0x58: {  	v2 =	vmul.f32 v51, v0;
	_ =	sdelay $0x1  }
0x59: {  	v1 =	vadd.f32 v1, v2  }
0x5a: {  	v52 =	vld [tilespmem:s0+$0xFFFFFFC0]  }
0x5b: {  	[tilespmem:s0+$0xFFFFFFB0] =	vst v1  }
0x5c: {  	v1 =	vld [tilespmem:$0x7E40];
	_ =	sdelay $0x2  }
0x5d: {  	v2 =	vmul.f32 v52, v0;
	_ =	sdelay $0x1  }
0x5e: {  	v1 =	vadd.f32 v1, v2  }
0x5f: {  	v53 =	vld [tilespmem:s0+$0xFFFFFFD0]  }
0x60: {  	[tilespmem:s0+$0xFFFFFFC0] =	vst v1  }
0x61: {  	v1 =	vld [tilespmem:$0x7E50];
	_ =	sdelay $0x2  }
0x62: {  	v2 =	vmul.f32 v53, v0;
	_ =	sdelay $0x1  }
0x63: {  	v1 =	vadd.f32 v1, v2  }
0x64: {  	v54 =	vld [tilespmem:s0+$0xFFFFFFE0]  }
0x65: {  	[tilespmem:s0+$0xFFFFFFD0] =	vst v1  }
0x66: {  	v1 =	vld [tilespmem:$0x7E60];
	_ =	sdelay $0x2  }
0x67: {  	v2 =	vmul.f32 v54, v0;
	_ =	sdelay $0x1  }
0x68: {  	v1 =	vadd.f32 v1, v2  }
0x69: {  	v55 =	vld [tilespmem:s0+$0xFFFFFFF0]  }
0x6a: {  	[tilespmem:s0+$0xFFFFFFE0] =	vst v1  }
0x6b: {  	v1 =	vld [tilespmem:$0x7E70];
	_ =	sdelay $0x2  }
0x6c: {  	v0 =	vmul.f32 v55, v0;
	_ =	sdelay $0x1  }
0x6d: {  	v0 =	vadd.f32 v1, v0  }
0x6e: {  	v56 =	vld [tilespmem:s0+$0x0]  }
0x6f: {  	[tilespmem:s0+$0xFFFFFFF0] =	vst v0  }
0x70: {  	v0 =	vld [tilespmem:$0x7E00];
	_ =	sdelay $0x2  }
0x71: {  	v1 =	vmul.f32 v56, v3;
	_ =	sdelay $0x1  }
0x72: {  	v0 =	vadd.f32 v0, v1  }
0x73: {  	v57 =	vld [tilespmem:s0+$0x10]  }
0x74: {  	[tilespmem:s0+$0x0] =	vst v0  }
0x75: {  	v0 =	vld [tilespmem:$0x7E10];
	_ =	sdelay $0x2  }
0x76: {  	v1 =	vmul.f32 v57, v3;
	_ =	sdelay $0x1  }
0x77: {  	v0 =	vadd.f32 v0, v1  }
0x78: {  	v58 =	vld [tilespmem:s0+$0x20]  }
0x79: {  	[tilespmem:s0+$0x10] =	vst v0  }
0x7a: {  	v0 =	vld [tilespmem:$0x7E20];
	_ =	sdelay $0x2  }
0x7b: {  	v1 =	vmul.f32 v58, v3;
	_ =	sdelay $0x1  }
0x7c: {  	v0 =	vadd.f32 v0, v1  }
0x7d: {  	v59 =	vld [tilespmem:s0+$0x30]  }
0x7e: {  	[tilespmem:s0+$0x20] =	vst v0  }
0x7f: {  	v0 =	vld [tilespmem:$0x7E30];
	_ =	sdelay $0x2  }
0x80: {  	v1 =	vmul.f32 v59, v3;
	_ =	sdelay $0x1  }
0x81: {  	v0 =	vadd.f32 v0, v1  }
0x82: {  	v60 =	vld [tilespmem:s0+$0x40]  }
0x83: {  	[tilespmem:s0+$0x30] =	vst v0  }
0x84: {  	v0 =	vld [tilespmem:$0x7E40];
	_ =	sdelay $0x2  }
0x85: {  	v1 =	vmul.f32 v60, v3;
	_ =	sdelay $0x1  }
0x86: {  	v0 =	vadd.f32 v0, v1  }
0x87: {  	v61 =	vld [tilespmem:s0+$0x50]  }
0x88: {  	[tilespmem:s0+$0x40] =	vst v0  }
0x89: {  	v0 =	vld [tilespmem:$0x7E50];
	_ =	sdelay $0x2  }
0x8a: {  	v1 =	vmul.f32 v61, v3;
	_ =	sdelay $0x1  }
0x8b: {  	v0 =	vadd.f32 v0, v1  }
0x8c: {  	v62 =	vld [tilespmem:s0+$0x60]  }
0x8d: {  	[tilespmem:s0+$0x50] =	vst v0  }
0x8e: {  	v0 =	vld [tilespmem:$0x7E60];
	_ =	sdelay $0x2  }
0x8f: {  	v1 =	vmul.f32 v62, v3;
	_ =	sdelay $0x1  }
0x90: {  	v0 =	vadd.f32 v0, v1  }
0x91: {  	v63 =	vld [tilespmem:s0+$0x70]  }
0x92: {  	[tilespmem:s0+$0x60] =	vst v0  }
0x93: {  	v0 =	vld [tilespmem:$0x7E70];
	_ =	sdelay $0x2  }
0x94: {  	v1 =	vmul.f32 v63, v3;
	_ =	sdelay $0x1  }
0x95: {  	v0 =	vadd.f32 v0, v1;
	_ =	sdelay $0x1  }
0x96: {  	[tilespmem:s0+$0x70] =	vst v0  }
0x97: {  	[spmem:s31] =	stream.linear.scatter [tilespmem:s12], [sflag:$0xD], $0x800, $0x38;
	[tilespmem:$0x1BE80] =	vst v63  }
0x98: {  	_ =	swait.ge [sflag:s25], $0x800  }
0x99: {  	[sflag:s25] =	ssyncset.done $0x0  }
0x9a: {  	[sflag:s25] =	ssyncadd.s32 $0xFFFFF800  }
.LBB2_11:
0x9b: {  	s13 =	sadd.s32 $0x1, s13  }
0x9c: {  	p0 =	sne.s32 s13, $0xA  }
.Ltmp1:
0x9d: {  	_ = 	snop;
	(pc) =	sbr.rel @!p0 .LBB2_12-.Ltmp1, $1  }
0x9e: {  	_ =	sdelay $0x3  }
.LBB2_3:
0x9f: {  	s0 =	sshll.u32 s13, $0x6  }
0xa0: {  	s24 =	sadd.s32 s8, s0  }
0xa1: {  	p0 =	sgt.u32 s24, $0x26D0  }
.Ltmp2:
0xa2: {  	_ = 	snop;
	(pc) =	sbr.rel @p0 .LBB2_7-.Ltmp2, $1  }
0xa3: {  	_ =	sdelay $0x3  }
0xa4: {  	s2 =	sadd.s32 $0x0, s0  }
0xa5: {  	s20 =	sadd.s32 s28, s24;
	v0 =	vmov s2  }
0xa6: {  	s2 =	sshll.u32 s20, $0x4;
	v0 =	vand.u32 $0xFFFFFFFE, v0  }
0xa7: {  	s9 =	simm.s32 $0x0;
	s2 =	sadd.s32 s26, s2;
	v0 =	vbroadcast v0, $0x0  }
0xa8: {  	[tilespmem:s12], [sflag:$0xE] =	stream.linear.gather [hbm4b:s2+s9], $0x2000, $0x38;
	[tilespmem:$0x1BE80] =	vst v63  }
0xa9: {  	_ =	swait.ge [sflag:s14], $0x2000  }
0xaa: {  	[sflag:s14] =	ssyncset.done $0x0  }
0xab: {  	s2 =	simm.s32 $0x2A80;
	[sflag:s14] =	ssyncadd.s32 $0xFFFFE000  }
0xac: {  	v1 =	vld [tilespmem:s2+$0xFFFFFF80]  }
0xad: {  	v0 =	vld.idx.msk [tilespmem:v0+s11+$0x0], $0xffff;
	_ =	sdelay $0x1  }
0xae: {  	s20 =	sor.u32 $0x1, s0;
	v2 =	vld [tilespmem:$0x7E00]  }
0xaf: {  	s29 =	sadd.s32 $0x0, s20  }
0xb0: {  	v3 =	vmov s29  }
0xb1: {  	v1 =	vmul.f32 v1, v0;
	_ =	sdelay $0x1  }
0xb2: {  	v1 =	vadd.f32 v2, v1  }
0xb3: {  	v2 =	vld [tilespmem:s2+$0xFFFFFF90]  }
0xb4: {  	v3 =	vld.idx.msk [tilespmem:v3+s11+$0x0], $0xffff;
	[tilespmem:s2+$0xFFFFFF80] =	vst v1  }
0xb5: {  	v1 =	vld [tilespmem:$0x7E10];
	_ =	sdelay $0x2  }
0xb6: {  	v2 =	vmul.f32 v2, v0;
	_ =	sdelay $0x1  }
0xb7: {  	v1 =	vadd.f32 v1, v2  }
0xb8: {  	v2 =	vld [tilespmem:s2+$0xFFFFFFA0]  }
0xb9: {  	[tilespmem:s2+$0xFFFFFF90] =	vst v1  }
0xba: {  	v1 =	vld [tilespmem:$0x7E20];
	_ =	sdelay $0x2  }
0xbb: {  	v2 =	vmul.f32 v2, v0;
	_ =	sdelay $0x1  }
0xbc: {  	v1 =	vadd.f32 v1, v2  }
0xbd: {  	v2 =	vld [tilespmem:s2+$0xFFFFFFB0]  }
0xbe: {  	[tilespmem:s2+$0xFFFFFFA0] =	vst v1  }
0xbf: {  	v1 =	vld [tilespmem:$0x7E30];
	_ =	sdelay $0x2  }
0xc0: {  	v2 =	vmul.f32 v2, v0;
	_ =	sdelay $0x1  }
0xc1: {  	v1 =	vadd.f32 v1, v2  }
0xc2: {  	v2 =	vld [tilespmem:s2+$0xFFFFFFC0]  }
0xc3: {  	[tilespmem:s2+$0xFFFFFFB0] =	vst v1  }
0xc4: {  	v1 =	vld [tilespmem:$0x7E40];
	_ =	sdelay $0x2  }
0xc5: {  	v2 =	vmul.f32 v2, v0;
	_ =	sdelay $0x1  }
0xc6: {  	v1 =	vadd.f32 v1, v2  }
0xc7: {  	v2 =	vld [tilespmem:s2+$0xFFFFFFD0]  }
0xc8: {  	[tilespmem:s2+$0xFFFFFFC0] =	vst v1  }
0xc9: {  	v1 =	vld [tilespmem:$0x7E50];
	_ =	sdelay $0x2  }
0xca: {  	v2 =	vmul.f32 v2, v0;
	_ =	sdelay $0x1  }
0xcb: {  	v1 =	vadd.f32 v1, v2  }
0xcc: {  	v2 =	vld [tilespmem:s2+$0xFFFFFFE0]  }
0xcd: {  	[tilespmem:s2+$0xFFFFFFD0] =	vst v1  }
0xce: {  	v1 =	vld [tilespmem:$0x7E60];
	_ =	sdelay $0x2  }
0xcf: {  	v2 =	vmul.f32 v2, v0;
	_ =	sdelay $0x1  }
0xd0: {  	v1 =	vadd.f32 v1, v2  }
0xd1: {  	v2 =	vld [tilespmem:s2+$0xFFFFFFF0]  }
0xd2: {  	[tilespmem:s2+$0xFFFFFFE0] =	vst v1  }
0xd3: {  	v1 =	vld [tilespmem:$0x7E70];
	_ =	sdelay $0x2  }
0xd4: {  	v0 =	vmul.f32 v2, v0;
	_ =	sdelay $0x1  }
0xd5: {  	v0 =	vadd.f32 v1, v0  }
0xd6: {  	v1 =	vld [tilespmem:s2+$0x0]  }
0xd7: {  	[tilespmem:s2+$0xFFFFFFF0] =	vst v0  }
0xd8: {  	v0 =	vld [tilespmem:$0x7E00];
	_ =	sdelay $0x2  }
0xd9: {  	v1 =	vmul.f32 v1, v3;
	_ =	sdelay $0x1  }
0xda: {  	v0 =	vadd.f32 v0, v1  }
0xdb: {  	v1 =	vld [tilespmem:s2+$0x10]  }
0xdc: {  	[tilespmem:s2+$0x0] =	vst v0  }
0xdd: {  	v0 =	vld [tilespmem:$0x7E10];
	_ =	sdelay $0x2  }
0xde: {  	v1 =	vmul.f32 v1, v3;
	_ =	sdelay $0x1  }
0xdf: {  	v0 =	vadd.f32 v0, v1  }
0xe0: {  	v1 =	vld [tilespmem:s2+$0x20]  }
0xe1: {  	[tilespmem:s2+$0x10] =	vst v0  }
0xe2: {  	v0 =	vld [tilespmem:$0x7E20];
	_ =	sdelay $0x2  }
0xe3: {  	v1 =	vmul.f32 v1, v3;
	_ =	sdelay $0x1  }
0xe4: {  	v0 =	vadd.f32 v0, v1  }
0xe5: {  	v1 =	vld [tilespmem:s2+$0x30]  }
0xe6: {  	[tilespmem:s2+$0x20] =	vst v0  }
0xe7: {  	v0 =	vld [tilespmem:$0x7E30];
	_ =	sdelay $0x2  }
0xe8: {  	v1 =	vmul.f32 v1, v3;
	_ =	sdelay $0x1  }
0xe9: {  	v0 =	vadd.f32 v0, v1  }
0xea: {  	v1 =	vld [tilespmem:s2+$0x40]  }
0xeb: {  	[tilespmem:s2+$0x30] =	vst v0  }
0xec: {  	v0 =	vld [tilespmem:$0x7E40];
	_ =	sdelay $0x2  }
0xed: {  	v1 =	vmul.f32 v1, v3;
	_ =	sdelay $0x1  }
0xee: {  	v0 =	vadd.f32 v0, v1  }
0xef: {  	v1 =	vld [tilespmem:s2+$0x50]  }
0xf0: {  	[tilespmem:s2+$0x40] =	vst v0  }
0xf1: {  	v0 =	vld [tilespmem:$0x7E50];
	_ =	sdelay $0x2  }
0xf2: {  	v1 =	vmul.f32 v1, v3;
	_ =	sdelay $0x1  }
0xf3: {  	v0 =	vadd.f32 v0, v1  }
0xf4: {  	v1 =	vld [tilespmem:s2+$0x60]  }
0xf5: {  	[tilespmem:s2+$0x50] =	vst v0  }
0xf6: {  	v0 =	vld [tilespmem:$0x7E60];
	_ =	sdelay $0x2  }
0xf7: {  	v1 =	vmul.f32 v1, v3;
	_ =	sdelay $0x1  }
0xf8: {  	v0 =	vadd.f32 v0, v1;
	v1 =	vld [tilespmem:s2+$0x70];
	_ =	sdelay $0x2  }
0xf9: {  	s30 =	sadd.s32 $0x2, s0;
	[tilespmem:s2+$0x60] =	vst v0  }
0xfa: {  	v2 =	vmov s30;
	v0 =	vld [tilespmem:$0x7E70]  }
0xfb: {  	v3 =	vmul.f32 v1, v3;
	v1 =	vand.u32 $0xFFFFFFFE, v2  }
0xfc: {  	v1 =	vbroadcast v1, $0x0;
	_ =	sdelay $0x2  }
0xfd: {  	s15 =	simm.s32 $0x2;
	s9 =	simm.s32 $0x4;
	v0 =	vadd.f32 v0, v3  }
.LBB2_5:
0xfe: {  	p0 =	sne.s32 s9, $0x3E  }
0xff: {  	s29 =	smov.u32 s9;
	s9 =	sadd.s32 $0x2, s9;
	[tilespmem:s2+$0x70] =	vst v0;
	s2 =	sadd.s32 $0x100, s2  }
0x100: {  	v1 =	vld.idx.msk [tilespmem:v1+s11+$0x0], $0xffff  }
0x101: {  	v0 =	vld [tilespmem:s2+$0xFFFFFF80];
	_ =	sdelay $0x1  }
0x102: {  	s30 =	sadd.s32 s20, s15;
	s15 =	smov.u32 s29;
	v2 =	vld [tilespmem:$0x7E00]  }
0x103: {  	v3 =	vmov s30;
	_ =	sdelay $0x1  }
0x104: {  	v0 =	vmul.f32 v0, v1;
	_ =	sdelay $0x1  }
0x105: {  	v2 =	vadd.f32 v2, v0;
	v4 =	vld [tilespmem:s2+$0xFFFFFF90]  }
0x106: {  	v0 =	vld.idx.msk [tilespmem:v3+s11+$0x0], $0xffff  }
0x107: {  	[tilespmem:s2+$0xFFFFFF80] =	vst v2  }
0x108: {  	v2 =	vld [tilespmem:$0x7E10];
	_ =	sdelay $0x2  }
0x109: {  	v3 =	vmul.f32 v4, v1;
	_ =	sdelay $0x1  }
0x10a: {  	v2 =	vadd.f32 v2, v3  }
0x10b: {  	v3 =	vld [tilespmem:s2+$0xFFFFFFA0]  }
0x10c: {  	[tilespmem:s2+$0xFFFFFF90] =	vst v2  }
0x10d: {  	v2 =	vld [tilespmem:$0x7E20];
	_ =	sdelay $0x2  }
0x10e: {  	v3 =	vmul.f32 v3, v1;
	_ =	sdelay $0x1  }
0x10f: {  	v2 =	vadd.f32 v2, v3  }
0x110: {  	v3 =	vld [tilespmem:s2+$0xFFFFFFB0]  }
0x111: {  	[tilespmem:s2+$0xFFFFFFA0] =	vst v2  }
0x112: {  	v2 =	vld [tilespmem:$0x7E30];
	_ =	sdelay $0x2  }
0x113: {  	v3 =	vmul.f32 v3, v1;
	_ =	sdelay $0x1  }
0x114: {  	v2 =	vadd.f32 v2, v3  }
0x115: {  	v3 =	vld [tilespmem:s2+$0xFFFFFFC0]  }
0x116: {  	[tilespmem:s2+$0xFFFFFFB0] =	vst v2  }
0x117: {  	v2 =	vld [tilespmem:$0x7E40];
	_ =	sdelay $0x2  }
0x118: {  	v3 =	vmul.f32 v3, v1;
	_ =	sdelay $0x1  }
0x119: {  	v2 =	vadd.f32 v2, v3  }
0x11a: {  	v3 =	vld [tilespmem:s2+$0xFFFFFFD0]  }
0x11b: {  	[tilespmem:s2+$0xFFFFFFC0] =	vst v2  }
0x11c: {  	v2 =	vld [tilespmem:$0x7E50];
	_ =	sdelay $0x2  }
0x11d: {  	v3 =	vmul.f32 v3, v1;
	_ =	sdelay $0x1  }
0x11e: {  	v2 =	vadd.f32 v2, v3  }
0x11f: {  	v3 =	vld [tilespmem:s2+$0xFFFFFFE0]  }
0x120: {  	[tilespmem:s2+$0xFFFFFFD0] =	vst v2  }
0x121: {  	v2 =	vld [tilespmem:$0x7E60];
	_ =	sdelay $0x2  }
0x122: {  	v3 =	vmul.f32 v3, v1;
	_ =	sdelay $0x1  }
0x123: {  	v2 =	vadd.f32 v2, v3  }
0x124: {  	v3 =	vld [tilespmem:s2+$0xFFFFFFF0]  }
0x125: {  	[tilespmem:s2+$0xFFFFFFE0] =	vst v2  }
0x126: {  	v2 =	vld [tilespmem:$0x7E70];
	_ =	sdelay $0x2  }
0x127: {  	v1 =	vmul.f32 v3, v1;
	_ =	sdelay $0x1  }
0x128: {  	v1 =	vadd.f32 v2, v1  }
0x129: {  	v2 =	vld [tilespmem:s2+$0x0]  }
0x12a: {  	[tilespmem:s2+$0xFFFFFFF0] =	vst v1  }
0x12b: {  	v1 =	vld [tilespmem:$0x7E00];
	_ =	sdelay $0x2  }
0x12c: {  	v2 =	vmul.f32 v2, v0;
	_ =	sdelay $0x1  }
0x12d: {  	v1 =	vadd.f32 v1, v2  }
0x12e: {  	v2 =	vld [tilespmem:s2+$0x10]  }
0x12f: {  	[tilespmem:s2+$0x0] =	vst v1  }
0x130: {  	v1 =	vld [tilespmem:$0x7E10];
	_ =	sdelay $0x2  }
0x131: {  	v2 =	vmul.f32 v2, v0;
	_ =	sdelay $0x1  }
0x132: {  	v1 =	vadd.f32 v1, v2  }
0x133: {  	v2 =	vld [tilespmem:s2+$0x20]  }
0x134: {  	[tilespmem:s2+$0x10] =	vst v1  }
0x135: {  	v1 =	vld [tilespmem:$0x7E20];
	_ =	sdelay $0x2  }
0x136: {  	v2 =	vmul.f32 v2, v0;
	_ =	sdelay $0x1  }
0x137: {  	v1 =	vadd.f32 v1, v2  }
0x138: {  	v2 =	vld [tilespmem:s2+$0x30]  }
0x139: {  	[tilespmem:s2+$0x20] =	vst v1  }
0x13a: {  	v1 =	vld [tilespmem:$0x7E30];
	_ =	sdelay $0x2  }
0x13b: {  	v2 =	vmul.f32 v2, v0;
	_ =	sdelay $0x1  }
0x13c: {  	v1 =	vadd.f32 v1, v2  }
0x13d: {  	v2 =	vld [tilespmem:s2+$0x40]  }
0x13e: {  	[tilespmem:s2+$0x30] =	vst v1  }
0x13f: {  	v1 =	vld [tilespmem:$0x7E40];
	_ =	sdelay $0x2  }
0x140: {  	v2 =	vmul.f32 v2, v0;
	_ =	sdelay $0x1  }
0x141: {  	v1 =	vadd.f32 v1, v2  }
0x142: {  	v2 =	vld [tilespmem:s2+$0x50]  }
0x143: {  	[tilespmem:s2+$0x40] =	vst v1  }
0x144: {  	v1 =	vld [tilespmem:$0x7E50];
	_ =	sdelay $0x2  }
0x145: {  	v2 =	vmul.f32 v2, v0;
	_ =	sdelay $0x1  }
0x146: {  	v1 =	vadd.f32 v1, v2  }
0x147: {  	v2 =	vld [tilespmem:s2+$0x60]  }
0x148: {  	[tilespmem:s2+$0x50] =	vst v1  }
0x149: {  	v1 =	vld [tilespmem:$0x7E60];
	_ =	sdelay $0x2  }
0x14a: {  	v2 =	vmul.f32 v2, v0;
	_ =	sdelay $0x1  }
0x14b: {  	v1 =	vadd.f32 v1, v2  }
0x14c: {  	v2 =	vld [tilespmem:s2+$0x70]  }
0x14d: {  	s29 =	sadd.s32 s0, s15;
	[tilespmem:s2+$0x60] =	vst v1  }
0x14e: {  	v1 =	vmov s29;
	v3 =	vld [tilespmem:$0x7E70]  }
.Ltmp3:
0x14f: {  	v1 =	vand.u32 $0xFFFFFFFE, v1;
	(pc) =	sbr.rel @p0 .LBB2_5-.Ltmp3, $3  }
0x150: {  	v1 =	vbroadcast v1, $0x0  }
0x151: {  	v0 =	vmul.f32 v2, v0;
	_ =	sdelay $0x1  }
0x152: {  	v0 =	vadd.f32 v3, v0  }
0x153: {  	_ =	sdelay $0x1  }
0x154: {  	s0 =	sadd.s32 $0x100, s2  }
0x155: {  	[tilespmem:s2+$0x70] =	vst v0;
	v48 =	vld [tilespmem:s0+$0xFFFFFF80]  }
0x156: {  	v0 =	vld.idx.msk [tilespmem:v1+s11+$0x0], $0xffff;
	_ =	sdelay $0x1  }
0x157: {  	v2 =	vld [tilespmem:$0x7E00]  }
0x158: {  	s20 =	sadd.s32 s20, s15  }
0x159: {  	v3 =	vmov s20  }
0x15a: {  	v1 =	vmul.f32 v48, v0;
	_ =	sdelay $0x1  }
0x15b: {  	v1 =	vadd.f32 v2, v1  }
0x15c: {  	v49 =	vld [tilespmem:s0+$0xFFFFFF90]  }
0x15d: {  	v3 =	vld.idx.msk [tilespmem:v3+s11+$0x0], $0xffff;
	[tilespmem:s0+$0xFFFFFF80] =	vst v1  }
0x15e: {  	v1 =	vld [tilespmem:$0x7E10];
	_ =	sdelay $0x2  }
0x15f: {  	v2 =	vmul.f32 v49, v0;
	_ =	sdelay $0x1  }
0x160: {  	v1 =	vadd.f32 v1, v2  }
0x161: {  	v50 =	vld [tilespmem:s0+$0xFFFFFFA0]  }
0x162: {  	[tilespmem:s0+$0xFFFFFF90] =	vst v1  }
0x163: {  	v1 =	vld [tilespmem:$0x7E20];
	_ =	sdelay $0x2  }
0x164: {  	v2 =	vmul.f32 v50, v0;
	_ =	sdelay $0x1  }
0x165: {  	v1 =	vadd.f32 v1, v2  }
0x166: {  	v51 =	vld [tilespmem:s0+$0xFFFFFFB0]  }
0x167: {  	[tilespmem:s0+$0xFFFFFFA0] =	vst v1  }
0x168: {  	v1 =	vld [tilespmem:$0x7E30];
	_ =	sdelay $0x2  }
0x169: {  	v2 =	vmul.f32 v51, v0;
	_ =	sdelay $0x1  }
0x16a: {  	v1 =	vadd.f32 v1, v2  }
0x16b: {  	v52 =	vld [tilespmem:s0+$0xFFFFFFC0]  }
0x16c: {  	[tilespmem:s0+$0xFFFFFFB0] =	vst v1  }
0x16d: {  	v1 =	vld [tilespmem:$0x7E40];
	_ =	sdelay $0x2  }
0x16e: {  	v2 =	vmul.f32 v52, v0;
	_ =	sdelay $0x1  }
0x16f: {  	v1 =	vadd.f32 v1, v2  }
0x170: {  	v53 =	vld [tilespmem:s0+$0xFFFFFFD0]  }
0x171: {  	[tilespmem:s0+$0xFFFFFFC0] =	vst v1  }
0x172: {  	v1 =	vld [tilespmem:$0x7E50];
	_ =	sdelay $0x2  }
0x173: {  	v2 =	vmul.f32 v53, v0;
	_ =	sdelay $0x1  }
0x174: {  	v1 =	vadd.f32 v1, v2  }
0x175: {  	v54 =	vld [tilespmem:s0+$0xFFFFFFE0]  }
0x176: {  	[tilespmem:s0+$0xFFFFFFD0] =	vst v1  }
0x177: {  	v1 =	vld [tilespmem:$0x7E60];
	_ =	sdelay $0x2  }
0x178: {  	v2 =	vmul.f32 v54, v0;
	_ =	sdelay $0x1  }
0x179: {  	v1 =	vadd.f32 v1, v2  }
0x17a: {  	v55 =	vld [tilespmem:s0+$0xFFFFFFF0]  }
0x17b: {  	[tilespmem:s0+$0xFFFFFFE0] =	vst v1  }
0x17c: {  	v1 =	vld [tilespmem:$0x7E70];
	_ =	sdelay $0x2  }
0x17d: {  	v0 =	vmul.f32 v55, v0;
	_ =	sdelay $0x1  }
0x17e: {  	v0 =	vadd.f32 v1, v0  }
0x17f: {  	v56 =	vld [tilespmem:s0+$0x0]  }
0x180: {  	[tilespmem:s0+$0xFFFFFFF0] =	vst v0  }
0x181: {  	v0 =	vld [tilespmem:$0x7E00];
	_ =	sdelay $0x2  }
0x182: {  	v1 =	vmul.f32 v56, v3;
	_ =	sdelay $0x1  }
0x183: {  	v0 =	vadd.f32 v0, v1  }
0x184: {  	v57 =	vld [tilespmem:s0+$0x10]  }
0x185: {  	[tilespmem:s0+$0x0] =	vst v0  }
0x186: {  	v0 =	vld [tilespmem:$0x7E10];
	_ =	sdelay $0x2  }
0x187: {  	v1 =	vmul.f32 v57, v3;
	_ =	sdelay $0x1  }
0x188: {  	v0 =	vadd.f32 v0, v1  }
0x189: {  	v58 =	vld [tilespmem:s0+$0x20]  }
0x18a: {  	[tilespmem:s0+$0x10] =	vst v0  }
0x18b: {  	v0 =	vld [tilespmem:$0x7E20];
	_ =	sdelay $0x2  }
0x18c: {  	v1 =	vmul.f32 v58, v3;
	_ =	sdelay $0x1  }
0x18d: {  	v0 =	vadd.f32 v0, v1  }
0x18e: {  	v59 =	vld [tilespmem:s0+$0x30]  }
0x18f: {  	[tilespmem:s0+$0x20] =	vst v0  }
0x190: {  	v0 =	vld [tilespmem:$0x7E30];
	_ =	sdelay $0x2  }
0x191: {  	v1 =	vmul.f32 v59, v3;
	_ =	sdelay $0x1  }
0x192: {  	v0 =	vadd.f32 v0, v1  }
0x193: {  	v60 =	vld [tilespmem:s0+$0x40]  }
0x194: {  	[tilespmem:s0+$0x30] =	vst v0  }
0x195: {  	v0 =	vld [tilespmem:$0x7E40];
	_ =	sdelay $0x2  }
0x196: {  	v1 =	vmul.f32 v60, v3;
	_ =	sdelay $0x1  }
0x197: {  	v0 =	vadd.f32 v0, v1  }
0x198: {  	v61 =	vld [tilespmem:s0+$0x50]  }
0x199: {  	[tilespmem:s0+$0x40] =	vst v0  }
0x19a: {  	v0 =	vld [tilespmem:$0x7E50];
	_ =	sdelay $0x2  }
0x19b: {  	v1 =	vmul.f32 v61, v3;
	_ =	sdelay $0x1  }
0x19c: {  	v0 =	vadd.f32 v0, v1  }
0x19d: {  	v62 =	vld [tilespmem:s0+$0x60]  }
0x19e: {  	[tilespmem:s0+$0x50] =	vst v0  }
0x19f: {  	v0 =	vld [tilespmem:$0x7E60];
	_ =	sdelay $0x2  }
0x1a0: {  	v1 =	vmul.f32 v62, v3;
	_ =	sdelay $0x1  }
0x1a1: {  	v0 =	vadd.f32 v0, v1  }
0x1a2: {  	v63 =	vld [tilespmem:s0+$0x70]  }
0x1a3: {  	[tilespmem:s0+$0x60] =	vst v0  }
0x1a4: {  	v0 =	vld [tilespmem:$0x7E70];
	_ =	sdelay $0x2  }
0x1a5: {  	v1 =	vmul.f32 v63, v3;
	_ =	sdelay $0x1  }
0x1a6: {  	s24 =	sshll.u32 s24, $0x7;
	v0 =	vadd.f32 v0, v1  }
0x1a7: {  	s2 =	sand.u32 $0x3FFFFF80, s24  }
.Ltmp4:
0x1a8: {  	s29 =	sadd.s32 s2, s4;
	[tilespmem:s0+$0x70] =	vst v0;
	(pc) =	sbr.rel .LBB2_11-.Ltmp4, $4  }
0x1a9: {  	[spmem:s29] =	stream.linear.scatter [tilespmem:s12], [sflag:$0xE], $0x2000, $0x38;
	[tilespmem:$0x1BE80] =	vst v63  }
0x1aa: {  	_ =	swait.ge [sflag:s14], $0x2000  }
0x1ab: {  	[sflag:s14] =	ssyncset.done $0x0  }
0x1ac: {  	s30 =	simm.s32 $0x5200;
	[sflag:s14] =	ssyncadd.s32 $0xFFFFE000  }
.LBB2_7:
0x1ad: {  	p0 =	sne.s32 s24, $0x2700  }
.Ltmp5:
0x1ae: {  	_ = 	snop;
	(pc) =	sbr.rel @p0 .LBB2_11-.Ltmp5, $1  }
0x1af: {  	_ =	sdelay $0x3  }
0x1b0: {  	s2 =	sadd.s32 $0x0, s0  }
0x1b1: {  	s9 =	sld [smem:$0x7FD];
	v0 =	vmov s2  }
0x1b2: {  	v0 =	vand.u32 $0xFFFFFFFE, v0  }
0x1b3: {  	s20 =	simm.s32 $0x0;
	v0 =	vbroadcast v0, $0x0  }
0x1b4: {  	[tilespmem:s12], [sflag:$0xE] =	stream.linear.gather [hbm4b:s9+s20], $0x800, $0x38;
	[tilespmem:$0x1BE80] =	vst v63  }
0x1b5: {  	_ =	swait.ge [sflag:s14], $0x800  }
0x1b6: {  	[sflag:s14] =	ssyncset.done $0x0  }
0x1b7: {  	s2 =	simm.s32 $0x2A80;
	[sflag:s14] =	ssyncadd.s32 $0xFFFFF800  }
0x1b8: {  	v1 =	vld [tilespmem:s2+$0xFFFFFF80]  }
0x1b9: {  	v0 =	vld.idx.msk [tilespmem:v0+s11+$0x0], $0xffff;
	_ =	sdelay $0x1  }
0x1ba: {  	s20 =	sor.u32 $0x1, s0;
	v2 =	vld [tilespmem:$0x7E00]  }
0x1bb: {  	s24 =	sadd.s32 $0x0, s20  }
0x1bc: {  	v3 =	vmov s24  }
0x1bd: {  	v1 =	vmul.f32 v1, v0;
	_ =	sdelay $0x1  }
0x1be: {  	v1 =	vadd.f32 v2, v1  }
0x1bf: {  	v2 =	vld [tilespmem:s2+$0xFFFFFF90]  }
0x1c0: {  	v3 =	vld.idx.msk [tilespmem:v3+s11+$0x0], $0xffff;
	[tilespmem:s2+$0xFFFFFF80] =	vst v1  }
0x1c1: {  	v1 =	vld [tilespmem:$0x7E10];
	_ =	sdelay $0x2  }
0x1c2: {  	v2 =	vmul.f32 v2, v0;
	_ =	sdelay $0x1  }
0x1c3: {  	v1 =	vadd.f32 v1, v2  }
0x1c4: {  	v2 =	vld [tilespmem:s2+$0xFFFFFFA0]  }
0x1c5: {  	[tilespmem:s2+$0xFFFFFF90] =	vst v1  }
0x1c6: {  	v1 =	vld [tilespmem:$0x7E20];
	_ =	sdelay $0x2  }
0x1c7: {  	v2 =	vmul.f32 v2, v0;
	_ =	sdelay $0x1  }
0x1c8: {  	v1 =	vadd.f32 v1, v2  }
0x1c9: {  	v2 =	vld [tilespmem:s2+$0xFFFFFFB0]  }
0x1ca: {  	[tilespmem:s2+$0xFFFFFFA0] =	vst v1  }
0x1cb: {  	v1 =	vld [tilespmem:$0x7E30];
	_ =	sdelay $0x2  }
0x1cc: {  	v2 =	vmul.f32 v2, v0;
	_ =	sdelay $0x1  }
0x1cd: {  	v1 =	vadd.f32 v1, v2  }
0x1ce: {  	v2 =	vld [tilespmem:s2+$0xFFFFFFC0]  }
0x1cf: {  	[tilespmem:s2+$0xFFFFFFB0] =	vst v1  }
0x1d0: {  	v1 =	vld [tilespmem:$0x7E40];
	_ =	sdelay $0x2  }
0x1d1: {  	v2 =	vmul.f32 v2, v0;
	_ =	sdelay $0x1  }
0x1d2: {  	v1 =	vadd.f32 v1, v2  }
0x1d3: {  	v2 =	vld [tilespmem:s2+$0xFFFFFFD0]  }
0x1d4: {  	[tilespmem:s2+$0xFFFFFFC0] =	vst v1  }
0x1d5: {  	v1 =	vld [tilespmem:$0x7E50];
	_ =	sdelay $0x2  }
0x1d6: {  	v2 =	vmul.f32 v2, v0;
	_ =	sdelay $0x1  }
0x1d7: {  	v1 =	vadd.f32 v1, v2  }
0x1d8: {  	v2 =	vld [tilespmem:s2+$0xFFFFFFE0]  }
0x1d9: {  	[tilespmem:s2+$0xFFFFFFD0] =	vst v1  }
0x1da: {  	v1 =	vld [tilespmem:$0x7E60];
	_ =	sdelay $0x2  }
0x1db: {  	v2 =	vmul.f32 v2, v0;
	_ =	sdelay $0x1  }
0x1dc: {  	v1 =	vadd.f32 v1, v2  }
0x1dd: {  	v2 =	vld [tilespmem:s2+$0xFFFFFFF0]  }
0x1de: {  	[tilespmem:s2+$0xFFFFFFE0] =	vst v1  }
0x1df: {  	v1 =	vld [tilespmem:$0x7E70];
	_ =	sdelay $0x2  }
0x1e0: {  	v0 =	vmul.f32 v2, v0;
	_ =	sdelay $0x1  }
0x1e1: {  	v0 =	vadd.f32 v1, v0  }
0x1e2: {  	v1 =	vld [tilespmem:s2+$0x0]  }
0x1e3: {  	[tilespmem:s2+$0xFFFFFFF0] =	vst v0  }
0x1e4: {  	v0 =	vld [tilespmem:$0x7E00];
	_ =	sdelay $0x2  }
0x1e5: {  	v1 =	vmul.f32 v1, v3;
	_ =	sdelay $0x1  }
0x1e6: {  	v0 =	vadd.f32 v0, v1  }
0x1e7: {  	v1 =	vld [tilespmem:s2+$0x10]  }
0x1e8: {  	[tilespmem:s2+$0x0] =	vst v0  }
0x1e9: {  	v0 =	vld [tilespmem:$0x7E10];
	_ =	sdelay $0x2  }
0x1ea: {  	v1 =	vmul.f32 v1, v3;
	_ =	sdelay $0x1  }
0x1eb: {  	v0 =	vadd.f32 v0, v1  }
0x1ec: {  	v1 =	vld [tilespmem:s2+$0x20]  }
0x1ed: {  	[tilespmem:s2+$0x10] =	vst v0  }
0x1ee: {  	v0 =	vld [tilespmem:$0x7E20];
	_ =	sdelay $0x2  }
0x1ef: {  	v1 =	vmul.f32 v1, v3;
	_ =	sdelay $0x1  }
0x1f0: {  	v0 =	vadd.f32 v0, v1  }
0x1f1: {  	v1 =	vld [tilespmem:s2+$0x30]  }
0x1f2: {  	[tilespmem:s2+$0x20] =	vst v0  }
0x1f3: {  	v0 =	vld [tilespmem:$0x7E30];
	_ =	sdelay $0x2  }
0x1f4: {  	v1 =	vmul.f32 v1, v3;
	_ =	sdelay $0x1  }
0x1f5: {  	v0 =	vadd.f32 v0, v1  }
0x1f6: {  	v1 =	vld [tilespmem:s2+$0x40]  }
0x1f7: {  	[tilespmem:s2+$0x30] =	vst v0  }
0x1f8: {  	v0 =	vld [tilespmem:$0x7E40];
	_ =	sdelay $0x2  }
0x1f9: {  	v1 =	vmul.f32 v1, v3;
	_ =	sdelay $0x1  }
0x1fa: {  	v0 =	vadd.f32 v0, v1  }
0x1fb: {  	v1 =	vld [tilespmem:s2+$0x50]  }
0x1fc: {  	[tilespmem:s2+$0x40] =	vst v0  }
0x1fd: {  	v0 =	vld [tilespmem:$0x7E50];
	_ =	sdelay $0x2  }
0x1fe: {  	v1 =	vmul.f32 v1, v3;
	_ =	sdelay $0x1  }
0x1ff: {  	v0 =	vadd.f32 v0, v1  }
0x200: {  	v1 =	vld [tilespmem:s2+$0x60]  }
0x201: {  	[tilespmem:s2+$0x50] =	vst v0  }
0x202: {  	v0 =	vld [tilespmem:$0x7E60];
	_ =	sdelay $0x2  }
0x203: {  	v1 =	vmul.f32 v1, v3;
	_ =	sdelay $0x1  }
0x204: {  	v0 =	vadd.f32 v0, v1;
	v1 =	vld [tilespmem:s2+$0x70];
	_ =	sdelay $0x2  }
0x205: {  	s29 =	sadd.s32 $0x2, s0;
	[tilespmem:s2+$0x60] =	vst v0  }
0x206: {  	v2 =	vmov s29;
	v0 =	vld [tilespmem:$0x7E70]  }
0x207: {  	v3 =	vmul.f32 v1, v3;
	v1 =	vand.u32 $0xFFFFFFFE, v2  }
0x208: {  	v1 =	vbroadcast v1, $0x0;
	_ =	sdelay $0x2  }
0x209: {  	s15 =	simm.s32 $0x2;
	s9 =	simm.s32 $0x4;
	v0 =	vadd.f32 v0, v3  }
.LBB2_9:
0x20a: {  	p0 =	sne.s32 s9, $0xE  }
0x20b: {  	[tilespmem:s2+$0x70] =	vst v0;
	s2 =	sadd.s32 $0x100, s2;
	s24 =	smov.u32 s9;
	s9 =	sadd.s32 $0x2, s9  }
0x20c: {  	v1 =	vld.idx.msk [tilespmem:v1+s11+$0x0], $0xffff  }
0x20d: {  	v0 =	vld [tilespmem:s2+$0xFFFFFF80];
	_ =	sdelay $0x1  }
0x20e: {  	s29 =	sadd.s32 s20, s15;
	s15 =	smov.u32 s24;
	v2 =	vld [tilespmem:$0x7E00]  }
0x20f: {  	v3 =	vmov s29;
	_ =	sdelay $0x1  }
0x210: {  	v0 =	vmul.f32 v0, v1;
	_ =	sdelay $0x1  }
0x211: {  	v2 =	vadd.f32 v2, v0;
	v4 =	vld [tilespmem:s2+$0xFFFFFF90]  }
0x212: {  	v0 =	vld.idx.msk [tilespmem:v3+s11+$0x0], $0xffff  }
0x213: {  	[tilespmem:s2+$0xFFFFFF80] =	vst v2  }
0x214: {  	v2 =	vld [tilespmem:$0x7E10];
	_ =	sdelay $0x2  }
0x215: {  	v3 =	vmul.f32 v4, v1;
	_ =	sdelay $0x1  }
0x216: {  	v2 =	vadd.f32 v2, v3  }
0x217: {  	v3 =	vld [tilespmem:s2+$0xFFFFFFA0]  }
0x218: {  	[tilespmem:s2+$0xFFFFFF90] =	vst v2  }
0x219: {  	v2 =	vld [tilespmem:$0x7E20];
	_ =	sdelay $0x2  }
0x21a: {  	v3 =	vmul.f32 v3, v1;
	_ =	sdelay $0x1  }
0x21b: {  	v2 =	vadd.f32 v2, v3  }
0x21c: {  	v3 =	vld [tilespmem:s2+$0xFFFFFFB0]  }
0x21d: {  	[tilespmem:s2+$0xFFFFFFA0] =	vst v2  }
0x21e: {  	v2 =	vld [tilespmem:$0x7E30];
	_ =	sdelay $0x2  }
0x21f: {  	v3 =	vmul.f32 v3, v1;
	_ =	sdelay $0x1  }
0x220: {  	v2 =	vadd.f32 v2, v3  }
0x221: {  	v3 =	vld [tilespmem:s2+$0xFFFFFFC0]  }
0x222: {  	[tilespmem:s2+$0xFFFFFFB0] =	vst v2  }
0x223: {  	v2 =	vld [tilespmem:$0x7E40];
	_ =	sdelay $0x2  }
0x224: {  	v3 =	vmul.f32 v3, v1;
	_ =	sdelay $0x1  }
0x225: {  	v2 =	vadd.f32 v2, v3  }
0x226: {  	v3 =	vld [tilespmem:s2+$0xFFFFFFD0]  }
0x227: {  	[tilespmem:s2+$0xFFFFFFC0] =	vst v2  }
0x228: {  	v2 =	vld [tilespmem:$0x7E50];
	_ =	sdelay $0x2  }
0x229: {  	v3 =	vmul.f32 v3, v1;
	_ =	sdelay $0x1  }
0x22a: {  	v2 =	vadd.f32 v2, v3  }
0x22b: {  	v3 =	vld [tilespmem:s2+$0xFFFFFFE0]  }
0x22c: {  	[tilespmem:s2+$0xFFFFFFD0] =	vst v2  }
0x22d: {  	v2 =	vld [tilespmem:$0x7E60];
	_ =	sdelay $0x2  }
0x22e: {  	v3 =	vmul.f32 v3, v1;
	_ =	sdelay $0x1  }
0x22f: {  	v2 =	vadd.f32 v2, v3  }
0x230: {  	v3 =	vld [tilespmem:s2+$0xFFFFFFF0]  }
0x231: {  	[tilespmem:s2+$0xFFFFFFE0] =	vst v2  }
0x232: {  	v2 =	vld [tilespmem:$0x7E70];
	_ =	sdelay $0x2  }
0x233: {  	v1 =	vmul.f32 v3, v1;
	_ =	sdelay $0x1  }
0x234: {  	v1 =	vadd.f32 v2, v1  }
0x235: {  	v2 =	vld [tilespmem:s2+$0x0]  }
0x236: {  	[tilespmem:s2+$0xFFFFFFF0] =	vst v1  }
0x237: {  	v1 =	vld [tilespmem:$0x7E00];
	_ =	sdelay $0x2  }
0x238: {  	v2 =	vmul.f32 v2, v0;
	_ =	sdelay $0x1  }
0x239: {  	v1 =	vadd.f32 v1, v2  }
0x23a: {  	v2 =	vld [tilespmem:s2+$0x10]  }
0x23b: {  	[tilespmem:s2+$0x0] =	vst v1  }
0x23c: {  	v1 =	vld [tilespmem:$0x7E10];
	_ =	sdelay $0x2  }
0x23d: {  	v2 =	vmul.f32 v2, v0;
	_ =	sdelay $0x1  }
0x23e: {  	v1 =	vadd.f32 v1, v2  }
0x23f: {  	v2 =	vld [tilespmem:s2+$0x20]  }
0x240: {  	[tilespmem:s2+$0x10] =	vst v1  }
0x241: {  	v1 =	vld [tilespmem:$0x7E20];
	_ =	sdelay $0x2  }
0x242: {  	v2 =	vmul.f32 v2, v0;
	_ =	sdelay $0x1  }
0x243: {  	v1 =	vadd.f32 v1, v2  }
0x244: {  	v2 =	vld [tilespmem:s2+$0x30]  }
0x245: {  	[tilespmem:s2+$0x20] =	vst v1  }
0x246: {  	v1 =	vld [tilespmem:$0x7E30];
	_ =	sdelay $0x2  }
0x247: {  	v2 =	vmul.f32 v2, v0;
	_ =	sdelay $0x1  }
0x248: {  	v1 =	vadd.f32 v1, v2  }
0x249: {  	v2 =	vld [tilespmem:s2+$0x40]  }
0x24a: {  	[tilespmem:s2+$0x30] =	vst v1  }
0x24b: {  	v1 =	vld [tilespmem:$0x7E40];
	_ =	sdelay $0x2  }
0x24c: {  	v2 =	vmul.f32 v2, v0;
	_ =	sdelay $0x1  }
0x24d: {  	v1 =	vadd.f32 v1, v2  }
0x24e: {  	v2 =	vld [tilespmem:s2+$0x50]  }
0x24f: {  	[tilespmem:s2+$0x40] =	vst v1  }
0x250: {  	v1 =	vld [tilespmem:$0x7E50];
	_ =	sdelay $0x2  }
0x251: {  	v2 =	vmul.f32 v2, v0;
	_ =	sdelay $0x1  }
0x252: {  	v1 =	vadd.f32 v1, v2  }
0x253: {  	v2 =	vld [tilespmem:s2+$0x60]  }
0x254: {  	[tilespmem:s2+$0x50] =	vst v1  }
0x255: {  	v1 =	vld [tilespmem:$0x7E60];
	_ =	sdelay $0x2  }
0x256: {  	v2 =	vmul.f32 v2, v0;
	_ =	sdelay $0x1  }
0x257: {  	v1 =	vadd.f32 v1, v2  }
0x258: {  	v2 =	vld [tilespmem:s2+$0x70]  }
0x259: {  	s24 =	sadd.s32 s0, s15;
	[tilespmem:s2+$0x60] =	vst v1  }
0x25a: {  	v1 =	vmov s24;
	v3 =	vld [tilespmem:$0x7E70]  }
.Ltmp6:
0x25b: {  	v1 =	vand.u32 $0xFFFFFFFE, v1;
	(pc) =	sbr.rel @p0 .LBB2_9-.Ltmp6, $3  }
0x25c: {  	v1 =	vbroadcast v1, $0x0  }
0x25d: {  	v0 =	vmul.f32 v2, v0;
	_ =	sdelay $0x1  }
0x25e: {  	v0 =	vadd.f32 v3, v0  }
.Ltmp7:
0x25f: {  	_ = 	snop;
	(pc) =	sbr.rel .LBB2_10-.Ltmp7, $1  }
0x260: {  	_ =	sdelay $0x3  }
.LBB2_12:
0x261: {  	[bflag:$0x0] =	sbarrier.arrive $0xFFFF  }
0x262: {  	s13 =	simm.s32 $0x0;
	s2 =	simm.s32 $0x7A00;
	s0 =	rddreg [dreg:$0x7]  }
0x263: {  	[tilespmem:s2], [sflag:$0x1] =	stream.linear.gather [hbm4b:s0+s13], $0x50, $0x38;
	[tilespmem:$0x1BE80] =	vst v63  }
0x264: {  	s29 =	simm.s32 $0x7C00;
	s25 =	rddreg [dreg:$0x8]  }
0x265: {  	[tilespmem:s29], [sflag:$0x5] =	stream.linear.gather [hbm4b:s25+s13], $0x50, $0x38;
	[tilespmem:$0x1BE80] =	vst v63  }
0x266: {  	s15 =	simm.s32 $0x7A80;
	s9 =	rddreg [dreg:$0x9]  }
0x267: {  	[tilespmem:s15], [sflag:$0x2] =	stream.linear.gather [hbm4b:s9+s13], $0x50, $0x38;
	[tilespmem:$0x1BE80] =	vst v63  }
0x268: {  	s24 =	simm.s32 $0x7C80;
	s20 =	rddreg [dreg:$0xb]  }
0x269: {  	[tilespmem:s24], [sflag:$0x6] =	stream.linear.gather [hbm4b:s20+s13], $0x50, $0x38;
	[tilespmem:$0x1BE80] =	vst v63  }
0x26a: {  	s25 =	rddreg [dreg:$0xd];
	s29 =	simm.s32 $0x7B00  }
0x26b: {  	[tilespmem:s29], [sflag:$0x3] =	stream.linear.gather [hbm4b:s25+s13], $0x50, $0x38;
	[tilespmem:$0x1BE80] =	vst v63  }
0x26c: {  	s9 =	rddreg [dreg:$0xe];
	s15 =	simm.s32 $0x7D00  }
0x26d: {  	[tilespmem:s15], [sflag:$0x7] =	stream.linear.gather [hbm4b:s9+s13], $0x50, $0x38;
	[tilespmem:$0x1BE80] =	vst v63  }
0x26e: {  	s20 =	rddreg [dreg:$0xf];
	s24 =	simm.s32 $0x7B80  }
0x26f: {  	[tilespmem:s24], [sflag:$0x4] =	stream.linear.gather [hbm4b:s20+s13], $0x50, $0x38;
	[tilespmem:$0x1BE80] =	vst v63  }
0x270: {  	s25 =	rddreg [dreg:$0x10];
	s29 =	simm.s32 $0x7D80  }
0x271: {  	v0 =	vmov s28;
	[tilespmem:s29], [sflag:$0x8] =	stream.linear.gather [hbm4b:s25+s13], $0x50, $0x38;
	[tilespmem:$0x1BE80] =	vst v63  }
.LBB2_13:
0x272: {  	p0 =	seq.s32 s13, $0x0  }
0x273: {  	s2 =	simm.s32 @!p0 $0xB;
	s0 =	smul.u32 @!p0 $0x140, s13  }
0x274: {  	_ =	swait.ge @!p0 [sflag:s2], $0x2800  }
0x275: {  	[sflag:s2] =	ssyncset.done @!p0 $0x0;
	s9 =	sadd.s32 @!p0 s0, s18  }
0x276: {  	[sflag:s2] =	ssyncadd.s32 @!p0 $0xFFFFD800;
	s2 =	sshrl.u32 @!p0 s9, $0x3  }
0x277: {  	s15 =	simm.s32 @!p0 $0x7D00;
	s9 =	simm.s32 @!p0 $0x0;
	s2 =	sadd.s32 @!p0 s1, s2  }
0x278: {  	[tilespmem:s15], [sflag:$0x7] =	stream.linear.gather @!p0 [hbm4b:s2+s9], $0x50, $0x38;
	[tilespmem:$0x1BE80] =	vst v63  }
0x279: {  	s2 =	simm.s32 @!p0 $0xC  }
0x27a: {  	_ =	swait.ge @!p0 [sflag:s2], $0x2800  }
0x27b: {  	s15 =	rddreg [dreg:$0xc]  }
0x27c: {  	s15 =	sadd.s32 @!p0 s0, s15  }
0x27d: {  	[sflag:s2] =	ssyncset.done @!p0 $0x0;
	s15 =	sshrl.u32 @!p0 s15, $0x3  }
0x27e: {  	[sflag:s2] =	ssyncadd.s32 @!p0 $0xFFFFD800;
	s2 =	sadd.s32 @!p0 s1, s15;
	s15 =	simm.s32 @!p0 $0x7D80  }
0x27f: {  	[tilespmem:s15], [sflag:$0x8] =	stream.linear.gather @!p0 [hbm4b:s2+s9], $0x50, $0x38;
	[tilespmem:$0x1BE80] =	vst v63  }
0x280: {  	s9 =	simm.s32 $0x1  }
0x281: {  	_ =	swait.ge [sflag:s9], $0x50  }
0x282: {  	[sflag:s9] =	ssyncset.done $0x0  }
0x283: {  	[sflag:s9] =	ssyncadd.s32 $0xFFFFFFB0  }
0x284: {  	v1 =	vld [tilespmem:$0x7A00]  }
0x285: {  	v2 =	vld [tilespmem:$0x7A10]  }
0x286: {  	v3 =	vld [tilespmem:$0x7A20]  }
0x287: {  	v4 =	vld [tilespmem:$0x7A30]  }
0x288: {  	v5 =	vld [tilespmem:$0x7A40]  }
0x289: {  	v1 =	vadd.s32 v0, v1  }
0x28a: {  	[tilespmem:$0x7A00] =	vst v1;
	v1 =	vadd.s32 v0, v2  }
0x28b: {  	[tilespmem:$0x7A10] =	vst v1;
	v1 =	vadd.s32 v0, v3  }
0x28c: {  	[tilespmem:$0x7A20] =	vst v1;
	v1 =	vadd.s32 v0, v4  }
0x28d: {  	[tilespmem:$0x7A30] =	vst v1;
	v1 =	vadd.s32 v0, v5  }
0x28e: {  	s20 =	simm.s32 $0x2;
	s15 =	simm.s32 $0x7A00;
	[tilespmem:$0x7A40] =	vst v1  }
0x28f: {  	[tilespmem:s12], [sflag:$0x9] =	stream.indirect.gather [hbm4b:s26+s23], $0x80, s15, s23, $0xb8;
	[tilespmem:$0x1BE80] =	vst v63  }
0x290: {  	_ =	swait.ge [sflag:s20], $0x50  }
0x291: {  	[sflag:s20] =	ssyncset.done $0x0  }
0x292: {  	[sflag:s20] =	ssyncadd.s32 $0xFFFFFFB0  }
0x293: {  	v1 =	vld [tilespmem:$0x7A80]  }
0x294: {  	v2 =	vld [tilespmem:$0x7A90]  }
0x295: {  	v3 =	vld [tilespmem:$0x7AA0]  }
0x296: {  	v4 =	vld [tilespmem:$0x7AB0]  }
0x297: {  	v5 =	vld [tilespmem:$0x7AC0]  }
0x298: {  	v1 =	vadd.s32 v0, v1  }
0x299: {  	[tilespmem:$0x7A80] =	vst v1;
	v1 =	vadd.s32 v0, v2  }
0x29a: {  	[tilespmem:$0x7A90] =	vst v1;
	v1 =	vadd.s32 v0, v3  }
0x29b: {  	[tilespmem:$0x7AA0] =	vst v1;
	v1 =	vadd.s32 v0, v4  }
0x29c: {  	[tilespmem:$0x7AB0] =	vst v1;
	v1 =	vadd.s32 v0, v5  }
0x29d: {  	s24 =	simm.s32 $0x7A80;
	s25 =	simm.s32 $0x9;
	[tilespmem:$0x7AC0] =	vst v1  }
0x29e: {  	[tilespmem:s30], [sflag:$0xA] =	stream.indirect.gather [hbm4b:s26+s23], $0x80, s24, s23, $0xb8;
	[tilespmem:$0x1BE80] =	vst v63  }
0x29f: {  	_ =	swait.ge [sflag:s25], $0x2800  }
0x2a0: {  	s0 =	simm.s32 @p0 $0x0;
	p0 =	seq.s32 s13, $0x1E;
	s2 =	rddreg [dreg:$0x1a]  }
0x2a1: {  	s2 =	sadd.s32 @!p0 s0, s2  }
0x2a2: {  	s9 =	simm.s32 @!p0 $0x0;
	[sflag:s25] =	ssyncset.done $0x0;
	s15 =	sshrl.u32 @!p0 s2, $0x3  }
0x2a3: {  	s20 =	simm.s32 @!p0 $0x7A00;
	[sflag:s25] =	ssyncadd.s32 $0xFFFFD800;
	s2 =	sadd.s32 @!p0 s7, s15  }
0x2a4: {  	[tilespmem:s20], [sflag:$0x1] =	stream.linear.gather @!p0 [hbm4b:s2+s9], $0x50, $0x38;
	[tilespmem:$0x1BE80] =	vst v63  }
0x2a5: {  	s20 =	sor.u32 $0x1, s0  }
0x2a6: {  	s9 =	simm.s32 $0x2A80;
	s28 =	sadd.s32 $0x0, s20  }
0x2a7: {  	v6 =	vld [tilespmem:s9+$0xFFFFFFF0];
	v1 =	vmov s28  }
0x2a8: {  	v5 =	vld [tilespmem:s9+$0x50]  }
0x2a9: {  	v10 =	vld [tilespmem:s9+$0xFFFFFFD0]  }
0x2aa: {  	s30 =	sadd.s32 $0x0, s0;
	v3 =	vld [tilespmem:s9+$0x60]  }
0x2ab: {  	v2 =	vmov s30;
	v4 =	vld [tilespmem:s9+$0x70]  }
0x2ac: {  	v2 =	vand.u32 $0xFFFFFFFE, v2;
	v7 =	vld.idx.msk [tilespmem:v1+s5+$0x0], $0xffff  }
0x2ad: {  	v1 =	vbroadcast v2, $0x0;
	v2 =	vld [tilespmem:s9+$0x0]  }
0x2ae: {  	v8 =	vld [tilespmem:s9+$0x10]  }
0x2af: {  	v9 =	vld [tilespmem:s9+$0x20]  }
0x2b0: {  	v11 =	vld [tilespmem:s9+$0x30]  }
0x2b1: {  	v12 =	vld [tilespmem:s9+$0x40]  }
0x2b2: {  	v13 =	vld [tilespmem:s9+$0xFFFFFF80];
	v14 =	vmul.f32 v2, v7  }
0x2b3: {  	v15 =	vld [tilespmem:s9+$0xFFFFFFA0];
	v8 =	vmul.f32 v8, v7  }
0x2b4: {  	v9 =	vmul.f32 v9, v7;
	v2 =	vld.idx.msk [tilespmem:v1+s5+$0x0], $0xffff;
	[tilespmem:s9+$0x0] =	vst v14  }
0x2b5: {  	v11 =	vmul.f32 v11, v7;
	v63 =	vmul.f32 v5, v7;
	v5 =	vld [tilespmem:s9+$0xFFFFFF90];
	[tilespmem:s9+$0x10] =	vst v8  }
0x2b6: {  	v1 =	vmul.f32 v3, v7;
	v3 =	vld [tilespmem:s9+$0xFFFFFFE0];
	[tilespmem:s9+$0x20] =	vst v9  }
0x2b7: {  	v12 =	vmul.f32 v12, v7;
	v4 =	vmul.f32 v4, v7;
	v7 =	vld [tilespmem:s9+$0xFFFFFFC0];
	[tilespmem:s9+$0x30] =	vst v11  }
0x2b8: {  	[tilespmem:s9+$0x60] =	vst v1;
	v1 =	vld [tilespmem:s9+$0xFFFFFFB0]  }
0x2b9: {  	s29 =	simm.s32 $0x2A80;
	[tilespmem:s9+$0x40] =	vst v12;
	v8 =	vmul.f32 v13, v2;
	v9 =	vmul.f32 v6, v2  }
0x2ba: {  	s13 =	sadd.s32 $0x1, s13;
	s24 =	simm.s32 $0x2;
	s2 =	sadd.s32 $0x50, s0;
	[tilespmem:s9+$0x50] =	vst v63;
	v6 =	vmul.f32 v15, v2;
	v10 =	vmul.f32 v10, v2  }
.LBB2_14:
0x2bb: {  	p1 =	sne.s32 s24, $0x4E  }
0x2bc: {  	v5 =	vmul.f32 v5, v2;
	v3 =	vmul.f32 v3, v2;
	[tilespmem:s9+$0x70] =	vst v4;
	s29 =	sadd.s32 $0x100, s29;
	s30 =	smov.u32 s24;
	s24 =	sadd.s32 $0x2, s24  }
0x2bd: {  	v1 =	vmul.f32 v1, v2;
	v2 =	vmul.f32 v7, v2;
	[tilespmem:s9+$0xFFFFFFF0] =	vst v9  }
0x2be: {  	[tilespmem:s9+$0xFFFFFF80] =	vst v8  }
0x2bf: {  	s25 =	sadd.s32 s20, s30;
	v9 =	vld [tilespmem:s29+$0xFFFFFFF0];
	[tilespmem:s9+$0xFFFFFFD0] =	vst v10  }
0x2c0: {  	v4 =	vmov s25;
	v8 =	vld [tilespmem:s29+$0x50];
	[tilespmem:s9+$0xFFFFFFA0] =	vst v6  }
0x2c1: {  	v10 =	vld [tilespmem:s29+$0xFFFFFFD0];
	[tilespmem:s9+$0xFFFFFFB0] =	vst v1  }
0x2c2: {  	v1 =	vld [tilespmem:s29+$0xFFFFFFB0];
	[tilespmem:s9+$0xFFFFFFC0] =	vst v2  }
0x2c3: {  	s25 =	sadd.s32 s0, s30;
	v6 =	vld [tilespmem:s29+$0x60];
	[tilespmem:s9+$0xFFFFFFE0] =	vst v3  }
0x2c4: {  	v2 =	vmov s25;
	v3 =	vld [tilespmem:s29+$0x70];
	[tilespmem:s9+$0xFFFFFF90] =	vst v5;
	s9 =	smov.u32 s29  }
0x2c5: {  	v2 =	vand.u32 $0xFFFFFFFE, v2;
	v11 =	vld.idx.msk [tilespmem:v4+s5+$0x0], $0xffff  }
0x2c6: {  	v2 =	vbroadcast v2, $0x0;
	v4 =	vld [tilespmem:s29+$0x0]  }
0x2c7: {  	v5 =	vld [tilespmem:s29+$0x10]  }
0x2c8: {  	v7 =	vld [tilespmem:s29+$0x20]  }
0x2c9: {  	v12 =	vld [tilespmem:s29+$0x30]  }
0x2ca: {  	v13 =	vld [tilespmem:s29+$0x40]  }
0x2cb: {  	v14 =	vld [tilespmem:s29+$0xFFFFFF80];
	v15 =	vmul.f32 v4, v11;
	v4 =	vmul.f32 v3, v11  }
0x2cc: {  	v2 =	vld.idx.msk [tilespmem:v2+s5+$0x0], $0xffff;
	v16 =	vmul.f32 v5, v11;
	v5 =	vmul.f32 v6, v11  }
0x2cd: {  	v6 =	vld [tilespmem:s29+$0xFFFFFFA0];
	[tilespmem:s29+$0x0] =	vst v15;
	v15 =	vmul.f32 v7, v11  }
0x2ce: {  	v3 =	vld [tilespmem:s29+$0xFFFFFFE0];
	v12 =	vmul.f32 v12, v11;
	[tilespmem:s29+$0x60] =	vst v5  }
.Ltmp8:
0x2cf: {  	v5 =	vld [tilespmem:s29+$0xFFFFFF90];
	[tilespmem:s29+$0x10] =	vst v16;
	v13 =	vmul.f32 v13, v11;
	(pc) =	sbr.rel @p1 .LBB2_14-.Ltmp8, $4  }
0x2d0: {  	v11 =	vmul.f32 v8, v11;
	v7 =	vld [tilespmem:s29+$0xFFFFFFC0];
	[tilespmem:s29+$0x20] =	vst v15  }
0x2d1: {  	[tilespmem:s29+$0x30] =	vst v12  }
0x2d2: {  	v8 =	vmul.f32 v14, v2;
	v9 =	vmul.f32 v9, v2;
	[tilespmem:s29+$0x40] =	vst v13  }
0x2d3: {  	v10 =	vmul.f32 v10, v2;
	v6 =	vmul.f32 v6, v2;
	[tilespmem:s29+$0x50] =	vst v11  }
0x2d4: {  	[tilespmem:s9+$0x70] =	vst v4  }
0x2d5: {  	[tilespmem:s9+$0xFFFFFFF0] =	vst v9  }
0x2d6: {  	[tilespmem:s9+$0xFFFFFF80] =	vst v8  }
0x2d7: {  	v1 =	vmul.f32 v1, v2;
	[tilespmem:s9+$0xFFFFFFD0] =	vst v10  }
0x2d8: {  	v3 =	vmul.f32 v3, v2;
	[tilespmem:s9+$0xFFFFFFA0] =	vst v6  }
0x2d9: {  	v4 =	vmul.f32 v7, v2;
	[tilespmem:s9+$0xFFFFFFB0] =	vst v1  }
0x2da: {  	v1 =	vmul.f32 v5, v2;
	[tilespmem:s9+$0xFFFFFFE0] =	vst v3  }
0x2db: {  	[tilespmem:s9+$0xFFFFFFC0] =	vst v4  }
0x2dc: {  	s24 =	simm.s32 $0x5;
	[tilespmem:s9+$0xFFFFFF90] =	vst v1  }
0x2dd: {  	_ =	swait.ge [sflag:s24], $0x50  }
0x2de: {  	[sflag:s24] =	ssyncset.done $0x0  }
0x2df: {  	s25 =	simm.s32 $0x7C00;
	[sflag:s24] =	ssyncadd.s32 $0xFFFFFFB0  }
0x2e0: {  	[spmem:s4] =	stream.indirect.scatter.add.f32 [tilespmem:s12], [sflag:$0xB], $0x80, s25, s23, $0xb8;
	[tilespmem:$0x1BE80] =	vst v63  }
0x2e1: {  	_ =	swait.ge [sflag:s17], $0x2800  }
0x2e2: {  	s9 =	rddreg [dreg:$0x1b]  }
0x2e3: {  	s9 =	sadd.s32 @!p0 s0, s9  }
0x2e4: {  	s24 =	simm.s32 @!p0 $0x0;
	[sflag:s17] =	ssyncset.done $0x0;
	s9 =	sshrl.u32 @!p0 s9, $0x3  }
0x2e5: {  	s25 =	simm.s32 @!p0 $0x7A80;
	[sflag:s17] =	ssyncadd.s32 $0xFFFFD800;
	s20 =	sadd.s32 @!p0 s7, s9  }
0x2e6: {  	[tilespmem:s25], [sflag:$0x2] =	stream.linear.gather @!p0 [hbm4b:s20+s24], $0x50, $0x38;
	[tilespmem:$0x1BE80] =	vst v63  }
0x2e7: {  	s24 =	sadd.s32 $0x51, s0  }
0x2e8: {  	s20 =	simm.s32 $0x5280;
	s28 =	sadd.s32 $0x0, s24  }
0x2e9: {  	v6 =	vld [tilespmem:s20+$0xFFFFFFF0];
	v1 =	vmov s28  }
0x2ea: {  	v5 =	vld [tilespmem:s20+$0x50]  }
0x2eb: {  	v10 =	vld [tilespmem:s20+$0xFFFFFFD0]  }
0x2ec: {  	v3 =	vld [tilespmem:s20+$0x60];
	s28 =	sadd.s32 $0x0, s2  }
0x2ed: {  	v4 =	vld [tilespmem:s20+$0x70];
	v2 =	vmov s28  }
0x2ee: {  	v2 =	vand.u32 $0xFFFFFFFE, v2;
	v7 =	vld.idx.msk [tilespmem:v1+s5+$0x0], $0xffff  }
0x2ef: {  	v1 =	vbroadcast v2, $0x0;
	v2 =	vld [tilespmem:s20+$0x0]  }
0x2f0: {  	v8 =	vld [tilespmem:s20+$0x10]  }
0x2f1: {  	v9 =	vld [tilespmem:s20+$0x20]  }
0x2f2: {  	v11 =	vld [tilespmem:s20+$0x30]  }
0x2f3: {  	v12 =	vld [tilespmem:s20+$0x40]  }
0x2f4: {  	v13 =	vld [tilespmem:s20+$0xFFFFFF80];
	v14 =	vmul.f32 v2, v7  }
0x2f5: {  	v15 =	vld [tilespmem:s20+$0xFFFFFFA0];
	v8 =	vmul.f32 v8, v7  }
0x2f6: {  	v9 =	vmul.f32 v9, v7;
	v2 =	vld.idx.msk [tilespmem:v1+s5+$0x0], $0xffff;
	[tilespmem:s20+$0x0] =	vst v14  }
0x2f7: {  	v11 =	vmul.f32 v11, v7;
	v63 =	vmul.f32 v5, v7;
	v5 =	vld [tilespmem:s20+$0xFFFFFF90];
	[tilespmem:s20+$0x10] =	vst v8  }
0x2f8: {  	v1 =	vmul.f32 v3, v7;
	v3 =	vld [tilespmem:s20+$0xFFFFFFE0];
	[tilespmem:s20+$0x20] =	vst v9  }
0x2f9: {  	v12 =	vmul.f32 v12, v7;
	v4 =	vmul.f32 v4, v7;
	v7 =	vld [tilespmem:s20+$0xFFFFFFC0];
	[tilespmem:s20+$0x30] =	vst v11  }
0x2fa: {  	[tilespmem:s20+$0x60] =	vst v1;
	v1 =	vld [tilespmem:s20+$0xFFFFFFB0]  }
0x2fb: {  	[tilespmem:s20+$0x40] =	vst v12;
	v8 =	vmul.f32 v13, v2;
	v9 =	vmul.f32 v6, v2  }
0x2fc: {  	s29 =	simm.s32 $0x2;
	s30 =	simm.s32 $0x5280;
	[tilespmem:s20+$0x50] =	vst v63;
	v6 =	vmul.f32 v15, v2;
	v10 =	vmul.f32 v10, v2  }
.LBB2_16:
0x2fd: {  	p1 =	sne.s32 s29, $0x4E  }
0x2fe: {  	v5 =	vmul.f32 v5, v2;
	v3 =	vmul.f32 v3, v2;
	[tilespmem:s20+$0x70] =	vst v4;
	s30 =	sadd.s32 $0x100, s30;
	s25 =	smov.u32 s29;
	s29 =	sadd.s32 $0x2, s29  }
0x2ff: {  	v1 =	vmul.f32 v1, v2;
	v2 =	vmul.f32 v7, v2;
	[tilespmem:s20+$0xFFFFFFF0] =	vst v9  }
0x300: {  	[tilespmem:s20+$0xFFFFFF80] =	vst v8  }
0x301: {  	s28 =	sadd.s32 s24, s25;
	v9 =	vld [tilespmem:s30+$0xFFFFFFF0];
	[tilespmem:s20+$0xFFFFFFD0] =	vst v10  }
0x302: {  	v4 =	vmov s28;
	v8 =	vld [tilespmem:s30+$0x50];
	[tilespmem:s20+$0xFFFFFFA0] =	vst v6  }
0x303: {  	v10 =	vld [tilespmem:s30+$0xFFFFFFD0];
	[tilespmem:s20+$0xFFFFFFB0] =	vst v1  }
0x304: {  	v1 =	vld [tilespmem:s30+$0xFFFFFFB0];
	[tilespmem:s20+$0xFFFFFFC0] =	vst v2  }
0x305: {  	s25 =	sadd.s32 s2, s25;
	v6 =	vld [tilespmem:s30+$0x60];
	[tilespmem:s20+$0xFFFFFFE0] =	vst v3  }
0x306: {  	v2 =	vmov s25;
	v3 =	vld [tilespmem:s30+$0x70];
	[tilespmem:s20+$0xFFFFFF90] =	vst v5;
	s20 =	smov.u32 s30  }
0x307: {  	v2 =	vand.u32 $0xFFFFFFFE, v2;
	v11 =	vld.idx.msk [tilespmem:v4+s5+$0x0], $0xffff  }
0x308: {  	v2 =	vbroadcast v2, $0x0;
	v4 =	vld [tilespmem:s30+$0x0]  }
0x309: {  	v5 =	vld [tilespmem:s30+$0x10]  }
0x30a: {  	v7 =	vld [tilespmem:s30+$0x20]  }
0x30b: {  	v12 =	vld [tilespmem:s30+$0x30]  }
0x30c: {  	v13 =	vld [tilespmem:s30+$0x40]  }
0x30d: {  	v14 =	vld [tilespmem:s30+$0xFFFFFF80];
	v15 =	vmul.f32 v4, v11;
	v4 =	vmul.f32 v3, v11  }
0x30e: {  	v2 =	vld.idx.msk [tilespmem:v2+s5+$0x0], $0xffff;
	v16 =	vmul.f32 v5, v11;
	v5 =	vmul.f32 v6, v11  }
0x30f: {  	v6 =	vld [tilespmem:s30+$0xFFFFFFA0];
	[tilespmem:s30+$0x0] =	vst v15;
	v15 =	vmul.f32 v7, v11  }
0x310: {  	v3 =	vld [tilespmem:s30+$0xFFFFFFE0];
	v12 =	vmul.f32 v12, v11;
	[tilespmem:s30+$0x60] =	vst v5  }
.Ltmp9:
0x311: {  	v5 =	vld [tilespmem:s30+$0xFFFFFF90];
	[tilespmem:s30+$0x10] =	vst v16;
	v13 =	vmul.f32 v13, v11;
	(pc) =	sbr.rel @p1 .LBB2_16-.Ltmp9, $4  }
0x312: {  	v11 =	vmul.f32 v8, v11;
	v7 =	vld [tilespmem:s30+$0xFFFFFFC0];
	[tilespmem:s30+$0x20] =	vst v15  }
0x313: {  	[tilespmem:s30+$0x30] =	vst v12  }
0x314: {  	v8 =	vmul.f32 v14, v2;
	v9 =	vmul.f32 v9, v2;
	[tilespmem:s30+$0x40] =	vst v13  }
0x315: {  	v10 =	vmul.f32 v10, v2;
	v6 =	vmul.f32 v6, v2;
	[tilespmem:s30+$0x50] =	vst v11  }
0x316: {  	[tilespmem:s20+$0x70] =	vst v4  }
0x317: {  	[tilespmem:s20+$0xFFFFFFF0] =	vst v9  }
0x318: {  	[tilespmem:s20+$0xFFFFFF80] =	vst v8  }
0x319: {  	v1 =	vmul.f32 v1, v2;
	[tilespmem:s20+$0xFFFFFFD0] =	vst v10  }
0x31a: {  	v3 =	vmul.f32 v3, v2;
	[tilespmem:s20+$0xFFFFFFA0] =	vst v6  }
0x31b: {  	v4 =	vmul.f32 v7, v2;
	[tilespmem:s20+$0xFFFFFFB0] =	vst v1  }
0x31c: {  	v1 =	vmul.f32 v5, v2;
	[tilespmem:s20+$0xFFFFFFE0] =	vst v3  }
0x31d: {  	[tilespmem:s20+$0xFFFFFFC0] =	vst v4  }
0x31e: {  	s2 =	simm.s32 $0x6;
	[tilespmem:s20+$0xFFFFFF90] =	vst v1  }
0x31f: {  	_ =	swait.ge [sflag:s2], $0x50  }
0x320: {  	[sflag:s2] =	ssyncset.done $0x0  }
0x321: {  	s30 =	simm.s32 $0x5200;
	s20 =	simm.s32 $0x7C80;
	[sflag:s2] =	ssyncadd.s32 $0xFFFFFFB0  }
0x322: {  	[spmem:s4] =	stream.indirect.scatter.add.f32 [tilespmem:s30], [sflag:$0xC], $0x80, s20, s23, $0xb8;
	[tilespmem:$0x1BE80] =	vst v63  }
0x323: {  	_ =	swait.ge [sflag:s19], $0x50  }
0x324: {  	[sflag:s19] =	ssyncset.done $0x0  }
0x325: {  	[sflag:s19] =	ssyncadd.s32 $0xFFFFFFB0  }
0x326: {  	v1 =	vld [tilespmem:$0x7B00]  }
0x327: {  	v2 =	vld [tilespmem:$0x7B10]  }
0x328: {  	v3 =	vld [tilespmem:$0x7B20]  }
0x329: {  	v4 =	vld [tilespmem:$0x7B30]  }
0x32a: {  	v5 =	vld [tilespmem:$0x7B40]  }
0x32b: {  	v1 =	vadd.s32 v0, v1  }
0x32c: {  	[tilespmem:$0x7B00] =	vst v1;
	v1 =	vadd.s32 v0, v2  }
0x32d: {  	[tilespmem:$0x7B10] =	vst v1;
	v1 =	vadd.s32 v0, v3  }
0x32e: {  	[tilespmem:$0x7B20] =	vst v1;
	v1 =	vadd.s32 v0, v4  }
0x32f: {  	[tilespmem:$0x7B30] =	vst v1;
	v1 =	vadd.s32 v0, v5  }
0x330: {  	[tilespmem:$0x7B40] =	vst v1  }
0x331: {  	_ =	swait.ge [sflag:s21], $0x2800  }
0x332: {  	s2 =	sadd.s32 @!p0 s1, s15;
	[sflag:s21] =	ssyncset.done $0x0  }
0x333: {  	s15 =	simm.s32 @!p0 $0x0;
	s20 =	simm.s32 @!p0 $0x7C00;
	[sflag:s21] =	ssyncadd.s32 $0xFFFFD800  }
0x334: {  	[tilespmem:s20], [sflag:$0x5] =	stream.linear.gather @!p0 [hbm4b:s2+s15], $0x50, $0x38;
	[tilespmem:$0x1BE80] =	vst v63  }
0x335: {  	s24 =	simm.s32 $0x7B00  }
0x336: {  	[tilespmem:s12], [sflag:$0x9] =	stream.indirect.gather [hbm4b:s26+s23], $0x80, s24, s23, $0xb8;
	[tilespmem:$0x1BE80] =	vst v63  }
0x337: {  	_ =	swait.ge [sflag:s22], $0x50  }
0x338: {  	[sflag:s22] =	ssyncset.done $0x0  }
0x339: {  	[sflag:s22] =	ssyncadd.s32 $0xFFFFFFB0  }
0x33a: {  	v1 =	vld [tilespmem:$0x7B80]  }
0x33b: {  	v2 =	vld [tilespmem:$0x7B90]  }
0x33c: {  	v3 =	vld [tilespmem:$0x7BA0]  }
0x33d: {  	v4 =	vld [tilespmem:$0x7BB0]  }
0x33e: {  	v5 =	vld [tilespmem:$0x7BC0]  }
0x33f: {  	v1 =	vadd.s32 v0, v1  }
0x340: {  	[tilespmem:$0x7B80] =	vst v1;
	v1 =	vadd.s32 v0, v2  }
0x341: {  	[tilespmem:$0x7B90] =	vst v1;
	v1 =	vadd.s32 v0, v3  }
0x342: {  	[tilespmem:$0x7BA0] =	vst v1;
	v1 =	vadd.s32 v0, v4  }
0x343: {  	[tilespmem:$0x7BB0] =	vst v1;
	v1 =	vadd.s32 v0, v5  }
0x344: {  	[tilespmem:$0x7BC0] =	vst v1  }
0x345: {  	_ =	swait.ge [sflag:s6], $0x2800  }
0x346: {  	s2 =	simm.s32 @p0 $0x50;
	[sflag:s6] =	ssyncset.done $0x0  }
0x347: {  	s20 =	simm.s32 @p0 $0x7B80;
	s24 =	simm.s32 @p0 $0x5200;
	[sflag:s6] =	ssyncadd.s32 $0xFFFFD800  }
0x348: {  	[tilespmem:s24], [sflag:$0xA] =	stream.indirect.gather @p0 [hbm4b:s26+s2], $0x80, s20, s2, $0xb8;
	[tilespmem:$0x1BE80] =	vst v63  }
0x349: {  	s2 =	simm.s32 @p0 $0x9  }
0x34a: {  	_ =	swait.ge @p0 [sflag:s2], $0x2800  }
0x34b: {  	[sflag:s2] =	ssyncset.done @p0 $0x0  }
0x34c: {  	[sflag:s2] =	ssyncadd.s32 @p0 $0xFFFFD800;
	s2 =	sadd.s32 @!p0 s1, s9;
	s9 =	simm.s32 @!p0 $0x7C80  }
0x34d: {  	[tilespmem:s9], [sflag:$0x6] =	stream.linear.gather @!p0 [hbm4b:s2+s15], $0x50, $0x38;
	[tilespmem:$0x1BE80] =	vst v63  }
0x34e: {  	s20 =	simm.s32 @!p0 $0x5200;
	s2 =	simm.s32 @!p0 $0x50;
	s9 =	simm.s32 @!p0 $0x7B80  }
0x34f: {  	[tilespmem:s20], [sflag:$0xA] =	stream.indirect.gather @!p0 [hbm4b:s26+s2], $0x80, s9, s2, $0xb8;
	[tilespmem:$0x1BE80] =	vst v63  }
0x350: {  	s2 =	simm.s32 @!p0 $0x9  }
0x351: {  	_ =	swait.ge @!p0 [sflag:s2], $0x2800  }
0x352: {  	s9 =	rddreg [dreg:$0x1c]  }
0x353: {  	s9 =	sadd.s32 @!p0 s0, s9  }
0x354: {  	[sflag:s2] =	ssyncset.done @!p0 $0x0;
	s9 =	sshrl.u32 @!p0 s9, $0x3  }
0x355: {  	[sflag:s2] =	ssyncadd.s32 @!p0 $0xFFFFD800;
	s2 =	sadd.s32 @!p0 s7, s9;
	s9 =	simm.s32 @!p0 $0x7B00  }
0x356: {  	[tilespmem:s9], [sflag:$0x3] =	stream.linear.gather @!p0 [hbm4b:s2+s15], $0x50, $0x38;
	[tilespmem:$0x1BE80] =	vst v63  }
0x357: {  	s15 =	sadd.s32 $0xA1, s0  }
0x358: {  	s9 =	simm.s32 $0x2A80;
	s25 =	sadd.s32 $0x0, s15  }
0x359: {  	v6 =	vld [tilespmem:s9+$0xFFFFFFF0];
	v1 =	vmov s25  }
0x35a: {  	v5 =	vld [tilespmem:s9+$0x50]  }
0x35b: {  	s20 =	sadd.s32 $0xA0, s0;
	v10 =	vld [tilespmem:s9+$0xFFFFFFD0]  }
0x35c: {  	s28 =	sadd.s32 $0x0, s20;
	v3 =	vld [tilespmem:s9+$0x60]  }
0x35d: {  	v2 =	vmov s28;
	v4 =	vld [tilespmem:s9+$0x70]  }
0x35e: {  	v2 =	vand.u32 $0xFFFFFFFE, v2;
	v7 =	vld.idx.msk [tilespmem:v1+s5+$0x0], $0xffff  }
0x35f: {  	v1 =	vbroadcast v2, $0x0;
	v2 =	vld [tilespmem:s9+$0x0]  }
0x360: {  	v8 =	vld [tilespmem:s9+$0x10]  }
0x361: {  	v9 =	vld [tilespmem:s9+$0x20]  }
0x362: {  	v11 =	vld [tilespmem:s9+$0x30]  }
0x363: {  	v12 =	vld [tilespmem:s9+$0x40]  }
0x364: {  	v13 =	vld [tilespmem:s9+$0xFFFFFF80];
	v14 =	vmul.f32 v2, v7  }
0x365: {  	v15 =	vld [tilespmem:s9+$0xFFFFFFA0];
	v8 =	vmul.f32 v8, v7  }
0x366: {  	v9 =	vmul.f32 v9, v7;
	v2 =	vld.idx.msk [tilespmem:v1+s5+$0x0], $0xffff;
	[tilespmem:s9+$0x0] =	vst v14  }
0x367: {  	v11 =	vmul.f32 v11, v7;
	v63 =	vmul.f32 v5, v7;
	v5 =	vld [tilespmem:s9+$0xFFFFFF90];
	[tilespmem:s9+$0x10] =	vst v8  }
0x368: {  	v1 =	vmul.f32 v3, v7;
	v3 =	vld [tilespmem:s9+$0xFFFFFFE0];
	[tilespmem:s9+$0x20] =	vst v9  }
0x369: {  	v12 =	vmul.f32 v12, v7;
	v4 =	vmul.f32 v4, v7;
	v7 =	vld [tilespmem:s9+$0xFFFFFFC0];
	[tilespmem:s9+$0x30] =	vst v11  }
0x36a: {  	[tilespmem:s9+$0x60] =	vst v1;
	v1 =	vld [tilespmem:s9+$0xFFFFFFB0]  }
0x36b: {  	[tilespmem:s9+$0x40] =	vst v12;
	v8 =	vmul.f32 v13, v2;
	v9 =	vmul.f32 v6, v2  }
0x36c: {  	s29 =	simm.s32 $0x2A80;
	s24 =	simm.s32 $0x2;
	s2 =	sadd.s32 $0xF0, s0;
	[tilespmem:s9+$0x50] =	vst v63;
	v6 =	vmul.f32 v15, v2;
	v10 =	vmul.f32 v10, v2  }
.LBB2_18:
0x36d: {  	p1 =	sne.s32 s24, $0x4E  }
0x36e: {  	v5 =	vmul.f32 v5, v2;
	v3 =	vmul.f32 v3, v2;
	[tilespmem:s9+$0x70] =	vst v4;
	s29 =	sadd.s32 $0x100, s29;
	s25 =	smov.u32 s24;
	s24 =	sadd.s32 $0x2, s24  }
0x36f: {  	v1 =	vmul.f32 v1, v2;
	v2 =	vmul.f32 v7, v2;
	[tilespmem:s9+$0xFFFFFFF0] =	vst v9  }
0x370: {  	[tilespmem:s9+$0xFFFFFF80] =	vst v8  }
0x371: {  	s28 =	sadd.s32 s15, s25;
	v9 =	vld [tilespmem:s29+$0xFFFFFFF0];
	[tilespmem:s9+$0xFFFFFFD0] =	vst v10  }
0x372: {  	v4 =	vmov s28;
	v8 =	vld [tilespmem:s29+$0x50];
	[tilespmem:s9+$0xFFFFFFA0] =	vst v6  }
0x373: {  	v10 =	vld [tilespmem:s29+$0xFFFFFFD0];
	[tilespmem:s9+$0xFFFFFFB0] =	vst v1  }
0x374: {  	v1 =	vld [tilespmem:s29+$0xFFFFFFB0];
	[tilespmem:s9+$0xFFFFFFC0] =	vst v2  }
0x375: {  	s25 =	sadd.s32 s20, s25;
	v6 =	vld [tilespmem:s29+$0x60];
	[tilespmem:s9+$0xFFFFFFE0] =	vst v3  }
0x376: {  	v2 =	vmov s25;
	v3 =	vld [tilespmem:s29+$0x70];
	[tilespmem:s9+$0xFFFFFF90] =	vst v5;
	s9 =	smov.u32 s29  }
0x377: {  	v2 =	vand.u32 $0xFFFFFFFE, v2;
	v11 =	vld.idx.msk [tilespmem:v4+s5+$0x0], $0xffff  }
0x378: {  	v2 =	vbroadcast v2, $0x0;
	v4 =	vld [tilespmem:s29+$0x0]  }
0x379: {  	v5 =	vld [tilespmem:s29+$0x10]  }
0x37a: {  	v7 =	vld [tilespmem:s29+$0x20]  }
0x37b: {  	v12 =	vld [tilespmem:s29+$0x30]  }
0x37c: {  	v13 =	vld [tilespmem:s29+$0x40]  }
0x37d: {  	v14 =	vld [tilespmem:s29+$0xFFFFFF80];
	v15 =	vmul.f32 v4, v11;
	v4 =	vmul.f32 v3, v11  }
0x37e: {  	v2 =	vld.idx.msk [tilespmem:v2+s5+$0x0], $0xffff;
	v16 =	vmul.f32 v5, v11;
	v5 =	vmul.f32 v6, v11  }
0x37f: {  	v6 =	vld [tilespmem:s29+$0xFFFFFFA0];
	[tilespmem:s29+$0x0] =	vst v15;
	v15 =	vmul.f32 v7, v11  }
0x380: {  	v3 =	vld [tilespmem:s29+$0xFFFFFFE0];
	v12 =	vmul.f32 v12, v11;
	[tilespmem:s29+$0x60] =	vst v5  }
.Ltmp10:
0x381: {  	v5 =	vld [tilespmem:s29+$0xFFFFFF90];
	[tilespmem:s29+$0x10] =	vst v16;
	v13 =	vmul.f32 v13, v11;
	(pc) =	sbr.rel @p1 .LBB2_18-.Ltmp10, $4  }
0x382: {  	v11 =	vmul.f32 v8, v11;
	v7 =	vld [tilespmem:s29+$0xFFFFFFC0];
	[tilespmem:s29+$0x20] =	vst v15  }
0x383: {  	[tilespmem:s29+$0x30] =	vst v12  }
0x384: {  	v8 =	vmul.f32 v14, v2;
	v9 =	vmul.f32 v9, v2;
	[tilespmem:s29+$0x40] =	vst v13  }
0x385: {  	v10 =	vmul.f32 v10, v2;
	v6 =	vmul.f32 v6, v2;
	[tilespmem:s29+$0x50] =	vst v11  }
0x386: {  	[tilespmem:s9+$0x70] =	vst v4  }
0x387: {  	[tilespmem:s9+$0xFFFFFFF0] =	vst v9  }
0x388: {  	[tilespmem:s9+$0xFFFFFF80] =	vst v8  }
0x389: {  	v1 =	vmul.f32 v1, v2;
	[tilespmem:s9+$0xFFFFFFD0] =	vst v10  }
0x38a: {  	v3 =	vmul.f32 v3, v2;
	[tilespmem:s9+$0xFFFFFFA0] =	vst v6  }
0x38b: {  	v4 =	vmul.f32 v7, v2;
	[tilespmem:s9+$0xFFFFFFB0] =	vst v1  }
0x38c: {  	v1 =	vmul.f32 v5, v2;
	[tilespmem:s9+$0xFFFFFFE0] =	vst v3  }
0x38d: {  	[tilespmem:s9+$0xFFFFFFC0] =	vst v4  }
0x38e: {  	[tilespmem:s9+$0xFFFFFF90] =	vst v1  }
0x38f: {  	_ =	swait.ge [sflag:s16], $0x50  }
0x390: {  	[sflag:s16] =	ssyncset.done $0x0  }
0x391: {  	s25 =	simm.s32 $0x7D00;
	[sflag:s16] =	ssyncadd.s32 $0xFFFFFFB0  }
0x392: {  	[spmem:s4] =	stream.indirect.scatter.add.f32 [tilespmem:s12], [sflag:$0xB], $0x80, s25, s23, $0xb8;
	[tilespmem:$0x1BE80] =	vst v63  }
0x393: {  	_ =	swait.ge [sflag:s17], $0x2800  }
0x394: {  	s9 =	rddreg [dreg:$0x1d]  }
0x395: {  	s9 =	sadd.s32 @!p0 s0, s9  }
0x396: {  	s15 =	simm.s32 @!p0 $0x0;
	[sflag:s17] =	ssyncset.done $0x0;
	s9 =	sshrl.u32 @!p0 s9, $0x3  }
0x397: {  	s20 =	simm.s32 @!p0 $0x7B80;
	[sflag:s17] =	ssyncadd.s32 $0xFFFFD800;
	s9 =	sadd.s32 @!p0 s7, s9  }
0x398: {  	[tilespmem:s20], [sflag:$0x4] =	stream.linear.gather @!p0 [hbm4b:s9+s15], $0x50, $0x38;
	[tilespmem:$0x1BE80] =	vst v63  }
0x399: {  	s9 =	sadd.s32 $0xF1, s0  }
0x39a: {  	s0 =	simm.s32 $0x5280;
	s28 =	sadd.s32 $0x0, s9  }
0x39b: {  	v6 =	vld [tilespmem:s0+$0xFFFFFFF0];
	v1 =	vmov s28  }
0x39c: {  	v5 =	vld [tilespmem:s0+$0x50]  }
0x39d: {  	v10 =	vld [tilespmem:s0+$0xFFFFFFD0]  }
0x39e: {  	s29 =	sadd.s32 $0x0, s2;
	v3 =	vld [tilespmem:s0+$0x60]  }
0x39f: {  	v2 =	vmov s29;
	v4 =	vld [tilespmem:s0+$0x70]  }
0x3a0: {  	v2 =	vand.u32 $0xFFFFFFFE, v2;
	v7 =	vld.idx.msk [tilespmem:v1+s5+$0x0], $0xffff  }
0x3a1: {  	v1 =	vbroadcast v2, $0x0;
	v2 =	vld [tilespmem:s0+$0x0]  }
0x3a2: {  	v8 =	vld [tilespmem:s0+$0x10]  }
0x3a3: {  	v9 =	vld [tilespmem:s0+$0x20]  }
0x3a4: {  	v11 =	vld [tilespmem:s0+$0x30]  }
0x3a5: {  	v12 =	vld [tilespmem:s0+$0x40]  }
0x3a6: {  	v13 =	vld [tilespmem:s0+$0xFFFFFF80];
	v14 =	vmul.f32 v2, v7  }
0x3a7: {  	v15 =	vld [tilespmem:s0+$0xFFFFFFA0];
	v8 =	vmul.f32 v8, v7  }
0x3a8: {  	v9 =	vmul.f32 v9, v7;
	v2 =	vld.idx.msk [tilespmem:v1+s5+$0x0], $0xffff;
	[tilespmem:s0+$0x0] =	vst v14  }
0x3a9: {  	v11 =	vmul.f32 v11, v7;
	v63 =	vmul.f32 v5, v7;
	v5 =	vld [tilespmem:s0+$0xFFFFFF90];
	[tilespmem:s0+$0x10] =	vst v8  }
0x3aa: {  	v1 =	vmul.f32 v3, v7;
	v3 =	vld [tilespmem:s0+$0xFFFFFFE0];
	[tilespmem:s0+$0x20] =	vst v9  }
0x3ab: {  	v12 =	vmul.f32 v12, v7;
	v4 =	vmul.f32 v4, v7;
	v7 =	vld [tilespmem:s0+$0xFFFFFFC0];
	[tilespmem:s0+$0x30] =	vst v11  }
0x3ac: {  	[tilespmem:s0+$0x60] =	vst v1;
	v1 =	vld [tilespmem:s0+$0xFFFFFFB0]  }
0x3ad: {  	[tilespmem:s0+$0x40] =	vst v12;
	v8 =	vmul.f32 v13, v2;
	v9 =	vmul.f32 v6, v2  }
0x3ae: {  	s15 =	simm.s32 $0x2;
	s20 =	simm.s32 $0x5280;
	[tilespmem:s0+$0x50] =	vst v63;
	v6 =	vmul.f32 v15, v2;
	v10 =	vmul.f32 v10, v2  }
.LBB2_20:
0x3af: {  	p0 =	sne.s32 s15, $0x4E  }
0x3b0: {  	v5 =	vmul.f32 v5, v2;
	v3 =	vmul.f32 v3, v2;
	[tilespmem:s0+$0x70] =	vst v4;
	s20 =	sadd.s32 $0x100, s20;
	s24 =	smov.u32 s15;
	s15 =	sadd.s32 $0x2, s15  }
0x3b1: {  	v1 =	vmul.f32 v1, v2;
	v2 =	vmul.f32 v7, v2;
	[tilespmem:s0+$0xFFFFFFF0] =	vst v9  }
0x3b2: {  	[tilespmem:s0+$0xFFFFFF80] =	vst v8  }
0x3b3: {  	s25 =	sadd.s32 s9, s24;
	v9 =	vld [tilespmem:s20+$0xFFFFFFF0];
	[tilespmem:s0+$0xFFFFFFD0] =	vst v10  }
0x3b4: {  	v4 =	vmov s25;
	v8 =	vld [tilespmem:s20+$0x50];
	[tilespmem:s0+$0xFFFFFFA0] =	vst v6  }
0x3b5: {  	v10 =	vld [tilespmem:s20+$0xFFFFFFD0];
	[tilespmem:s0+$0xFFFFFFB0] =	vst v1  }
0x3b6: {  	v1 =	vld [tilespmem:s20+$0xFFFFFFB0];
	[tilespmem:s0+$0xFFFFFFC0] =	vst v2  }
0x3b7: {  	s24 =	sadd.s32 s2, s24;
	v6 =	vld [tilespmem:s20+$0x60];
	[tilespmem:s0+$0xFFFFFFE0] =	vst v3  }
0x3b8: {  	v2 =	vmov s24;
	v3 =	vld [tilespmem:s20+$0x70];
	[tilespmem:s0+$0xFFFFFF90] =	vst v5;
	s0 =	smov.u32 s20  }
0x3b9: {  	v2 =	vand.u32 $0xFFFFFFFE, v2;
	v11 =	vld.idx.msk [tilespmem:v4+s5+$0x0], $0xffff  }
0x3ba: {  	v2 =	vbroadcast v2, $0x0;
	v4 =	vld [tilespmem:s20+$0x0]  }
0x3bb: {  	v5 =	vld [tilespmem:s20+$0x10]  }
0x3bc: {  	v7 =	vld [tilespmem:s20+$0x20]  }
0x3bd: {  	v12 =	vld [tilespmem:s20+$0x30]  }
0x3be: {  	v13 =	vld [tilespmem:s20+$0x40]  }
0x3bf: {  	v14 =	vld [tilespmem:s20+$0xFFFFFF80];
	v15 =	vmul.f32 v4, v11;
	v4 =	vmul.f32 v3, v11  }
0x3c0: {  	v2 =	vld.idx.msk [tilespmem:v2+s5+$0x0], $0xffff;
	v16 =	vmul.f32 v5, v11;
	v5 =	vmul.f32 v6, v11  }
0x3c1: {  	v6 =	vld [tilespmem:s20+$0xFFFFFFA0];
	[tilespmem:s20+$0x0] =	vst v15;
	v15 =	vmul.f32 v7, v11  }
0x3c2: {  	v3 =	vld [tilespmem:s20+$0xFFFFFFE0];
	v12 =	vmul.f32 v12, v11;
	[tilespmem:s20+$0x60] =	vst v5  }
.Ltmp11:
0x3c3: {  	v5 =	vld [tilespmem:s20+$0xFFFFFF90];
	[tilespmem:s20+$0x10] =	vst v16;
	v13 =	vmul.f32 v13, v11;
	(pc) =	sbr.rel @p0 .LBB2_20-.Ltmp11, $4  }
0x3c4: {  	v11 =	vmul.f32 v8, v11;
	v7 =	vld [tilespmem:s20+$0xFFFFFFC0];
	[tilespmem:s20+$0x20] =	vst v15  }
0x3c5: {  	[tilespmem:s20+$0x30] =	vst v12  }
0x3c6: {  	v8 =	vmul.f32 v14, v2;
	v9 =	vmul.f32 v9, v2;
	[tilespmem:s20+$0x40] =	vst v13  }
0x3c7: {  	v10 =	vmul.f32 v10, v2;
	v6 =	vmul.f32 v6, v2;
	[tilespmem:s20+$0x50] =	vst v11  }
0x3c8: {  	[tilespmem:s0+$0x70] =	vst v4  }
0x3c9: {  	[tilespmem:s0+$0xFFFFFFF0] =	vst v9  }
0x3ca: {  	[tilespmem:s0+$0xFFFFFF80] =	vst v8  }
0x3cb: {  	v1 =	vmul.f32 v1, v2;
	[tilespmem:s0+$0xFFFFFFD0] =	vst v10  }
0x3cc: {  	v3 =	vmul.f32 v3, v2;
	[tilespmem:s0+$0xFFFFFFA0] =	vst v6  }
0x3cd: {  	v63 =	vmul.f32 v7, v2;
	[tilespmem:s0+$0xFFFFFFB0] =	vst v1  }
0x3ce: {  	v1 =	vmul.f32 v5, v2;
	[tilespmem:s0+$0xFFFFFFE0] =	vst v3  }
0x3cf: {  	p0 =	sne.s32 s13, $0x1F;
	[tilespmem:s0+$0xFFFFFFC0] =	vst v63  }
.Ltmp12:
0x3d0: {  	[tilespmem:s0+$0xFFFFFF90] =	vst v1;
	(pc) =	sbr.rel @p0 .LBB2_13-.Ltmp12, $4  }
0x3d1: {  	_ =	swait.ge [sflag:s10], $0x50  }
0x3d2: {  	[sflag:s10] =	ssyncset.done $0x0  }
0x3d3: {  	s29 =	simm.s32 $0x7D80;
	[sflag:s10] =	ssyncadd.s32 $0xFFFFFFB0  }
0x3d4: {  	[spmem:s4] =	stream.indirect.scatter.add.f32 [tilespmem:s30], [sflag:$0xC], $0x80, s29, s23, $0xb8;
	[tilespmem:$0x1BE80] =	vst v63  }
0x3d5: {  	_ =	swait.ge [sflag:s21], $0x2800  }
0x3d6: {  	[sflag:s21] =	ssyncset.done $0x0  }
0x3d7: {  	[sflag:s21] =	ssyncadd.s32 $0xFFFFD800  }
0x3d8: {  	_ =	swait.ge [sflag:s6], $0x2800  }
0x3d9: {  	s2 =	simm.s32 $0x0;
	s9 =	simm.s32 $0x7A00;
	[sflag:s6] =	ssyncset.done $0x0  }
0x3da: {  	s15 =	simm.s32 $0xD;
	s0 =	rddreg [dreg:$0x12];
	[sflag:s6] =	ssyncadd.s32 $0xFFFFD800  }
0x3db: {  	[tilespmem:s9], [sflag:$0xD] =	stream.linear.gather [hbm4b:s0+s2], $0x50, $0x38;
	[tilespmem:$0x1BE80] =	vst v63  }
0x3dc: {  	_ =	swait.ge [sflag:s15], $0x50  }
0x3dd: {  	[sflag:s15] =	ssyncset.done $0x0  }
0x3de: {  	s13 =	simm.s32 $0x7C00;
	s30 =	rddreg [dreg:$0x13];
	[sflag:s15] =	ssyncadd.s32 $0xFFFFFFB0  }
0x3df: {  	[tilespmem:s13], [sflag:$0xD] =	stream.linear.gather [hbm4b:s30+s2], $0x50, $0x38;
	[tilespmem:$0x1BE80] =	vst v63  }
0x3e0: {  	_ =	swait.ge [sflag:s15], $0x50  }
0x3e1: {  	[sflag:s15] =	ssyncset.done $0x0  }
0x3e2: {  	[sflag:s15] =	ssyncadd.s32 $0xFFFFFFB0  }
0x3e3: {  	v1 =	vld [tilespmem:$0x7A00]  }
0x3e4: {  	v2 =	vld [tilespmem:$0x7A10]  }
0x3e5: {  	v3 =	vld [tilespmem:$0x7A20]  }
0x3e6: {  	v4 =	vld [tilespmem:$0x7A30]  }
0x3e7: {  	v5 =	vld [tilespmem:$0x7A40]  }
0x3e8: {  	v1 =	vadd.s32 v0, v1  }
0x3e9: {  	[tilespmem:$0x7A00] =	vst v1;
	v1 =	vadd.s32 v0, v2  }
0x3ea: {  	[tilespmem:$0x7A10] =	vst v1;
	v1 =	vadd.s32 v0, v3  }
0x3eb: {  	[tilespmem:$0x7A20] =	vst v1;
	v1 =	vadd.s32 v0, v4  }
0x3ec: {  	v0 =	vadd.s32 v0, v5;
	[tilespmem:$0x7A30] =	vst v1  }
0x3ed: {  	[tilespmem:$0x7A40] =	vst v0  }
0x3ee: {  	[tilespmem:s12], [sflag:$0xD] =	stream.indirect.gather [hbm4b:s26+s23], $0x80, s9, s23, $0xb8;
	[tilespmem:$0x1BE80] =	vst v63  }
0x3ef: {  	_ =	swait.ge [sflag:s15], $0x2800  }
0x3f0: {  	[sflag:s15] =	ssyncset.done $0x0  }
0x3f1: {  	s0 =	simm.s32 $0x2A80;
	[sflag:s15] =	ssyncadd.s32 $0xFFFFD800  }
0x3f2: {  	v4 =	vld [tilespmem:s0+$0xFFFFFFF0]  }
0x3f3: {  	v11 =	vld [tilespmem:s0+$0xFFFFFF80]  }
0x3f4: {  	v12 =	vld [tilespmem:s0+$0xFFFFFFD0]  }
0x3f5: {  	v0 =	vld [tilespmem:s0+$0x30]  }
0x3f6: {  	v2 =	vmov s2;
	v3 =	vld [tilespmem:s0+$0x40]  }
0x3f7: {  	v5 =	vadd.s32 $0x26C0, v2;
	v1 =	vld [tilespmem:s0+$0xFFFFFFE0]  }
0x3f8: {  	v8 =	vadd.s32 $0x26C1, v2;
	v2 =	vld [tilespmem:s0+$0xFFFFFFA0]  }
0x3f9: {  	v7 =	vld [tilespmem:s0+$0xFFFFFFC0]  }
0x3fa: {  	v9 =	vld [tilespmem:s0+$0xFFFFFFB0]  }
0x3fb: {  	v14 =	vld [tilespmem:s0+$0xFFFFFF90]  }
0x3fc: {  	v6 =	vld.idx.msk [tilespmem:v5+s5+$0x0], $0xffff  }
0x3fd: {  	v5 =	vld.idx.msk [tilespmem:v8+s5+$0x0], $0xffff  }
0x3fe: {  	v15 =	vld [tilespmem:s0+$0x0]  }
0x3ff: {  	v13 =	vld [tilespmem:s0+$0x20]  }
0x400: {  	v10 =	vld [tilespmem:s0+$0x10]  }
0x401: {  	v8 =	vld [tilespmem:s0+$0x60]  }
0x402: {  	v17 =	vmul.f32 v11, v6;
	v14 =	vmul.f32 v14, v6;
	v11 =	vld [tilespmem:s0+$0x50]  }
0x403: {  	s2 =	simm.s32 $0x2;
	s9 =	simm.s32 $0x2A80;
	v16 =	vmul.f32 v12, v6;
	v15 =	vmul.f32 v15, v5;
	v12 =	vld [tilespmem:s0+$0x70]  }
.LBB2_23:
0x404: {  	p0 =	sne.s32 s2, $0x4E  }
0x405: {  	[tilespmem:s0+$0xFFFFFF80] =	vst v17;
	v4 =	vmul.f32 v4, v6;
	v13 =	vmul.f32 v13, v5;
	s9 =	sadd.s32 $0x100, s9;
	s13 =	smov.u32 s2;
	s2 =	sadd.s32 $0x2, s2  }
0x406: {  	v9 =	vmul.f32 v9, v6;
	[tilespmem:s0+$0xFFFFFFD0] =	vst v16;
	v10 =	vmul.f32 v10, v5  }
0x407: {  	v7 =	vmul.f32 v7, v6;
	[tilespmem:s0+$0xFFFFFF90] =	vst v14;
	v8 =	vmul.f32 v8, v5  }
0x408: {  	v3 =	vmul.f32 v3, v5;
	[tilespmem:s0+$0x0] =	vst v15;
	v11 =	vmul.f32 v11, v5  }
0x409: {  	v0 =	vmul.f32 v0, v5;
	[tilespmem:s0+$0xFFFFFFF0] =	vst v4;
	v5 =	vmul.f32 v12, v5  }
0x40a: {  	v2 =	vmul.f32 v2, v6;
	v1 =	vmul.f32 v1, v6;
	[tilespmem:s0+$0xFFFFFFB0] =	vst v9  }
0x40b: {  	v4 =	vld [tilespmem:s9+$0xFFFFFFF0];
	[tilespmem:s0+$0xFFFFFFC0] =	vst v7  }
0x40c: {  	v12 =	vld [tilespmem:s9+$0xFFFFFF80];
	[tilespmem:s0+$0x40] =	vst v3  }
0x40d: {  	v15 =	vld [tilespmem:s9+$0xFFFFFFD0];
	[tilespmem:s0+$0x30] =	vst v0  }
0x40e: {  	v0 =	vld [tilespmem:s9+$0x30];
	[tilespmem:s0+$0x20] =	vst v13  }
0x40f: {  	v6 =	vmov s13;
	v3 =	vld [tilespmem:s9+$0x40];
	[tilespmem:s0+$0xFFFFFFE0] =	vst v1  }
0x410: {  	v14 =	vadd.s32 $0x26C1, v6;
	v13 =	vadd.s32 $0x26C0, v6;
	v1 =	vld [tilespmem:s9+$0xFFFFFFE0];
	[tilespmem:s0+$0xFFFFFFA0] =	vst v2  }
0x411: {  	v2 =	vld [tilespmem:s9+$0xFFFFFFA0];
	[tilespmem:s0+$0x70] =	vst v5  }
0x412: {  	v7 =	vld [tilespmem:s9+$0xFFFFFFC0];
	[tilespmem:s0+$0x10] =	vst v10  }
0x413: {  	v9 =	vld [tilespmem:s9+$0xFFFFFFB0];
	[tilespmem:s0+$0x50] =	vst v11  }
0x414: {  	v11 =	vld [tilespmem:s9+$0xFFFFFF90];
	[tilespmem:s0+$0x60] =	vst v8;
	s0 =	smov.u32 s9  }
0x415: {  	v6 =	vld.idx.msk [tilespmem:v13+s5+$0x0], $0xffff  }
0x416: {  	v5 =	vld.idx.msk [tilespmem:v14+s5+$0x0], $0xffff  }
0x417: {  	v18 =	vld [tilespmem:s9+$0x0]  }
.Ltmp13:
0x418: {  	v13 =	vld [tilespmem:s9+$0x20];
	(pc) =	sbr.rel @p0 .LBB2_23-.Ltmp13, $4  }
0x419: {  	v10 =	vld [tilespmem:s9+$0x10]  }
0x41a: {  	v8 =	vld [tilespmem:s9+$0x60]  }
0x41b: {  	v17 =	vmul.f32 v12, v6;
	v14 =	vmul.f32 v11, v6;
	v11 =	vld [tilespmem:s9+$0x50]  }
0x41c: {  	v16 =	vmul.f32 v15, v6;
	v15 =	vmul.f32 v18, v5;
	v12 =	vld [tilespmem:s9+$0x70]  }
0x41d: {  	[tilespmem:s0+$0xFFFFFF80] =	vst v17  }
0x41e: {  	[tilespmem:s0+$0xFFFFFF90] =	vst v14  }
0x41f: {  	v4 =	vmul.f32 v4, v6;
	[tilespmem:s0+$0xFFFFFFD0] =	vst v16  }
0x420: {  	v9 =	vmul.f32 v9, v6;
	[tilespmem:s0+$0x0] =	vst v15  }
0x421: {  	v7 =	vmul.f32 v7, v6;
	[tilespmem:s0+$0xFFFFFFF0] =	vst v4  }
0x422: {  	v3 =	vmul.f32 v3, v5;
	[tilespmem:s0+$0xFFFFFFB0] =	vst v9  }
0x423: {  	v0 =	vmul.f32 v0, v5;
	[tilespmem:s0+$0xFFFFFFC0] =	vst v7  }
0x424: {  	v58 =	vmul.f32 v13, v5;
	[tilespmem:s0+$0x40] =	vst v3  }
0x425: {  	v1 =	vmul.f32 v1, v6;
	[tilespmem:s0+$0x30] =	vst v0  }
0x426: {  	v59 =	vmul.f32 v2, v6;
	[tilespmem:s0+$0x20] =	vst v58  }
0x427: {  	v61 =	vmul.f32 v10, v5;
	[tilespmem:s0+$0xFFFFFFE0] =	vst v1  }
0x428: {  	[tilespmem:s0+$0xFFFFFFA0] =	vst v59;
	v63 =	vmul.f32 v8, v5  }
0x429: {  	v62 =	vmul.f32 v11, v5;
	[tilespmem:s0+$0x10] =	vst v61  }
0x42a: {  	v60 =	vmul.f32 v12, v5;
	[tilespmem:s0+$0x60] =	vst v63  }
0x42b: {  	s28 =	sadd.s32 $0x0, s8;
	[tilespmem:s0+$0x50] =	vst v62  }
0x42c: {  	s25 =	simm.s32 $0x7C00;
	s2 =	sadd.s32 $0xFFFFD900, s28;
	p0 =	sgt.u32 s28, $0x26D0;
	[tilespmem:s0+$0x70] =	vst v60  }
0x42d: {  	[spmem:s4] =	stream.indirect.scatter.add.f32 [tilespmem:s12], [sflag:$0xD], $0x80, s25, s23, $0xb8;
	[tilespmem:$0x1BE80] =	vst v63  }
0x42e: {  	p1 =	sne.s32 @p0 s2, $0x0;
	_ =	swait.ge [sflag:s15], $0x2800  }
0x42f: {  	p1 =	por p1, !p0;
	[sflag:s15] =	ssyncset.done $0x0;
	s29 =	sld [smem:$0x7FC]  }
0x430: {  	s2 =	sshll.u32 @!p1 s3, $0x6;
	[sflag:s15] =	ssyncadd.s32 $0xFFFFD800  }
0x431: {  	s9 =	simm.s32 @!p1 $0x8;
	s13 =	simm.s32 @!p1 $0x80;
	[bflag:$0x0] =	sbarrier.arrive $0xFFFF  }
0x432: {  	s20 =	simm.s32 @!p1 $0x400;
	s0 =	sshll.u32 s29, $0x7;
	s30 =	rddreg [dreg:$0x14]  }
0x433: {  	s2 =	sor.u32 @!p1 $0x1C0D, s2;
	s15 =	sshrl.u32 @!p1 s31, $0x3;
	s0 =	sadd.s32 s0, s30  }
0x434: {  	[hbm:s0@s20], [sflag:s2] =	dma.strided @!p1 [spmem:s15@s13], $0x100, s9, $0x10   }
0x435: {  	s24 =	simm.s32 @!p0 $0x8;
	s2 =	sshll.u32 @!p0 s3, $0x6;
	s9 =	simm.s32 @!p1 $0xD  }
0x436: {  	s13 =	simm.s32 @!p0 $0x80;
	s15 =	simm.s32 @!p0 $0x400;
	_ =	swait.ge @!p1 [sflag:s9], $0x100  }
0x437: {  	s2 =	sor.u32 @!p0 $0x1C0E, s2;
	[sflag:s9] =	ssyncset.done @!p1 $0x0;
	s18 =	rddreg [dreg:$0x16]  }
0x438: {  	s20 =	sshrl.u32 @!p0 s18, $0x3;
	[sflag:s9] =	ssyncadd.s32 @!p1 $0xFFFFFF00;
	s9 =	rddreg [dreg:$0x1f]  }
0x439: {  	[hbm:s9@s15], [sflag:s2] =	dma.strided @!p0 [spmem:s20@s13], $0x400, s24, $0x10   }
0x43a: {  	s13 =	simm.s32 $0x80;
	s15 =	simm.s32 @!p0 $0xE;
	s2 =	sadd.s32 $0x2000, s9  }
0x43b: {  	s20 =	sadd.s32 $0x40, s8;
	s9 =	sadd.s32 $0x2000, s18;
	_ =	swait.ge @!p0 [sflag:s15], $0x400  }
.LBB2_25:
0x43c: {  	s24 =	sadd.s32 $0xFFFFD900, s20;
	[sflag:s15] =	ssyncset.done @!p0 $0x0;
	s25 =	smov.u32 s13  }
0x43d: {  	s28 =	smov.u32 s2;
	p1 =	por p0, p0;
	p0 =	sgt.u32 s20, $0x26D0  }
0x43e: {  	p2 =	sne.s32 @p0 s24, $0x0;
	s20 =	sshll.u32 @!p0 s3, $0x6;
	[sflag:s15] =	ssyncadd.s32 @!p1 $0xFFFFFC00  }
0x43f: {  	s13 =	sadd.s32 $0x40, s13;
	p1 =	por p2, !p0;
	s20 =	sor.u32 @!p0 $0x1C0E, s20  }
0x440: {  	s15 =	sshll.u32 @!p1 s3, $0x6;
	s24 =	simm.s32 @!p1 $0x8;
	s29 =	simm.s32 @!p1 $0x80  }
0x441: {  	s30 =	sshrl.u32 @!p1 s31, $0x3;
	s18 =	simm.s32 @!p1 $0x400;
	s15 =	sor.u32 @!p1 $0x1C0D, s15  }
0x442: {  	[hbm:s0@s18], [sflag:s15] =	dma.strided @!p1 [spmem:s30@s29], $0x100, s24, $0x10   }
0x443: {  	p2 =	sne.s32 s13, $0x280;
	s15 =	simm.s32 @!p1 $0xD;
	s18 =	simm.s32 @!p0 $0x80  }
.Ltmp14:
0x444: {  	s24 =	simm.s32 @!p0 $0x400;
	_ =	swait.ge @!p1 [sflag:s15], $0x100;
	(pc) =	sbr.rel @p2 .LBB2_25-.Ltmp14, $4  }
0x445: {  	s29 =	sshrl.u32 @!p0 s9, $0x3;
	s30 =	simm.s32 @!p0 $0x8;
	[sflag:s15] =	ssyncset.done @!p1 $0x0  }
0x446: {  	s2 =	sadd.s32 $0x2000, s2;
	[sflag:s15] =	ssyncadd.s32 @!p1 $0xFFFFFF00;
	s15 =	simm.s32 @!p0 $0xE  }
0x447: {  	[hbm:s28@s24], [sflag:s20] =	dma.strided @!p0 [spmem:s29@s18], $0x400, s30, $0x10   }
0x448: {  	s9 =	sadd.s32 $0x2000, s9;
	s20 =	sadd.s32 s25, s8;
	_ =	swait.ge @!p0 [sflag:s15], $0x400  }
0x449: {  	s13 =	sadd.s32 $0xFFFFD900, s20;
	p1 =	sgt.u32 s20, $0x26D0  }
0x44a: {  	[sflag:s15] =	ssyncset.done @!p0 $0x0;
	p0 =	por p0, p0;
	p2 =	sne.s32 @p1 s13, $0x0  }
0x44b: {  	[sflag:s15] =	ssyncadd.s32 @!p0 $0xFFFFFC00;
	p0 =	por p2, !p1  }
0x44c: {  	s13 =	sshll.u32 @!p0 s3, $0x6;
	s15 =	simm.s32 @!p0 $0x8;
	s18 =	simm.s32 @!p0 $0x80  }
0x44d: {  	s20 =	sshrl.u32 @!p0 s31, $0x3;
	s24 =	simm.s32 @!p0 $0x400;
	s13 =	sor.u32 @!p0 $0x1C0D, s13  }
0x44e: {  	[hbm:s0@s24], [sflag:s13] =	dma.strided @!p0 [spmem:s20@s18], $0x100, s15, $0x10   }
0x44f: {  	s9 =	sshrl.u32 @!p1 s9, $0x3;
	s13 =	simm.s32 @!p0 $0xD  }
0x450: {  	s0 =	sshll.u32 @!p1 s3, $0x6;
	s15 =	simm.s32 @!p1 $0x80;
	_ =	swait.ge @!p0 [sflag:s13], $0x100  }
0x451: {  	s18 =	simm.s32 @!p1 $0x400;
	s20 =	simm.s32 @!p1 $0x8;
	[sflag:s13] =	ssyncset.done @!p0 $0x0  }
0x452: {  	s0 =	sor.u32 @!p1 $0x1C0E, s0;
	[sflag:s13] =	ssyncadd.s32 @!p0 $0xFFFFFF00;
	s13 =	simm.s32 @!p1 $0xE  }
0x453: {  	[hbm:s2@s18], [sflag:s0] =	dma.strided @!p1 [spmem:s9@s15], $0x400, s20, $0x10   }
0x454: {  	_ =	swait.ge @!p1 [sflag:s13], $0x400  }
0x455: {  	s28 =	sld [smem:$0x7FB];
	_ =	sdelay $0x2  }
0x456: {  	p0 =	por p1, p1;
	[sflag:s13] =	ssyncset.done @!p1 $0x0;
	s2 =	sadd.s32 $0x1, s28  }
0x457: {  	[sflag:s13] =	ssyncadd.s32 @!p0 $0xFFFFFC00;
	p0 =	sne.s32 s2, $0x4  }
.Ltmp15:
0x458: {  	_ = 	snop;
	(pc) =	sbr.rel @p0 .LBB2_2-.Ltmp15, $4  }
0x459: {  	[bflag:$0x0] =	sbarrier.arrive $0xFFFF  }
0x45a: {  	s29 =	rddreg [dreg:$0x1f]  }
0x45b: {  	s18 =	rddreg [dreg:$0xa];
	s0 =	sadd.s32 $0x80, s29  }
0x45c: {  	s25 =	simm.s32 $0xD;
	s30 =	simm.s32 $0x5200;
	[dreg:$0x1f] =	wrdreg s0  }
0x45d: {  	s2 =	rddreg [dreg:$0x1e]  }
0x45e: {  	s0 =	rddreg [dreg:$0x15];
	s2 =	sadd.s32 $0x1, s2  }
0x45f: {  	p0 =	sne.s32 s2, s0  }
.Ltmp16:
0x460: {  	_ = 	snop;
	(pc) =	sbr.rel @p0 .LBB2_1-.Ltmp16, $1  }
0x461: {  	_ =	sdelay $0x3  }
0x462: {  	_ =	sfence.sel $0x180000  }
0x463: {  	[bflag:$0x0] =	sbarrier.arrive $0xFFFF  }
0x464: {  	_ =	strace $0x9000004A  }
0x465: {  	[bflag:$0x2] =	sbarrier.arrive $0xFFFF  }
0x466: {  	p0 =	sne.s32 s3, $0x0;
	s0 =	rddreg [dreg:$0x4]  }
0x467: {  	s0 =	sadd.s32 @!p0 $0x100000, s0  }
0x468: {  	[sflag:s0] =	ssyncadd.tile.s32 @!p0 $0x1;
	_ =	shalt  }
.Lfunc_end2:
_tile_overlayer_lowered:
.L_overlay_start_2:
0x469: {  	(tag) =	ssettag $0x2  }
0x46a: {  	s0 =	rddreg [dreg:$0x0];
	s2 =	stileid.u32  }
0x46b: {  	s1 =	rddreg [dreg:$0x1];
	p0 =	sne.s32 s2, $0x0  }
0x46c: {  	s3 =	rddreg [dreg:$0x2];
	[bflag:$0x3] =	sbarrier.arrive $0xFFFF;
	s2 =	simm.s32 @!p0 $0x1C0D  }
0x46d: {  	[timem:s3], [sflag:s2] =	dma.local @!p0 [hbm:s0], s1  }
0x46e: {  	s0 =	simm.s32 @!p0 $0xD  }
0x46f: {  	_ =	swait.ge @!p0 [sflag:s0], s1  }
0x470: {  	s1 =	ssub.s32 @!p0 $0x0, s1;
	[sflag:s0] =	ssyncset.done @!p0 $0x0  }
0x471: {  	[sflag:s0] =	ssyncadd.s32 @!p0 s1  }
0x472: {  	[bflag:$0x3] =	sbarrier.arrive $0xFFFF  }
0x473: {  	_ =	shalt  }

</sc_bundles>
